<compile_context>
chip_gen: v7x
topology: tpu7x:2x2x1
jax: 0.10.2.dev20260603
libtpu: 0.0.44.dev20260713+nightly
codegen_flags: <defaults>
</compile_context>

<pallas_src>
import functools

import jax
import jax.numpy as jnp
from jax import lax
from jax.experimental import pallas as pl
from jax.experimental.pallas import tpu as pltpu
from jax.experimental.pallas import tpu_sc as plsc

N_ROWS = 16384
N_COLS = 1000
Q_ROWS = 32
BLOCK_ROWS = 2048
N_BLOCKS = N_ROWS // BLOCK_ROWS

NC = 2
NS = 16
NW = NC * NS
W_ROWS = N_ROWS // NW
CH_ROWS = 32
N_CH = W_ROWS // CH_ROWS


def _colsum_body(ptr_ref, probs_ref, queue_ref, denom_ref):
    i = pl.program_id(0)

    @pl.when(i == 0)
    def _init():
        denom_ref[...] = jnp.zeros_like(denom_ref)

    denom_ref[...] += jnp.sum(probs_ref[...], axis=0, keepdims=True)

    @pl.when(i == N_BLOCKS - 1)
    def _finalize():
        m = denom_ref[...] * (1.0 / N_ROWS)
        ptr = ptr_ref[0]
        row_ids = jax.lax.broadcasted_iota(jnp.int32, (Q_ROWS, N_COLS), 0)
        masked_q = jnp.where(row_ids == ptr, 0.0, queue_ref[...])
        qsum = jnp.sum(masked_q, axis=0, keepdims=True)
        denom_ref[...] = (qsum + m) * (1.0 / Q_ROWS)


_sc_mesh = plsc.VectorSubcoreMesh(
    core_axis_name="c", subcore_axis_name="s", num_cores=2
)


@functools.partial(
    pl.kernel,
    mesh=_sc_mesh,
    out_type=jax.ShapeDtypeStruct((N_ROWS, N_COLS), jnp.float32),
    scratch_types=[
        pltpu.VMEM((CH_ROWS, N_COLS), jnp.float32),
        pltpu.SemaphoreType.DMA,
    ],
)
def _sc_write_probe(denom_hbm, out_hbm, buf, sem):
    wid = lax.axis_index("s") * NC + lax.axis_index("c")
    base = wid * W_ROWS
    for r in range(CH_ROWS):
        pltpu.sync_copy(denom_hbm.at[pl.ds(0, 1), :], buf.at[pl.ds(r, 1), :])
    for ch in range(N_CH):
        pltpu.async_copy(
            buf, out_hbm.at[pl.ds(base + ch * CH_ROWS, CH_ROWS), :], sem
        ).start()
    for ch in range(N_CH):
        pltpu.make_async_copy(
            buf, out_hbm.at[pl.ds(base + ch * CH_ROWS, CH_ROWS), :], sem
        ).wait()


def kernel(probs, DA_queue, DA_ptr):
    ptr = jnp.asarray(DA_ptr, dtype=jnp.int32).reshape((1,))

    denom = pl.pallas_call(
        _colsum_body,
        grid=(N_BLOCKS,),
        in_specs=[
            pl.BlockSpec(memory_space=pltpu.SMEM),
            pl.BlockSpec((BLOCK_ROWS, N_COLS), lambda i: (i, 0)),
            pl.BlockSpec((Q_ROWS, N_COLS), lambda i: (0, 0)),
        ],
        out_specs=pl.BlockSpec((1, N_COLS), lambda i: (0, 0)),
        out_shape=jax.ShapeDtypeStruct((1, N_COLS), jnp.float32),
    )(ptr, probs, DA_queue)

    out = _sc_write_probe(denom)
    return jax.lax.stop_gradient(out)

# --- scband reference (transcript-rebuilt; emitter-appended) ---
"""Pipeline reference for scband-da-59476707115120 (READ-ONLY COPY).

The authoritative reference and input builder live on the scoring server;
editing this copy changes nothing except your own understanding.
"""

import jax, jax.numpy as jnp
import numpy as np


def setup_inputs(seed: int = 0) -> dict:
    key = jax.random.key(seed)
    k1, _ = jax.random.split(key)
    probs = jax.random.uniform(k1, (16384, 1000), dtype=jnp.float32, minval=1e-4, maxval=1.0)
    DA_queue = jnp.zeros((32, 1000), dtype=jnp.float32)
    DA_ptr = 0
    return {"probs": probs, "DA_queue": DA_queue, "DA_ptr": DA_ptr}


def reference(probs, DA_queue, DA_ptr):
    # probs_bt_mean = probs.mean(0)
    probs_bt_mean = jnp.mean(probs, axis=0)
    ptr = DA_ptr
    # scatter-overwrite: self.DA_queue[ptr] = probs_bt_mean
    queue = DA_queue.at[ptr].set(probs_bt_mean)
    # ptr update (state, not returned by original forward)
    new_ptr = (ptr + 1) % queue.shape[0]
    del new_ptr
    # probs = probs / self.DA_queue.mean(0)
    out = probs / jnp.mean(queue, axis=0)
    # probs = probs / probs.sum(dim=1, keepdim=True)
    out = out / jnp.sum(out, axis=1, keepdims=True)
    # probs = probs.detach()
    out = jax.lax.stop_gradient(out)
    return out

if __name__ == "__main__":
    import jax
    _d = setup_inputs()
    print(jax.jit(kernel)(*tuple(_d.values())))

</pallas_src>

<mosaic_0001>
#map = affine_map<(d0, d1) -> (0, 0)>
module attributes {stable_mosaic.version = 14 : i64} {
  func.func @_sc_write_probe(%arg0: i32, %arg1: i32, %arg2: memref<1x1000xf32, #tpu.memory_space<hbm>>, %arg3: memref<16384x1000xf32, #tpu.memory_space<hbm>>, %arg4: memref<32x1000xf32, #tpu.memory_space<vmem>>, %arg5: memref<!tpu.dma_semaphore, #tpu.memory_space<semaphore_mem>>) attributes {dimension_semantics = [#tpu.dimension_semantics<core_parallel>, #tpu.dimension_semantics<subcore_parallel>], iteration_bounds = array<i64: 2, 16>, scalar_prefetch = 0 : i64, scratch_operands = 2 : i64, tpu.core_type = #tpu.core_type<sc_vector_subcore>, window_params = [{transform_indices = #map}, {transform_indices = #map}]} {
    %mul3A = arith.constant 2 : i32
    %mul3A_0 = arith.muli %arg1, %mul3A : i32
    %add3A = arith.addi %mul3A_0, %arg0 : i32
    %mul3A_1 = arith.constant 512 : i32
    %mul3A_2 = arith.muli %add3A, %mul3A_1 : i32
    "tpu.region"() ({
      %run_scoped3A = tpu.sem_alloc : memref<!tpu.dma_semaphore, #tpu.memory_space<semaphore_mem>>
      %dma_start3A_257 = arith.constant 0 : i32
      %dma_start3A_258 = arith.constant 0 : i32
      %dma_start3A_259 = tpu.memref_slice %arg4[%dma_start3A_257, %dma_start3A_258] : memref<32x1000xf32, #tpu.memory_space<vmem>> -> memref<1x1000xf32, #tpu.memory_space<vmem>>
      %dma_start3A_260 = arith.constant 0 : i32
      %dma_start3A_261 = arith.constant 0 : i32
      %dma_start3A_262 = tpu.memref_slice %arg2[%dma_start3A_260, %dma_start3A_261] : memref<1x1000xf32, #tpu.memory_space<hbm>> -> memref<1x1000xf32, #tpu.memory_space<hbm>>
      %dma_start3A_263 = arith.constant 0 : i32
      %dma_start3A_264 = arith.constant 0 : i32
      %dma_start3A_265 = tpu.memref_slice %arg4[%dma_start3A_263, %dma_start3A_264] : memref<32x1000xf32, #tpu.memory_space<vmem>> -> memref<1x1000xf32, #tpu.memory_space<vmem>>
      %dma_start3A_266 = arith.constant 0 : i32
      %dma_start3A_267 = arith.constant 0 : i32
      %dma_start3A_268 = tpu.memref_slice %arg2[%dma_start3A_266, %dma_start3A_267] : memref<1x1000xf32, #tpu.memory_space<hbm>> -> memref<1x1000xf32, #tpu.memory_space<hbm>>
      tpu.enqueue_dma source(%dma_start3A_268 : memref<1x1000xf32, #tpu.memory_space<hbm>>) target(%dma_start3A_265 : memref<1x1000xf32, #tpu.memory_space<vmem>>) target_semaphore(%run_scoped3A : memref<!tpu.dma_semaphore, #tpu.memory_space<semaphore_mem>>)
      %dma_wait3A_269 = arith.constant 0 : i32
      %dma_wait3A_270 = arith.constant 0 : i32
      %dma_wait3A_271 = tpu.memref_slice %arg4[%dma_wait3A_269, %dma_wait3A_270] : memref<32x1000xf32, #tpu.memory_space<vmem>> -> memref<1x1000xf32, #tpu.memory_space<vmem>>
      %dma_wait3A_272 = arith.constant 0 : i32
      %dma_wait3A_273 = arith.constant 0 : i32
      %dma_wait3A_274 = tpu.memref_slice %arg2[%dma_wait3A_272, %dma_wait3A_273] : memref<1x1000xf32, #tpu.memory_space<hbm>> -> memref<1x1000xf32, #tpu.memory_space<hbm>>
      %dma_wait3A_275 = arith.constant 0 : i32
      %dma_wait3A_276 = arith.constant 0 : i32
      %dma_wait3A_277 = tpu.memref_slice %arg4[%dma_wait3A_275, %dma_wait3A_276] : memref<32x1000xf32, #tpu.memory_space<vmem>> -> memref<1x1000xf32, #tpu.memory_space<vmem>>
      %dma_wait3A_278 = arith.constant 0 : i32
      %dma_wait3A_279 = arith.constant 0 : i32
      %dma_wait3A_280 = tpu.memref_slice %arg2[%dma_wait3A_278, %dma_wait3A_279] : memref<1x1000xf32, #tpu.memory_space<hbm>> -> memref<1x1000xf32, #tpu.memory_space<hbm>>
      tpu.wait_dma2 semaphore(%run_scoped3A : memref<!tpu.dma_semaphore, #tpu.memory_space<semaphore_mem>>) src(%dma_wait3A_280 : memref<1x1000xf32, #tpu.memory_space<hbm>>) dst(%dma_wait3A_277 : memref<1x1000xf32, #tpu.memory_space<vmem>>)
      tpu.yield
    }) : () -> ()
    "tpu.region"() ({
      %run_scoped3A = tpu.sem_alloc : memref<!tpu.dma_semaphore, #tpu.memory_space<semaphore_mem>>
      %dma_start3A_257 = arith.constant 1 : i32
      %dma_start3A_258 = arith.constant 0 : i32
      %dma_start3A_259 = tpu.memref_slice %arg4[%dma_start3A_257, %dma_start3A_258] : memref<32x1000xf32, #tpu.memory_space<vmem>> -> memref<1x1000xf32, #tpu.memory_space<vmem>>
      %dma_start3A_260 = arith.constant 0 : i32
      %dma_start3A_261 = arith.constant 0 : i32
      %dma_start3A_262 = tpu.memref_slice %arg2[%dma_start3A_260, %dma_start3A_261] : memref<1x1000xf32, #tpu.memory_space<hbm>> -> memref<1x1000xf32, #tpu.memory_space<hbm>>
      %dma_start3A_263 = arith.constant 1 : i32
      %dma_start3A_264 = arith.constant 0 : i32
      %dma_start3A_265 = tpu.memref_slice %arg4[%dma_start3A_263, %dma_start3A_264] : memref<32x1000xf32, #tpu.memory_space<vmem>> -> memref<1x1000xf32, #tpu.memory_space<vmem>>
      %dma_start3A_266 = arith.constant 0 : i32
      %dma_start3A_267 = arith.constant 0 : i32
      %dma_start3A_268 = tpu.memref_slice %arg2[%dma_start3A_266, %dma_start3A_267] : memref<1x1000xf32, #tpu.memory_space<hbm>> -> memref<1x1000xf32, #tpu.memory_space<hbm>>
      tpu.enqueue_dma source(%dma_start3A_268 : memref<1x1000xf32, #tpu.memory_space<hbm>>) target(%dma_start3A_265 : memref<1x1000xf32, #tpu.memory_space<vmem>>) target_semaphore(%run_scoped3A : memref<!tpu.dma_semaphore, #tpu.memory_space<semaphore_mem>>)
      %dma_wait3A_269 = arith.constant 1 : i32
      %dma_wait3A_270 = arith.constant 0 : i32
      %dma_wait3A_271 = tpu.memref_slice %arg4[%dma_wait3A_269, %dma_wait3A_270] : memref<32x1000xf32, #tpu.memory_space<vmem>> -> memref<1x1000xf32, #tpu.memory_space<vmem>>
      %dma_wait3A_272 = arith.constant 0 : i32
      %dma_wait3A_273 = arith.constant 0 : i32
      %dma_wait3A_274 = tpu.memref_slice %arg2[%dma_wait3A_272, %dma_wait3A_273] : memref<1x1000xf32, #tpu.memory_space<hbm>> -> memref<1x1000xf32, #tpu.memory_space<hbm>>
      %dma_wait3A_275 = arith.constant 1 : i32
      %dma_wait3A_276 = arith.constant 0 : i32
      %dma_wait3A_277 = tpu.memref_slice %arg4[%dma_wait3A_275, %dma_wait3A_276] : memref<32x1000xf32, #tpu.memory_space<vmem>> -> memref<1x1000xf32, #tpu.memory_space<vmem>>
      %dma_wait3A_278 = arith.constant 0 : i32
      %dma_wait3A_279 = arith.constant 0 : i32
      %dma_wait3A_280 = tpu.memref_slice %arg2[%dma_wait3A_278, %dma_wait3A_279] : memref<1x1000xf32, #tpu.memory_space<hbm>> -> memref<1x1000xf32, #tpu.memory_space<hbm>>
      tpu.wait_dma2 semaphore(%run_scoped3A : memref<!tpu.dma_semaphore, #tpu.memory_space<semaphore_mem>>) src(%dma_wait3A_280 : memref<1x1000xf32, #tpu.memory_space<hbm>>) dst(%dma_wait3A_277 : memref<1x1000xf32, #tpu.memory_space<vmem>>)
      tpu.yield
    }) : () -> ()
    "tpu.region"() ({
      %run_scoped3A = tpu.sem_alloc : memref<!tpu.dma_semaphore, #tpu.memory_space<semaphore_mem>>
      %dma_start3A_257 = arith.constant 2 : i32
      %dma_start3A_258 = arith.constant 0 : i32
      %dma_start3A_259 = tpu.memref_slice %arg4[%dma_start3A_257, %dma_start3A_258] : memref<32x1000xf32, #tpu.memory_space<vmem>> -> memref<1x1000xf32, #tpu.memory_space<vmem>>
      %dma_start3A_260 = arith.constant 0 : i32
      %dma_start3A_261 = arith.constant 0 : i32
      %dma_start3A_262 = tpu.memref_slice %arg2[%dma_start3A_260, %dma_start3A_261] : memref<1x1000xf32, #tpu.memory_space<hbm>> -> memref<1x1000xf32, #tpu.memory_space<hbm>>
      %dma_start3A_263 = arith.constant 2 : i32
      %dma_start3A_264 = arith.constant 0 : i32
      %dma_start3A_265 = tpu.memref_slice %arg4[%dma_start3A_263, %dma_start3A_264] : memref<32x1000xf32, #tpu.memory_space<vmem>> -> memref<1x1000xf32, #tpu.memory_space<vmem>>
      %dma_start3A_266 = arith.constant 0 : i32
      %dma_start3A_267 = arith.constant 0 : i32
      %dma_start3A_268 = tpu.memref_slice %arg2[%dma_start3A_266, %dma_start3A_267] : memref<1x1000xf32, #tpu.memory_space<hbm>> -> memref<1x1000xf32, #tpu.memory_space<hbm>>
      tpu.enqueue_dma source(%dma_start3A_268 : memref<1x1000xf32, #tpu.memory_space<hbm>>) target(%dma_start3A_265 : memref<1x1000xf32, #tpu.memory_space<vmem>>) target_semaphore(%run_scoped3A : memref<!tpu.dma_semaphore, #tpu.memory_space<semaphore_mem>>)
      %dma_wait3A_269 = arith.constant 2 : i32
      %dma_wait3A_270 = arith.constant 0 : i32
      %dma_wait3A_271 = tpu.memref_slice %arg4[%dma_wait3A_269, %dma_wait3A_270] : memref<32x1000xf32, #tpu.memory_space<vmem>> -> memref<1x1000xf32, #tpu.memory_space<vmem>>
      %dma_wait3A_272 = arith.constant 0 : i32
      %dma_wait3A_273 = arith.constant 0 : i32
      %dma_wait3A_274 = tpu.memref_slice %arg2[%dma_wait3A_272, %dma_wait3A_273] : memref<1x1000xf32, #tpu.memory_space<hbm>> -> memref<1x1000xf32, #tpu.memory_space<hbm>>
      %dma_wait3A_275 = arith.constant 2 : i32
      %dma_wait3A_276 = arith.constant 0 : i32
      %dma_wait3A_277 = tpu.memref_slice %arg4[%dma_wait3A_275, %dma_wait3A_276] : memref<32x1000xf32, #tpu.memory_space<vmem>> -> memref<1x1000xf32, #tpu.memory_space<vmem>>
      %dma_wait3A_278 = arith.constant 0 : i32
      %dma_wait3A_279 = arith.constant 0 : i32
      %dma_wait3A_280 = tpu.memref_slice %arg2[%dma_wait3A_278, %dma_wait3A_279] : memref<1x1000xf32, #tpu.memory_space<hbm>> -> memref<1x1000xf32, #tpu.memory_space<hbm>>
      tpu.wait_dma2 semaphore(%run_scoped3A : memref<!tpu.dma_semaphore, #tpu.memory_space<semaphore_mem>>) src(%dma_wait3A_280 : memref<1x1000xf32, #tpu.memory_space<hbm>>) dst(%dma_wait3A_277 : memref<1x1000xf32, #tpu.memory_space<vmem>>)
      tpu.yield
    }) : () -> ()
    "tpu.region"() ({
      %run_scoped3A = tpu.sem_alloc : memref<!tpu.dma_semaphore, #tpu.memory_space<semaphore_mem>>
      %dma_start3A_257 = arith.constant 3 : i32
      %dma_start3A_258 = arith.constant 0 : i32
      %dma_start3A_259 = tpu.memref_slice %arg4[%dma_start3A_257, %dma_start3A_258] : memref<32x1000xf32, #tpu.memory_space<vmem>> -> memref<1x1000xf32, #tpu.memory_space<vmem>>
      %dma_start3A_260 = arith.constant 0 : i32
      %dma_start3A_261 = arith.constant 0 : i32
      %dma_start3A_262 = tpu.memref_slice %arg2[%dma_start3A_260, %dma_start3A_261] : memref<1x1000xf32, #tpu.memory_space<hbm>> -> memref<1x1000xf32, #tpu.memory_space<hbm>>
      %dma_start3A_263 = arith.constant 3 : i32
      %dma_start3A_264 = arith.constant 0 : i32
      %dma_start3A_265 = tpu.memref_slice %arg4[%dma_start3A_263, %dma_start3A_264] : memref<32x1000xf32, #tpu.memory_space<vmem>> -> memref<1x1000xf32, #tpu.memory_space<vmem>>
      %dma_start3A_266 = arith.constant 0 : i32
      %dma_start3A_267 = arith.constant 0 : i32
      %dma_start3A_268 = tpu.memref_slice %arg2[%dma_start3A_266, %dma_start3A_267] : memref<1x1000xf32, #tpu.memory_space<hbm>> -> memref<1x1000xf32, #tpu.memory_space<hbm>>
      tpu.enqueue_dma source(%dma_start3A_268 : memref<1x1000xf32, #tpu.memory_space<hbm>>) target(%dma_start3A_265 : memref<1x1000xf32, #tpu.memory_space<vmem>>) target_semaphore(%run_scoped3A : memref<!tpu.dma_semaphore, #tpu.memory_space<semaphore_mem>>)
      %dma_wait3A_269 = arith.constant 3 : i32
      %dma_wait3A_270 = arith.constant 0 : i32
      %dma_wait3A_271 = tpu.memref_slice %arg4[%dma_wait3A_269, %dma_wait3A_270] : memref<32x1000xf32, #tpu.memory_space<vmem>> -> memref<1x1000xf32, #tpu.memory_space<vmem>>
      %dma_wait3A_272 = arith.constant 0 : i32
      %dma_wait3A_273 = arith.constant 0 : i32
      %dma_wait3A_274 = tpu.memref_slice %arg2[%dma_wait3A_272, %dma_wait3A_273] : memref<1x1000xf32, #tpu.memory_space<hbm>> -> memref<1x1000xf32, #tpu.memory_space<hbm>>
      %dma_wait3A_275 = arith.constant 3 : i32
      %dma_wait3A_276 = arith.constant 0 : i32
      %dma_wait3A_277 = tpu.memref_slice %arg4[%dma_wait3A_275, %dma_wait3A_276] : memref<32x1000xf32, #tpu.memory_space<vmem>> -> memref<1x1000xf32, #tpu.memory_space<vmem>>
      %dma_wait3A_278 = arith.constant 0 : i32
      %dma_wait3A_279 = arith.constant 0 : i32
      %dma_wait3A_280 = tpu.memref_slice %arg2[%dma_wait3A_278, %dma_wait3A_279] : memref<1x1000xf32, #tpu.memory_space<hbm>> -> memref<1x1000xf32, #tpu.memory_space<hbm>>
      tpu.wait_dma2 semaphore(%run_scoped3A : memref<!tpu.dma_semaphore, #tpu.memory_space<semaphore_mem>>) src(%dma_wait3A_280 : memref<1x1000xf32, #tpu.memory_space<hbm>>) dst(%dma_wait3A_277 : memref<1x1000xf32, #tpu.memory_space<vmem>>)
      tpu.yield
    }) : () -> ()
    "tpu.region"() ({
      %run_scoped3A = tpu.sem_alloc : memref<!tpu.dma_semaphore, #tpu.memory_space<semaphore_mem>>
      %dma_start3A_257 = arith.constant 4 : i32
      %dma_start3A_258 = arith.constant 0 : i32
      %dma_start3A_259 = tpu.memref_slice %arg4[%dma_start3A_257, %dma_start3A_258] : memref<32x1000xf32, #tpu.memory_space<vmem>> -> memref<1x1000xf32, #tpu.memory_space<vmem>>
      %dma_start3A_260 = arith.constant 0 : i32
      %dma_start3A_261 = arith.constant 0 : i32
      %dma_start3A_262 = tpu.memref_slice %arg2[%dma_start3A_260, %dma_start3A_261] : memref<1x1000xf32, #tpu.memory_space<hbm>> -> memref<1x1000xf32, #tpu.memory_space<hbm>>
      %dma_start3A_263 = arith.constant 4 : i32
      %dma_start3A_264 = arith.constant 0 : i32
      %dma_start3A_265 = tpu.memref_slice %arg4[%dma_start3A_263, %dma_start3A_264] : memref<32x1000xf32, #tpu.memory_space<vmem>> -> memref<1x1000xf32, #tpu.memory_space<vmem>>
      %dma_start3A_266 = arith.constant 0 : i32
      %dma_start3A_267 = arith.constant 0 : i32
      %dma_start3A_268 = tpu.memref_slice %arg2[%dma_start3A_266, %dma_start3A_267] : memref<1x1000xf32, #tpu.memory_space<hbm>> -> memref<1x1000xf32, #tpu.memory_space<hbm>>
      tpu.enqueue_dma source(%dma_start3A_268 : memref<1x1000xf32, #tpu.memory_space<hbm>>) target(%dma_start3A_265 : memref<1x1000xf32, #tpu.memory_space<vmem>>) target_semaphore(%run_scoped3A : memref<!tpu.dma_semaphore, #tpu.memory_space<semaphore_mem>>)
      %dma_wait3A_269 = arith.constant 4 : i32
      %dma_wait3A_270 = arith.constant 0 : i32
      %dma_wait3A_271 = tpu.memref_slice %arg4[%dma_wait3A_269, %dma_wait3A_270] : memref<32x1000xf32, #tpu.memory_space<vmem>> -> memref<1x1000xf32, #tpu.memory_space<vmem>>
      %dma_wait3A_272 = arith.constant 0 : i32
      %dma_wait3A_273 = arith.constant 0 : i32
      %dma_wait3A_274 = tpu.memref_slice %arg2[%dma_wait3A_272, %dma_wait3A_273] : memref<1x1000xf32, #tpu.memory_space<hbm>> -> memref<1x1000xf32, #tpu.memory_space<hbm>>
      %dma_wait3A_275 = arith.constant 4 : i32
      %dma_wait3A_276 = arith.constant 0 : i32
      %dma_wait3A_277 = tpu.memref_slice %arg4[%dma_wait3A_275, %dma_wait3A_276] : memref<32x1000xf32, #tpu.memory_space<vmem>> -> memref<1x1000xf32, #tpu.memory_space<vmem>>
      %dma_wait3A_278 = arith.constant 0 : i32
      %dma_wait3A_279 = arith.constant 0 : i32
      %dma_wait3A_280 = tpu.memref_slice %arg2[%dma_wait3A_278, %dma_wait3A_279] : memref<1x1000xf32, #tpu.memory_space<hbm>> -> memref<1x1000xf32, #tpu.memory_space<hbm>>
      tpu.wait_dma2 semaphore(%run_scoped3A : memref<!tpu.dma_semaphore, #tpu.memory_space<semaphore_mem>>) src(%dma_wait3A_280 : memref<1x1000xf32, #tpu.memory_space<hbm>>) dst(%dma_wait3A_277 : memref<1x1000xf32, #tpu.memory_space<vmem>>)
      tpu.yield
    }) : () -> ()
    "tpu.region"() ({
      %run_scoped3A = tpu.sem_alloc : memref<!tpu.dma_semaphore, #tpu.memory_space<semaphore_mem>>
      %dma_start3A_257 = arith.constant 5 : i32
      %dma_start3A_258 = arith.constant 0 : i32
      %dma_start3A_259 = tpu.memref_slice %arg4[%dma_start3A_257, %dma_start3A_258] : memref<32x1000xf32, #tpu.memory_space<vmem>> -> memref<1x1000xf32, #tpu.memory_space<vmem>>
      %dma_start3A_260 = arith.constant 0 : i32
      %dma_start3A_261 = arith.constant 0 : i32
      %dma_start3A_262 = tpu.memref_slice %arg2[%dma_start3A_260, %dma_start3A_261] : memref<1x1000xf32, #tpu.memory_space<hbm>> -> memref<1x1000xf32, #tpu.memory_space<hbm>>
      %dma_start3A_263 = arith.constant 5 : i32
      %dma_start3A_264 = arith.constant 0 : i32
      %dma_start3A_265 = tpu.memref_slice %arg4[%dma_start3A_263, %dma_start3A_264] : memref<32x1000xf32, #tpu.memory_space<vmem>> -> memref<1x1000xf32, #tpu.memory_space<vmem>>
      %dma_start3A_266 = arith.constant 0 : i32
      %dma_start3A_267 = arith.constant 0 : i32
      %dma_start3A_268 = tpu.memref_slice %arg2[%dma_start3A_266, %dma_start3A_267] : memref<1x1000xf32, #tpu.memory_space<hbm>> -> memref<1x1000xf32, #tpu.memory_space<hbm>>
      tpu.enqueue_dma source(%dma_start3A_268 : memref<1x1000xf32, #tpu.memory_space<hbm>>) target(%dma_start3A_265 : memref<1x1000xf32, #tpu.memory_space<vmem>>) target_semaphore(%run_scoped3A : memref<!tpu.dma_semaphore, #tpu.memory_space<semaphore_mem>>)
      %dma_wait3A_269 = arith.constant 5 : i32
      %dma_wait3A_270 = arith.constant 0 : i32
      %dma_wait3A_271 = tpu.memref_slice %arg4[%dma_wait3A_269, %dma_wait3A_270] : memref<32x1000xf32, #tpu.memory_space<vmem>> -> memref<1x1000xf32, #tpu.memory_space<vmem>>
      %dma_wait3A_272 = arith.constant 0 : i32
      %dma_wait3A_273 = arith.constant 0 : i32
      %dma_wait3A_274 = tpu.memref_slice %arg2[%dma_wait3A_272, %dma_wait3A_273] : memref<1x1000xf32, #tpu.memory_space<hbm>> -> memref<1x1000xf32, #tpu.memory_space<hbm>>
      %dma_wait3A_275 = arith.constant 5 : i32
      %dma_wait3A_276 = arith.constant 0 : i32
      %dma_wait3A_277 = tpu.memref_slice %arg4[%dma_wait3A_275, %dma_wait3A_276] : memref<32x1000xf32, #tpu.memory_space<vmem>> -> memref<1x1000xf32, #tpu.memory_space<vmem>>
      %dma_wait3A_278 = arith.constant 0 : i32
      %dma_wait3A_279 = arith.constant 0 : i32
      %dma_wait3A_280 = tpu.memref_slice %arg2[%dma_wait3A_278, %dma_wait3A_279] : memref<1x1000xf32, #tpu.memory_space<hbm>> -> memref<1x1000xf32, #tpu.memory_space<hbm>>
      tpu.wait_dma2 semaphore(%run_scoped3A : memref<!tpu.dma_semaphore, #tpu.memory_space<semaphore_mem>>) src(%dma_wait3A_280 : memref<1x1000xf32, #tpu.memory_space<hbm>>) dst(%dma_wait3A_277 : memref<1x1000xf32, #tpu.memory_space<vmem>>)
      tpu.yield
    }) : () -> ()
    "tpu.region"() ({
      %run_scoped3A = tpu.sem_alloc : memref<!tpu.dma_semaphore, #tpu.memory_space<semaphore_mem>>
      %dma_start3A_257 = arith.constant 6 : i32
      %dma_start3A_258 = arith.constant 0 : i32
      %dma_start3A_259 = tpu.memref_slice %arg4[%dma_start3A_257, %dma_start3A_258] : memref<32x1000xf32, #tpu.memory_space<vmem>> -> memref<1x1000xf32, #tpu.memory_space<vmem>>
      %dma_start3A_260 = arith.constant 0 : i32
      %dma_start3A_261 = arith.constant 0 : i32
      %dma_start3A_262 = tpu.memref_slice %arg2[%dma_start3A_260, %dma_start3A_261] : memref<1x1000xf32, #tpu.memory_space<hbm>> -> memref<1x1000xf32, #tpu.memory_space<hbm>>
      %dma_start3A_263 = arith.constant 6 : i32
      %dma_start3A_264 = arith.constant 0 : i32
      %dma_start3A_265 = tpu.memref_slice %arg4[%dma_start3A_263, %dma_start3A_264] : memref<32x1000xf32, #tpu.memory_space<vmem>> -> memref<1x1000xf32, #tpu.memory_space<vmem>>
      %dma_start3A_266 = arith.constant 0 : i32
      %dma_start3A_267 = arith.constant 0 : i32
      %dma_start3A_268 = tpu.memref_slice %arg2[%dma_start3A_266, %dma_start3A_267] : memref<1x1000xf32, #tpu.memory_space<hbm>> -> memref<1x1000xf32, #tpu.memory_space<hbm>>
      tpu.enqueue_dma source(%dma_start3A_268 : memref<1x1000xf32, #tpu.memory_space<hbm>>) target(%dma_start3A_265 : memref<1x1000xf32, #tpu.memory_space<vmem>>) target_semaphore(%run_scoped3A : memref<!tpu.dma_semaphore, #tpu.memory_space<semaphore_mem>>)
      %dma_wait3A_269 = arith.constant 6 : i32
      %dma_wait3A_270 = arith.constant 0 : i32
      %dma_wait3A_271 = tpu.memref_slice %arg4[%dma_wait3A_269, %dma_wait3A_270] : memref<32x1000xf32, #tpu.memory_space<vmem>> -> memref<1x1000xf32, #tpu.memory_space<vmem>>
      %dma_wait3A_272 = arith.constant 0 : i32
      %dma_wait3A_273 = arith.constant 0 : i32
      %dma_wait3A_274 = tpu.memref_slice %arg2[%dma_wait3A_272, %dma_wait3A_273] : memref<1x1000xf32, #tpu.memory_space<hbm>> -> memref<1x1000xf32, #tpu.memory_space<hbm>>
      %dma_wait3A_275 = arith.constant 6 : i32
      %dma_wait3A_276 = arith.constant 0 : i32
      %dma_wait3A_277 = tpu.memref_slice %arg4[%dma_wait3A_275, %dma_wait3A_276] : memref<32x1000xf32, #tpu.memory_space<vmem>> -> memref<1x1000xf32, #tpu.memory_space<vmem>>
      %dma_wait3A_278 = arith.constant 0 : i32
      %dma_wait3A_279 = arith.constant 0 : i32
      %dma_wait3A_280 = tpu.memref_slice %arg2[%dma_wait3A_278, %dma_wait3A_279] : memref<1x1000xf32, #tpu.memory_space<hbm>> -> memref<1x1000xf32, #tpu.memory_space<hbm>>
      tpu.wait_dma2 semaphore(%run_scoped3A : memref<!tpu.dma_semaphore, #tpu.memory_space<semaphore_mem>>) src(%dma_wait3A_280 : memref<1x1000xf32, #tpu.memory_space<hbm>>) dst(%dma_wait3A_277 : memref<1x1000xf32, #tpu.memory_space<vmem>>)
      tpu.yield
    }) : () -> ()
    "tpu.region"() ({
      %run_scoped3A = tpu.sem_alloc : memref<!tpu.dma_semaphore, #tpu.memory_space<semaphore_mem>>
      %dma_start3A_257 = arith.constant 7 : i32
      %dma_start3A_258 = arith.constant 0 : i32
      %dma_start3A_259 = tpu.memref_slice %arg4[%dma_start3A_257, %dma_start3A_258] : memref<32x1000xf32, #tpu.memory_space<vmem>> -> memref<1x1000xf32, #tpu.memory_space<vmem>>
      %dma_start3A_260 = arith.constant 0 : i32
      %dma_start3A_261 = arith.constant 0 : i32
      %dma_start3A_262 = tpu.memref_slice %arg2[%dma_start3A_260, %dma_start3A_261] : memref<1x1000xf32, #tpu.memory_space<hbm>> -> memref<1x1000xf32, #tpu.memory_space<hbm>>
      %dma_start3A_263 = arith.constant 7 : i32
      %dma_start3A_264 = arith.constant 0 : i32
      %dma_start3A_265 = tpu.memref_slice %arg4[%dma_start3A_263, %dma_start3A_264] : memref<32x1000xf32, #tpu.memory_space<vmem>> -> memref<1x1000xf32, #tpu.memory_space<vmem>>
      %dma_start3A_266 = arith.constant 0 : i32
      %dma_start3A_267 = arith.constant 0 : i32
      %dma_start3A_268 = tpu.memref_slice %arg2[%dma_start3A_266, %dma_start3A_267] : memref<1x1000xf32, #tpu.memory_space<hbm>> -> memref<1x1000xf32, #tpu.memory_space<hbm>>
      tpu.enqueue_dma source(%dma_start3A_268 : memref<1x1000xf32, #tpu.memory_space<hbm>>) target(%dma_start3A_265 : memref<1x1000xf32, #tpu.memory_space<vmem>>) target_semaphore(%run_scoped3A : memref<!tpu.dma_semaphore, #tpu.memory_space<semaphore_mem>>)
      %dma_wait3A_269 = arith.constant 7 : i32
      %dma_wait3A_270 = arith.constant 0 : i32
      %dma_wait3A_271 = tpu.memref_slice %arg4[%dma_wait3A_269, %dma_wait3A_270] : memref<32x1000xf32, #tpu.memory_space<vmem>> -> memref<1x1000xf32, #tpu.memory_space<vmem>>
      %dma_wait3A_272 = arith.constant 0 : i32
      %dma_wait3A_273 = arith.constant 0 : i32
      %dma_wait3A_274 = tpu.memref_slice %arg2[%dma_wait3A_272, %dma_wait3A_273] : memref<1x1000xf32, #tpu.memory_space<hbm>> -> memref<1x1000xf32, #tpu.memory_space<hbm>>
      %dma_wait3A_275 = arith.constant 7 : i32
      %dma_wait3A_276 = arith.constant 0 : i32
      %dma_wait3A_277 = tpu.memref_slice %arg4[%dma_wait3A_275, %dma_wait3A_276] : memref<32x1000xf32, #tpu.memory_space<vmem>> -> memref<1x1000xf32, #tpu.memory_space<vmem>>
      %dma_wait3A_278 = arith.constant 0 : i32
      %dma_wait3A_279 = arith.constant 0 : i32
      %dma_wait3A_280 = tpu.memref_slice %arg2[%dma_wait3A_278, %dma_wait3A_279] : memref<1x1000xf32, #tpu.memory_space<hbm>> -> memref<1x1000xf32, #tpu.memory_space<hbm>>
      tpu.wait_dma2 semaphore(%run_scoped3A : memref<!tpu.dma_semaphore, #tpu.memory_space<semaphore_mem>>) src(%dma_wait3A_280 : memref<1x1000xf32, #tpu.memory_space<hbm>>) dst(%dma_wait3A_277 : memref<1x1000xf32, #tpu.memory_space<vmem>>)
      tpu.yield
    }) : () -> ()
    "tpu.region"() ({
      %run_scoped3A = tpu.sem_alloc : memref<!tpu.dma_semaphore, #tpu.memory_space<semaphore_mem>>
      %dma_start3A_257 = arith.constant 8 : i32
      %dma_start3A_258 = arith.constant 0 : i32
      %dma_start3A_259 = tpu.memref_slice %arg4[%dma_start3A_257, %dma_start3A_258] : memref<32x1000xf32, #tpu.memory_space<vmem>> -> memref<1x1000xf32, #tpu.memory_space<vmem>>
      %dma_start3A_260 = arith.constant 0 : i32
      %dma_start3A_261 = arith.constant 0 : i32
      %dma_start3A_262 = tpu.memref_slice %arg2[%dma_start3A_260, %dma_start3A_261] : memref<1x1000xf32, #tpu.memory_space<hbm>> -> memref<1x1000xf32, #tpu.memory_space<hbm>>
      %dma_start3A_263 = arith.constant 8 : i32
      %dma_start3A_264 = arith.constant 0 : i32
      %dma_start3A_265 = tpu.memref_slice %arg4[%dma_start3A_263, %dma_start3A_264] : memref<32x1000xf32, #tpu.memory_space<vmem>> -> memref<1x1000xf32, #tpu.memory_space<vmem>>
      %dma_start3A_266 = arith.constant 0 : i32
      %dma_start3A_267 = arith.constant 0 : i32
      %dma_start3A_268 = tpu.memref_slice %arg2[%dma_start3A_266, %dma_start3A_267] : memref<1x1000xf32, #tpu.memory_space<hbm>> -> memref<1x1000xf32, #tpu.memory_space<hbm>>
      tpu.enqueue_dma source(%dma_start3A_268 : memref<1x1000xf32, #tpu.memory_space<hbm>>) target(%dma_start3A_265 : memref<1x1000xf32, #tpu.memory_space<vmem>>) target_semaphore(%run_scoped3A : memref<!tpu.dma_semaphore, #tpu.memory_space<semaphore_mem>>)
      %dma_wait3A_269 = arith.constant 8 : i32
      %dma_wait3A_270 = arith.constant 0 : i32
      %dma_wait3A_271 = tpu.memref_slice %arg4[%dma_wait3A_269, %dma_wait3A_270] : memref<32x1000xf32, #tpu.memory_space<vmem>> -> memref<1x1000xf32, #tpu.memory_space<vmem>>
      %dma_wait3A_272 = arith.constant 0 : i32
      %dma_wait3A_273 = arith.constant 0 : i32
      %dma_wait3A_274 = tpu.memref_slice %arg2[%dma_wait3A_272, %dma_wait3A_273] : memref<1x1000xf32, #tpu.memory_space<hbm>> -> memref<1x1000xf32, #tpu.memory_space<hbm>>
      %dma_wait3A_275 = arith.constant 8 : i32
      %dma_wait3A_276 = arith.constant 0 : i32
      %dma_wait3A_277 = tpu.memref_slice %arg4[%dma_wait3A_275, %dma_wait3A_276] : memref<32x1000xf32, #tpu.memory_space<vmem>> -> memref<1x1000xf32, #tpu.memory_space<vmem>>
      %dma_wait3A_278 = arith.constant 0 : i32
      %dma_wait3A_279 = arith.constant 0 : i32
      %dma_wait3A_280 = tpu.memref_slice %arg2[%dma_wait3A_278, %dma_wait3A_279] : memref<1x1000xf32, #tpu.memory_space<hbm>> -> memref<1x1000xf32, #tpu.memory_space<hbm>>
      tpu.wait_dma2 semaphore(%run_scoped3A : memref<!tpu.dma_semaphore, #tpu.memory_space<semaphore_mem>>) src(%dma_wait3A_280 : memref<1x1000xf32, #tpu.memory_space<hbm>>) dst(%dma_wait3A_277 : memref<1x1000xf32, #tpu.memory_space<vmem>>)
      tpu.yield
    }) : () -> ()
    "tpu.region"() ({
      %run_scoped3A = tpu.sem_alloc : memref<!tpu.dma_semaphore, #tpu.memory_space<semaphore_mem>>
      %dma_start3A_257 = arith.constant 9 : i32
      %dma_start3A_258 = arith.constant 0 : i32
      %dma_start3A_259 = tpu.memref_slice %arg4[%dma_start3A_257, %dma_start3A_258] : memref<32x1000xf32, #tpu.memory_space<vmem>> -> memref<1x1000xf32, #tpu.memory_space<vmem>>
      %dma_start3A_260 = arith.constant 0 : i32
      %dma_start3A_261 = arith.constant 0 : i32
      %dma_start3A_262 = tpu.memref_slice %arg2[%dma_start3A_260, %dma_start3A_261] : memref<1x1000xf32, #tpu.memory_space<hbm>> -> memref<1x1000xf32, #tpu.memory_space<hbm>>
      %dma_start3A_263 = arith.constant 9 : i32
      %dma_start3A_264 = arith.constant 0 : i32
      %dma_start3A_265 = tpu.memref_slice %arg4[%dma_start3A_263, %dma_start3A_264] : memref<32x1000xf32, #tpu.memory_space<vmem>> -> memref<1x1000xf32, #tpu.memory_space<vmem>>
      %dma_start3A_266 = arith.constant 0 : i32
      %dma_start3A_267 = arith.constant 0 : i32
      %dma_start3A_268 = tpu.memref_slice %arg2[%dma_start3A_266, %dma_start3A_267] : memref<1x1000xf32, #tpu.memory_space<hbm>> -> memref<1x1000xf32, #tpu.memory_space<hbm>>
      tpu.enqueue_dma source(%dma_start3A_268 : memref<1x1000xf32, #tpu.memory_space<hbm>>) target(%dma_start3A_265 : memref<1x1000xf32, #tpu.memory_space<vmem>>) target_semaphore(%run_scoped3A : memref<!tpu.dma_semaphore, #tpu.memory_space<semaphore_mem>>)
      %dma_wait3A_269 = arith.constant 9 : i32
      %dma_wait3A_270 = arith.constant 0 : i32
      %dma_wait3A_271 = tpu.memref_slice %arg4[%dma_wait3A_269, %dma_wait3A_270] : memref<32x1000xf32, #tpu.memory_space<vmem>> -> memref<1x1000xf32, #tpu.memory_space<vmem>>
      %dma_wait3A_272 = arith.constant 0 : i32
      %dma_wait3A_273 = arith.constant 0 : i32
      %dma_wait3A_274 = tpu.memref_slice %arg2[%dma_wait3A_272, %dma_wait3A_273] : memref<1x1000xf32, #tpu.memory_space<hbm>> -> memref<1x1000xf32, #tpu.memory_space<hbm>>
      %dma_wait3A_275 = arith.constant 9 : i32
      %dma_wait3A_276 = arith.constant 0 : i32
      %dma_wait3A_277 = tpu.memref_slice %arg4[%dma_wait3A_275, %dma_wait3A_276] : memref<32x1000xf32, #tpu.memory_space<vmem>> -> memref<1x1000xf32, #tpu.memory_space<vmem>>
      %dma_wait3A_278 = arith.constant 0 : i32
      %dma_wait3A_279 = arith.constant 0 : i32
      %dma_wait3A_280 = tpu.memref_slice %arg2[%dma_wait3A_278, %dma_wait3A_279] : memref<1x1000xf32, #tpu.memory_space<hbm>> -> memref<1x1000xf32, #tpu.memory_space<hbm>>
      tpu.wait_dma2 semaphore(%run_scoped3A : memref<!tpu.dma_semaphore, #tpu.memory_space<semaphore_mem>>) src(%dma_wait3A_280 : memref<1x1000xf32, #tpu.memory_space<hbm>>) dst(%dma_wait3A_277 : memref<1x1000xf32, #tpu.memory_space<vmem>>)
      tpu.yield
    }) : () -> ()
    "tpu.region"() ({
      %run_scoped3A = tpu.sem_alloc : memref<!tpu.dma_semaphore, #tpu.memory_space<semaphore_mem>>
      %dma_start3A_257 = arith.constant 10 : i32
      %dma_start3A_258 = arith.constant 0 : i32
      %dma_start3A_259 = tpu.memref_slice %arg4[%dma_start3A_257, %dma_start3A_258] : memref<32x1000xf32, #tpu.memory_space<vmem>> -> memref<1x1000xf32, #tpu.memory_space<vmem>>
      %dma_start3A_260 = arith.constant 0 : i32
      %dma_start3A_261 = arith.constant 0 : i32
      %dma_start3A_262 = tpu.memref_slice %arg2[%dma_start3A_260, %dma_start3A_261] : memref<1x1000xf32, #tpu.memory_space<hbm>> -> memref<1x1000xf32, #tpu.memory_space<hbm>>
      %dma_start3A_263 = arith.constant 10 : i32
      %dma_start3A_264 = arith.constant 0 : i32
      %dma_start3A_265 = tpu.memref_slice %arg4[%dma_start3A_263, %dma_start3A_264] : memref<32x1000xf32, #tpu.memory_space<vmem>> -> memref<1x1000xf32, #tpu.memory_space<vmem>>
      %dma_start3A_266 = arith.constant 0 : i32
      %dma_start3A_267 = arith.constant 0 : i32
      %dma_start3A_268 = tpu.memref_slice %arg2[%dma_start3A_266, %dma_start3A_267] : memref<1x1000xf32, #tpu.memory_space<hbm>> -> memref<1x1000xf32, #tpu.memory_space<hbm>>
      tpu.enqueue_dma source(%dma_start3A_268 : memref<1x1000xf32, #tpu.memory_space<hbm>>) target(%dma_start3A_265 : memref<1x1000xf32, #tpu.memory_space<vmem>>) target_semaphore(%run_scoped3A : memref<!tpu.dma_semaphore, #tpu.memory_space<semaphore_mem>>)
      %dma_wait3A_269 = arith.constant 10 : i32
      %dma_wait3A_270 = arith.constant 0 : i32
      %dma_wait3A_271 = tpu.memref_slice %arg4[%dma_wait3A_269, %dma_wait3A_270] : memref<32x1000xf32, #tpu.memory_space<vmem>> -> memref<1x1000xf32, #tpu.memory_space<vmem>>
      %dma_wait3A_272 = arith.constant 0 : i32
      %dma_wait3A_273 = arith.constant 0 : i32
      %dma_wait3A_274 = tpu.memref_slice %arg2[%dma_wait3A_272, %dma_wait3A_273] : memref<1x1000xf32, #tpu.memory_space<hbm>> -> memref<1x1000xf32, #tpu.memory_space<hbm>>
      %dma_wait3A_275 = arith.constant 10 : i32
      %dma_wait3A_276 = arith.constant 0 : i32
      %dma_wait3A_277 = tpu.memref_slice %arg4[%dma_wait3A_275, %dma_wait3A_276] : memref<32x1000xf32, #tpu.memory_space<vmem>> -> memref<1x1000xf32, #tpu.memory_space<vmem>>
      %dma_wait3A_278 = arith.constant 0 : i32
      %dma_wait3A_279 = arith.constant 0 : i32
      %dma_wait3A_280 = tpu.memref_slice %arg2[%dma_wait3A_278, %dma_wait3A_279] : memref<1x1000xf32, #tpu.memory_space<hbm>> -> memref<1x1000xf32, #tpu.memory_space<hbm>>
      tpu.wait_dma2 semaphore(%run_scoped3A : memref<!tpu.dma_semaphore, #tpu.memory_space<semaphore_mem>>) src(%dma_wait3A_280 : memref<1x1000xf32, #tpu.memory_space<hbm>>) dst(%dma_wait3A_277 : memref<1x1000xf32, #tpu.memory_space<vmem>>)
      tpu.yield
    }) : () -> ()
    "tpu.region"() ({
      %run_scoped3A = tpu.sem_alloc : memref<!tpu.dma_semaphore, #tpu.memory_space<semaphore_mem>>
      %dma_start3A_257 = arith.constant 11 : i32
      %dma_start3A_258 = arith.constant 0 : i32
      %dma_start3A_259 = tpu.memref_slice %arg4[%dma_start3A_257, %dma_start3A_258] : memref<32x1000xf32, #tpu.memory_space<vmem>> -> memref<1x1000xf32, #tpu.memory_space<vmem>>
      %dma_start3A_260 = arith.constant 0 : i32
      %dma_start3A_261 = arith.constant 0 : i32
      %dma_start3A_262 = tpu.memref_slice %arg2[%dma_start3A_260, %dma_start3A_261] : memref<1x1000xf32, #tpu.memory_space<hbm>> -> memref<1x1000xf32, #tpu.memory_space<hbm>>
      %dma_start3A_263 = arith.constant 11 : i32
      %dma_start3A_264 = arith.constant 0 : i32
      %dma_start3A_265 = tpu.memref_slice %arg4[%dma_start3A_263, %dma_start3A_264] : memref<32x1000xf32, #tpu.memory_space<vmem>> -> memref<1x1000xf32, #tpu.memory_space<vmem>>
      %dma_start3A_266 = arith.constant 0 : i32
      %dma_start3A_267 = arith.constant 0 : i32
      %dma_start3A_268 = tpu.memref_slice %arg2[%dma_start3A_266, %dma_start3A_267] : memref<1x1000xf32, #tpu.memory_space<hbm>> -> memref<1x1000xf32, #tpu.memory_space<hbm>>
      tpu.enqueue_dma source(%dma_start3A_268 : memref<1x1000xf32, #tpu.memory_space<hbm>>) target(%dma_start3A_265 : memref<1x1000xf32, #tpu.memory_space<vmem>>) target_semaphore(%run_scoped3A : memref<!tpu.dma_semaphore, #tpu.memory_space<semaphore_mem>>)
      %dma_wait3A_269 = arith.constant 11 : i32
      %dma_wait3A_270 = arith.constant 0 : i32
      %dma_wait3A_271 = tpu.memref_slice %arg4[%dma_wait3A_269, %dma_wait3A_270] : memref<32x1000xf32, #tpu.memory_space<vmem>> -> memref<1x1000xf32, #tpu.memory_space<vmem>>
      %dma_wait3A_272 = arith.constant 0 : i32
      %dma_wait3A_273 = arith.constant 0 : i32
      %dma_wait3A_274 = tpu.memref_slice %arg2[%dma_wait3A_272, %dma_wait3A_273] : memref<1x1000xf32, #tpu.memory_space<hbm>> -> memref<1x1000xf32, #tpu.memory_space<hbm>>
      %dma_wait3A_275 = arith.constant 11 : i32
      %dma_wait3A_276 = arith.constant 0 : i32
      %dma_wait3A_277 = tpu.memref_slice %arg4[%dma_wait3A_275, %dma_wait3A_276] : memref<32x1000xf32, #tpu.memory_space<vmem>> -> memref<1x1000xf32, #tpu.memory_space<vmem>>
      %dma_wait3A_278 = arith.constant 0 : i32
      %dma_wait3A_279 = arith.constant 0 : i32
      %dma_wait3A_280 = tpu.memref_slice %arg2[%dma_wait3A_278, %dma_wait3A_279] : memref<1x1000xf32, #tpu.memory_space<hbm>> -> memref<1x1000xf32, #tpu.memory_space<hbm>>
      tpu.wait_dma2 semaphore(%run_scoped3A : memref<!tpu.dma_semaphore, #tpu.memory_space<semaphore_mem>>) src(%dma_wait3A_280 : memref<1x1000xf32, #tpu.memory_space<hbm>>) dst(%dma_wait3A_277 : memref<1x1000xf32, #tpu.memory_space<vmem>>)
      tpu.yield
    }) : () -> ()
    "tpu.region"() ({
      %run_scoped3A = tpu.sem_alloc : memref<!tpu.dma_semaphore, #tpu.memory_space<semaphore_mem>>
      %dma_start3A_257 = arith.constant 12 : i32
      %dma_start3A_258 = arith.constant 0 : i32
      %dma_start3A_259 = tpu.memref_slice %arg4[%dma_start3A_257, %dma_start3A_258] : memref<32x1000xf32, #tpu.memory_space<vmem>> -> memref<1x1000xf32, #tpu.memory_space<vmem>>
      %dma_start3A_260 = arith.constant 0 : i32
      %dma_start3A_261 = arith.constant 0 : i32
      %dma_start3A_262 = tpu.memref_slice %arg2[%dma_start3A_260, %dma_start3A_261] : memref<1x1000xf32, #tpu.memory_space<hbm>> -> memref<1x1000xf32, #tpu.memory_space<hbm>>
      %dma_start3A_263 = arith.constant 12 : i32
      %dma_start3A_264 = arith.constant 0 : i32
      %dma_start3A_265 = tpu.memref_slice %arg4[%dma_start3A_263, %dma_start3A_264] : memref<32x1000xf32, #tpu.memory_space<vmem>> -> memref<1x1000xf32, #tpu.memory_space<vmem>>
      %dma_start3A_266 = arith.constant 0 : i32
      %dma_start3A_267 = arith.constant 0 : i32
      %dma_start3A_268 = tpu.memref_slice %arg2[%dma_start3A_266, %dma_start3A_267] : memref<1x1000xf32, #tpu.memory_space<hbm>> -> memref<1x1000xf32, #tpu.memory_space<hbm>>
      tpu.enqueue_dma source(%dma_start3A_268 : memref<1x1000xf32, #tpu.memory_space<hbm>>) target(%dma_start3A_265 : memref<1x1000xf32, #tpu.memory_space<vmem>>) target_semaphore(%run_scoped3A : memref<!tpu.dma_semaphore, #tpu.memory_space<semaphore_mem>>)
      %dma_wait3A_269 = arith.constant 12 : i32
      %dma_wait3A_270 = arith.constant 0 : i32
      %dma_wait3A_271 = tpu.memref_slice %arg4[%dma_wait3A_269, %dma_wait3A_270] : memref<32x1000xf32, #tpu.memory_space<vmem>> -> memref<1x1000xf32, #tpu.memory_space<vmem>>
      %dma_wait3A_272 = arith.constant 0 : i32
      %dma_wait3A_273 = arith.constant 0 : i32
      %dma_wait3A_274 = tpu.memref_slice %arg2[%dma_wait3A_272, %dma_wait3A_273] : memref<1x1000xf32, #tpu.memory_space<hbm>> -> memref<1x1000xf32, #tpu.memory_space<hbm>>
      %dma_wait3A_275 = arith.constant 12 : i32
      %dma_wait3A_276 = arith.constant 0 : i32
      %dma_wait3A_277 = tpu.memref_slice %arg4[%dma_wait3A_275, %dma_wait3A_276] : memref<32x1000xf32, #tpu.memory_space<vmem>> -> memref<1x1000xf32, #tpu.memory_space<vmem>>
      %dma_wait3A_278 = arith.constant 0 : i32
      %dma_wait3A_279 = arith.constant 0 : i32
      %dma_wait3A_280 = tpu.memref_slice %arg2[%dma_wait3A_278, %dma_wait3A_279] : memref<1x1000xf32, #tpu.memory_space<hbm>> -> memref<1x1000xf32, #tpu.memory_space<hbm>>
      tpu.wait_dma2 semaphore(%run_scoped3A : memref<!tpu.dma_semaphore, #tpu.memory_space<semaphore_mem>>) src(%dma_wait3A_280 : memref<1x1000xf32, #tpu.memory_space<hbm>>) dst(%dma_wait3A_277 : memref<1x1000xf32, #tpu.memory_space<vmem>>)
      tpu.yield
    }) : () -> ()
    "tpu.region"() ({
      %run_scoped3A = tpu.sem_alloc : memref<!tpu.dma_semaphore, #tpu.memory_space<semaphore_mem>>
      %dma_start3A_257 = arith.constant 13 : i32
      %dma_start3A_258 = arith.constant 0 : i32
      %dma_start3A_259 = tpu.memref_slice %arg4[%dma_start3A_257, %dma_start3A_258] : memref<32x1000xf32, #tpu.memory_space<vmem>> -> memref<1x1000xf32, #tpu.memory_space<vmem>>
      %dma_start3A_260 = arith.constant 0 : i32
      %dma_start3A_261 = arith.constant 0 : i32
      %dma_start3A_262 = tpu.memref_slice %arg2[%dma_start3A_260, %dma_start3A_261] : memref<1x1000xf32, #tpu.memory_space<hbm>> -> memref<1x1000xf32, #tpu.memory_space<hbm>>
      %dma_start3A_263 = arith.constant 13 : i32
      %dma_start3A_264 = arith.constant 0 : i32
      %dma_start3A_265 = tpu.memref_slice %arg4[%dma_start3A_263, %dma_start3A_264] : memref<32x1000xf32, #tpu.memory_space<vmem>> -> memref<1x1000xf32, #tpu.memory_space<vmem>>
      %dma_start3A_266 = arith.constant 0 : i32
      %dma_start3A_267 = arith.constant 0 : i32
      %dma_start3A_268 = tpu.memref_slice %arg2[%dma_start3A_266, %dma_start3A_267] : memref<1x1000xf32, #tpu.memory_space<hbm>> -> memref<1x1000xf32, #tpu.memory_space<hbm>>
      tpu.enqueue_dma source(%dma_start3A_268 : memref<1x1000xf32, #tpu.memory_space<hbm>>) target(%dma_start3A_265 : memref<1x1000xf32, #tpu.memory_space<vmem>>) target_semaphore(%run_scoped3A : memref<!tpu.dma_semaphore, #tpu.memory_space<semaphore_mem>>)
      %dma_wait3A_269 = arith.constant 13 : i32
      %dma_wait3A_270 = arith.constant 0 : i32
      %dma_wait3A_271 = tpu.memref_slice %arg4[%dma_wait3A_269, %dma_wait3A_270] : memref<32x1000xf32, #tpu.memory_space<vmem>> -> memref<1x1000xf32, #tpu.memory_space<vmem>>
      %dma_wait3A_272 = arith.constant 0 : i32
      %dma_wait3A_273 = arith.constant 0 : i32
      %dma_wait3A_274 = tpu.memref_slice %arg2[%dma_wait3A_272, %dma_wait3A_273] : memref<1x1000xf32, #tpu.memory_space<hbm>> -> memref<1x1000xf32, #tpu.memory_space<hbm>>
      %dma_wait3A_275 = arith.constant 13 : i32
      %dma_wait3A_276 = arith.constant 0 : i32
      %dma_wait3A_277 = tpu.memref_slice %arg4[%dma_wait3A_275, %dma_wait3A_276] : memref<32x1000xf32, #tpu.memory_space<vmem>> -> memref<1x1000xf32, #tpu.memory_space<vmem>>
      %dma_wait3A_278 = arith.constant 0 : i32
      %dma_wait3A_279 = arith.constant 0 : i32
      %dma_wait3A_280 = tpu.memref_slice %arg2[%dma_wait3A_278, %dma_wait3A_279] : memref<1x1000xf32, #tpu.memory_space<hbm>> -> memref<1x1000xf32, #tpu.memory_space<hbm>>
      tpu.wait_dma2 semaphore(%run_scoped3A : memref<!tpu.dma_semaphore, #tpu.memory_space<semaphore_mem>>) src(%dma_wait3A_280 : memref<1x1000xf32, #tpu.memory_space<hbm>>) dst(%dma_wait3A_277 : memref<1x1000xf32, #tpu.memory_space<vmem>>)
      tpu.yield
    }) : () -> ()
    "tpu.region"() ({
      %run_scoped3A = tpu.sem_alloc : memref<!tpu.dma_semaphore, #tpu.memory_space<semaphore_mem>>
      %dma_start3A_257 = arith.constant 14 : i32
      %dma_start3A_258 = arith.constant 0 : i32
      %dma_start3A_259 = tpu.memref_slice %arg4[%dma_start3A_257, %dma_start3A_258] : memref<32x1000xf32, #tpu.memory_space<vmem>> -> memref<1x1000xf32, #tpu.memory_space<vmem>>
      %dma_start3A_260 = arith.constant 0 : i32
      %dma_start3A_261 = arith.constant 0 : i32
      %dma_start3A_262 = tpu.memref_slice %arg2[%dma_start3A_260, %dma_start3A_261] : memref<1x1000xf32, #tpu.memory_space<hbm>> -> memref<1x1000xf32, #tpu.memory_space<hbm>>
      %dma_start3A_263 = arith.constant 14 : i32
      %dma_start3A_264 = arith.constant 0 : i32
      %dma_start3A_265 = tpu.memref_slice %arg4[%dma_start3A_263, %dma_start3A_264] : memref<32x1000xf32, #tpu.memory_space<vmem>> -> memref<1x1000xf32, #tpu.memory_space<vmem>>
      %dma_start3A_266 = arith.constant 0 : i32
      %dma_start3A_267 = arith.constant 0 : i32
      %dma_start3A_268 = tpu.memref_slice %arg2[%dma_start3A_266, %dma_start3A_267] : memref<1x1000xf32, #tpu.memory_space<hbm>> -> memref<1x1000xf32, #tpu.memory_space<hbm>>
      tpu.enqueue_dma source(%dma_start3A_268 : memref<1x1000xf32, #tpu.memory_space<hbm>>) target(%dma_start3A_265 : memref<1x1000xf32, #tpu.memory_space<vmem>>) target_semaphore(%run_scoped3A : memref<!tpu.dma_semaphore, #tpu.memory_space<semaphore_mem>>)
      %dma_wait3A_269 = arith.constant 14 : i32
      %dma_wait3A_270 = arith.constant 0 : i32
      %dma_wait3A_271 = tpu.memref_slice %arg4[%dma_wait3A_269, %dma_wait3A_270] : memref<32x1000xf32, #tpu.memory_space<vmem>> -> memref<1x1000xf32, #tpu.memory_space<vmem>>
      %dma_wait3A_272 = arith.constant 0 : i32
      %dma_wait3A_273 = arith.constant 0 : i32
      %dma_wait3A_274 = tpu.memref_slice %arg2[%dma_wait3A_272, %dma_wait3A_273] : memref<1x1000xf32, #tpu.memory_space<hbm>> -> memref<1x1000xf32, #tpu.memory_space<hbm>>
      %dma_wait3A_275 = arith.constant 14 : i32
      %dma_wait3A_276 = arith.constant 0 : i32
      %dma_wait3A_277 = tpu.memref_slice %arg4[%dma_wait3A_275, %dma_wait3A_276] : memref<32x1000xf32, #tpu.memory_space<vmem>> -> memref<1x1000xf32, #tpu.memory_space<vmem>>
      %dma_wait3A_278 = arith.constant 0 : i32
      %dma_wait3A_279 = arith.constant 0 : i32
      %dma_wait3A_280 = tpu.memref_slice %arg2[%dma_wait3A_278, %dma_wait3A_279] : memref<1x1000xf32, #tpu.memory_space<hbm>> -> memref<1x1000xf32, #tpu.memory_space<hbm>>
      tpu.wait_dma2 semaphore(%run_scoped3A : memref<!tpu.dma_semaphore, #tpu.memory_space<semaphore_mem>>) src(%dma_wait3A_280 : memref<1x1000xf32, #tpu.memory_space<hbm>>) dst(%dma_wait3A_277 : memref<1x1000xf32, #tpu.memory_space<vmem>>)
      tpu.yield
    }) : () -> ()
    "tpu.region"() ({
      %run_scoped3A = tpu.sem_alloc : memref<!tpu.dma_semaphore, #tpu.memory_space<semaphore_mem>>
      %dma_start3A_257 = arith.constant 15 : i32
      %dma_start3A_258 = arith.constant 0 : i32
      %dma_start3A_259 = tpu.memref_slice %arg4[%dma_start3A_257, %dma_start3A_258] : memref<32x1000xf32, #tpu.memory_space<vmem>> -> memref<1x1000xf32, #tpu.memory_space<vmem>>
      %dma_start3A_260 = arith.constant 0 : i32
      %dma_start3A_261 = arith.constant 0 : i32
      %dma_start3A_262 = tpu.memref_slice %arg2[%dma_start3A_260, %dma_start3A_261] : memref<1x1000xf32, #tpu.memory_space<hbm>> -> memref<1x1000xf32, #tpu.memory_space<hbm>>
      %dma_start3A_263 = arith.constant 15 : i32
      %dma_start3A_264 = arith.constant 0 : i32
      %dma_start3A_265 = tpu.memref_slice %arg4[%dma_start3A_263, %dma_start3A_264] : memref<32x1000xf32, #tpu.memory_space<vmem>> -> memref<1x1000xf32, #tpu.memory_space<vmem>>
      %dma_start3A_266 = arith.constant 0 : i32
      %dma_start3A_267 = arith.constant 0 : i32
      %dma_start3A_268 = tpu.memref_slice %arg2[%dma_start3A_266, %dma_start3A_267] : memref<1x1000xf32, #tpu.memory_space<hbm>> -> memref<1x1000xf32, #tpu.memory_space<hbm>>
      tpu.enqueue_dma source(%dma_start3A_268 : memref<1x1000xf32, #tpu.memory_space<hbm>>) target(%dma_start3A_265 : memref<1x1000xf32, #tpu.memory_space<vmem>>) target_semaphore(%run_scoped3A : memref<!tpu.dma_semaphore, #tpu.memory_space<semaphore_mem>>)
      %dma_wait3A_269 = arith.constant 15 : i32
      %dma_wait3A_270 = arith.constant 0 : i32
      %dma_wait3A_271 = tpu.memref_slice %arg4[%dma_wait3A_269, %dma_wait3A_270] : memref<32x1000xf32, #tpu.memory_space<vmem>> -> memref<1x1000xf32, #tpu.memory_space<vmem>>
      %dma_wait3A_272 = arith.constant 0 : i32
      %dma_wait3A_273 = arith.constant 0 : i32
      %dma_wait3A_274 = tpu.memref_slice %arg2[%dma_wait3A_272, %dma_wait3A_273] : memref<1x1000xf32, #tpu.memory_space<hbm>> -> memref<1x1000xf32, #tpu.memory_space<hbm>>
      %dma_wait3A_275 = arith.constant 15 : i32
      %dma_wait3A_276 = arith.constant 0 : i32
      %dma_wait3A_277 = tpu.memref_slice %arg4[%dma_wait3A_275, %dma_wait3A_276] : memref<32x1000xf32, #tpu.memory_space<vmem>> -> memref<1x1000xf32, #tpu.memory_space<vmem>>
      %dma_wait3A_278 = arith.constant 0 : i32
      %dma_wait3A_279 = arith.constant 0 : i32
      %dma_wait3A_280 = tpu.memref_slice %arg2[%dma_wait3A_278, %dma_wait3A_279] : memref<1x1000xf32, #tpu.memory_space<hbm>> -> memref<1x1000xf32, #tpu.memory_space<hbm>>
      tpu.wait_dma2 semaphore(%run_scoped3A : memref<!tpu.dma_semaphore, #tpu.memory_space<semaphore_mem>>) src(%dma_wait3A_280 : memref<1x1000xf32, #tpu.memory_space<hbm>>) dst(%dma_wait3A_277 : memref<1x1000xf32, #tpu.memory_space<vmem>>)
      tpu.yield
    }) : () -> ()
    "tpu.region"() ({
      %run_scoped3A = tpu.sem_alloc : memref<!tpu.dma_semaphore, #tpu.memory_space<semaphore_mem>>
      %dma_start3A_257 = arith.constant 16 : i32
      %dma_start3A_258 = arith.constant 0 : i32
      %dma_start3A_259 = tpu.memref_slice %arg4[%dma_start3A_257, %dma_start3A_258] : memref<32x1000xf32, #tpu.memory_space<vmem>> -> memref<1x1000xf32, #tpu.memory_space<vmem>>
      %dma_start3A_260 = arith.constant 0 : i32
      %dma_start3A_261 = arith.constant 0 : i32
      %dma_start3A_262 = tpu.memref_slice %arg2[%dma_start3A_260, %dma_start3A_261] : memref<1x1000xf32, #tpu.memory_space<hbm>> -> memref<1x1000xf32, #tpu.memory_space<hbm>>
      %dma_start3A_263 = arith.constant 16 : i32
      %dma_start3A_264 = arith.constant 0 : i32
      %dma_start3A_265 = tpu.memref_slice %arg4[%dma_start3A_263, %dma_start3A_264] : memref<32x1000xf32, #tpu.memory_space<vmem>> -> memref<1x1000xf32, #tpu.memory_space<vmem>>
      %dma_start3A_266 = arith.constant 0 : i32
      %dma_start3A_267 = arith.constant 0 : i32
      %dma_start3A_268 = tpu.memref_slice %arg2[%dma_start3A_266, %dma_start3A_267] : memref<1x1000xf32, #tpu.memory_space<hbm>> -> memref<1x1000xf32, #tpu.memory_space<hbm>>
      tpu.enqueue_dma source(%dma_start3A_268 : memref<1x1000xf32, #tpu.memory_space<hbm>>) target(%dma_start3A_265 : memref<1x1000xf32, #tpu.memory_space<vmem>>) target_semaphore(%run_scoped3A : memref<!tpu.dma_semaphore, #tpu.memory_space<semaphore_mem>>)
      %dma_wait3A_269 = arith.constant 16 : i32
      %dma_wait3A_270 = arith.constant 0 : i32
      %dma_wait3A_271 = tpu.memref_slice %arg4[%dma_wait3A_269, %dma_wait3A_270] : memref<32x1000xf32, #tpu.memory_space<vmem>> -> memref<1x1000xf32, #tpu.memory_space<vmem>>
      %dma_wait3A_272 = arith.constant 0 : i32
      %dma_wait3A_273 = arith.constant 0 : i32
      %dma_wait3A_274 = tpu.memref_slice %arg2[%dma_wait3A_272, %dma_wait3A_273] : memref<1x1000xf32, #tpu.memory_space<hbm>> -> memref<1x1000xf32, #tpu.memory_space<hbm>>
      %dma_wait3A_275 = arith.constant 16 : i32
      %dma_wait3A_276 = arith.constant 0 : i32
      %dma_wait3A_277 = tpu.memref_slice %arg4[%dma_wait3A_275, %dma_wait3A_276] : memref<32x1000xf32, #tpu.memory_space<vmem>> -> memref<1x1000xf32, #tpu.memory_space<vmem>>
      %dma_wait3A_278 = arith.constant 0 : i32
      %dma_wait3A_279 = arith.constant 0 : i32
      %dma_wait3A_280 = tpu.memref_slice %arg2[%dma_wait3A_278, %dma_wait3A_279] : memref<1x1000xf32, #tpu.memory_space<hbm>> -> memref<1x1000xf32, #tpu.memory_space<hbm>>
      tpu.wait_dma2 semaphore(%run_scoped3A : memref<!tpu.dma_semaphore, #tpu.memory_space<semaphore_mem>>) src(%dma_wait3A_280 : memref<1x1000xf32, #tpu.memory_space<hbm>>) dst(%dma_wait3A_277 : memref<1x1000xf32, #tpu.memory_space<vmem>>)
      tpu.yield
    }) : () -> ()
    "tpu.region"() ({
      %run_scoped3A = tpu.sem_alloc : memref<!tpu.dma_semaphore, #tpu.memory_space<semaphore_mem>>
      %dma_start3A_257 = arith.constant 17 : i32
      %dma_start3A_258 = arith.constant 0 : i32
      %dma_start3A_259 = tpu.memref_slice %arg4[%dma_start3A_257, %dma_start3A_258] : memref<32x1000xf32, #tpu.memory_space<vmem>> -> memref<1x1000xf32, #tpu.memory_space<vmem>>
      %dma_start3A_260 = arith.constant 0 : i32
      %dma_start3A_261 = arith.constant 0 : i32
      %dma_start3A_262 = tpu.memref_slice %arg2[%dma_start3A_260, %dma_start3A_261] : memref<1x1000xf32, #tpu.memory_space<hbm>> -> memref<1x1000xf32, #tpu.memory_space<hbm>>
      %dma_start3A_263 = arith.constant 17 : i32
      %dma_start3A_264 = arith.constant 0 : i32
      %dma_start3A_265 = tpu.memref_slice %arg4[%dma_start3A_263, %dma_start3A_264] : memref<32x1000xf32, #tpu.memory_space<vmem>> -> memref<1x1000xf32, #tpu.memory_space<vmem>>
      %dma_start3A_266 = arith.constant 0 : i32
      %dma_start3A_267 = arith.constant 0 : i32
      %dma_start3A_268 = tpu.memref_slice %arg2[%dma_start3A_266, %dma_start3A_267] : memref<1x1000xf32, #tpu.memory_space<hbm>> -> memref<1x1000xf32, #tpu.memory_space<hbm>>
      tpu.enqueue_dma source(%dma_start3A_268 : memref<1x1000xf32, #tpu.memory_space<hbm>>) target(%dma_start3A_265 : memref<1x1000xf32, #tpu.memory_space<vmem>>) target_semaphore(%run_scoped3A : memref<!tpu.dma_semaphore, #tpu.memory_space<semaphore_mem>>)
      %dma_wait3A_269 = arith.constant 17 : i32
      %dma_wait3A_270 = arith.constant 0 : i32
      %dma_wait3A_271 = tpu.memref_slice %arg4[%dma_wait3A_269, %dma_wait3A_270] : memref<32x1000xf32, #tpu.memory_space<vmem>> -> memref<1x1000xf32, #tpu.memory_space<vmem>>
      %dma_wait3A_272 = arith.constant 0 : i32
      %dma_wait3A_273 = arith.constant 0 : i32
      %dma_wait3A_274 = tpu.memref_slice %arg2[%dma_wait3A_272, %dma_wait3A_273] : memref<1x1000xf32, #tpu.memory_space<hbm>> -> memref<1x1000xf32, #tpu.memory_space<hbm>>
      %dma_wait3A_275 = arith.constant 17 : i32
      %dma_wait3A_276 = arith.constant 0 : i32
      %dma_wait3A_277 = tpu.memref_slice %arg4[%dma_wait3A_275, %dma_wait3A_276] : memref<32x1000xf32, #tpu.memory_space<vmem>> -> memref<1x1000xf32, #tpu.memory_space<vmem>>
      %dma_wait3A_278 = arith.constant 0 : i32
      %dma_wait3A_279 = arith.constant 0 : i32
      %dma_wait3A_280 = tpu.memref_slice %arg2[%dma_wait3A_278, %dma_wait3A_279] : memref<1x1000xf32, #tpu.memory_space<hbm>> -> memref<1x1000xf32, #tpu.memory_space<hbm>>
      tpu.wait_dma2 semaphore(%run_scoped3A : memref<!tpu.dma_semaphore, #tpu.memory_space<semaphore_mem>>) src(%dma_wait3A_280 : memref<1x1000xf32, #tpu.memory_space<hbm>>) dst(%dma_wait3A_277 : memref<1x1000xf32, #tpu.memory_space<vmem>>)
      tpu.yield
    }) : () -> ()
    "tpu.region"() ({
      %run_scoped3A = tpu.sem_alloc : memref<!tpu.dma_semaphore, #tpu.memory_space<semaphore_mem>>
      %dma_start3A_257 = arith.constant 18 : i32
      %dma_start3A_258 = arith.constant 0 : i32
      %dma_start3A_259 = tpu.memref_slice %arg4[%dma_start3A_257, %dma_start3A_258] : memref<32x1000xf32, #tpu.memory_space<vmem>> -> memref<1x1000xf32, #tpu.memory_space<vmem>>
      %dma_start3A_260 = arith.constant 0 : i32
      %dma_start3A_261 = arith.constant 0 : i32
      %dma_start3A_262 = tpu.memref_slice %arg2[%dma_start3A_260, %dma_start3A_261] : memref<1x1000xf32, #tpu.memory_space<hbm>> -> memref<1x1000xf32, #tpu.memory_space<hbm>>
      %dma_start3A_263 = arith.constant 18 : i32
      %dma_start3A_264 = arith.constant 0 : i32
      %dma_start3A_265 = tpu.memref_slice %arg4[%dma_start3A_263, %dma_start3A_264] : memref<32x1000xf32, #tpu.memory_space<vmem>> -> memref<1x1000xf32, #tpu.memory_space<vmem>>
      %dma_start3A_266 = arith.constant 0 : i32
      %dma_start3A_267 = arith.constant 0 : i32
      %dma_start3A_268 = tpu.memref_slice %arg2[%dma_start3A_266, %dma_start3A_267] : memref<1x1000xf32, #tpu.memory_space<hbm>> -> memref<1x1000xf32, #tpu.memory_space<hbm>>
      tpu.enqueue_dma source(%dma_start3A_268 : memref<1x1000xf32, #tpu.memory_space<hbm>>) target(%dma_start3A_265 : memref<1x1000xf32, #tpu.memory_space<vmem>>) target_semaphore(%run_scoped3A : memref<!tpu.dma_semaphore, #tpu.memory_space<semaphore_mem>>)
      %dma_wait3A_269 = arith.constant 18 : i32
      %dma_wait3A_270 = arith.constant 0 : i32
      %dma_wait3A_271 = tpu.memref_slice %arg4[%dma_wait3A_269, %dma_wait3A_270] : memref<32x1000xf32, #tpu.memory_space<vmem>> -> memref<1x1000xf32, #tpu.memory_space<vmem>>
      %dma_wait3A_272 = arith.constant 0 : i32
      %dma_wait3A_273 = arith.constant 0 : i32
      %dma_wait3A_274 = tpu.memref_slice %arg2[%dma_wait3A_272, %dma_wait3A_273] : memref<1x1000xf32, #tpu.memory_space<hbm>> -> memref<1x1000xf32, #tpu.memory_space<hbm>>
      %dma_wait3A_275 = arith.constant 18 : i32
      %dma_wait3A_276 = arith.constant 0 : i32
      %dma_wait3A_277 = tpu.memref_slice %arg4[%dma_wait3A_275, %dma_wait3A_276] : memref<32x1000xf32, #tpu.memory_space<vmem>> -> memref<1x1000xf32, #tpu.memory_space<vmem>>
      %dma_wait3A_278 = arith.constant 0 : i32
      %dma_wait3A_279 = arith.constant 0 : i32
      %dma_wait3A_280 = tpu.memref_slice %arg2[%dma_wait3A_278, %dma_wait3A_279] : memref<1x1000xf32, #tpu.memory_space<hbm>> -> memref<1x1000xf32, #tpu.memory_space<hbm>>
      tpu.wait_dma2 semaphore(%run_scoped3A : memref<!tpu.dma_semaphore, #tpu.memory_space<semaphore_mem>>) src(%dma_wait3A_280 : memref<1x1000xf32, #tpu.memory_space<hbm>>) dst(%dma_wait3A_277 : memref<1x1000xf32, #tpu.memory_space<vmem>>)
      tpu.yield
    }) : () -> ()
    "tpu.region"() ({
      %run_scoped3A = tpu.sem_alloc : memref<!tpu.dma_semaphore, #tpu.memory_space<semaphore_mem>>
      %dma_start3A_257 = arith.constant 19 : i32
      %dma_start3A_258 = arith.constant 0 : i32
      %dma_start3A_259 = tpu.memref_slice %arg4[%dma_start3A_257, %dma_start3A_258] : memref<32x1000xf32, #tpu.memory_space<vmem>> -> memref<1x1000xf32, #tpu.memory_space<vmem>>
      %dma_start3A_260 = arith.constant 0 : i32
      %dma_start3A_261 = arith.constant 0 : i32
      %dma_start3A_262 = tpu.memref_slice %arg2[%dma_start3A_260, %dma_start3A_261] : memref<1x1000xf32, #tpu.memory_space<hbm>> -> memref<1x1000xf32, #tpu.memory_space<hbm>>
      %dma_start3A_263 = arith.constant 19 : i32
      %dma_start3A_264 = arith.constant 0 : i32
      %dma_start3A_265 = tpu.memref_slice %arg4[%dma_start3A_263, %dma_start3A_264] : memref<32x1000xf32, #tpu.memory_space<vmem>> -> memref<1x1000xf32, #tpu.memory_space<vmem>>
      %dma_start3A_266 = arith.constant 0 : i32
      %dma_start3A_267 = arith.constant 0 : i32
      %dma_start3A_268 = tpu.memref_slice %arg2[%dma_start3A_266, %dma_start3A_267] : memref<1x1000xf32, #tpu.memory_space<hbm>> -> memref<1x1000xf32, #tpu.memory_space<hbm>>
      tpu.enqueue_dma source(%dma_start3A_268 : memref<1x1000xf32, #tpu.memory_space<hbm>>) target(%dma_start3A_265 : memref<1x1000xf32, #tpu.memory_space<vmem>>) target_semaphore(%run_scoped3A : memref<!tpu.dma_semaphore, #tpu.memory_space<semaphore_mem>>)
      %dma_wait3A_269 = arith.constant 19 : i32
      %dma_wait3A_270 = arith.constant 0 : i32
      %dma_wait3A_271 = tpu.memref_slice %arg4[%dma_wait3A_269, %dma_wait3A_270] : memref<32x1000xf32, #tpu.memory_space<vmem>> -> memref<1x1000xf32, #tpu.memory_space<vmem>>
      %dma_wait3A_272 = arith.constant 0 : i32
      %dma_wait3A_273 = arith.constant 0 : i32
      %dma_wait3A_274 = tpu.memref_slice %arg2[%dma_wait3A_272, %dma_wait3A_273] : memref<1x1000xf32, #tpu.memory_space<hbm>> -> memref<1x1000xf32, #tpu.memory_space<hbm>>
      %dma_wait3A_275 = arith.constant 19 : i32
      %dma_wait3A_276 = arith.constant 0 : i32
      %dma_wait3A_277 = tpu.memref_slice %arg4[%dma_wait3A_275, %dma_wait3A_276] : memref<32x1000xf32, #tpu.memory_space<vmem>> -> memref<1x1000xf32, #tpu.memory_space<vmem>>
      %dma_wait3A_278 = arith.constant 0 : i32
      %dma_wait3A_279 = arith.constant 0 : i32
      %dma_wait3A_280 = tpu.memref_slice %arg2[%dma_wait3A_278, %dma_wait3A_279] : memref<1x1000xf32, #tpu.memory_space<hbm>> -> memref<1x1000xf32, #tpu.memory_space<hbm>>
      tpu.wait_dma2 semaphore(%run_scoped3A : memref<!tpu.dma_semaphore, #tpu.memory_space<semaphore_mem>>) src(%dma_wait3A_280 : memref<1x1000xf32, #tpu.memory_space<hbm>>) dst(%dma_wait3A_277 : memref<1x1000xf32, #tpu.memory_space<vmem>>)
      tpu.yield
    }) : () -> ()
    "tpu.region"() ({
      %run_scoped3A = tpu.sem_alloc : memref<!tpu.dma_semaphore, #tpu.memory_space<semaphore_mem>>
      %dma_start3A_257 = arith.constant 20 : i32
      %dma_start3A_258 = arith.constant 0 : i32
      %dma_start3A_259 = tpu.memref_slice %arg4[%dma_start3A_257, %dma_start3A_258] : memref<32x1000xf32, #tpu.memory_space<vmem>> -> memref<1x1000xf32, #tpu.memory_space<vmem>>
      %dma_start3A_260 = arith.constant 0 : i32
      %dma_start3A_261 = arith.constant 0 : i32
      %dma_start3A_262 = tpu.memref_slice %arg2[%dma_start3A_260, %dma_start3A_261] : memref<1x1000xf32, #tpu.memory_space<hbm>> -> memref<1x1000xf32, #tpu.memory_space<hbm>>
      %dma_start3A_263 = arith.constant 20 : i32
      %dma_start3A_264 = arith.constant 0 : i32
      %dma_start3A_265 = tpu.memref_slice %arg4[%dma_start3A_263, %dma_start3A_264] : memref<32x1000xf32, #tpu.memory_space<vmem>> -> memref<1x1000xf32, #tpu.memory_space<vmem>>
      %dma_start3A_266 = arith.constant 0 : i32
      %dma_start3A_267 = arith.constant 0 : i32
      %dma_start3A_268 = tpu.memref_slice %arg2[%dma_start3A_266, %dma_start3A_267] : memref<1x1000xf32, #tpu.memory_space<hbm>> -> memref<1x1000xf32, #tpu.memory_space<hbm>>
      tpu.enqueue_dma source(%dma_start3A_268 : memref<1x1000xf32, #tpu.memory_space<hbm>>) target(%dma_start3A_265 : memref<1x1000xf32, #tpu.memory_space<vmem>>) target_semaphore(%run_scoped3A : memref<!tpu.dma_semaphore, #tpu.memory_space<semaphore_mem>>)
      %dma_wait3A_269 = arith.constant 20 : i32
      %dma_wait3A_270 = arith.constant 0 : i32
      %dma_wait3A_271 = tpu.memref_slice %arg4[%dma_wait3A_269, %dma_wait3A_270] : memref<32x1000xf32, #tpu.memory_space<vmem>> -> memref<1x1000xf32, #tpu.memory_space<vmem>>
      %dma_wait3A_272 = arith.constant 0 : i32
      %dma_wait3A_273 = arith.constant 0 : i32
      %dma_wait3A_274 = tpu.memref_slice %arg2[%dma_wait3A_272, %dma_wait3A_273] : memref<1x1000xf32, #tpu.memory_space<hbm>> -> memref<1x1000xf32, #tpu.memory_space<hbm>>
      %dma_wait3A_275 = arith.constant 20 : i32
      %dma_wait3A_276 = arith.constant 0 : i32
      %dma_wait3A_277 = tpu.memref_slice %arg4[%dma_wait3A_275, %dma_wait3A_276] : memref<32x1000xf32, #tpu.memory_space<vmem>> -> memref<1x1000xf32, #tpu.memory_space<vmem>>
      %dma_wait3A_278 = arith.constant 0 : i32
      %dma_wait3A_279 = arith.constant 0 : i32
      %dma_wait3A_280 = tpu.memref_slice %arg2[%dma_wait3A_278, %dma_wait3A_279] : memref<1x1000xf32, #tpu.memory_space<hbm>> -> memref<1x1000xf32, #tpu.memory_space<hbm>>
      tpu.wait_dma2 semaphore(%run_scoped3A : memref<!tpu.dma_semaphore, #tpu.memory_space<semaphore_mem>>) src(%dma_wait3A_280 : memref<1x1000xf32, #tpu.memory_space<hbm>>) dst(%dma_wait3A_277 : memref<1x1000xf32, #tpu.memory_space<vmem>>)
      tpu.yield
    }) : () -> ()
    "tpu.region"() ({
      %run_scoped3A = tpu.sem_alloc : memref<!tpu.dma_semaphore, #tpu.memory_space<semaphore_mem>>
      %dma_start3A_257 = arith.constant 21 : i32
      %dma_start3A_258 = arith.constant 0 : i32
      %dma_start3A_259 = tpu.memref_slice %arg4[%dma_start3A_257, %dma_start3A_258] : memref<32x1000xf32, #tpu.memory_space<vmem>> -> memref<1x1000xf32, #tpu.memory_space<vmem>>
      %dma_start3A_260 = arith.constant 0 : i32
      %dma_start3A_261 = arith.constant 0 : i32
      %dma_start3A_262 = tpu.memref_slice %arg2[%dma_start3A_260, %dma_start3A_261] : memref<1x1000xf32, #tpu.memory_space<hbm>> -> memref<1x1000xf32, #tpu.memory_space<hbm>>
      %dma_start3A_263 = arith.constant 21 : i32
      %dma_start3A_264 = arith.constant 0 : i32
      %dma_start3A_265 = tpu.memref_slice %arg4[%dma_start3A_263, %dma_start3A_264] : memref<32x1000xf32, #tpu.memory_space<vmem>> -> memref<1x1000xf32, #tpu.memory_space<vmem>>
      %dma_start3A_266 = arith.constant 0 : i32
      %dma_start3A_267 = arith.constant 0 : i32
      %dma_start3A_268 = tpu.memref_slice %arg2[%dma_start3A_266, %dma_start3A_267] : memref<1x1000xf32, #tpu.memory_space<hbm>> -> memref<1x1000xf32, #tpu.memory_space<hbm>>
      tpu.enqueue_dma source(%dma_start3A_268 : memref<1x1000xf32, #tpu.memory_space<hbm>>) target(%dma_start3A_265 : memref<1x1000xf32, #tpu.memory_space<vmem>>) target_semaphore(%run_scoped3A : memref<!tpu.dma_semaphore, #tpu.memory_space<semaphore_mem>>)
      %dma_wait3A_269 = arith.constant 21 : i32
      %dma_wait3A_270 = arith.constant 0 : i32
      %dma_wait3A_271 = tpu.memref_slice %arg4[%dma_wait3A_269, %dma_wait3A_270] : memref<32x1000xf32, #tpu.memory_space<vmem>> -> memref<1x1000xf32, #tpu.memory_space<vmem>>
      %dma_wait3A_272 = arith.constant 0 : i32
      %dma_wait3A_273 = arith.constant 0 : i32
      %dma_wait3A_274 = tpu.memref_slice %arg2[%dma_wait3A_272, %dma_wait3A_273] : memref<1x1000xf32, #tpu.memory_space<hbm>> -> memref<1x1000xf32, #tpu.memory_space<hbm>>
      %dma_wait3A_275 = arith.constant 21 : i32
      %dma_wait3A_276 = arith.constant 0 : i32
      %dma_wait3A_277 = tpu.memref_slice %arg4[%dma_wait3A_275, %dma_wait3A_276] : memref<32x1000xf32, #tpu.memory_space<vmem>> -> memref<1x1000xf32, #tpu.memory_space<vmem>>
      %dma_wait3A_278 = arith.constant 0 : i32
      %dma_wait3A_279 = arith.constant 0 : i32
      %dma_wait3A_280 = tpu.memref_slice %arg2[%dma_wait3A_278, %dma_wait3A_279] : memref<1x1000xf32, #tpu.memory_space<hbm>> -> memref<1x1000xf32, #tpu.memory_space<hbm>>
      tpu.wait_dma2 semaphore(%run_scoped3A : memref<!tpu.dma_semaphore, #tpu.memory_space<semaphore_mem>>) src(%dma_wait3A_280 : memref<1x1000xf32, #tpu.memory_space<hbm>>) dst(%dma_wait3A_277 : memref<1x1000xf32, #tpu.memory_space<vmem>>)
      tpu.yield
    }) : () -> ()
    "tpu.region"() ({
      %run_scoped3A = tpu.sem_alloc : memref<!tpu.dma_semaphore, #tpu.memory_space<semaphore_mem>>
      %dma_start3A_257 = arith.constant 22 : i32
      %dma_start3A_258 = arith.constant 0 : i32
      %dma_start3A_259 = tpu.memref_slice %arg4[%dma_start3A_257, %dma_start3A_258] : memref<32x1000xf32, #tpu.memory_space<vmem>> -> memref<1x1000xf32, #tpu.memory_space<vmem>>
      %dma_start3A_260 = arith.constant 0 : i32
      %dma_start3A_261 = arith.constant 0 : i32
      %dma_start3A_262 = tpu.memref_slice %arg2[%dma_start3A_260, %dma_start3A_261] : memref<1x1000xf32, #tpu.memory_space<hbm>> -> memref<1x1000xf32, #tpu.memory_space<hbm>>
      %dma_start3A_263 = arith.constant 22 : i32
      %dma_start3A_264 = arith.constant 0 : i32
      %dma_start3A_265 = tpu.memref_slice %arg4[%dma_start3A_263, %dma_start3A_264] : memref<32x1000xf32, #tpu.memory_space<vmem>> -> memref<1x1000xf32, #tpu.memory_space<vmem>>
      %dma_start3A_266 = arith.constant 0 : i32
      %dma_start3A_267 = arith.constant 0 : i32
      %dma_start3A_268 = tpu.memref_slice %arg2[%dma_start3A_266, %dma_start3A_267] : memref<1x1000xf32, #tpu.memory_space<hbm>> -> memref<1x1000xf32, #tpu.memory_space<hbm>>
      tpu.enqueue_dma source(%dma_start3A_268 : memref<1x1000xf32, #tpu.memory_space<hbm>>) target(%dma_start3A_265 : memref<1x1000xf32, #tpu.memory_space<vmem>>) target_semaphore(%run_scoped3A : memref<!tpu.dma_semaphore, #tpu.memory_space<semaphore_mem>>)
      %dma_wait3A_269 = arith.constant 22 : i32
      %dma_wait3A_270 = arith.constant 0 : i32
      %dma_wait3A_271 = tpu.memref_slice %arg4[%dma_wait3A_269, %dma_wait3A_270] : memref<32x1000xf32, #tpu.memory_space<vmem>> -> memref<1x1000xf32, #tpu.memory_space<vmem>>
      %dma_wait3A_272 = arith.constant 0 : i32
      %dma_wait3A_273 = arith.constant 0 : i32
      %dma_wait3A_274 = tpu.memref_slice %arg2[%dma_wait3A_272, %dma_wait3A_273] : memref<1x1000xf32, #tpu.memory_space<hbm>> -> memref<1x1000xf32, #tpu.memory_space<hbm>>
      %dma_wait3A_275 = arith.constant 22 : i32
      %dma_wait3A_276 = arith.constant 0 : i32
      %dma_wait3A_277 = tpu.memref_slice %arg4[%dma_wait3A_275, %dma_wait3A_276] : memref<32x1000xf32, #tpu.memory_space<vmem>> -> memref<1x1000xf32, #tpu.memory_space<vmem>>
      %dma_wait3A_278 = arith.constant 0 : i32
      %dma_wait3A_279 = arith.constant 0 : i32
      %dma_wait3A_280 = tpu.memref_slice %arg2[%dma_wait3A_278, %dma_wait3A_279] : memref<1x1000xf32, #tpu.memory_space<hbm>> -> memref<1x1000xf32, #tpu.memory_space<hbm>>
      tpu.wait_dma2 semaphore(%run_scoped3A : memref<!tpu.dma_semaphore, #tpu.memory_space<semaphore_mem>>) src(%dma_wait3A_280 : memref<1x1000xf32, #tpu.memory_space<hbm>>) dst(%dma_wait3A_277 : memref<1x1000xf32, #tpu.memory_space<vmem>>)
      tpu.yield
    }) : () -> ()
    "tpu.region"() ({
      %run_scoped3A = tpu.sem_alloc : memref<!tpu.dma_semaphore, #tpu.memory_space<semaphore_mem>>
      %dma_start3A_257 = arith.constant 23 : i32
      %dma_start3A_258 = arith.constant 0 : i32
      %dma_start3A_259 = tpu.memref_slice %arg4[%dma_start3A_257, %dma_start3A_258] : memref<32x1000xf32, #tpu.memory_space<vmem>> -> memref<1x1000xf32, #tpu.memory_space<vmem>>
      %dma_start3A_260 = arith.constant 0 : i32
      %dma_start3A_261 = arith.constant 0 : i32
      %dma_start3A_262 = tpu.memref_slice %arg2[%dma_start3A_260, %dma_start3A_261] : memref<1x1000xf32, #tpu.memory_space<hbm>> -> memref<1x1000xf32, #tpu.memory_space<hbm>>
      %dma_start3A_263 = arith.constant 23 : i32
      %dma_start3A_264 = arith.constant 0 : i32
      %dma_start3A_265 = tpu.memref_slice %arg4[%dma_start3A_263, %dma_start3A_264] : memref<32x1000xf32, #tpu.memory_space<vmem>> -> memref<1x1000xf32, #tpu.memory_space<vmem>>
      %dma_start3A_266 = arith.constant 0 : i32
      %dma_start3A_267 = arith.constant 0 : i32
      %dma_start3A_268 = tpu.memref_slice %arg2[%dma_start3A_266, %dma_start3A_267] : memref<1x1000xf32, #tpu.memory_space<hbm>> -> memref<1x1000xf32, #tpu.memory_space<hbm>>
      tpu.enqueue_dma source(%dma_start3A_268 : memref<1x1000xf32, #tpu.memory_space<hbm>>) target(%dma_start3A_265 : memref<1x1000xf32, #tpu.memory_space<vmem>>) target_semaphore(%run_scoped3A : memref<!tpu.dma_semaphore, #tpu.memory_space<semaphore_mem>>)
      %dma_wait3A_269 = arith.constant 23 : i32
      %dma_wait3A_270 = arith.constant 0 : i32
      %dma_wait3A_271 = tpu.memref_slice %arg4[%dma_wait3A_269, %dma_wait3A_270] : memref<32x1000xf32, #tpu.memory_space<vmem>> -> memref<1x1000xf32, #tpu.memory_space<vmem>>
      %dma_wait3A_272 = arith.constant 0 : i32
      %dma_wait3A_273 = arith.constant 0 : i32
      %dma_wait3A_274 = tpu.memref_slice %arg2[%dma_wait3A_272, %dma_wait3A_273] : memref<1x1000xf32, #tpu.memory_space<hbm>> -> memref<1x1000xf32, #tpu.memory_space<hbm>>
      %dma_wait3A_275 = arith.constant 23 : i32
      %dma_wait3A_276 = arith.constant 0 : i32
      %dma_wait3A_277 = tpu.memref_slice %arg4[%dma_wait3A_275, %dma_wait3A_276] : memref<32x1000xf32, #tpu.memory_space<vmem>> -> memref<1x1000xf32, #tpu.memory_space<vmem>>
      %dma_wait3A_278 = arith.constant 0 : i32
      %dma_wait3A_279 = arith.constant 0 : i32
      %dma_wait3A_280 = tpu.memref_slice %arg2[%dma_wait3A_278, %dma_wait3A_279] : memref<1x1000xf32, #tpu.memory_space<hbm>> -> memref<1x1000xf32, #tpu.memory_space<hbm>>
      tpu.wait_dma2 semaphore(%run_scoped3A : memref<!tpu.dma_semaphore, #tpu.memory_space<semaphore_mem>>) src(%dma_wait3A_280 : memref<1x1000xf32, #tpu.memory_space<hbm>>) dst(%dma_wait3A_277 : memref<1x1000xf32, #tpu.memory_space<vmem>>)
      tpu.yield
    }) : () -> ()
    "tpu.region"() ({
      %run_scoped3A = tpu.sem_alloc : memref<!tpu.dma_semaphore, #tpu.memory_space<semaphore_mem>>
      %dma_start3A_257 = arith.constant 24 : i32
      %dma_start3A_258 = arith.constant 0 : i32
      %dma_start3A_259 = tpu.memref_slice %arg4[%dma_start3A_257, %dma_start3A_258] : memref<32x1000xf32, #tpu.memory_space<vmem>> -> memref<1x1000xf32, #tpu.memory_space<vmem>>
      %dma_start3A_260 = arith.constant 0 : i32
      %dma_start3A_261 = arith.constant 0 : i32
      %dma_start3A_262 = tpu.memref_slice %arg2[%dma_start3A_260, %dma_start3A_261] : memref<1x1000xf32, #tpu.memory_space<hbm>> -> memref<1x1000xf32, #tpu.memory_space<hbm>>
      %dma_start3A_263 = arith.constant 24 : i32
      %dma_start3A_264 = arith.constant 0 : i32
      %dma_start3A_265 = tpu.memref_slice %arg4[%dma_start3A_263, %dma_start3A_264] : memref<32x1000xf32, #tpu.memory_space<vmem>> -> memref<1x1000xf32, #tpu.memory_space<vmem>>
      %dma_start3A_266 = arith.constant 0 : i32
      %dma_start3A_267 = arith.constant 0 : i32
      %dma_start3A_268 = tpu.memref_slice %arg2[%dma_start3A_266, %dma_start3A_267] : memref<1x1000xf32, #tpu.memory_space<hbm>> -> memref<1x1000xf32, #tpu.memory_space<hbm>>
      tpu.enqueue_dma source(%dma_start3A_268 : memref<1x1000xf32, #tpu.memory_space<hbm>>) target(%dma_start3A_265 : memref<1x1000xf32, #tpu.memory_space<vmem>>) target_semaphore(%run_scoped3A : memref<!tpu.dma_semaphore, #tpu.memory_space<semaphore_mem>>)
      %dma_wait3A_269 = arith.constant 24 : i32
      %dma_wait3A_270 = arith.constant 0 : i32
      %dma_wait3A_271 = tpu.memref_slice %arg4[%dma_wait3A_269, %dma_wait3A_270] : memref<32x1000xf32, #tpu.memory_space<vmem>> -> memref<1x1000xf32, #tpu.memory_space<vmem>>
      %dma_wait3A_272 = arith.constant 0 : i32
      %dma_wait3A_273 = arith.constant 0 : i32
      %dma_wait3A_274 = tpu.memref_slice %arg2[%dma_wait3A_272, %dma_wait3A_273] : memref<1x1000xf32, #tpu.memory_space<hbm>> -> memref<1x1000xf32, #tpu.memory_space<hbm>>
      %dma_wait3A_275 = arith.constant 24 : i32
      %dma_wait3A_276 = arith.constant 0 : i32
      %dma_wait3A_277 = tpu.memref_slice %arg4[%dma_wait3A_275, %dma_wait3A_276] : memref<32x1000xf32, #tpu.memory_space<vmem>> -> memref<1x1000xf32, #tpu.memory_space<vmem>>
      %dma_wait3A_278 = arith.constant 0 : i32
      %dma_wait3A_279 = arith.constant 0 : i32
      %dma_wait3A_280 = tpu.memref_slice %arg2[%dma_wait3A_278, %dma_wait3A_279] : memref<1x1000xf32, #tpu.memory_space<hbm>> -> memref<1x1000xf32, #tpu.memory_space<hbm>>
      tpu.wait_dma2 semaphore(%run_scoped3A : memref<!tpu.dma_semaphore, #tpu.memory_space<semaphore_mem>>) src(%dma_wait3A_280 : memref<1x1000xf32, #tpu.memory_space<hbm>>) dst(%dma_wait3A_277 : memref<1x1000xf32, #tpu.memory_space<vmem>>)
      tpu.yield
    }) : () -> ()
    "tpu.region"() ({
      %run_scoped3A = tpu.sem_alloc : memref<!tpu.dma_semaphore, #tpu.memory_space<semaphore_mem>>
      %dma_start3A_257 = arith.constant 25 : i32
      %dma_start3A_258 = arith.constant 0 : i32
      %dma_start3A_259 = tpu.memref_slice %arg4[%dma_start3A_257, %dma_start3A_258] : memref<32x1000xf32, #tpu.memory_space<vmem>> -> memref<1x1000xf32, #tpu.memory_space<vmem>>
      %dma_start3A_260 = arith.constant 0 : i32
      %dma_start3A_261 = arith.constant 0 : i32
      %dma_start3A_262 = tpu.memref_slice %arg2[%dma_start3A_260, %dma_start3A_261] : memref<1x1000xf32, #tpu.memory_space<hbm>> -> memref<1x1000xf32, #tpu.memory_space<hbm>>
      %dma_start3A_263 = arith.constant 25 : i32
      %dma_start3A_264 = arith.constant 0 : i32
      %dma_start3A_265 = tpu.memref_slice %arg4[%dma_start3A_263, %dma_start3A_264] : memref<32x1000xf32, #tpu.memory_space<vmem>> -> memref<1x1000xf32, #tpu.memory_space<vmem>>
      %dma_start3A_266 = arith.constant 0 : i32
      %dma_start3A_267 = arith.constant 0 : i32
      %dma_start3A_268 = tpu.memref_slice %arg2[%dma_start3A_266, %dma_start3A_267] : memref<1x1000xf32, #tpu.memory_space<hbm>> -> memref<1x1000xf32, #tpu.memory_space<hbm>>
      tpu.enqueue_dma source(%dma_start3A_268 : memref<1x1000xf32, #tpu.memory_space<hbm>>) target(%dma_start3A_265 : memref<1x1000xf32, #tpu.memory_space<vmem>>) target_semaphore(%run_scoped3A : memref<!tpu.dma_semaphore, #tpu.memory_space<semaphore_mem>>)
      %dma_wait3A_269 = arith.constant 25 : i32
      %dma_wait3A_270 = arith.constant 0 : i32
      %dma_wait3A_271 = tpu.memref_slice %arg4[%dma_wait3A_269, %dma_wait3A_270] : memref<32x1000xf32, #tpu.memory_space<vmem>> -> memref<1x1000xf32, #tpu.memory_space<vmem>>
      %dma_wait3A_272 = arith.constant 0 : i32
      %dma_wait3A_273 = arith.constant 0 : i32
      %dma_wait3A_274 = tpu.memref_slice %arg2[%dma_wait3A_272, %dma_wait3A_273] : memref<1x1000xf32, #tpu.memory_space<hbm>> -> memref<1x1000xf32, #tpu.memory_space<hbm>>
      %dma_wait3A_275 = arith.constant 25 : i32
      %dma_wait3A_276 = arith.constant 0 : i32
      %dma_wait3A_277 = tpu.memref_slice %arg4[%dma_wait3A_275, %dma_wait3A_276] : memref<32x1000xf32, #tpu.memory_space<vmem>> -> memref<1x1000xf32, #tpu.memory_space<vmem>>
      %dma_wait3A_278 = arith.constant 0 : i32
      %dma_wait3A_279 = arith.constant 0 : i32
      %dma_wait3A_280 = tpu.memref_slice %arg2[%dma_wait3A_278, %dma_wait3A_279] : memref<1x1000xf32, #tpu.memory_space<hbm>> -> memref<1x1000xf32, #tpu.memory_space<hbm>>
      tpu.wait_dma2 semaphore(%run_scoped3A : memref<!tpu.dma_semaphore, #tpu.memory_space<semaphore_mem>>) src(%dma_wait3A_280 : memref<1x1000xf32, #tpu.memory_space<hbm>>) dst(%dma_wait3A_277 : memref<1x1000xf32, #tpu.memory_space<vmem>>)
      tpu.yield
    }) : () -> ()
    "tpu.region"() ({
      %run_scoped3A = tpu.sem_alloc : memref<!tpu.dma_semaphore, #tpu.memory_space<semaphore_mem>>
      %dma_start3A_257 = arith.constant 26 : i32
      %dma_start3A_258 = arith.constant 0 : i32
      %dma_start3A_259 = tpu.memref_slice %arg4[%dma_start3A_257, %dma_start3A_258] : memref<32x1000xf32, #tpu.memory_space<vmem>> -> memref<1x1000xf32, #tpu.memory_space<vmem>>
      %dma_start3A_260 = arith.constant 0 : i32
      %dma_start3A_261 = arith.constant 0 : i32
      %dma_start3A_262 = tpu.memref_slice %arg2[%dma_start3A_260, %dma_start3A_261] : memref<1x1000xf32, #tpu.memory_space<hbm>> -> memref<1x1000xf32, #tpu.memory_space<hbm>>
      %dma_start3A_263 = arith.constant 26 : i32
      %dma_start3A_264 = arith.constant 0 : i32
      %dma_start3A_265 = tpu.memref_slice %arg4[%dma_start3A_263, %dma_start3A_264] : memref<32x1000xf32, #tpu.memory_space<vmem>> -> memref<1x1000xf32, #tpu.memory_space<vmem>>
      %dma_start3A_266 = arith.constant 0 : i32
      %dma_start3A_267 = arith.constant 0 : i32
      %dma_start3A_268 = tpu.memref_slice %arg2[%dma_start3A_266, %dma_start3A_267] : memref<1x1000xf32, #tpu.memory_space<hbm>> -> memref<1x1000xf32, #tpu.memory_space<hbm>>
      tpu.enqueue_dma source(%dma_start3A_268 : memref<1x1000xf32, #tpu.memory_space<hbm>>) target(%dma_start3A_265 : memref<1x1000xf32, #tpu.memory_space<vmem>>) target_semaphore(%run_scoped3A : memref<!tpu.dma_semaphore, #tpu.memory_space<semaphore_mem>>)
      %dma_wait3A_269 = arith.constant 26 : i32
      %dma_wait3A_270 = arith.constant 0 : i32
      %dma_wait3A_271 = tpu.memref_slice %arg4[%dma_wait3A_269, %dma_wait3A_270] : memref<32x1000xf32, #tpu.memory_space<vmem>> -> memref<1x1000xf32, #tpu.memory_space<vmem>>
      %dma_wait3A_272 = arith.constant 0 : i32
      %dma_wait3A_273 = arith.constant 0 : i32
      %dma_wait3A_274 = tpu.memref_slice %arg2[%dma_wait3A_272, %dma_wait3A_273] : memref<1x1000xf32, #tpu.memory_space<hbm>> -> memref<1x1000xf32, #tpu.memory_space<hbm>>
      %dma_wait3A_275 = arith.constant 26 : i32
      %dma_wait3A_276 = arith.constant 0 : i32
      %dma_wait3A_277 = tpu.memref_slice %arg4[%dma_wait3A_275, %dma_wait3A_276] : memref<32x1000xf32, #tpu.memory_space<vmem>> -> memref<1x1000xf32, #tpu.memory_space<vmem>>
      %dma_wait3A_278 = arith.constant 0 : i32
      %dma_wait3A_279 = arith.constant 0 : i32
      %dma_wait3A_280 = tpu.memref_slice %arg2[%dma_wait3A_278, %dma_wait3A_279] : memref<1x1000xf32, #tpu.memory_space<hbm>> -> memref<1x1000xf32, #tpu.memory_space<hbm>>
      tpu.wait_dma2 semaphore(%run_scoped3A : memref<!tpu.dma_semaphore, #tpu.memory_space<semaphore_mem>>) src(%dma_wait3A_280 : memref<1x1000xf32, #tpu.memory_space<hbm>>) dst(%dma_wait3A_277 : memref<1x1000xf32, #tpu.memory_space<vmem>>)
      tpu.yield
    }) : () -> ()
    "tpu.region"() ({
      %run_scoped3A = tpu.sem_alloc : memref<!tpu.dma_semaphore, #tpu.memory_space<semaphore_mem>>
      %dma_start3A_257 = arith.constant 27 : i32
      %dma_start3A_258 = arith.constant 0 : i32
      %dma_start3A_259 = tpu.memref_slice %arg4[%dma_start3A_257, %dma_start3A_258] : memref<32x1000xf32, #tpu.memory_space<vmem>> -> memref<1x1000xf32, #tpu.memory_space<vmem>>
      %dma_start3A_260 = arith.constant 0 : i32
      %dma_start3A_261 = arith.constant 0 : i32
      %dma_start3A_262 = tpu.memref_slice %arg2[%dma_start3A_260, %dma_start3A_261] : memref<1x1000xf32, #tpu.memory_space<hbm>> -> memref<1x1000xf32, #tpu.memory_space<hbm>>
      %dma_start3A_263 = arith.constant 27 : i32
      %dma_start3A_264 = arith.constant 0 : i32
      %dma_start3A_265 = tpu.memref_slice %arg4[%dma_start3A_263, %dma_start3A_264] : memref<32x1000xf32, #tpu.memory_space<vmem>> -> memref<1x1000xf32, #tpu.memory_space<vmem>>
      %dma_start3A_266 = arith.constant 0 : i32
      %dma_start3A_267 = arith.constant 0 : i32
      %dma_start3A_268 = tpu.memref_slice %arg2[%dma_start3A_266, %dma_start3A_267] : memref<1x1000xf32, #tpu.memory_space<hbm>> -> memref<1x1000xf32, #tpu.memory_space<hbm>>
      tpu.enqueue_dma source(%dma_start3A_268 : memref<1x1000xf32, #tpu.memory_space<hbm>>) target(%dma_start3A_265 : memref<1x1000xf32, #tpu.memory_space<vmem>>) target_semaphore(%run_scoped3A : memref<!tpu.dma_semaphore, #tpu.memory_space<semaphore_mem>>)
      %dma_wait3A_269 = arith.constant 27 : i32
      %dma_wait3A_270 = arith.constant 0 : i32
      %dma_wait3A_271 = tpu.memref_slice %arg4[%dma_wait3A_269, %dma_wait3A_270] : memref<32x1000xf32, #tpu.memory_space<vmem>> -> memref<1x1000xf32, #tpu.memory_space<vmem>>
      %dma_wait3A_272 = arith.constant 0 : i32
      %dma_wait3A_273 = arith.constant 0 : i32
      %dma_wait3A_274 = tpu.memref_slice %arg2[%dma_wait3A_272, %dma_wait3A_273] : memref<1x1000xf32, #tpu.memory_space<hbm>> -> memref<1x1000xf32, #tpu.memory_space<hbm>>
      %dma_wait3A_275 = arith.constant 27 : i32
      %dma_wait3A_276 = arith.constant 0 : i32
      %dma_wait3A_277 = tpu.memref_slice %arg4[%dma_wait3A_275, %dma_wait3A_276] : memref<32x1000xf32, #tpu.memory_space<vmem>> -> memref<1x1000xf32, #tpu.memory_space<vmem>>
      %dma_wait3A_278 = arith.constant 0 : i32
      %dma_wait3A_279 = arith.constant 0 : i32
      %dma_wait3A_280 = tpu.memref_slice %arg2[%dma_wait3A_278, %dma_wait3A_279] : memref<1x1000xf32, #tpu.memory_space<hbm>> -> memref<1x1000xf32, #tpu.memory_space<hbm>>
      tpu.wait_dma2 semaphore(%run_scoped3A : memref<!tpu.dma_semaphore, #tpu.memory_space<semaphore_mem>>) src(%dma_wait3A_280 : memref<1x1000xf32, #tpu.memory_space<hbm>>) dst(%dma_wait3A_277 : memref<1x1000xf32, #tpu.memory_space<vmem>>)
      tpu.yield
    }) : () -> ()
    "tpu.region"() ({
      %run_scoped3A = tpu.sem_alloc : memref<!tpu.dma_semaphore, #tpu.memory_space<semaphore_mem>>
      %dma_start3A_257 = arith.constant 28 : i32
      %dma_start3A_258 = arith.constant 0 : i32
      %dma_start3A_259 = tpu.memref_slice %arg4[%dma_start3A_257, %dma_start3A_258] : memref<32x1000xf32, #tpu.memory_space<vmem>> -> memref<1x1000xf32, #tpu.memory_space<vmem>>
      %dma_start3A_260 = arith.constant 0 : i32
      %dma_start3A_261 = arith.constant 0 : i32
      %dma_start3A_262 = tpu.memref_slice %arg2[%dma_start3A_260, %dma_start3A_261] : memref<1x1000xf32, #tpu.memory_space<hbm>> -> memref<1x1000xf32, #tpu.memory_space<hbm>>
      %dma_start3A_263 = arith.constant 28 : i32
      %dma_start3A_264 = arith.constant 0 : i32
      %dma_start3A_265 = tpu.memref_slice %arg4[%dma_start3A_263, %dma_start3A_264] : memref<32x1000xf32, #tpu.memory_space<vmem>> -> memref<1x1000xf32, #tpu.memory_space<vmem>>
      %dma_start3A_266 = arith.constant 0 : i32
      %dma_start3A_267 = arith.constant 0 : i32
      %dma_start3A_268 = tpu.memref_slice %arg2[%dma_start3A_266, %dma_start3A_267] : memref<1x1000xf32, #tpu.memory_space<hbm>> -> memref<1x1000xf32, #tpu.memory_space<hbm>>
      tpu.enqueue_dma source(%dma_start3A_268 : memref<1x1000xf32, #tpu.memory_space<hbm>>) target(%dma_start3A_265 : memref<1x1000xf32, #tpu.memory_space<vmem>>) target_semaphore(%run_scoped3A : memref<!tpu.dma_semaphore, #tpu.memory_space<semaphore_mem>>)
      %dma_wait3A_269 = arith.constant 28 : i32
      %dma_wait3A_270 = arith.constant 0 : i32
      %dma_wait3A_271 = tpu.memref_slice %arg4[%dma_wait3A_269, %dma_wait3A_270] : memref<32x1000xf32, #tpu.memory_space<vmem>> -> memref<1x1000xf32, #tpu.memory_space<vmem>>
      %dma_wait3A_272 = arith.constant 0 : i32
      %dma_wait3A_273 = arith.constant 0 : i32
      %dma_wait3A_274 = tpu.memref_slice %arg2[%dma_wait3A_272, %dma_wait3A_273] : memref<1x1000xf32, #tpu.memory_space<hbm>> -> memref<1x1000xf32, #tpu.memory_space<hbm>>
      %dma_wait3A_275 = arith.constant 28 : i32
      %dma_wait3A_276 = arith.constant 0 : i32
      %dma_wait3A_277 = tpu.memref_slice %arg4[%dma_wait3A_275, %dma_wait3A_276] : memref<32x1000xf32, #tpu.memory_space<vmem>> -> memref<1x1000xf32, #tpu.memory_space<vmem>>
      %dma_wait3A_278 = arith.constant 0 : i32
      %dma_wait3A_279 = arith.constant 0 : i32
      %dma_wait3A_280 = tpu.memref_slice %arg2[%dma_wait3A_278, %dma_wait3A_279] : memref<1x1000xf32, #tpu.memory_space<hbm>> -> memref<1x1000xf32, #tpu.memory_space<hbm>>
      tpu.wait_dma2 semaphore(%run_scoped3A : memref<!tpu.dma_semaphore, #tpu.memory_space<semaphore_mem>>) src(%dma_wait3A_280 : memref<1x1000xf32, #tpu.memory_space<hbm>>) dst(%dma_wait3A_277 : memref<1x1000xf32, #tpu.memory_space<vmem>>)
      tpu.yield
    }) : () -> ()
    "tpu.region"() ({
      %run_scoped3A = tpu.sem_alloc : memref<!tpu.dma_semaphore, #tpu.memory_space<semaphore_mem>>
      %dma_start3A_257 = arith.constant 29 : i32
      %dma_start3A_258 = arith.constant 0 : i32
      %dma_start3A_259 = tpu.memref_slice %arg4[%dma_start3A_257, %dma_start3A_258] : memref<32x1000xf32, #tpu.memory_space<vmem>> -> memref<1x1000xf32, #tpu.memory_space<vmem>>
      %dma_start3A_260 = arith.constant 0 : i32
      %dma_start3A_261 = arith.constant 0 : i32
      %dma_start3A_262 = tpu.memref_slice %arg2[%dma_start3A_260, %dma_start3A_261] : memref<1x1000xf32, #tpu.memory_space<hbm>> -> memref<1x1000xf32, #tpu.memory_space<hbm>>
      %dma_start3A_263 = arith.constant 29 : i32
      %dma_start3A_264 = arith.constant 0 : i32
      %dma_start3A_265 = tpu.memref_slice %arg4[%dma_start3A_263, %dma_start3A_264] : memref<32x1000xf32, #tpu.memory_space<vmem>> -> memref<1x1000xf32, #tpu.memory_space<vmem>>
      %dma_start3A_266 = arith.constant 0 : i32
      %dma_start3A_267 = arith.constant 0 : i32
      %dma_start3A_268 = tpu.memref_slice %arg2[%dma_start3A_266, %dma_start3A_267] : memref<1x1000xf32, #tpu.memory_space<hbm>> -> memref<1x1000xf32, #tpu.memory_space<hbm>>
      tpu.enqueue_dma source(%dma_start3A_268 : memref<1x1000xf32, #tpu.memory_space<hbm>>) target(%dma_start3A_265 : memref<1x1000xf32, #tpu.memory_space<vmem>>) target_semaphore(%run_scoped3A : memref<!tpu.dma_semaphore, #tpu.memory_space<semaphore_mem>>)
      %dma_wait3A_269 = arith.constant 29 : i32
      %dma_wait3A_270 = arith.constant 0 : i32
      %dma_wait3A_271 = tpu.memref_slice %arg4[%dma_wait3A_269, %dma_wait3A_270] : memref<32x1000xf32, #tpu.memory_space<vmem>> -> memref<1x1000xf32, #tpu.memory_space<vmem>>
      %dma_wait3A_272 = arith.constant 0 : i32
      %dma_wait3A_273 = arith.constant 0 : i32
      %dma_wait3A_274 = tpu.memref_slice %arg2[%dma_wait3A_272, %dma_wait3A_273] : memref<1x1000xf32, #tpu.memory_space<hbm>> -> memref<1x1000xf32, #tpu.memory_space<hbm>>
      %dma_wait3A_275 = arith.constant 29 : i32
      %dma_wait3A_276 = arith.constant 0 : i32
      %dma_wait3A_277 = tpu.memref_slice %arg4[%dma_wait3A_275, %dma_wait3A_276] : memref<32x1000xf32, #tpu.memory_space<vmem>> -> memref<1x1000xf32, #tpu.memory_space<vmem>>
      %dma_wait3A_278 = arith.constant 0 : i32
      %dma_wait3A_279 = arith.constant 0 : i32
      %dma_wait3A_280 = tpu.memref_slice %arg2[%dma_wait3A_278, %dma_wait3A_279] : memref<1x1000xf32, #tpu.memory_space<hbm>> -> memref<1x1000xf32, #tpu.memory_space<hbm>>
      tpu.wait_dma2 semaphore(%run_scoped3A : memref<!tpu.dma_semaphore, #tpu.memory_space<semaphore_mem>>) src(%dma_wait3A_280 : memref<1x1000xf32, #tpu.memory_space<hbm>>) dst(%dma_wait3A_277 : memref<1x1000xf32, #tpu.memory_space<vmem>>)
      tpu.yield
    }) : () -> ()
    "tpu.region"() ({
      %run_scoped3A = tpu.sem_alloc : memref<!tpu.dma_semaphore, #tpu.memory_space<semaphore_mem>>
      %dma_start3A_257 = arith.constant 30 : i32
      %dma_start3A_258 = arith.constant 0 : i32
      %dma_start3A_259 = tpu.memref_slice %arg4[%dma_start3A_257, %dma_start3A_258] : memref<32x1000xf32, #tpu.memory_space<vmem>> -> memref<1x1000xf32, #tpu.memory_space<vmem>>
      %dma_start3A_260 = arith.constant 0 : i32
      %dma_start3A_261 = arith.constant 0 : i32
      %dma_start3A_262 = tpu.memref_slice %arg2[%dma_start3A_260, %dma_start3A_261] : memref<1x1000xf32, #tpu.memory_space<hbm>> -> memref<1x1000xf32, #tpu.memory_space<hbm>>
      %dma_start3A_263 = arith.constant 30 : i32
      %dma_start3A_264 = arith.constant 0 : i32
      %dma_start3A_265 = tpu.memref_slice %arg4[%dma_start3A_263, %dma_start3A_264] : memref<32x1000xf32, #tpu.memory_space<vmem>> -> memref<1x1000xf32, #tpu.memory_space<vmem>>
      %dma_start3A_266 = arith.constant 0 : i32
      %dma_start3A_267 = arith.constant 0 : i32
      %dma_start3A_268 = tpu.memref_slice %arg2[%dma_start3A_266, %dma_start3A_267] : memref<1x1000xf32, #tpu.memory_space<hbm>> -> memref<1x1000xf32, #tpu.memory_space<hbm>>
      tpu.enqueue_dma source(%dma_start3A_268 : memref<1x1000xf32, #tpu.memory_space<hbm>>) target(%dma_start3A_265 : memref<1x1000xf32, #tpu.memory_space<vmem>>) target_semaphore(%run_scoped3A : memref<!tpu.dma_semaphore, #tpu.memory_space<semaphore_mem>>)
      %dma_wait3A_269 = arith.constant 30 : i32
      %dma_wait3A_270 = arith.constant 0 : i32
      %dma_wait3A_271 = tpu.memref_slice %arg4[%dma_wait3A_269, %dma_wait3A_270] : memref<32x1000xf32, #tpu.memory_space<vmem>> -> memref<1x1000xf32, #tpu.memory_space<vmem>>
      %dma_wait3A_272 = arith.constant 0 : i32
      %dma_wait3A_273 = arith.constant 0 : i32
      %dma_wait3A_274 = tpu.memref_slice %arg2[%dma_wait3A_272, %dma_wait3A_273] : memref<1x1000xf32, #tpu.memory_space<hbm>> -> memref<1x1000xf32, #tpu.memory_space<hbm>>
      %dma_wait3A_275 = arith.constant 30 : i32
      %dma_wait3A_276 = arith.constant 0 : i32
      %dma_wait3A_277 = tpu.memref_slice %arg4[%dma_wait3A_275, %dma_wait3A_276] : memref<32x1000xf32, #tpu.memory_space<vmem>> -> memref<1x1000xf32, #tpu.memory_space<vmem>>
      %dma_wait3A_278 = arith.constant 0 : i32
      %dma_wait3A_279 = arith.constant 0 : i32
      %dma_wait3A_280 = tpu.memref_slice %arg2[%dma_wait3A_278, %dma_wait3A_279] : memref<1x1000xf32, #tpu.memory_space<hbm>> -> memref<1x1000xf32, #tpu.memory_space<hbm>>
      tpu.wait_dma2 semaphore(%run_scoped3A : memref<!tpu.dma_semaphore, #tpu.memory_space<semaphore_mem>>) src(%dma_wait3A_280 : memref<1x1000xf32, #tpu.memory_space<hbm>>) dst(%dma_wait3A_277 : memref<1x1000xf32, #tpu.memory_space<vmem>>)
      tpu.yield
    }) : () -> ()
    "tpu.region"() ({
      %run_scoped3A = tpu.sem_alloc : memref<!tpu.dma_semaphore, #tpu.memory_space<semaphore_mem>>
      %dma_start3A_257 = arith.constant 31 : i32
      %dma_start3A_258 = arith.constant 0 : i32
      %dma_start3A_259 = tpu.memref_slice %arg4[%dma_start3A_257, %dma_start3A_258] : memref<32x1000xf32, #tpu.memory_space<vmem>> -> memref<1x1000xf32, #tpu.memory_space<vmem>>
      %dma_start3A_260 = arith.constant 0 : i32
      %dma_start3A_261 = arith.constant 0 : i32
      %dma_start3A_262 = tpu.memref_slice %arg2[%dma_start3A_260, %dma_start3A_261] : memref<1x1000xf32, #tpu.memory_space<hbm>> -> memref<1x1000xf32, #tpu.memory_space<hbm>>
      %dma_start3A_263 = arith.constant 31 : i32
      %dma_start3A_264 = arith.constant 0 : i32
      %dma_start3A_265 = tpu.memref_slice %arg4[%dma_start3A_263, %dma_start3A_264] : memref<32x1000xf32, #tpu.memory_space<vmem>> -> memref<1x1000xf32, #tpu.memory_space<vmem>>
      %dma_start3A_266 = arith.constant 0 : i32
      %dma_start3A_267 = arith.constant 0 : i32
      %dma_start3A_268 = tpu.memref_slice %arg2[%dma_start3A_266, %dma_start3A_267] : memref<1x1000xf32, #tpu.memory_space<hbm>> -> memref<1x1000xf32, #tpu.memory_space<hbm>>
      tpu.enqueue_dma source(%dma_start3A_268 : memref<1x1000xf32, #tpu.memory_space<hbm>>) target(%dma_start3A_265 : memref<1x1000xf32, #tpu.memory_space<vmem>>) target_semaphore(%run_scoped3A : memref<!tpu.dma_semaphore, #tpu.memory_space<semaphore_mem>>)
      %dma_wait3A_269 = arith.constant 31 : i32
      %dma_wait3A_270 = arith.constant 0 : i32
      %dma_wait3A_271 = tpu.memref_slice %arg4[%dma_wait3A_269, %dma_wait3A_270] : memref<32x1000xf32, #tpu.memory_space<vmem>> -> memref<1x1000xf32, #tpu.memory_space<vmem>>
      %dma_wait3A_272 = arith.constant 0 : i32
      %dma_wait3A_273 = arith.constant 0 : i32
      %dma_wait3A_274 = tpu.memref_slice %arg2[%dma_wait3A_272, %dma_wait3A_273] : memref<1x1000xf32, #tpu.memory_space<hbm>> -> memref<1x1000xf32, #tpu.memory_space<hbm>>
      %dma_wait3A_275 = arith.constant 31 : i32
      %dma_wait3A_276 = arith.constant 0 : i32
      %dma_wait3A_277 = tpu.memref_slice %arg4[%dma_wait3A_275, %dma_wait3A_276] : memref<32x1000xf32, #tpu.memory_space<vmem>> -> memref<1x1000xf32, #tpu.memory_space<vmem>>
      %dma_wait3A_278 = arith.constant 0 : i32
      %dma_wait3A_279 = arith.constant 0 : i32
      %dma_wait3A_280 = tpu.memref_slice %arg2[%dma_wait3A_278, %dma_wait3A_279] : memref<1x1000xf32, #tpu.memory_space<hbm>> -> memref<1x1000xf32, #tpu.memory_space<hbm>>
      tpu.wait_dma2 semaphore(%run_scoped3A : memref<!tpu.dma_semaphore, #tpu.memory_space<semaphore_mem>>) src(%dma_wait3A_280 : memref<1x1000xf32, #tpu.memory_space<hbm>>) dst(%dma_wait3A_277 : memref<1x1000xf32, #tpu.memory_space<vmem>>)
      tpu.yield
    }) : () -> ()
    %add3A_3 = arith.constant 0 : i32
    %add3A_4 = arith.addi %mul3A_2, %add3A_3 : i32
    %dma_start3A = arith.constant 0 : i32
    %dma_start3A_5 = tpu.memref_slice %arg3[%add3A_4, %dma_start3A] : memref<16384x1000xf32, #tpu.memory_space<hbm>> -> memref<32x1000xf32, #tpu.memory_space<hbm>>
    %dma_start3A_6 = arith.constant 0 : i32
    %dma_start3A_7 = tpu.memref_slice %arg3[%add3A_4, %dma_start3A_6] : memref<16384x1000xf32, #tpu.memory_space<hbm>> -> memref<32x1000xf32, #tpu.memory_space<hbm>>
    tpu.enqueue_dma source(%arg4 : memref<32x1000xf32, #tpu.memory_space<vmem>>) target(%dma_start3A_7 : memref<32x1000xf32, #tpu.memory_space<hbm>>) target_semaphore(%arg5 : memref<!tpu.dma_semaphore, #tpu.memory_space<semaphore_mem>>)
    %dma_start3A_8 = arith.constant 0 : i32
    %dma_start3A_9 = tpu.memref_slice %arg3[%add3A_4, %dma_start3A_8] : memref<16384x1000xf32, #tpu.memory_space<hbm>> -> memref<32x1000xf32, #tpu.memory_space<hbm>>
    %dma_start3A_10 = arith.constant 0 : i32
    %dma_start3A_11 = tpu.memref_slice %arg3[%add3A_4, %dma_start3A_10] : memref<16384x1000xf32, #tpu.memory_space<hbm>> -> memref<32x1000xf32, #tpu.memory_space<hbm>>
    tpu.enqueue_dma source(%arg4 : memref<32x1000xf32, #tpu.memory_space<vmem>>) target(%dma_start3A_11 : memref<32x1000xf32, #tpu.memory_space<hbm>>) target_semaphore(%arg5 : memref<!tpu.dma_semaphore, #tpu.memory_space<semaphore_mem>>)
    %add3A_12 = arith.constant 32 : i32
    %add3A_13 = arith.addi %mul3A_2, %add3A_12 : i32
    %dma_start3A_14 = arith.constant 0 : i32
    %dma_start3A_15 = tpu.memref_slice %arg3[%add3A_13, %dma_start3A_14] : memref<16384x1000xf32, #tpu.memory_space<hbm>> -> memref<32x1000xf32, #tpu.memory_space<hbm>>
    %dma_start3A_16 = arith.constant 0 : i32
    %dma_start3A_17 = tpu.memref_slice %arg3[%add3A_13, %dma_start3A_16] : memref<16384x1000xf32, #tpu.memory_space<hbm>> -> memref<32x1000xf32, #tpu.memory_space<hbm>>
    tpu.enqueue_dma source(%arg4 : memref<32x1000xf32, #tpu.memory_space<vmem>>) target(%dma_start3A_17 : memref<32x1000xf32, #tpu.memory_space<hbm>>) target_semaphore(%arg5 : memref<!tpu.dma_semaphore, #tpu.memory_space<semaphore_mem>>)
    %dma_start3A_18 = arith.constant 0 : i32
    %dma_start3A_19 = tpu.memref_slice %arg3[%add3A_13, %dma_start3A_18] : memref<16384x1000xf32, #tpu.memory_space<hbm>> -> memref<32x1000xf32, #tpu.memory_space<hbm>>
    %dma_start3A_20 = arith.constant 0 : i32
    %dma_start3A_21 = tpu.memref_slice %arg3[%add3A_13, %dma_start3A_20] : memref<16384x1000xf32, #tpu.memory_space<hbm>> -> memref<32x1000xf32, #tpu.memory_space<hbm>>
    tpu.enqueue_dma source(%arg4 : memref<32x1000xf32, #tpu.memory_space<vmem>>) target(%dma_start3A_21 : memref<32x1000xf32, #tpu.memory_space<hbm>>) target_semaphore(%arg5 : memref<!tpu.dma_semaphore, #tpu.memory_space<semaphore_mem>>)
    %add3A_22 = arith.constant 64 : i32
    %add3A_23 = arith.addi %mul3A_2, %add3A_22 : i32
    %dma_start3A_24 = arith.constant 0 : i32
    %dma_start3A_25 = tpu.memref_slice %arg3[%add3A_23, %dma_start3A_24] : memref<16384x1000xf32, #tpu.memory_space<hbm>> -> memref<32x1000xf32, #tpu.memory_space<hbm>>
    %dma_start3A_26 = arith.constant 0 : i32
    %dma_start3A_27 = tpu.memref_slice %arg3[%add3A_23, %dma_start3A_26] : memref<16384x1000xf32, #tpu.memory_space<hbm>> -> memref<32x1000xf32, #tpu.memory_space<hbm>>
    tpu.enqueue_dma source(%arg4 : memref<32x1000xf32, #tpu.memory_space<vmem>>) target(%dma_start3A_27 : memref<32x1000xf32, #tpu.memory_space<hbm>>) target_semaphore(%arg5 : memref<!tpu.dma_semaphore, #tpu.memory_space<semaphore_mem>>)
    %dma_start3A_28 = arith.constant 0 : i32
    %dma_start3A_29 = tpu.memref_slice %arg3[%add3A_23, %dma_start3A_28] : memref<16384x1000xf32, #tpu.memory_space<hbm>> -> memref<32x1000xf32, #tpu.memory_space<hbm>>
    %dma_start3A_30 = arith.constant 0 : i32
    %dma_start3A_31 = tpu.memref_slice %arg3[%add3A_23, %dma_start3A_30] : memref<16384x1000xf32, #tpu.memory_space<hbm>> -> memref<32x1000xf32, #tpu.memory_space<hbm>>
    tpu.enqueue_dma source(%arg4 : memref<32x1000xf32, #tpu.memory_space<vmem>>) target(%dma_start3A_31 : memref<32x1000xf32, #tpu.memory_space<hbm>>) target_semaphore(%arg5 : memref<!tpu.dma_semaphore, #tpu.memory_space<semaphore_mem>>)
    %add3A_32 = arith.constant 96 : i32
    %add3A_33 = arith.addi %mul3A_2, %add3A_32 : i32
    %dma_start3A_34 = arith.constant 0 : i32
    %dma_start3A_35 = tpu.memref_slice %arg3[%add3A_33, %dma_start3A_34] : memref<16384x1000xf32, #tpu.memory_space<hbm>> -> memref<32x1000xf32, #tpu.memory_space<hbm>>
    %dma_start3A_36 = arith.constant 0 : i32
    %dma_start3A_37 = tpu.memref_slice %arg3[%add3A_33, %dma_start3A_36] : memref<16384x1000xf32, #tpu.memory_space<hbm>> -> memref<32x1000xf32, #tpu.memory_space<hbm>>
    tpu.enqueue_dma source(%arg4 : memref<32x1000xf32, #tpu.memory_space<vmem>>) target(%dma_start3A_37 : memref<32x1000xf32, #tpu.memory_space<hbm>>) target_semaphore(%arg5 : memref<!tpu.dma_semaphore, #tpu.memory_space<semaphore_mem>>)
    %dma_start3A_38 = arith.constant 0 : i32
    %dma_start3A_39 = tpu.memref_slice %arg3[%add3A_33, %dma_start3A_38] : memref<16384x1000xf32, #tpu.memory_space<hbm>> -> memref<32x1000xf32, #tpu.memory_space<hbm>>
    %dma_start3A_40 = arith.constant 0 : i32
    %dma_start3A_41 = tpu.memref_slice %arg3[%add3A_33, %dma_start3A_40] : memref<16384x1000xf32, #tpu.memory_space<hbm>> -> memref<32x1000xf32, #tpu.memory_space<hbm>>
    tpu.enqueue_dma source(%arg4 : memref<32x1000xf32, #tpu.memory_space<vmem>>) target(%dma_start3A_41 : memref<32x1000xf32, #tpu.memory_space<hbm>>) target_semaphore(%arg5 : memref<!tpu.dma_semaphore, #tpu.memory_space<semaphore_mem>>)
    %add3A_42 = arith.constant 128 : i32
    %add3A_43 = arith.addi %mul3A_2, %add3A_42 : i32
    %dma_start3A_44 = arith.constant 0 : i32
    %dma_start3A_45 = tpu.memref_slice %arg3[%add3A_43, %dma_start3A_44] : memref<16384x1000xf32, #tpu.memory_space<hbm>> -> memref<32x1000xf32, #tpu.memory_space<hbm>>
    %dma_start3A_46 = arith.constant 0 : i32
    %dma_start3A_47 = tpu.memref_slice %arg3[%add3A_43, %dma_start3A_46] : memref<16384x1000xf32, #tpu.memory_space<hbm>> -> memref<32x1000xf32, #tpu.memory_space<hbm>>
    tpu.enqueue_dma source(%arg4 : memref<32x1000xf32, #tpu.memory_space<vmem>>) target(%dma_start3A_47 : memref<32x1000xf32, #tpu.memory_space<hbm>>) target_semaphore(%arg5 : memref<!tpu.dma_semaphore, #tpu.memory_space<semaphore_mem>>)
    %dma_start3A_48 = arith.constant 0 : i32
    %dma_start3A_49 = tpu.memref_slice %arg3[%add3A_43, %dma_start3A_48] : memref<16384x1000xf32, #tpu.memory_space<hbm>> -> memref<32x1000xf32, #tpu.memory_space<hbm>>
    %dma_start3A_50 = arith.constant 0 : i32
    %dma_start3A_51 = tpu.memref_slice %arg3[%add3A_43, %dma_start3A_50] : memref<16384x1000xf32, #tpu.memory_space<hbm>> -> memref<32x1000xf32, #tpu.memory_space<hbm>>
    tpu.enqueue_dma source(%arg4 : memref<32x1000xf32, #tpu.memory_space<vmem>>) target(%dma_start3A_51 : memref<32x1000xf32, #tpu.memory_space<hbm>>) target_semaphore(%arg5 : memref<!tpu.dma_semaphore, #tpu.memory_space<semaphore_mem>>)
    %add3A_52 = arith.constant 160 : i32
    %add3A_53 = arith.addi %mul3A_2, %add3A_52 : i32
    %dma_start3A_54 = arith.constant 0 : i32
    %dma_start3A_55 = tpu.memref_slice %arg3[%add3A_53, %dma_start3A_54] : memref<16384x1000xf32, #tpu.memory_space<hbm>> -> memref<32x1000xf32, #tpu.memory_space<hbm>>
    %dma_start3A_56 = arith.constant 0 : i32
    %dma_start3A_57 = tpu.memref_slice %arg3[%add3A_53, %dma_start3A_56] : memref<16384x1000xf32, #tpu.memory_space<hbm>> -> memref<32x1000xf32, #tpu.memory_space<hbm>>
    tpu.enqueue_dma source(%arg4 : memref<32x1000xf32, #tpu.memory_space<vmem>>) target(%dma_start3A_57 : memref<32x1000xf32, #tpu.memory_space<hbm>>) target_semaphore(%arg5 : memref<!tpu.dma_semaphore, #tpu.memory_space<semaphore_mem>>)
    %dma_start3A_58 = arith.constant 0 : i32
    %dma_start3A_59 = tpu.memref_slice %arg3[%add3A_53, %dma_start3A_58] : memref<16384x1000xf32, #tpu.memory_space<hbm>> -> memref<32x1000xf32, #tpu.memory_space<hbm>>
    %dma_start3A_60 = arith.constant 0 : i32
    %dma_start3A_61 = tpu.memref_slice %arg3[%add3A_53, %dma_start3A_60] : memref<16384x1000xf32, #tpu.memory_space<hbm>> -> memref<32x1000xf32, #tpu.memory_space<hbm>>
    tpu.enqueue_dma source(%arg4 : memref<32x1000xf32, #tpu.memory_space<vmem>>) target(%dma_start3A_61 : memref<32x1000xf32, #tpu.memory_space<hbm>>) target_semaphore(%arg5 : memref<!tpu.dma_semaphore, #tpu.memory_space<semaphore_mem>>)
    %add3A_62 = arith.constant 192 : i32
    %add3A_63 = arith.addi %mul3A_2, %add3A_62 : i32
    %dma_start3A_64 = arith.constant 0 : i32
    %dma_start3A_65 = tpu.memref_slice %arg3[%add3A_63, %dma_start3A_64] : memref<16384x1000xf32, #tpu.memory_space<hbm>> -> memref<32x1000xf32, #tpu.memory_space<hbm>>
    %dma_start3A_66 = arith.constant 0 : i32
    %dma_start3A_67 = tpu.memref_slice %arg3[%add3A_63, %dma_start3A_66] : memref<16384x1000xf32, #tpu.memory_space<hbm>> -> memref<32x1000xf32, #tpu.memory_space<hbm>>
    tpu.enqueue_dma source(%arg4 : memref<32x1000xf32, #tpu.memory_space<vmem>>) target(%dma_start3A_67 : memref<32x1000xf32, #tpu.memory_space<hbm>>) target_semaphore(%arg5 : memref<!tpu.dma_semaphore, #tpu.memory_space<semaphore_mem>>)
    %dma_start3A_68 = arith.constant 0 : i32
    %dma_start3A_69 = tpu.memref_slice %arg3[%add3A_63, %dma_start3A_68] : memref<16384x1000xf32, #tpu.memory_space<hbm>> -> memref<32x1000xf32, #tpu.memory_space<hbm>>
    %dma_start3A_70 = arith.constant 0 : i32
    %dma_start3A_71 = tpu.memref_slice %arg3[%add3A_63, %dma_start3A_70] : memref<16384x1000xf32, #tpu.memory_space<hbm>> -> memref<32x1000xf32, #tpu.memory_space<hbm>>
    tpu.enqueue_dma source(%arg4 : memref<32x1000xf32, #tpu.memory_space<vmem>>) target(%dma_start3A_71 : memref<32x1000xf32, #tpu.memory_space<hbm>>) target_semaphore(%arg5 : memref<!tpu.dma_semaphore, #tpu.memory_space<semaphore_mem>>)
    %add3A_72 = arith.constant 224 : i32
    %add3A_73 = arith.addi %mul3A_2, %add3A_72 : i32
    %dma_start3A_74 = arith.constant 0 : i32
    %dma_start3A_75 = tpu.memref_slice %arg3[%add3A_73, %dma_start3A_74] : memref<16384x1000xf32, #tpu.memory_space<hbm>> -> memref<32x1000xf32, #tpu.memory_space<hbm>>
    %dma_start3A_76 = arith.constant 0 : i32
    %dma_start3A_77 = tpu.memref_slice %arg3[%add3A_73, %dma_start3A_76] : memref<16384x1000xf32, #tpu.memory_space<hbm>> -> memref<32x1000xf32, #tpu.memory_space<hbm>>
    tpu.enqueue_dma source(%arg4 : memref<32x1000xf32, #tpu.memory_space<vmem>>) target(%dma_start3A_77 : memref<32x1000xf32, #tpu.memory_space<hbm>>) target_semaphore(%arg5 : memref<!tpu.dma_semaphore, #tpu.memory_space<semaphore_mem>>)
    %dma_start3A_78 = arith.constant 0 : i32
    %dma_start3A_79 = tpu.memref_slice %arg3[%add3A_73, %dma_start3A_78] : memref<16384x1000xf32, #tpu.memory_space<hbm>> -> memref<32x1000xf32, #tpu.memory_space<hbm>>
    %dma_start3A_80 = arith.constant 0 : i32
    %dma_start3A_81 = tpu.memref_slice %arg3[%add3A_73, %dma_start3A_80] : memref<16384x1000xf32, #tpu.memory_space<hbm>> -> memref<32x1000xf32, #tpu.memory_space<hbm>>
    tpu.enqueue_dma source(%arg4 : memref<32x1000xf32, #tpu.memory_space<vmem>>) target(%dma_start3A_81 : memref<32x1000xf32, #tpu.memory_space<hbm>>) target_semaphore(%arg5 : memref<!tpu.dma_semaphore, #tpu.memory_space<semaphore_mem>>)
    %add3A_82 = arith.constant 256 : i32
    %add3A_83 = arith.addi %mul3A_2, %add3A_82 : i32
    %dma_start3A_84 = arith.constant 0 : i32
    %dma_start3A_85 = tpu.memref_slice %arg3[%add3A_83, %dma_start3A_84] : memref<16384x1000xf32, #tpu.memory_space<hbm>> -> memref<32x1000xf32, #tpu.memory_space<hbm>>
    %dma_start3A_86 = arith.constant 0 : i32
    %dma_start3A_87 = tpu.memref_slice %arg3[%add3A_83, %dma_start3A_86] : memref<16384x1000xf32, #tpu.memory_space<hbm>> -> memref<32x1000xf32, #tpu.memory_space<hbm>>
    tpu.enqueue_dma source(%arg4 : memref<32x1000xf32, #tpu.memory_space<vmem>>) target(%dma_start3A_87 : memref<32x1000xf32, #tpu.memory_space<hbm>>) target_semaphore(%arg5 : memref<!tpu.dma_semaphore, #tpu.memory_space<semaphore_mem>>)
    %dma_start3A_88 = arith.constant 0 : i32
    %dma_start3A_89 = tpu.memref_slice %arg3[%add3A_83, %dma_start3A_88] : memref<16384x1000xf32, #tpu.memory_space<hbm>> -> memref<32x1000xf32, #tpu.memory_space<hbm>>
    %dma_start3A_90 = arith.constant 0 : i32
    %dma_start3A_91 = tpu.memref_slice %arg3[%add3A_83, %dma_start3A_90] : memref<16384x1000xf32, #tpu.memory_space<hbm>> -> memref<32x1000xf32, #tpu.memory_space<hbm>>
    tpu.enqueue_dma source(%arg4 : memref<32x1000xf32, #tpu.memory_space<vmem>>) target(%dma_start3A_91 : memref<32x1000xf32, #tpu.memory_space<hbm>>) target_semaphore(%arg5 : memref<!tpu.dma_semaphore, #tpu.memory_space<semaphore_mem>>)
    %add3A_92 = arith.constant 288 : i32
    %add3A_93 = arith.addi %mul3A_2, %add3A_92 : i32
    %dma_start3A_94 = arith.constant 0 : i32
    %dma_start3A_95 = tpu.memref_slice %arg3[%add3A_93, %dma_start3A_94] : memref<16384x1000xf32, #tpu.memory_space<hbm>> -> memref<32x1000xf32, #tpu.memory_space<hbm>>
    %dma_start3A_96 = arith.constant 0 : i32
    %dma_start3A_97 = tpu.memref_slice %arg3[%add3A_93, %dma_start3A_96] : memref<16384x1000xf32, #tpu.memory_space<hbm>> -> memref<32x1000xf32, #tpu.memory_space<hbm>>
    tpu.enqueue_dma source(%arg4 : memref<32x1000xf32, #tpu.memory_space<vmem>>) target(%dma_start3A_97 : memref<32x1000xf32, #tpu.memory_space<hbm>>) target_semaphore(%arg5 : memref<!tpu.dma_semaphore, #tpu.memory_space<semaphore_mem>>)
    %dma_start3A_98 = arith.constant 0 : i32
    %dma_start3A_99 = tpu.memref_slice %arg3[%add3A_93, %dma_start3A_98] : memref<16384x1000xf32, #tpu.memory_space<hbm>> -> memref<32x1000xf32, #tpu.memory_space<hbm>>
    %dma_start3A_100 = arith.constant 0 : i32
    %dma_start3A_101 = tpu.memref_slice %arg3[%add3A_93, %dma_start3A_100] : memref<16384x1000xf32, #tpu.memory_space<hbm>> -> memref<32x1000xf32, #tpu.memory_space<hbm>>
    tpu.enqueue_dma source(%arg4 : memref<32x1000xf32, #tpu.memory_space<vmem>>) target(%dma_start3A_101 : memref<32x1000xf32, #tpu.memory_space<hbm>>) target_semaphore(%arg5 : memref<!tpu.dma_semaphore, #tpu.memory_space<semaphore_mem>>)
    %add3A_102 = arith.constant 320 : i32
    %add3A_103 = arith.addi %mul3A_2, %add3A_102 : i32
    %dma_start3A_104 = arith.constant 0 : i32
    %dma_start3A_105 = tpu.memref_slice %arg3[%add3A_103, %dma_start3A_104] : memref<16384x1000xf32, #tpu.memory_space<hbm>> -> memref<32x1000xf32, #tpu.memory_space<hbm>>
    %dma_start3A_106 = arith.constant 0 : i32
    %dma_start3A_107 = tpu.memref_slice %arg3[%add3A_103, %dma_start3A_106] : memref<16384x1000xf32, #tpu.memory_space<hbm>> -> memref<32x1000xf32, #tpu.memory_space<hbm>>
    tpu.enqueue_dma source(%arg4 : memref<32x1000xf32, #tpu.memory_space<vmem>>) target(%dma_start3A_107 : memref<32x1000xf32, #tpu.memory_space<hbm>>) target_semaphore(%arg5 : memref<!tpu.dma_semaphore, #tpu.memory_space<semaphore_mem>>)
    %dma_start3A_108 = arith.constant 0 : i32
    %dma_start3A_109 = tpu.memref_slice %arg3[%add3A_103, %dma_start3A_108] : memref<16384x1000xf32, #tpu.memory_space<hbm>> -> memref<32x1000xf32, #tpu.memory_space<hbm>>
    %dma_start3A_110 = arith.constant 0 : i32
    %dma_start3A_111 = tpu.memref_slice %arg3[%add3A_103, %dma_start3A_110] : memref<16384x1000xf32, #tpu.memory_space<hbm>> -> memref<32x1000xf32, #tpu.memory_space<hbm>>
    tpu.enqueue_dma source(%arg4 : memref<32x1000xf32, #tpu.memory_space<vmem>>) target(%dma_start3A_111 : memref<32x1000xf32, #tpu.memory_space<hbm>>) target_semaphore(%arg5 : memref<!tpu.dma_semaphore, #tpu.memory_space<semaphore_mem>>)
    %add3A_112 = arith.constant 352 : i32
    %add3A_113 = arith.addi %mul3A_2, %add3A_112 : i32
    %dma_start3A_114 = arith.constant 0 : i32
    %dma_start3A_115 = tpu.memref_slice %arg3[%add3A_113, %dma_start3A_114] : memref<16384x1000xf32, #tpu.memory_space<hbm>> -> memref<32x1000xf32, #tpu.memory_space<hbm>>
    %dma_start3A_116 = arith.constant 0 : i32
    %dma_start3A_117 = tpu.memref_slice %arg3[%add3A_113, %dma_start3A_116] : memref<16384x1000xf32, #tpu.memory_space<hbm>> -> memref<32x1000xf32, #tpu.memory_space<hbm>>
    tpu.enqueue_dma source(%arg4 : memref<32x1000xf32, #tpu.memory_space<vmem>>) target(%dma_start3A_117 : memref<32x1000xf32, #tpu.memory_space<hbm>>) target_semaphore(%arg5 : memref<!tpu.dma_semaphore, #tpu.memory_space<semaphore_mem>>)
    %dma_start3A_118 = arith.constant 0 : i32
    %dma_start3A_119 = tpu.memref_slice %arg3[%add3A_113, %dma_start3A_118] : memref<16384x1000xf32, #tpu.memory_space<hbm>> -> memref<32x1000xf32, #tpu.memory_space<hbm>>
    %dma_start3A_120 = arith.constant 0 : i32
    %dma_start3A_121 = tpu.memref_slice %arg3[%add3A_113, %dma_start3A_120] : memref<16384x1000xf32, #tpu.memory_space<hbm>> -> memref<32x1000xf32, #tpu.memory_space<hbm>>
    tpu.enqueue_dma source(%arg4 : memref<32x1000xf32, #tpu.memory_space<vmem>>) target(%dma_start3A_121 : memref<32x1000xf32, #tpu.memory_space<hbm>>) target_semaphore(%arg5 : memref<!tpu.dma_semaphore, #tpu.memory_space<semaphore_mem>>)
    %add3A_122 = arith.constant 384 : i32
    %add3A_123 = arith.addi %mul3A_2, %add3A_122 : i32
    %dma_start3A_124 = arith.constant 0 : i32
    %dma_start3A_125 = tpu.memref_slice %arg3[%add3A_123, %dma_start3A_124] : memref<16384x1000xf32, #tpu.memory_space<hbm>> -> memref<32x1000xf32, #tpu.memory_space<hbm>>
    %dma_start3A_126 = arith.constant 0 : i32
    %dma_start3A_127 = tpu.memref_slice %arg3[%add3A_123, %dma_start3A_126] : memref<16384x1000xf32, #tpu.memory_space<hbm>> -> memref<32x1000xf32, #tpu.memory_space<hbm>>
    tpu.enqueue_dma source(%arg4 : memref<32x1000xf32, #tpu.memory_space<vmem>>) target(%dma_start3A_127 : memref<32x1000xf32, #tpu.memory_space<hbm>>) target_semaphore(%arg5 : memref<!tpu.dma_semaphore, #tpu.memory_space<semaphore_mem>>)
    %dma_start3A_128 = arith.constant 0 : i32
    %dma_start3A_129 = tpu.memref_slice %arg3[%add3A_123, %dma_start3A_128] : memref<16384x1000xf32, #tpu.memory_space<hbm>> -> memref<32x1000xf32, #tpu.memory_space<hbm>>
    %dma_start3A_130 = arith.constant 0 : i32
    %dma_start3A_131 = tpu.memref_slice %arg3[%add3A_123, %dma_start3A_130] : memref<16384x1000xf32, #tpu.memory_space<hbm>> -> memref<32x1000xf32, #tpu.memory_space<hbm>>
    tpu.enqueue_dma source(%arg4 : memref<32x1000xf32, #tpu.memory_space<vmem>>) target(%dma_start3A_131 : memref<32x1000xf32, #tpu.memory_space<hbm>>) target_semaphore(%arg5 : memref<!tpu.dma_semaphore, #tpu.memory_space<semaphore_mem>>)
    %add3A_132 = arith.constant 416 : i32
    %add3A_133 = arith.addi %mul3A_2, %add3A_132 : i32
    %dma_start3A_134 = arith.constant 0 : i32
    %dma_start3A_135 = tpu.memref_slice %arg3[%add3A_133, %dma_start3A_134] : memref<16384x1000xf32, #tpu.memory_space<hbm>> -> memref<32x1000xf32, #tpu.memory_space<hbm>>
    %dma_start3A_136 = arith.constant 0 : i32
    %dma_start3A_137 = tpu.memref_slice %arg3[%add3A_133, %dma_start3A_136] : memref<16384x1000xf32, #tpu.memory_space<hbm>> -> memref<32x1000xf32, #tpu.memory_space<hbm>>
    tpu.enqueue_dma source(%arg4 : memref<32x1000xf32, #tpu.memory_space<vmem>>) target(%dma_start3A_137 : memref<32x1000xf32, #tpu.memory_space<hbm>>) target_semaphore(%arg5 : memref<!tpu.dma_semaphore, #tpu.memory_space<semaphore_mem>>)
    %dma_start3A_138 = arith.constant 0 : i32
    %dma_start3A_139 = tpu.memref_slice %arg3[%add3A_133, %dma_start3A_138] : memref<16384x1000xf32, #tpu.memory_space<hbm>> -> memref<32x1000xf32, #tpu.memory_space<hbm>>
    %dma_start3A_140 = arith.constant 0 : i32
    %dma_start3A_141 = tpu.memref_slice %arg3[%add3A_133, %dma_start3A_140] : memref<16384x1000xf32, #tpu.memory_space<hbm>> -> memref<32x1000xf32, #tpu.memory_space<hbm>>
    tpu.enqueue_dma source(%arg4 : memref<32x1000xf32, #tpu.memory_space<vmem>>) target(%dma_start3A_141 : memref<32x1000xf32, #tpu.memory_space<hbm>>) target_semaphore(%arg5 : memref<!tpu.dma_semaphore, #tpu.memory_space<semaphore_mem>>)
    %add3A_142 = arith.constant 448 : i32
    %add3A_143 = arith.addi %mul3A_2, %add3A_142 : i32
    %dma_start3A_144 = arith.constant 0 : i32
    %dma_start3A_145 = tpu.memref_slice %arg3[%add3A_143, %dma_start3A_144] : memref<16384x1000xf32, #tpu.memory_space<hbm>> -> memref<32x1000xf32, #tpu.memory_space<hbm>>
    %dma_start3A_146 = arith.constant 0 : i32
    %dma_start3A_147 = tpu.memref_slice %arg3[%add3A_143, %dma_start3A_146] : memref<16384x1000xf32, #tpu.memory_space<hbm>> -> memref<32x1000xf32, #tpu.memory_space<hbm>>
    tpu.enqueue_dma source(%arg4 : memref<32x1000xf32, #tpu.memory_space<vmem>>) target(%dma_start3A_147 : memref<32x1000xf32, #tpu.memory_space<hbm>>) target_semaphore(%arg5 : memref<!tpu.dma_semaphore, #tpu.memory_space<semaphore_mem>>)
    %dma_start3A_148 = arith.constant 0 : i32
    %dma_start3A_149 = tpu.memref_slice %arg3[%add3A_143, %dma_start3A_148] : memref<16384x1000xf32, #tpu.memory_space<hbm>> -> memref<32x1000xf32, #tpu.memory_space<hbm>>
    %dma_start3A_150 = arith.constant 0 : i32
    %dma_start3A_151 = tpu.memref_slice %arg3[%add3A_143, %dma_start3A_150] : memref<16384x1000xf32, #tpu.memory_space<hbm>> -> memref<32x1000xf32, #tpu.memory_space<hbm>>
    tpu.enqueue_dma source(%arg4 : memref<32x1000xf32, #tpu.memory_space<vmem>>) target(%dma_start3A_151 : memref<32x1000xf32, #tpu.memory_space<hbm>>) target_semaphore(%arg5 : memref<!tpu.dma_semaphore, #tpu.memory_space<semaphore_mem>>)
    %add3A_152 = arith.constant 480 : i32
    %add3A_153 = arith.addi %mul3A_2, %add3A_152 : i32
    %dma_start3A_154 = arith.constant 0 : i32
    %dma_start3A_155 = tpu.memref_slice %arg3[%add3A_153, %dma_start3A_154] : memref<16384x1000xf32, #tpu.memory_space<hbm>> -> memref<32x1000xf32, #tpu.memory_space<hbm>>
    %dma_start3A_156 = arith.constant 0 : i32
    %dma_start3A_157 = tpu.memref_slice %arg3[%add3A_153, %dma_start3A_156] : memref<16384x1000xf32, #tpu.memory_space<hbm>> -> memref<32x1000xf32, #tpu.memory_space<hbm>>
    tpu.enqueue_dma source(%arg4 : memref<32x1000xf32, #tpu.memory_space<vmem>>) target(%dma_start3A_157 : memref<32x1000xf32, #tpu.memory_space<hbm>>) target_semaphore(%arg5 : memref<!tpu.dma_semaphore, #tpu.memory_space<semaphore_mem>>)
    %dma_start3A_158 = arith.constant 0 : i32
    %dma_start3A_159 = tpu.memref_slice %arg3[%add3A_153, %dma_start3A_158] : memref<16384x1000xf32, #tpu.memory_space<hbm>> -> memref<32x1000xf32, #tpu.memory_space<hbm>>
    %dma_start3A_160 = arith.constant 0 : i32
    %dma_start3A_161 = tpu.memref_slice %arg3[%add3A_153, %dma_start3A_160] : memref<16384x1000xf32, #tpu.memory_space<hbm>> -> memref<32x1000xf32, #tpu.memory_space<hbm>>
    tpu.enqueue_dma source(%arg4 : memref<32x1000xf32, #tpu.memory_space<vmem>>) target(%dma_start3A_161 : memref<32x1000xf32, #tpu.memory_space<hbm>>) target_semaphore(%arg5 : memref<!tpu.dma_semaphore, #tpu.memory_space<semaphore_mem>>)
    %add3A_162 = arith.constant 0 : i32
    %add3A_163 = arith.addi %mul3A_2, %add3A_162 : i32
    %dma_wait3A = arith.constant 0 : i32
    %dma_wait3A_164 = tpu.memref_slice %arg3[%add3A_163, %dma_wait3A] : memref<16384x1000xf32, #tpu.memory_space<hbm>> -> memref<32x1000xf32, #tpu.memory_space<hbm>>
    %dma_wait3A_165 = arith.constant 0 : i32
    %dma_wait3A_166 = tpu.memref_slice %arg3[%add3A_163, %dma_wait3A_165] : memref<16384x1000xf32, #tpu.memory_space<hbm>> -> memref<32x1000xf32, #tpu.memory_space<hbm>>
    tpu.wait_dma2 semaphore(%arg5 : memref<!tpu.dma_semaphore, #tpu.memory_space<semaphore_mem>>) src(%arg4 : memref<32x1000xf32, #tpu.memory_space<vmem>>) dst(%dma_wait3A_166 : memref<32x1000xf32, #tpu.memory_space<hbm>>)
    %add3A_167 = arith.constant 32 : i32
    %add3A_168 = arith.addi %mul3A_2, %add3A_167 : i32
    %dma_wait3A_169 = arith.constant 0 : i32
    %dma_wait3A_170 = tpu.memref_slice %arg3[%add3A_168, %dma_wait3A_169] : memref<16384x1000xf32, #tpu.memory_space<hbm>> -> memref<32x1000xf32, #tpu.memory_space<hbm>>
    %dma_wait3A_171 = arith.constant 0 : i32
    %dma_wait3A_172 = tpu.memref_slice %arg3[%add3A_168, %dma_wait3A_171] : memref<16384x1000xf32, #tpu.memory_space<hbm>> -> memref<32x1000xf32, #tpu.memory_space<hbm>>
    tpu.wait_dma2 semaphore(%arg5 : memref<!tpu.dma_semaphore, #tpu.memory_space<semaphore_mem>>) src(%arg4 : memref<32x1000xf32, #tpu.memory_space<vmem>>) dst(%dma_wait3A_172 : memref<32x1000xf32, #tpu.memory_space<hbm>>)
    %add3A_173 = arith.constant 64 : i32
    %add3A_174 = arith.addi %mul3A_2, %add3A_173 : i32
    %dma_wait3A_175 = arith.constant 0 : i32
    %dma_wait3A_176 = tpu.memref_slice %arg3[%add3A_174, %dma_wait3A_175] : memref<16384x1000xf32, #tpu.memory_space<hbm>> -> memref<32x1000xf32, #tpu.memory_space<hbm>>
    %dma_wait3A_177 = arith.constant 0 : i32
    %dma_wait3A_178 = tpu.memref_slice %arg3[%add3A_174, %dma_wait3A_177] : memref<16384x1000xf32, #tpu.memory_space<hbm>> -> memref<32x1000xf32, #tpu.memory_space<hbm>>
    tpu.wait_dma2 semaphore(%arg5 : memref<!tpu.dma_semaphore, #tpu.memory_space<semaphore_mem>>) src(%arg4 : memref<32x1000xf32, #tpu.memory_space<vmem>>) dst(%dma_wait3A_178 : memref<32x1000xf32, #tpu.memory_space<hbm>>)
    %add3A_179 = arith.constant 96 : i32
    %add3A_180 = arith.addi %mul3A_2, %add3A_179 : i32
    %dma_wait3A_181 = arith.constant 0 : i32
    %dma_wait3A_182 = tpu.memref_slice %arg3[%add3A_180, %dma_wait3A_181] : memref<16384x1000xf32, #tpu.memory_space<hbm>> -> memref<32x1000xf32, #tpu.memory_space<hbm>>
    %dma_wait3A_183 = arith.constant 0 : i32
    %dma_wait3A_184 = tpu.memref_slice %arg3[%add3A_180, %dma_wait3A_183] : memref<16384x1000xf32, #tpu.memory_space<hbm>> -> memref<32x1000xf32, #tpu.memory_space<hbm>>
    tpu.wait_dma2 semaphore(%arg5 : memref<!tpu.dma_semaphore, #tpu.memory_space<semaphore_mem>>) src(%arg4 : memref<32x1000xf32, #tpu.memory_space<vmem>>) dst(%dma_wait3A_184 : memref<32x1000xf32, #tpu.memory_space<hbm>>)
    %add3A_185 = arith.constant 128 : i32
    %add3A_186 = arith.addi %mul3A_2, %add3A_185 : i32
    %dma_wait3A_187 = arith.constant 0 : i32
    %dma_wait3A_188 = tpu.memref_slice %arg3[%add3A_186, %dma_wait3A_187] : memref<16384x1000xf32, #tpu.memory_space<hbm>> -> memref<32x1000xf32, #tpu.memory_space<hbm>>
    %dma_wait3A_189 = arith.constant 0 : i32
    %dma_wait3A_190 = tpu.memref_slice %arg3[%add3A_186, %dma_wait3A_189] : memref<16384x1000xf32, #tpu.memory_space<hbm>> -> memref<32x1000xf32, #tpu.memory_space<hbm>>
    tpu.wait_dma2 semaphore(%arg5 : memref<!tpu.dma_semaphore, #tpu.memory_space<semaphore_mem>>) src(%arg4 : memref<32x1000xf32, #tpu.memory_space<vmem>>) dst(%dma_wait3A_190 : memref<32x1000xf32, #tpu.memory_space<hbm>>)
    %add3A_191 = arith.constant 160 : i32
    %add3A_192 = arith.addi %mul3A_2, %add3A_191 : i32
    %dma_wait3A_193 = arith.constant 0 : i32
    %dma_wait3A_194 = tpu.memref_slice %arg3[%add3A_192, %dma_wait3A_193] : memref<16384x1000xf32, #tpu.memory_space<hbm>> -> memref<32x1000xf32, #tpu.memory_space<hbm>>
    %dma_wait3A_195 = arith.constant 0 : i32
    %dma_wait3A_196 = tpu.memref_slice %arg3[%add3A_192, %dma_wait3A_195] : memref<16384x1000xf32, #tpu.memory_space<hbm>> -> memref<32x1000xf32, #tpu.memory_space<hbm>>
    tpu.wait_dma2 semaphore(%arg5 : memref<!tpu.dma_semaphore, #tpu.memory_space<semaphore_mem>>) src(%arg4 : memref<32x1000xf32, #tpu.memory_space<vmem>>) dst(%dma_wait3A_196 : memref<32x1000xf32, #tpu.memory_space<hbm>>)
    %add3A_197 = arith.constant 192 : i32
    %add3A_198 = arith.addi %mul3A_2, %add3A_197 : i32
    %dma_wait3A_199 = arith.constant 0 : i32
    %dma_wait3A_200 = tpu.memref_slice %arg3[%add3A_198, %dma_wait3A_199] : memref<16384x1000xf32, #tpu.memory_space<hbm>> -> memref<32x1000xf32, #tpu.memory_space<hbm>>
    %dma_wait3A_201 = arith.constant 0 : i32
    %dma_wait3A_202 = tpu.memref_slice %arg3[%add3A_198, %dma_wait3A_201] : memref<16384x1000xf32, #tpu.memory_space<hbm>> -> memref<32x1000xf32, #tpu.memory_space<hbm>>
    tpu.wait_dma2 semaphore(%arg5 : memref<!tpu.dma_semaphore, #tpu.memory_space<semaphore_mem>>) src(%arg4 : memref<32x1000xf32, #tpu.memory_space<vmem>>) dst(%dma_wait3A_202 : memref<32x1000xf32, #tpu.memory_space<hbm>>)
    %add3A_203 = arith.constant 224 : i32
    %add3A_204 = arith.addi %mul3A_2, %add3A_203 : i32
    %dma_wait3A_205 = arith.constant 0 : i32
    %dma_wait3A_206 = tpu.memref_slice %arg3[%add3A_204, %dma_wait3A_205] : memref<16384x1000xf32, #tpu.memory_space<hbm>> -> memref<32x1000xf32, #tpu.memory_space<hbm>>
    %dma_wait3A_207 = arith.constant 0 : i32
    %dma_wait3A_208 = tpu.memref_slice %arg3[%add3A_204, %dma_wait3A_207] : memref<16384x1000xf32, #tpu.memory_space<hbm>> -> memref<32x1000xf32, #tpu.memory_space<hbm>>
    tpu.wait_dma2 semaphore(%arg5 : memref<!tpu.dma_semaphore, #tpu.memory_space<semaphore_mem>>) src(%arg4 : memref<32x1000xf32, #tpu.memory_space<vmem>>) dst(%dma_wait3A_208 : memref<32x1000xf32, #tpu.memory_space<hbm>>)
    %add3A_209 = arith.constant 256 : i32
    %add3A_210 = arith.addi %mul3A_2, %add3A_209 : i32
    %dma_wait3A_211 = arith.constant 0 : i32
    %dma_wait3A_212 = tpu.memref_slice %arg3[%add3A_210, %dma_wait3A_211] : memref<16384x1000xf32, #tpu.memory_space<hbm>> -> memref<32x1000xf32, #tpu.memory_space<hbm>>
    %dma_wait3A_213 = arith.constant 0 : i32
    %dma_wait3A_214 = tpu.memref_slice %arg3[%add3A_210, %dma_wait3A_213] : memref<16384x1000xf32, #tpu.memory_space<hbm>> -> memref<32x1000xf32, #tpu.memory_space<hbm>>
    tpu.wait_dma2 semaphore(%arg5 : memref<!tpu.dma_semaphore, #tpu.memory_space<semaphore_mem>>) src(%arg4 : memref<32x1000xf32, #tpu.memory_space<vmem>>) dst(%dma_wait3A_214 : memref<32x1000xf32, #tpu.memory_space<hbm>>)
    %add3A_215 = arith.constant 288 : i32
    %add3A_216 = arith.addi %mul3A_2, %add3A_215 : i32
    %dma_wait3A_217 = arith.constant 0 : i32
    %dma_wait3A_218 = tpu.memref_slice %arg3[%add3A_216, %dma_wait3A_217] : memref<16384x1000xf32, #tpu.memory_space<hbm>> -> memref<32x1000xf32, #tpu.memory_space<hbm>>
    %dma_wait3A_219 = arith.constant 0 : i32
    %dma_wait3A_220 = tpu.memref_slice %arg3[%add3A_216, %dma_wait3A_219] : memref<16384x1000xf32, #tpu.memory_space<hbm>> -> memref<32x1000xf32, #tpu.memory_space<hbm>>
    tpu.wait_dma2 semaphore(%arg5 : memref<!tpu.dma_semaphore, #tpu.memory_space<semaphore_mem>>) src(%arg4 : memref<32x1000xf32, #tpu.memory_space<vmem>>) dst(%dma_wait3A_220 : memref<32x1000xf32, #tpu.memory_space<hbm>>)
    %add3A_221 = arith.constant 320 : i32
    %add3A_222 = arith.addi %mul3A_2, %add3A_221 : i32
    %dma_wait3A_223 = arith.constant 0 : i32
    %dma_wait3A_224 = tpu.memref_slice %arg3[%add3A_222, %dma_wait3A_223] : memref<16384x1000xf32, #tpu.memory_space<hbm>> -> memref<32x1000xf32, #tpu.memory_space<hbm>>
    %dma_wait3A_225 = arith.constant 0 : i32
    %dma_wait3A_226 = tpu.memref_slice %arg3[%add3A_222, %dma_wait3A_225] : memref<16384x1000xf32, #tpu.memory_space<hbm>> -> memref<32x1000xf32, #tpu.memory_space<hbm>>
    tpu.wait_dma2 semaphore(%arg5 : memref<!tpu.dma_semaphore, #tpu.memory_space<semaphore_mem>>) src(%arg4 : memref<32x1000xf32, #tpu.memory_space<vmem>>) dst(%dma_wait3A_226 : memref<32x1000xf32, #tpu.memory_space<hbm>>)
    %add3A_227 = arith.constant 352 : i32
    %add3A_228 = arith.addi %mul3A_2, %add3A_227 : i32
    %dma_wait3A_229 = arith.constant 0 : i32
    %dma_wait3A_230 = tpu.memref_slice %arg3[%add3A_228, %dma_wait3A_229] : memref<16384x1000xf32, #tpu.memory_space<hbm>> -> memref<32x1000xf32, #tpu.memory_space<hbm>>
    %dma_wait3A_231 = arith.constant 0 : i32
    %dma_wait3A_232 = tpu.memref_slice %arg3[%add3A_228, %dma_wait3A_231] : memref<16384x1000xf32, #tpu.memory_space<hbm>> -> memref<32x1000xf32, #tpu.memory_space<hbm>>
    tpu.wait_dma2 semaphore(%arg5 : memref<!tpu.dma_semaphore, #tpu.memory_space<semaphore_mem>>) src(%arg4 : memref<32x1000xf32, #tpu.memory_space<vmem>>) dst(%dma_wait3A_232 : memref<32x1000xf32, #tpu.memory_space<hbm>>)
    %add3A_233 = arith.constant 384 : i32
    %add3A_234 = arith.addi %mul3A_2, %add3A_233 : i32
    %dma_wait3A_235 = arith.constant 0 : i32
    %dma_wait3A_236 = tpu.memref_slice %arg3[%add3A_234, %dma_wait3A_235] : memref<16384x1000xf32, #tpu.memory_space<hbm>> -> memref<32x1000xf32, #tpu.memory_space<hbm>>
    %dma_wait3A_237 = arith.constant 0 : i32
    %dma_wait3A_238 = tpu.memref_slice %arg3[%add3A_234, %dma_wait3A_237] : memref<16384x1000xf32, #tpu.memory_space<hbm>> -> memref<32x1000xf32, #tpu.memory_space<hbm>>
    tpu.wait_dma2 semaphore(%arg5 : memref<!tpu.dma_semaphore, #tpu.memory_space<semaphore_mem>>) src(%arg4 : memref<32x1000xf32, #tpu.memory_space<vmem>>) dst(%dma_wait3A_238 : memref<32x1000xf32, #tpu.memory_space<hbm>>)
    %add3A_239 = arith.constant 416 : i32
    %add3A_240 = arith.addi %mul3A_2, %add3A_239 : i32
    %dma_wait3A_241 = arith.constant 0 : i32
    %dma_wait3A_242 = tpu.memref_slice %arg3[%add3A_240, %dma_wait3A_241] : memref<16384x1000xf32, #tpu.memory_space<hbm>> -> memref<32x1000xf32, #tpu.memory_space<hbm>>
    %dma_wait3A_243 = arith.constant 0 : i32
    %dma_wait3A_244 = tpu.memref_slice %arg3[%add3A_240, %dma_wait3A_243] : memref<16384x1000xf32, #tpu.memory_space<hbm>> -> memref<32x1000xf32, #tpu.memory_space<hbm>>
    tpu.wait_dma2 semaphore(%arg5 : memref<!tpu.dma_semaphore, #tpu.memory_space<semaphore_mem>>) src(%arg4 : memref<32x1000xf32, #tpu.memory_space<vmem>>) dst(%dma_wait3A_244 : memref<32x1000xf32, #tpu.memory_space<hbm>>)
    %add3A_245 = arith.constant 448 : i32
    %add3A_246 = arith.addi %mul3A_2, %add3A_245 : i32
    %dma_wait3A_247 = arith.constant 0 : i32
    %dma_wait3A_248 = tpu.memref_slice %arg3[%add3A_246, %dma_wait3A_247] : memref<16384x1000xf32, #tpu.memory_space<hbm>> -> memref<32x1000xf32, #tpu.memory_space<hbm>>
    %dma_wait3A_249 = arith.constant 0 : i32
    %dma_wait3A_250 = tpu.memref_slice %arg3[%add3A_246, %dma_wait3A_249] : memref<16384x1000xf32, #tpu.memory_space<hbm>> -> memref<32x1000xf32, #tpu.memory_space<hbm>>
    tpu.wait_dma2 semaphore(%arg5 : memref<!tpu.dma_semaphore, #tpu.memory_space<semaphore_mem>>) src(%arg4 : memref<32x1000xf32, #tpu.memory_space<vmem>>) dst(%dma_wait3A_250 : memref<32x1000xf32, #tpu.memory_space<hbm>>)
    %add3A_251 = arith.constant 480 : i32
    %add3A_252 = arith.addi %mul3A_2, %add3A_251 : i32
    %dma_wait3A_253 = arith.constant 0 : i32
    %dma_wait3A_254 = tpu.memref_slice %arg3[%add3A_252, %dma_wait3A_253] : memref<16384x1000xf32, #tpu.memory_space<hbm>> -> memref<32x1000xf32, #tpu.memory_space<hbm>>
    %dma_wait3A_255 = arith.constant 0 : i32
    %dma_wait3A_256 = tpu.memref_slice %arg3[%add3A_252, %dma_wait3A_255] : memref<16384x1000xf32, #tpu.memory_space<hbm>> -> memref<32x1000xf32, #tpu.memory_space<hbm>>
    tpu.wait_dma2 semaphore(%arg5 : memref<!tpu.dma_semaphore, #tpu.memory_space<semaphore_mem>>) src(%arg4 : memref<32x1000xf32, #tpu.memory_space<vmem>>) dst(%dma_wait3A_256 : memref<32x1000xf32, #tpu.memory_space<hbm>>)
    return
  }
}

module attributes {stable_mosaic.version = 14 : i64} {
  func.func @_colsum_body(%arg0: i32, %arg1: memref<1xi32, #tpu.memory_space<smem>>, %arg2: memref<2048x1000xf32, #tpu.memory_space<vmem>>, %arg3: memref<32x1000xf32, #tpu.memory_space<vmem>>, %arg4: memref<1x1000xf32, #tpu.memory_space<vmem>>) attributes {dimension_semantics = [#tpu.dimension_semantics<arbitrary>], iteration_bounds = array<i64: 8>, scalar_prefetch = 0 : i64, scratch_operands = 0 : i64, tpu.core_type = #tpu.core_type<tc>, window_params = [{transform_indices = @transform_0, window_bounds = array<i64: 1>}, {transform_indices = @transform_1, window_bounds = array<i64: 2048, 1000>}, {pipeline_mode = #tpu.pipeline_mode<synchronous>, transform_indices = @transform_2, window_bounds = array<i64: 32, 1000>}, {pipeline_mode = #tpu.pipeline_mode<synchronous>, transform_indices = @transform_3, window_bounds = array<i64: 1, 1000>}]} {
    %eq3A = arith.constant 0 : i32
    %eq3A_0 = arith.cmpi eq, %arg0, %eq3A : i32
    %convert_element_type3A = arith.extui %eq3A_0 : i1 to i32
    %cond3A = arith.constant 0 : i32
    %cond3A_1 = arith.cmpi ne, %convert_element_type3A, %cond3A : i32
    scf.if %cond3A_1 {
      %broadcast_in_dim3A_15 = arith.constant 0.000000e+00 : f32
      %broadcast_in_dim3A_16 = vector.broadcast %broadcast_in_dim3A_15 : f32 to vector<1x1000xf32>
      %swap3A_17 = arith.constant 0 : index
      %swap3A_18 = arith.constant 0 : index
      %swap3A_19 = vector.load %arg4[%swap3A_17, %swap3A_18] : memref<1x1000xf32, #tpu.memory_space<vmem>>, vector<1x1000xf32>
      tpu.vector_store %arg4[%swap3A_17, %swap3A_18], %broadcast_in_dim3A_16 {strides = array<i32>} : memref<1x1000xf32, #tpu.memory_space<vmem>>, vector<1x1000xf32>,
    } else {
    }
    %get3A = arith.constant 0 : index
    %get3A_2 = arith.constant 0 : index
    %get3A_3 = vector.load %arg4[%get3A, %get3A_2] : memref<1x1000xf32, #tpu.memory_space<vmem>>, vector<1x1000xf32>
    %get3A_4 = arith.constant 0 : index
    %get3A_5 = arith.constant 0 : index
    %get3A_6 = vector.load %arg2[%get3A_4, %get3A_5] : memref<2048x1000xf32, #tpu.memory_space<vmem>>, vector<2048x1000xf32>
    %reduce_sum3A = arith.constant dense<0.000000e+00> : vector<1000xf32>
    %reduce_sum3A_7 = vector.multi_reduction <add>, %get3A_6, %reduce_sum3A [0] : vector<2048x1000xf32> to vector<1000xf32>
    %broadcast_in_dim3A = vector.shape_cast %reduce_sum3A_7 : vector<1000xf32> to vector<1x1000xf32>
    %add3A = arith.addf %get3A_3, %broadcast_in_dim3A : vector<1x1000xf32>
    %swap3A = arith.constant 0 : index
    %swap3A_8 = arith.constant 0 : index
    %swap3A_9 = vector.load %arg4[%swap3A, %swap3A_8] : memref<1x1000xf32, #tpu.memory_space<vmem>>, vector<1x1000xf32>
    tpu.vector_store %arg4[%swap3A, %swap3A_8], %add3A {strides = array<i32>} : memref<1x1000xf32, #tpu.memory_space<vmem>>, vector<1x1000xf32>,
    %eq3A_10 = arith.constant 7 : i32
    %eq3A_11 = arith.cmpi eq, %arg0, %eq3A_10 : i32
    %convert_element_type3A_12 = arith.extui %eq3A_11 : i1 to i32
    %cond3A_13 = arith.constant 0 : i32
    %cond3A_14 = arith.cmpi ne, %convert_element_type3A_12, %cond3A_13 : i32
    scf.if %cond3A_14 {
      %get3A_15 = arith.constant 0 : index
      %get3A_16 = arith.constant 0 : index
      %get3A_17 = vector.load %arg4[%get3A_15, %get3A_16] : memref<1x1000xf32, #tpu.memory_space<vmem>>, vector<1x1000xf32>
      %mul3A = arith.constant 6.10351563E-5 : f32
      %mul3A_18 = vector.broadcast %mul3A : f32 to vector<1x1000xf32>
      %mul3A_19 = arith.mulf %get3A_17, %mul3A_18 : vector<1x1000xf32>
      %get3A_20 = arith.constant 0 : index
      %get3A_21 = memref.load %arg1[%get3A_20] : memref<1xi32, #tpu.memory_space<smem>>
      %iota3A = tpu.iota {dimensions = array<i32: 0>} : vector<32x1000xi32>
      %eq3A_22 = vector.broadcast %get3A_21 : i32 to vector<32x1000xi32>
      %eq3A_23 = arith.cmpi eq, %iota3A, %eq3A_22 : vector<32x1000xi32>
      %get3A_24 = arith.constant 0 : index
      %get3A_25 = arith.constant 0 : index
      %get3A_26 = vector.load %arg3[%get3A_24, %get3A_25] : memref<32x1000xf32, #tpu.memory_space<vmem>>, vector<32x1000xf32>
      %jit3A = arith.constant 0.000000e+00 : f32
      %broadcast_in_dim3A_27 = vector.broadcast %jit3A : f32 to vector<32x1000xf32>
      %select_n3A = arith.select %eq3A_23, %broadcast_in_dim3A_27, %get3A_26 : vector<32x1000xi1>, vector<32x1000xf32>
      %reduce_sum3A_28 = arith.constant dense<0.000000e+00> : vector<1000xf32>
      %reduce_sum3A_29 = vector.multi_reduction <add>, %select_n3A, %reduce_sum3A_28 [0] : vector<32x1000xf32> to vector<1000xf32>
      %broadcast_in_dim3A_30 = vector.shape_cast %reduce_sum3A_29 : vector<1000xf32> to vector<1x1000xf32>
      %add3A_31 = arith.addf %broadcast_in_dim3A_30, %mul3A_19 : vector<1x1000xf32>
      %mul3A_32 = arith.constant 3.125000e-02 : f32
      %mul3A_33 = vector.broadcast %mul3A_32 : f32 to vector<1x1000xf32>
      %mul3A_34 = arith.mulf %add3A_31, %mul3A_33 : vector<1x1000xf32>
      %swap3A_35 = arith.constant 0 : index
      %swap3A_36 = arith.constant 0 : index
      %swap3A_37 = vector.load %arg4[%swap3A_35, %swap3A_36] : memref<1x1000xf32, #tpu.memory_space<vmem>>, vector<1x1000xf32>
      tpu.vector_store %arg4[%swap3A_35, %swap3A_36], %mul3A_34 {strides = array<i32>} : memref<1x1000xf32, #tpu.memory_space<vmem>>, vector<1x1000xf32>,
    } else {
    }
    return
  }
  func.func @transform_0(%arg0: i32) -> i32 {
    %c0_i32 = arith.constant 0 : i32
    %c0_i32_0 = arith.constant 0 : i32
    return %c0_i32 : i32
  }
  func.func @transform_1(%arg0: i32) -> (i32, i32) {
    %c0_i32 = arith.constant 0 : i32
    %c0_i32_0 = arith.constant 0 : i32
    return %arg0, %c0_i32 : i32, i32
  }
  func.func @transform_2(%arg0: i32) -> (i32, i32) {
    %c0_i32 = arith.constant 0 : i32
    %c0_i32_0 = arith.constant 0 : i32
    %c0_i32_1 = arith.constant 0 : i32
    return %c0_i32, %c0_i32_0 : i32, i32
  }
  func.func @transform_3(%arg0: i32) -> (i32, i32) {
    %c0_i32 = arith.constant 0 : i32
    %c0_i32_0 = arith.constant 0 : i32
    %c0_i32_1 = arith.constant 0 : i32
    return %c0_i32, %c0_i32_0 : i32, i32
  }
}

</mosaic_0001>

<sc_bundles>
// kernel: kernel.4.cloned.1.call-start
scs
__scs_entry_jumppad:
0x0: {  	(pc) =	sbr.rel $0x88, $3  }
0x1: {  	(tag) =	ssettag $0x0;
	lr =	simm.s32 $0x1  }
0x2: {  	[smem:$0x3F9E] =	sst lr;
	_ =	strace $0xD0000000  }
0x3: {  	_ = 	snop  }
0x4: {  	_ = 	snop  }
0x5: {  	_ = 	snop  }
0x6: {  	_ = 	snop  }
0x7: {  	_ = 	snop  }
__scs_overlays_trampoline_lowered:
0x8: {  	[smem:$0x3FAD] =	sst s0  }
0x9: {  	[smem:$0x3FAE] =	sst s1  }
0xa: {  	[smem:$0x3FAF] =	sst s2  }
0xb: {  	[smem:$0x3FB0] =	sst s3  }
0xc: {  	[smem:$0x3FB1] =	sst s4  }
0xd: {  	[smem:$0x3FB2] =	sst s5  }
0xe: {  	[smem:$0x3FB3] =	sst s6  }
0xf: {  	[smem:$0x3FB4] =	sst s7  }
0x10: {  	[smem:$0x3FB5] =	sst s8  }
0x11: {  	[smem:$0x3FB6] =	sst s9;
	s0 =	simm.s32 @!p0 $0x0  }
0x12: {  	s1 =	sld [smem:$0x3F9C];
	s0 =	simm.s32 @p0 $0x1  }
0x13: {  	[smem:$0x3FB7] =	sst s0;
	s0 =	simm.s32 @!p1 $0x0  }
0x14: {  	s2 =	sld [smem:$0x3F9B];
	s0 =	simm.s32 @p1 $0x1  }
0x15: {  	[smem:$0x3FB8] =	sst s0;
	s0 =	simm.s32 @!p2 $0x0  }
0x16: {  	s3 =	sld [smem:$0x3FDB];
	s0 =	simm.s32 @p2 $0x1  }
0x17: {  	s4 =	simm.s32 $0x1BF5;
	[smem:$0x3FBA] =	sst s0  }
0x18: {  	s0 =	sld [smem:$0x3F9D];
	_ =	swait.ge [sflag:s4], $0x0  }
0x19: {  	s7 =	sld [smem:$0x3F9E]  }
0x1a: {  	s8 =	sadd.s32 $0xFFFFE003, lr  }
0x1b: {  	s9 =	sadd.s32 $0xFFFFFEF7, lr;
	s5 =	simm.s32 $0xFFFFFFFF;
	p2 =	slt.u32 s8, $0xFFFFF086  }
0x1c: {  	p1 =	slt.u32 s9, $0xF7A;
	s5 =	simm.s32 @!p2 $0x0  }
0x1d: {  	s5 =	simm.s32 @p1 $0x1;
	p0 =	seq.s32 s7, s2  }
0x1e: {  	s7 =	smul.u32 @!p0 $0xF7A, s2;
	p2 =	seq.s32 @!p0 s5, $0x0  }
0x1f: {  	s9 =	smul.u32 $0xF7A, s1;
	s8 =	simm.s32 @!p0 $0x1BF5;
	p2 =	por !p2, p0  }
0x20: {  	[sflag:s8] =	ssyncset.s32 @!p0 $0xFFFFF086;
	s6 =	sadd.s32 @!p0 s3, s7;
	s7 =	simm.s32 @!p0 $0x108  }
0x21: {  	s3 =	sadd.s32 s3, s9;
	s6 =	sadd.s32 @!p0 $0x88, s6;
	s7 =	simm.s32 @p2 $0x1082  }
0x22: {  	[simem:s7], [sflag:s8] =	dma.local @!p0 [hbm:s6], $0xF7A  }
0x23: {  	s9 =	sor.u32 $0xD0000000, s2;
	s6 =	simm.s32 $0x108;
	_ =	swait.ge @!p0 [sflag:s8], $0x0  }
0x24: {  	s3 =	sadd.s32 $0x88, s3;
	s6 =	simm.s32 @!p1 $0x1082;
	[sflag:s4] =	ssyncset.s32 $0xFFFFF086  }
0x25: {  	[simem:s6], [sflag:s4] =	dma.local [hbm:s3], $0xF7A  }
0x26: {  	[smem:$0x3F9E] =	sst s1;
	(tag) =	ssettag s2;
	_ =	strace s9  }
0x27: {  	s1 =	sld [smem:$0x3FAE]  }
0x28: {  	s2 =	sld [smem:$0x3FAF]  }
0x29: {  	s4 =	sld [smem:$0x3FB1]  }
0x2a: {  	p0 =	seq.s32 s5, $0x0;
	s5 =	sld [smem:$0x3FB2]  }
0x2b: {  	s6 =	sld [smem:$0x3FB3]  }
0x2c: {  	s7 =	sld [smem:$0x3FB4]  }
0x2d: {  	s3 =	simm.s32 $0x108;
	s8 =	sld [smem:$0x3FB5]  }
0x2e: {  	s3 =	simm.s32 @!p0 $0x1082;
	s9 =	sld [smem:$0x3FB6]  }
0x2f: {  	lr =	sadd.s32 s0, s3;
	s0 =	sld [smem:$0x3FAD]  }
0x30: {  	s3 =	sld [smem:$0x3FB0]  }
0x31: {  	[smem:$0x3FB9] =	sst s10  }
0x32: {  	s10 =	sld [smem:$0x3FB7];
	_ =	sdelay $0x3  }
0x33: {  	p0 =	seq.s32 s10, $0x1;
	s10 =	sld [smem:$0x3FB9];
	_ =	sdelay $0x3  }
0x34: {  	[smem:$0x3FB9] =	sst s10  }
0x35: {  	s10 =	sld [smem:$0x3FB8];
	_ =	sdelay $0x3  }
0x36: {  	p1 =	seq.s32 s10, $0x1;
	s10 =	sld [smem:$0x3FB9];
	_ =	sdelay $0x3  }
0x37: {  	[smem:$0x3FB9] =	sst s10  }
0x38: {  	s10 =	sld [smem:$0x3FBA]  }
0x39: {  	_ = 	snop;
	(pc) =	sbr.ind lr, $3  }
0x3a: {  	_ = 	snop  }
0x3b: {  	_ = 	snop  }
0x3c: {  	p2 =	seq.s32 s10, $0x1;
	s10 =	sld [smem:$0x3FB9]  }
0x3d: {  	_ =	shalt  }
0x3e: {  	_ =	shalt  }
0x3f: {  	_ =	shalt  }
0x40: {  	_ =	shalt  }
0x41: {  	_ =	shalt  }
0x42: {  	_ =	shalt  }
0x43: {  	_ =	shalt  }
0x44: {  	_ =	shalt  }
0x45: {  	_ =	shalt  }
0x46: {  	_ =	shalt  }
0x47: {  	_ =	shalt  }
0x48: {  	_ =	shalt  }
0x49: {  	_ =	shalt  }
0x4a: {  	_ =	shalt  }
0x4b: {  	_ =	shalt  }
0x4c: {  	_ =	shalt  }
0x4d: {  	_ =	shalt  }
0x4e: {  	_ =	shalt  }
0x4f: {  	_ =	shalt  }
0x50: {  	_ =	shalt  }
0x51: {  	_ =	shalt  }
0x52: {  	_ =	shalt  }
0x53: {  	_ =	shalt  }
0x54: {  	_ =	shalt  }
0x55: {  	_ =	shalt  }
0x56: {  	_ =	shalt  }
0x57: {  	_ =	shalt  }
0x58: {  	_ =	shalt  }
0x59: {  	_ =	shalt  }
0x5a: {  	_ =	shalt  }
0x5b: {  	_ =	shalt  }
0x5c: {  	_ =	shalt  }
0x5d: {  	_ =	shalt  }
0x5e: {  	_ =	shalt  }
0x5f: {  	_ =	shalt  }
0x60: {  	_ =	shalt  }
0x61: {  	_ =	shalt  }
0x62: {  	_ =	shalt  }
0x63: {  	_ =	shalt  }
0x64: {  	_ =	shalt  }
0x65: {  	_ =	shalt  }
0x66: {  	_ =	shalt  }
0x67: {  	_ =	shalt  }
0x68: {  	_ =	shalt  }
0x69: {  	_ =	shalt  }
0x6a: {  	_ =	shalt  }
0x6b: {  	_ =	shalt  }
0x6c: {  	_ =	shalt  }
0x6d: {  	_ =	shalt  }
0x6e: {  	_ =	shalt  }
0x6f: {  	_ =	shalt  }
0x70: {  	_ =	shalt  }
0x71: {  	_ =	shalt  }
0x72: {  	_ =	shalt  }
0x73: {  	_ =	shalt  }
0x74: {  	_ =	shalt  }
0x75: {  	_ =	shalt  }
0x76: {  	_ =	shalt  }
0x77: {  	_ =	shalt  }
0x78: {  	_ =	shalt  }
0x79: {  	_ =	shalt  }
0x7a: {  	_ =	shalt  }
0x7b: {  	_ =	shalt  }
0x7c: {  	_ =	shalt  }
0x7d: {  	_ =	shalt  }
0x7e: {  	_ =	shalt  }
0x7f: {  	_ =	shalt  }
0x80: {  	_ =	shalt  }
0x81: {  	_ =	shalt  }
0x82: {  	_ =	shalt  }
0x83: {  	_ =	shalt  }
0x84: {  	_ =	shalt  }
0x85: {  	_ =	shalt  }
0x86: {  	_ =	shalt  }
0x87: {  	_ =	shalt  }
.Lfunc_end0:
.L_simem_size_0:
called_computation_lowered:
.L_overlay_start_0:
0x88: {  	s2 =	sld [smem:$0x3FD9]  }
0x89: {  	s3 =	sld [smem:$0x3FFE];
	_ =	sdelay $0x1  }
0x8a: {  	s1 =	srdreg.scid  }
0x8b: {  	s0 =	sand.u32 $0x1, s1  }
0x8c: {  	s17 =	sshll.u32 s0, $0xA;
	s2 =	sadd.s32 s3, s2  }
0x8d: {  	s2 =	sadd.s32 s2, s17  }
0x8e: {  	[smem:$0x3FC5] =	sst s2  }
0x8f: {  	_ = 	snop  }
0x90: {  	s2 =	sld [smem:$0x3FD0];
	(tm) =	ssettm $0x1  }
0x91: {  	s18 =	sld [smem:$0x3FFB];
	_ =	sdelay $0x3  }
0x92: {  	_ =	strace s18  }
0x93: {  	s3 =	sld [smem:$0x3FFC];
	_ =	sdelay $0x3  }
0x94: {  	_ =	strace s3  }
0x95: {  	s3 =	sld [smem:$0x3FFD];
	_ =	sdelay $0x3  }
0x96: {  	_ =	strace s3  }
0x97: {  	_ =	strace $0x8FFFFFFF  }
0x98: {  	s19 =	sld [smem:$0x3FDB];
	_ =	sdelay $0x1  }
0x99: {  	s4 =	simm.s32 $_scs_section_size  }
0x9a: {  	s5 =	simm.s32 $_size__tile_overlayer_lowered;
	s6 =	simm.s32 $_tile_overlayer_lowered  }
0x9b: {  	s22 =	simm.s32 $0x1BFF;
	s21 =	sshll.u32 s6, $0x1;
	s3 =	sadd.s32 s4, s19  }
0x9c: {  	s7 =	simm.s32 $0x0;
	s20 =	sshll.u32 s5, $0x1;
	s5 =	sadd.s32 s21, s3  }
0x9d: {  	[timem:s7], [sflag:s22] =	dma.local [hbm:s5], s20  }
0x9e: {  	_ =	swait.ge [sflag:s22], s20  }
0x9f: {  	s4 =	ssub.s32 $0x0, s20;
	[sflag:s22] =	ssyncset.done $0x0  }
0xa0: {  	[sflag:s22] =	ssyncadd.s32 s4;
	_ =	sdelay $0x1  }
0xa1: {  	s23 =	simm.s32 $0x1B8B  }
0xa2: {  	_ =	swait.ge [sflag:s23], $0x1  }
0xa3: {  	[sflag:s23] =	ssyncset.done $0x0  }
0xa4: {  	s25 =	simm.s32 $0x1B8E;
	s24 =	sld [smem:$0x3FFE];
	[sflag:s23] =	ssyncadd.s32 $0xFFFFFFFF  }
0xa5: {  	s26 =	simm.s32 $execute0_lowered;
	[smem:$0x3FD2] =	sst s25  }
0xa6: {  	s5 =	sshll.u32 s26, $0x1;
	_ =	strace $0x80000046;
	[dreg:$0x1] =	wrdreg $0xFFFFFFFF  }
0xa7: {  	s28 =	simm.s32 $_size_execute0_lowered;
	s3 =	sadd.s32 s3, s5;
	[dreg:$0x0] =	wrdreg $0x0  }
0xa8: {  	s5 =	sshll.u32 s28, $0x1;
	[dreg:$0x2] =	wrdreg s3  }
0xa9: {  	[dreg:$0x3] =	wrdreg s5  }
0xaa: {  	[dreg:$0x4] =	wrdreg $0xC0  }
0xab: {  	_ =	task [dreg:s7], $0x5FFFF  }
0xac: {  	[dreg:$0x1] =	wrdreg $0xFFFFFFFF  }
0xad: {  	[dreg:$0x0] =	wrdreg $0x60  }
0xae: {  	[dreg:$0x2] =	wrdreg s2  }
0xaf: {  	[dreg:$0x3] =	wrdreg s24  }
0xb0: {  	[dreg:$0x4] =	wrdreg $0x9  }
0xb1: {  	_ =	task.clear_ibuf [dreg:s7], $0x5FFFF;
	_ =	strace $0x90000046  }
0xb2: {  	s29 =	simm.s32 $0x9;
	_ =	strace $0x80000048  }
0xb3: {  	_ =	swait.ge [sflag:s29], $0x1  }
0xb4: {  	[sflag:s29] =	ssyncadd.s32 $0xFFFFFFFF  }
0xb5: {  	_ =	strace $0x90000048  }
0xb6: {  	_ =	sfence  }
0xb7: {  	s30 =	sld [smem:$0x0];
	_ =	sdelay $0x2  }
0xb8: {  	s31 =	sshll.u32 s1, $0xD;
	s1 =	sshrl.u32 s1, $0x2  }
0xb9: {  	s3 =	sand.u32 $0x4000, s31;
	s1 =	sadd.s32 s1, s30  }
0xba: {  	s0 =	sor.u32 s3, s0;
	s1 =	sshll.u32 s1, $0x11  }
0xbb: {  	s0 =	sor.u32 s1, s0  }
0xbc: {  	s0 =	sadd.s32 $0x8F2B, s0  }
0xbd: {  	[sflag:s0] =	ssyncadd.remote.s32 $0x1  }
0xbe: {  	_ =	sfence.sel $0xFFFF  }
0xbf: {  	[dreg:$0x0] =	wrdreg $0xFFFFFFFF;
	(pc) =	sbr.abs _section_cstart, $3  }
0xc0: {  	[dreg:$0x1] =	wrdreg $0xFFFFFFFF  }
0xc1: {  	_ =	task.clear_ibuf [dreg:s7], $0x2FFFF;
	_ =	strace $0x9FFFFFFF  }
0xc2: {  	(tm) =	ssettm $0x7FFFFFFF  }
0xc3: {  	_ =	shalt  }
tec
execute0_lowered:
.L_overlay_start_1:
0x0: {  	(tag) =	ssettag $0x1  }
0x1: {  	s2 =	rddreg [dreg:$0x0]  }
0x2: {  	s0 =	rddreg [dreg:$0x1]  }
0x3: {  	s30 =	rddreg [dreg:$0x2];
	s1 =	simm.s32 $0x0  }
0x4: {  	s3 =	simm.s32 $0x400;
	[smem:$0x7FF] =	sst s1  }
0x5: {  	s15 =	simm.s32 $0x800;
	_ =	strace $0x80000047;
	[dreg:$0x3] =	wrdreg s3  }
0x6: {  	s16 =	simm.s32 $0xC00;
	[dreg:$0x4] =	wrdreg s15  }
0x7: {  	s17 =	simm.s32 $0x1000;
	[dreg:$0x5] =	wrdreg s16  }
0x8: {  	s18 =	simm.s32 $0x1400;
	[dreg:$0x6] =	wrdreg s17  }
0x9: {  	s19 =	simm.s32 $0x1800;
	[dreg:$0x7] =	wrdreg s18  }
0xa: {  	s20 =	simm.s32 $0x1C00;
	[dreg:$0x8] =	wrdreg s19  }
0xb: {  	s21 =	simm.s32 $0x80;
	[dreg:$0x9] =	wrdreg s20  }
0xc: {  	s22 =	simm.s32 $0x480;
	[dreg:$0xa] =	wrdreg s21  }
0xd: {  	s23 =	simm.s32 $0x880;
	[dreg:$0xb] =	wrdreg s22  }
0xe: {  	s24 =	simm.s32 $0xC80;
	[dreg:$0xc] =	wrdreg s23  }
0xf: {  	s25 =	simm.s32 $0x1080;
	[dreg:$0xd] =	wrdreg s24  }
0x10: {  	s26 =	simm.s32 $0x1480;
	[dreg:$0xe] =	wrdreg s25  }
0x11: {  	s4 =	simm.s32 $0x1880;
	[dreg:$0xf] =	wrdreg s26  }
0x12: {  	s5 =	simm.s32 $0x1C80;
	[dreg:$0x10] =	wrdreg s4  }
0x13: {  	s6 =	simm.s32 $0x100;
	[dreg:$0x11] =	wrdreg s5  }
0x14: {  	s7 =	simm.s32 $0x500;
	[dreg:$0x12] =	wrdreg s6  }
0x15: {  	s8 =	simm.s32 $0x900;
	[dreg:$0x13] =	wrdreg s7  }
0x16: {  	s9 =	simm.s32 $0xD00;
	[dreg:$0x14] =	wrdreg s8  }
0x17: {  	s10 =	simm.s32 $0x1100;
	[dreg:$0x15] =	wrdreg s9  }
0x18: {  	s11 =	simm.s32 $0x1500;
	[dreg:$0x16] =	wrdreg s10  }
0x19: {  	s12 =	simm.s32 $0x1900;
	[dreg:$0x17] =	wrdreg s11  }
0x1a: {  	s13 =	simm.s32 $0x1D00;
	[dreg:$0x18] =	wrdreg s12  }
0x1b: {  	s14 =	simm.s32 $0x180;
	[dreg:$0x19] =	wrdreg s13  }
0x1c: {  	[dreg:$0x1a] =	wrdreg s14;
	s15 =	simm.s32 $0x580  }
0x1d: {  	s16 =	simm.s32 $0x980;
	[dreg:$0x1b] =	wrdreg s15  }
0x1e: {  	s17 =	simm.s32 $0xD80;
	[dreg:$0x1c] =	wrdreg s16  }
0x1f: {  	s18 =	simm.s32 $0x1180;
	[dreg:$0x1d] =	wrdreg s17  }
0x20: {  	s19 =	simm.s32 $0x1580;
	[dreg:$0x1e] =	wrdreg s18  }
0x21: {  	s20 =	simm.s32 $0x1980;
	[dreg:$0x1f] =	wrdreg s19  }
0x22: {  	s21 =	simm.s32 $0x1D80;
	[smem:$0x71E] =	sst s20  }
0x23: {  	s22 =	simm.s32 $0x200;
	[smem:$0x71F] =	sst s21  }
0x24: {  	s23 =	simm.s32 $0x600;
	[smem:$0x720] =	sst s22  }
0x25: {  	s24 =	simm.s32 $0xA00;
	[smem:$0x721] =	sst s23  }
0x26: {  	s25 =	simm.s32 $0xE00;
	[smem:$0x722] =	sst s24  }
0x27: {  	s26 =	simm.s32 $0x1200;
	[smem:$0x723] =	sst s25  }
0x28: {  	s4 =	simm.s32 $0x1600;
	[smem:$0x724] =	sst s26  }
0x29: {  	s5 =	simm.s32 $0x1A00;
	[smem:$0x725] =	sst s4  }
0x2a: {  	s6 =	simm.s32 $0x1E00;
	[smem:$0x726] =	sst s5  }
0x2b: {  	s7 =	simm.s32 $0x280;
	[smem:$0x727] =	sst s6  }
0x2c: {  	s8 =	simm.s32 $0x680;
	[smem:$0x728] =	sst s7  }
0x2d: {  	s9 =	simm.s32 $0xA80;
	[smem:$0x729] =	sst s8  }
0x2e: {  	s10 =	simm.s32 $0xE80;
	[smem:$0x72A] =	sst s9  }
0x2f: {  	s11 =	simm.s32 $0x1280;
	[smem:$0x72B] =	sst s10  }
0x30: {  	s12 =	simm.s32 $0x1680;
	[smem:$0x72C] =	sst s11  }
0x31: {  	s13 =	simm.s32 $0x1A80;
	[smem:$0x72D] =	sst s12  }
0x32: {  	s14 =	simm.s32 $0x1E80;
	[smem:$0x72E] =	sst s13  }
0x33: {  	s3 =	simm.s32 $0x6B00;
	[smem:$0x72F] =	sst s14  }
0x34: {  	s15 =	simm.s32 $0x300;
	[smem:$0x7FA] =	sst s3  }
0x35: {  	s16 =	simm.s32 $0x700;
	[smem:$0x730] =	sst s15  }
0x36: {  	s17 =	simm.s32 $0xB00;
	[smem:$0x731] =	sst s16  }
0x37: {  	s18 =	simm.s32 $0xF00;
	[smem:$0x732] =	sst s17  }
0x38: {  	s19 =	simm.s32 $0x1300;
	[smem:$0x733] =	sst s18  }
0x39: {  	s20 =	simm.s32 $0x1700;
	[smem:$0x734] =	sst s19  }
0x3a: {  	s21 =	simm.s32 $0x1B00;
	[smem:$0x735] =	sst s20  }
0x3b: {  	s22 =	simm.s32 $0x1F00;
	[smem:$0x736] =	sst s21  }
0x3c: {  	s23 =	simm.s32 $0x380;
	[smem:$0x737] =	sst s22  }
0x3d: {  	s24 =	simm.s32 $0x780;
	[smem:$0x738] =	sst s23  }
0x3e: {  	s25 =	simm.s32 $0xB80;
	[smem:$0x739] =	sst s24  }
0x3f: {  	s26 =	simm.s32 $0xF80;
	[smem:$0x73A] =	sst s25  }
0x40: {  	s4 =	simm.s32 $0x1380;
	[smem:$0x73B] =	sst s26  }
0x41: {  	s5 =	simm.s32 $0x1780;
	[smem:$0x73C] =	sst s4  }
0x42: {  	s6 =	simm.s32 $0x1B80;
	[smem:$0x73D] =	sst s5  }
0x43: {  	s7 =	simm.s32 $0x1F80;
	[smem:$0x73E] =	sst s6  }
0x44: {  	s8 =	simm.s32 $0x2000;
	[smem:$0x73F] =	sst s7  }
0x45: {  	s9 =	simm.s32 $0x2400;
	[smem:$0x740] =	sst s8  }
0x46: {  	s10 =	simm.s32 $0x2800;
	[smem:$0x741] =	sst s9  }
0x47: {  	s11 =	simm.s32 $0x2C00;
	[smem:$0x742] =	sst s10  }
0x48: {  	s12 =	simm.s32 $0x3000;
	[smem:$0x743] =	sst s11  }
0x49: {  	s13 =	simm.s32 $0x3400;
	[smem:$0x744] =	sst s12  }
0x4a: {  	s14 =	simm.s32 $0x3800;
	[smem:$0x745] =	sst s13  }
0x4b: {  	[smem:$0x746] =	sst s14;
	s15 =	simm.s32 $0x3C00  }
0x4c: {  	s16 =	simm.s32 $0x2080;
	[smem:$0x747] =	sst s15  }
0x4d: {  	s17 =	simm.s32 $0x2480;
	[smem:$0x748] =	sst s16  }
0x4e: {  	s18 =	simm.s32 $0x2880;
	[smem:$0x749] =	sst s17  }
0x4f: {  	s19 =	simm.s32 $0x2C80;
	[smem:$0x74A] =	sst s18  }
0x50: {  	s20 =	simm.s32 $0x3080;
	[smem:$0x74B] =	sst s19  }
0x51: {  	s21 =	simm.s32 $0x3480;
	[smem:$0x74C] =	sst s20  }
0x52: {  	s22 =	simm.s32 $0x3880;
	[smem:$0x74D] =	sst s21  }
0x53: {  	s23 =	simm.s32 $0x3C80;
	[smem:$0x74E] =	sst s22  }
0x54: {  	s24 =	simm.s32 $0x2100;
	[smem:$0x74F] =	sst s23  }
0x55: {  	s25 =	simm.s32 $0x2500;
	[smem:$0x750] =	sst s24  }
0x56: {  	s26 =	simm.s32 $0x2900;
	[smem:$0x751] =	sst s25  }
0x57: {  	s4 =	simm.s32 $0x2D00;
	[smem:$0x752] =	sst s26  }
0x58: {  	s5 =	simm.s32 $0x3100;
	[smem:$0x753] =	sst s4  }
0x59: {  	s6 =	simm.s32 $0x3500;
	[smem:$0x754] =	sst s5  }
0x5a: {  	s7 =	simm.s32 $0x3900;
	[smem:$0x755] =	sst s6  }
0x5b: {  	s8 =	simm.s32 $0x3D00;
	[smem:$0x756] =	sst s7  }
0x5c: {  	s9 =	simm.s32 $0x2180;
	[smem:$0x757] =	sst s8  }
0x5d: {  	s10 =	simm.s32 $0x2580;
	[smem:$0x758] =	sst s9  }
0x5e: {  	s11 =	simm.s32 $0x2980;
	[smem:$0x759] =	sst s10  }
0x5f: {  	s12 =	simm.s32 $0x2D80;
	[smem:$0x75A] =	sst s11  }
0x60: {  	s13 =	simm.s32 $0x3180;
	[smem:$0x75B] =	sst s12  }
0x61: {  	s14 =	simm.s32 $0x3580;
	[smem:$0x75C] =	sst s13  }
0x62: {  	[smem:$0x75D] =	sst s14;
	s15 =	simm.s32 $0x3980  }
0x63: {  	s16 =	simm.s32 $0x3D80;
	[smem:$0x75E] =	sst s15  }
0x64: {  	s17 =	simm.s32 $0x2200;
	[smem:$0x75F] =	sst s16  }
0x65: {  	s18 =	simm.s32 $0x2600;
	[smem:$0x760] =	sst s17  }
0x66: {  	s19 =	simm.s32 $0x2A00;
	[smem:$0x761] =	sst s18  }
0x67: {  	s20 =	simm.s32 $0x2E00;
	[smem:$0x762] =	sst s19  }
0x68: {  	s21 =	simm.s32 $0x3200;
	[smem:$0x763] =	sst s20  }
0x69: {  	s22 =	simm.s32 $0x3600;
	[smem:$0x764] =	sst s21  }
0x6a: {  	s23 =	simm.s32 $0x3A00;
	[smem:$0x765] =	sst s22  }
0x6b: {  	s24 =	simm.s32 $0x3E00;
	[smem:$0x766] =	sst s23  }
0x6c: {  	s25 =	simm.s32 $0x2280;
	[smem:$0x767] =	sst s24  }
0x6d: {  	s26 =	simm.s32 $0x2680;
	[smem:$0x768] =	sst s25  }
0x6e: {  	s4 =	simm.s32 $0x2A80;
	[smem:$0x769] =	sst s26  }
0x6f: {  	s5 =	simm.s32 $0x2E80;
	[smem:$0x76A] =	sst s4  }
0x70: {  	s6 =	simm.s32 $0x3280;
	[smem:$0x76B] =	sst s5  }
0x71: {  	s7 =	simm.s32 $0x3680;
	[smem:$0x76C] =	sst s6  }
0x72: {  	s8 =	simm.s32 $0x3A80;
	[smem:$0x76D] =	sst s7  }
0x73: {  	s9 =	simm.s32 $0x3E80;
	[smem:$0x76E] =	sst s8  }
0x74: {  	s10 =	simm.s32 $0x2300;
	[smem:$0x76F] =	sst s9  }
0x75: {  	s11 =	simm.s32 $0x2700;
	[smem:$0x770] =	sst s10  }
0x76: {  	s12 =	simm.s32 $0x2B00;
	[smem:$0x771] =	sst s11  }
0x77: {  	s13 =	simm.s32 $0x2F00;
	[smem:$0x772] =	sst s12  }
0x78: {  	s14 =	simm.s32 $0x3300;
	[smem:$0x773] =	sst s13  }
0x79: {  	[smem:$0x774] =	sst s14;
	s15 =	simm.s32 $0x3700  }
0x7a: {  	s16 =	simm.s32 $0x3B00;
	[smem:$0x775] =	sst s15  }
0x7b: {  	s17 =	simm.s32 $0x3F00;
	[smem:$0x776] =	sst s16  }
0x7c: {  	s18 =	simm.s32 $0x2380;
	[smem:$0x777] =	sst s17  }
0x7d: {  	s19 =	simm.s32 $0x2780;
	[smem:$0x778] =	sst s18  }
0x7e: {  	s20 =	simm.s32 $0x2B80;
	[smem:$0x779] =	sst s19  }
0x7f: {  	s21 =	simm.s32 $0x2F80;
	[smem:$0x77A] =	sst s20  }
0x80: {  	s22 =	simm.s32 $0x3380;
	[smem:$0x77B] =	sst s21  }
0x81: {  	s23 =	simm.s32 $0x3780;
	[smem:$0x77C] =	sst s22  }
0x82: {  	s24 =	simm.s32 $0x3B80;
	[smem:$0x77D] =	sst s23  }
0x83: {  	s25 =	simm.s32 $0x3F80;
	[smem:$0x77E] =	sst s24  }
0x84: {  	s26 =	simm.s32 $0x4000;
	[smem:$0x77F] =	sst s25  }
0x85: {  	s4 =	simm.s32 $0x4400;
	[smem:$0x780] =	sst s26  }
0x86: {  	s5 =	simm.s32 $0x4800;
	[smem:$0x781] =	sst s4  }
0x87: {  	s6 =	simm.s32 $0x4C00;
	[smem:$0x782] =	sst s5  }
0x88: {  	s7 =	simm.s32 $0x5000;
	[smem:$0x783] =	sst s6  }
0x89: {  	s8 =	simm.s32 $0x5400;
	[smem:$0x784] =	sst s7  }
0x8a: {  	s9 =	simm.s32 $0x5800;
	[smem:$0x785] =	sst s8  }
0x8b: {  	s10 =	simm.s32 $0x5C00;
	[smem:$0x786] =	sst s9  }
0x8c: {  	s11 =	simm.s32 $0x4080;
	[smem:$0x787] =	sst s10  }
0x8d: {  	s12 =	simm.s32 $0x4480;
	[smem:$0x788] =	sst s11  }
0x8e: {  	s13 =	simm.s32 $0x4880;
	[smem:$0x789] =	sst s12  }
0x8f: {  	s14 =	simm.s32 $0x4C80;
	[smem:$0x78A] =	sst s13  }
0x90: {  	[smem:$0x78B] =	sst s14;
	s15 =	simm.s32 $0x5080  }
0x91: {  	s16 =	simm.s32 $0x5480;
	[smem:$0x78C] =	sst s15  }
0x92: {  	s17 =	simm.s32 $0x5880;
	[smem:$0x78D] =	sst s16  }
0x93: {  	s18 =	simm.s32 $0x5C80;
	[smem:$0x78E] =	sst s17  }
0x94: {  	s19 =	simm.s32 $0x4100;
	[smem:$0x78F] =	sst s18  }
0x95: {  	s20 =	simm.s32 $0x4500;
	[smem:$0x790] =	sst s19  }
0x96: {  	s21 =	simm.s32 $0x4900;
	[smem:$0x791] =	sst s20  }
0x97: {  	s22 =	simm.s32 $0x4D00;
	[smem:$0x792] =	sst s21  }
0x98: {  	s23 =	simm.s32 $0x5100;
	[smem:$0x793] =	sst s22  }
0x99: {  	s24 =	simm.s32 $0x5500;
	[smem:$0x794] =	sst s23  }
0x9a: {  	s25 =	simm.s32 $0x5900;
	[smem:$0x795] =	sst s24  }
0x9b: {  	s26 =	simm.s32 $0x5D00;
	[smem:$0x796] =	sst s25  }
0x9c: {  	s4 =	simm.s32 $0x4180;
	[smem:$0x797] =	sst s26  }
0x9d: {  	s5 =	simm.s32 $0x4580;
	[smem:$0x798] =	sst s4  }
0x9e: {  	s6 =	simm.s32 $0x4980;
	[smem:$0x799] =	sst s5  }
0x9f: {  	s7 =	simm.s32 $0x4D80;
	[smem:$0x79A] =	sst s6  }
0xa0: {  	s8 =	simm.s32 $0x5180;
	[smem:$0x79B] =	sst s7  }
0xa1: {  	s9 =	simm.s32 $0x5580;
	[smem:$0x79C] =	sst s8  }
0xa2: {  	s10 =	simm.s32 $0x5980;
	[smem:$0x79D] =	sst s9  }
0xa3: {  	s11 =	simm.s32 $0x5D80;
	[smem:$0x79E] =	sst s10  }
0xa4: {  	s12 =	simm.s32 $0x4200;
	[smem:$0x79F] =	sst s11  }
0xa5: {  	s13 =	simm.s32 $0x4600;
	[smem:$0x7A0] =	sst s12  }
0xa6: {  	s14 =	simm.s32 $0x4A00;
	[smem:$0x7A1] =	sst s13  }
0xa7: {  	[smem:$0x7A2] =	sst s14;
	s15 =	simm.s32 $0x4E00  }
0xa8: {  	s16 =	simm.s32 $0x5200;
	[smem:$0x7A3] =	sst s15  }
0xa9: {  	s17 =	simm.s32 $0x5600;
	[smem:$0x7A4] =	sst s16  }
0xaa: {  	s18 =	simm.s32 $0x5A00;
	[smem:$0x7A5] =	sst s17  }
0xab: {  	s19 =	simm.s32 $0x5E00;
	[smem:$0x7A6] =	sst s18  }
0xac: {  	s20 =	simm.s32 $0x4280;
	[smem:$0x7A7] =	sst s19  }
0xad: {  	s21 =	simm.s32 $0x4680;
	[smem:$0x7A8] =	sst s20  }
0xae: {  	s22 =	simm.s32 $0x4A80;
	[smem:$0x7A9] =	sst s21  }
0xaf: {  	s23 =	simm.s32 $0x4E80;
	[smem:$0x7AA] =	sst s22  }
0xb0: {  	s24 =	simm.s32 $0x5280;
	[smem:$0x7AB] =	sst s23  }
0xb1: {  	s25 =	simm.s32 $0x5680;
	[smem:$0x7AC] =	sst s24  }
0xb2: {  	s26 =	simm.s32 $0x5A80;
	[smem:$0x7AD] =	sst s25  }
0xb3: {  	s4 =	simm.s32 $0x5E80;
	[smem:$0x7AE] =	sst s26  }
0xb4: {  	s5 =	simm.s32 $0x4300;
	[smem:$0x7AF] =	sst s4  }
0xb5: {  	s6 =	simm.s32 $0x4700;
	[smem:$0x7B0] =	sst s5  }
0xb6: {  	s7 =	simm.s32 $0x4B00;
	[smem:$0x7B1] =	sst s6  }
0xb7: {  	s8 =	simm.s32 $0x4F00;
	[smem:$0x7B2] =	sst s7  }
0xb8: {  	s9 =	simm.s32 $0x5300;
	[smem:$0x7B3] =	sst s8  }
0xb9: {  	s10 =	simm.s32 $0x5700;
	[smem:$0x7B4] =	sst s9  }
0xba: {  	s11 =	simm.s32 $0x5B00;
	[smem:$0x7B5] =	sst s10  }
0xbb: {  	s12 =	simm.s32 $0x5F00;
	[smem:$0x7B6] =	sst s11  }
0xbc: {  	s13 =	simm.s32 $0x4380;
	[smem:$0x7B7] =	sst s12  }
0xbd: {  	s14 =	simm.s32 $0x4780;
	[smem:$0x7B8] =	sst s13  }
0xbe: {  	[smem:$0x7B9] =	sst s14;
	s15 =	simm.s32 $0x4B80  }
0xbf: {  	s16 =	simm.s32 $0x4F80;
	[smem:$0x7BA] =	sst s15  }
0xc0: {  	s17 =	simm.s32 $0x5380;
	[smem:$0x7BB] =	sst s16  }
0xc1: {  	s18 =	simm.s32 $0x5780;
	[smem:$0x7BC] =	sst s17  }
0xc2: {  	s19 =	simm.s32 $0x5B80;
	[smem:$0x7BD] =	sst s18  }
0xc3: {  	s20 =	simm.s32 $0x5F80;
	[smem:$0x7BE] =	sst s19  }
0xc4: {  	s21 =	simm.s32 $0x6000;
	[smem:$0x7BF] =	sst s20  }
0xc5: {  	s22 =	simm.s32 $0x6400;
	[smem:$0x7C0] =	sst s21  }
0xc6: {  	s23 =	simm.s32 $0x6800;
	[smem:$0x7C1] =	sst s22  }
0xc7: {  	s24 =	simm.s32 $0x6C00;
	[smem:$0x7C2] =	sst s23  }
0xc8: {  	s25 =	simm.s32 $0x7000;
	[smem:$0x7C3] =	sst s24  }
0xc9: {  	s26 =	simm.s32 $0x7400;
	[smem:$0x7C4] =	sst s25  }
0xca: {  	s4 =	simm.s32 $0x7800;
	[smem:$0x7C5] =	sst s26  }
0xcb: {  	s5 =	simm.s32 $0x7C00;
	[smem:$0x7C6] =	sst s4  }
0xcc: {  	s6 =	simm.s32 $0x6080;
	[smem:$0x7C7] =	sst s5  }
0xcd: {  	s7 =	simm.s32 $0x6480;
	[smem:$0x7C8] =	sst s6  }
0xce: {  	s8 =	simm.s32 $0x6880;
	[smem:$0x7C9] =	sst s7  }
0xcf: {  	s9 =	simm.s32 $0x6C80;
	[smem:$0x7CA] =	sst s8  }
0xd0: {  	s10 =	simm.s32 $0x7080;
	[smem:$0x7CB] =	sst s9  }
0xd1: {  	s11 =	simm.s32 $0x7480;
	[smem:$0x7CC] =	sst s10  }
0xd2: {  	s12 =	simm.s32 $0x7880;
	[smem:$0x7CD] =	sst s11  }
0xd3: {  	s13 =	simm.s32 $0x7C80;
	[smem:$0x7CE] =	sst s12  }
0xd4: {  	s14 =	simm.s32 $0x6100;
	[smem:$0x7CF] =	sst s13  }
0xd5: {  	[smem:$0x7D0] =	sst s14;
	s15 =	simm.s32 $0x6500  }
0xd6: {  	s16 =	simm.s32 $0x6900;
	[smem:$0x7D1] =	sst s15  }
0xd7: {  	s17 =	simm.s32 $0x6D00;
	[smem:$0x7D2] =	sst s16  }
0xd8: {  	s18 =	simm.s32 $0x7100;
	[smem:$0x7D3] =	sst s17  }
0xd9: {  	s19 =	simm.s32 $0x7500;
	[smem:$0x7D4] =	sst s18  }
0xda: {  	s20 =	simm.s32 $0x7900;
	[smem:$0x7D5] =	sst s19  }
0xdb: {  	s21 =	simm.s32 $0x7D00;
	[smem:$0x7D6] =	sst s20  }
0xdc: {  	s22 =	simm.s32 $0x6180;
	[smem:$0x7D7] =	sst s21  }
0xdd: {  	s23 =	simm.s32 $0x6580;
	[smem:$0x7D8] =	sst s22  }
0xde: {  	s24 =	simm.s32 $0x6980;
	[smem:$0x7D9] =	sst s23  }
0xdf: {  	s25 =	simm.s32 $0x6D80;
	[smem:$0x7DA] =	sst s24  }
0xe0: {  	s26 =	simm.s32 $0x7180;
	[smem:$0x7DB] =	sst s25  }
0xe1: {  	s4 =	simm.s32 $0x7580;
	[smem:$0x7DC] =	sst s26  }
0xe2: {  	s5 =	simm.s32 $0x7980;
	[smem:$0x7DD] =	sst s4  }
0xe3: {  	s6 =	simm.s32 $0x7D80;
	[smem:$0x7DE] =	sst s5  }
0xe4: {  	s7 =	simm.s32 $0x6200;
	[smem:$0x7DF] =	sst s6  }
0xe5: {  	s8 =	simm.s32 $0x6600;
	[smem:$0x7E0] =	sst s7  }
0xe6: {  	s9 =	simm.s32 $0x6A00;
	[smem:$0x7E1] =	sst s8  }
0xe7: {  	s11 =	simm.s32 $0x7200;
	[smem:$0x7E2] =	sst s9  }
0xe8: {  	s12 =	simm.s32 $0x7600;
	[smem:$0x7E4] =	sst s11  }
0xe9: {  	s13 =	simm.s32 $0x7A00;
	[smem:$0x7E5] =	sst s12  }
0xea: {  	s14 =	simm.s32 $0x7E00;
	[smem:$0x7E6] =	sst s13  }
0xeb: {  	s5 =	simm.s32 $0x6E00;
	[smem:$0x7E7] =	sst s14  }
0xec: {  	s15 =	simm.s32 $0x6280;
	[smem:$0x7E3] =	sst s5  }
0xed: {  	s16 =	simm.s32 $0x6680;
	[smem:$0x7E8] =	sst s15  }
0xee: {  	s17 =	simm.s32 $0x6A80;
	[smem:$0x7E9] =	sst s16  }
0xef: {  	s19 =	simm.s32 $0x6E80;
	[smem:$0x7EA] =	sst s17  }
0xf0: {  	s20 =	simm.s32 $0x7280;
	[smem:$0x7EB] =	sst s19  }
0xf1: {  	s21 =	simm.s32 $0x7680;
	[smem:$0x7EC] =	sst s20  }
0xf2: {  	p0 =	por $0x0, $0x0;
	s22 =	simm.s32 $0x7A80;
	[smem:$0x7ED] =	sst s21  }
0xf3: {  	s29 =	simm.s32 $0x2;
	s23 =	simm.s32 $0x6700;
	[smem:$0x7EE] =	sst s22  }
0xf4: {  	s31 =	simm.s32 $0x7F80;
	s24 =	simm.s32 $0x6F00;
	[smem:$0x7EF] =	sst s23  }
0xf5: {  	s10 =	stileid.u32;
	s8 =	simm.s32 $0x7700;
	[smem:$0x7F0] =	sst s24  }
0xf6: {  	s6 =	sshll.u32 s10, $0x11;
	s10 =	simm.s32 $0x7F00;
	[smem:$0x7F1] =	sst s8  }
0xf7: {  	s28 =	sadd.s32 $0x70, s2;
	s11 =	simm.s32 $0x6780;
	[smem:$0x7F2] =	sst s10  }
0xf8: {  	s4 =	srdreg.scid;
	s12 =	simm.s32 $0x7380;
	[smem:$0x7F3] =	sst s11  }
0xf9: {  	s14 =	simm.s32 $0x6F80;
	s25 =	simm.s32 $0x7B00;
	[smem:$0x7F4] =	sst s12  }
0xfa: {  	s26 =	simm.s32 $0x7300;
	s4 =	sand.u32 $0x1, s4;
	[smem:$0x7F5] =	sst s14  }
0xfb: {  	s16 =	simm.s32 $0x6B80;
	s17 =	simm.s32 $0x6380;
	[smem:$0x7F8] =	sst s25  }
0xfc: {  	s19 =	sadd.s32 $0x20, s2;
	s20 =	sadd.s32 $0x30, s2;
	[smem:$0x7F9] =	sst s26  }
0xfd: {  	s22 =	sadd.s32 $0x40, s2;
	s21 =	simm.s32 $0x6300;
	[smem:$0x7F6] =	sst s16  }
0xfe: {  	s25 =	sadd.s32 $0x50, s2;
	s23 =	simm.s32 $0x7E80;
	[smem:$0x7F7] =	sst s17  }
0xff: {  	s26 =	sadd.s32 $0x60, s2;
	s24 =	simm.s32 $0x7780;
	[smem:$0x7FB] =	sst s21  }
0x100: {  	s7 =	sshll.u32 s4, $0x10;
	s4 =	ssub.s32 $0x2, s4;
	[smem:$0x7FC] =	sst s23  }
0x101: {  	[smem:$0x7FD] =	sst s24;
	s6 =	sor.u32 s7, s6;
	s18 =	sshrl.u32 s4, $0x1  }
0x102: {  	s0 =	sadd.s32 s6, s0;
	s4 =	ssub.s32 s4, s18;
	s18 =	sadd.s32 $0x10, s2  }
0x103: {  	s13 =	sadd.s32 $0x800, s0;
	s15 =	sadd.s32 $0x1800, s0;
	s4 =	smax.u32 s4, $0x1  }
0x104: {  	s7 =	sadd.s32 $0x5800, s0;
	s9 =	sadd.s32 $0x6800, s0;
	p1 =	sne.s32 s4, $0x1  }
.Ltmp0:
0x105: {  	s5 =	sadd.s32 $0x9800, s0;
	s6 =	sadd.s32 $0xA800, s0;
	(pc) =	sbr.rel @!p1 .LBB2_5-.Ltmp0, $4  }
0x106: {  	s8 =	sadd.s32 $0xB800, s0;
	s10 =	sadd.s32 $0xC800, s0;
	s11 =	sadd.s32 $0xD800, s0  }
0x107: {  	s12 =	sadd.s32 $0xE800, s0;
	s14 =	sadd.s32 $0xF800, s0;
	s16 =	sadd.s32 $0x8800, s0  }
0x108: {  	s17 =	sadd.s32 $0x7800, s0;
	s24 =	sadd.s32 $0x2800, s0;
	s23 =	sadd.s32 $0x3800, s0  }
0x109: {  	s21 =	sadd.s32 $0x4800, s0;
	s0 =	sadd.s32 $0xFFFFFFFF, s4;
	s4 =	simm.s32 $0x1  }
0x10a: {  	[tilespmem:s1], [sflag:$0x2] =	stream.linear.gather [hbm4b:s2+s1], $0x80, $0x38;
	[tilespmem:$0x8000] =	vst v63  }
0x10b: {  	s3 =	rddreg [dreg:$0x3]  }
0x10c: {  	[tilespmem:s3], [sflag:$0x2] =	stream.linear.gather [hbm4b:s18+s1], $0x80, $0x38;
	[tilespmem:$0x8000] =	vst v63  }
0x10d: {  	s30 =	smov.u32 s0;
	s0 =	rddreg [dreg:$0x4]  }
0x10e: {  	[tilespmem:s0], [sflag:$0x2] =	stream.linear.gather [hbm4b:s19+s1], $0x80, $0x38;
	[tilespmem:$0x8000] =	vst v63  }
0x10f: {  	s3 =	rddreg [dreg:$0x5]  }
0x110: {  	[tilespmem:s3], [sflag:$0x2] =	stream.linear.gather [hbm4b:s20+s1], $0x80, $0x38;
	[tilespmem:$0x8000] =	vst v63  }
0x111: {  	s0 =	rddreg [dreg:$0x6]  }
0x112: {  	[tilespmem:s0], [sflag:$0x2] =	stream.linear.gather [hbm4b:s22+s1], $0x80, $0x38;
	[tilespmem:$0x8000] =	vst v63  }
0x113: {  	s3 =	rddreg [dreg:$0x7]  }
0x114: {  	[tilespmem:s3], [sflag:$0x2] =	stream.linear.gather [hbm4b:s25+s1], $0x80, $0x38;
	[tilespmem:$0x8000] =	vst v63  }
0x115: {  	s0 =	rddreg [dreg:$0x8]  }
0x116: {  	[tilespmem:s0], [sflag:$0x2] =	stream.linear.gather [hbm4b:s26+s1], $0x80, $0x38;
	[tilespmem:$0x8000] =	vst v63  }
0x117: {  	s3 =	rddreg [dreg:$0x9]  }
0x118: {  	[tilespmem:s3], [sflag:$0x2] =	stream.linear.gather [hbm4b:s28+s1], $0x80, $0x38;
	[tilespmem:$0x8000] =	vst v63  }
0x119: {  	_ =	swait.ge [sflag:s29], $0x400  }
0x11a: {  	[sflag:s29] =	ssyncset.done $0x0  }
0x11b: {  	s0 =	rddreg [dreg:$0xa];
	[sflag:s29] =	ssyncadd.s32 $0xFFFFFC00  }
0x11c: {  	[tilespmem:s0], [sflag:$0x2] =	stream.linear.gather [hbm4b:s2+s1], $0x80, $0x38;
	[tilespmem:$0x8000] =	vst v63  }
0x11d: {  	s3 =	rddreg [dreg:$0xb]  }
0x11e: {  	[tilespmem:s3], [sflag:$0x2] =	stream.linear.gather [hbm4b:s18+s1], $0x80, $0x38;
	[tilespmem:$0x8000] =	vst v63  }
0x11f: {  	s0 =	rddreg [dreg:$0xc]  }
0x120: {  	[tilespmem:s0], [sflag:$0x2] =	stream.linear.gather [hbm4b:s19+s1], $0x80, $0x38;
	[tilespmem:$0x8000] =	vst v63  }
0x121: {  	s3 =	rddreg [dreg:$0xd]  }
0x122: {  	[tilespmem:s3], [sflag:$0x2] =	stream.linear.gather [hbm4b:s20+s1], $0x80, $0x38;
	[tilespmem:$0x8000] =	vst v63  }
0x123: {  	s0 =	rddreg [dreg:$0xe]  }
0x124: {  	[tilespmem:s0], [sflag:$0x2] =	stream.linear.gather [hbm4b:s22+s1], $0x80, $0x38;
	[tilespmem:$0x8000] =	vst v63  }
0x125: {  	s3 =	rddreg [dreg:$0xf]  }
0x126: {  	[tilespmem:s3], [sflag:$0x2] =	stream.linear.gather [hbm4b:s25+s1], $0x80, $0x38;
	[tilespmem:$0x8000] =	vst v63  }
0x127: {  	s0 =	rddreg [dreg:$0x10]  }
0x128: {  	[tilespmem:s0], [sflag:$0x2] =	stream.linear.gather [hbm4b:s26+s1], $0x80, $0x38;
	[tilespmem:$0x8000] =	vst v63  }
0x129: {  	s3 =	rddreg [dreg:$0x11]  }
0x12a: {  	[tilespmem:s3], [sflag:$0x2] =	stream.linear.gather [hbm4b:s28+s1], $0x80, $0x38;
	[tilespmem:$0x8000] =	vst v63  }
0x12b: {  	_ =	swait.ge [sflag:s29], $0x400  }
0x12c: {  	[sflag:s29] =	ssyncset.done $0x0  }
0x12d: {  	s0 =	rddreg [dreg:$0x12];
	[sflag:s29] =	ssyncadd.s32 $0xFFFFFC00  }
0x12e: {  	[tilespmem:s0], [sflag:$0x2] =	stream.linear.gather [hbm4b:s2+s1], $0x80, $0x38;
	[tilespmem:$0x8000] =	vst v63  }
0x12f: {  	s3 =	rddreg [dreg:$0x13]  }
0x130: {  	[tilespmem:s3], [sflag:$0x2] =	stream.linear.gather [hbm4b:s18+s1], $0x80, $0x38;
	[tilespmem:$0x8000] =	vst v63  }
0x131: {  	s0 =	rddreg [dreg:$0x14]  }
0x132: {  	[tilespmem:s0], [sflag:$0x2] =	stream.linear.gather [hbm4b:s19+s1], $0x80, $0x38;
	[tilespmem:$0x8000] =	vst v63  }
0x133: {  	s3 =	rddreg [dreg:$0x15]  }
0x134: {  	[tilespmem:s3], [sflag:$0x2] =	stream.linear.gather [hbm4b:s20+s1], $0x80, $0x38;
	[tilespmem:$0x8000] =	vst v63  }
0x135: {  	s0 =	rddreg [dreg:$0x16]  }
0x136: {  	[tilespmem:s0], [sflag:$0x2] =	stream.linear.gather [hbm4b:s22+s1], $0x80, $0x38;
	[tilespmem:$0x8000] =	vst v63  }
0x137: {  	s3 =	rddreg [dreg:$0x17]  }
0x138: {  	[tilespmem:s3], [sflag:$0x2] =	stream.linear.gather [hbm4b:s25+s1], $0x80, $0x38;
	[tilespmem:$0x8000] =	vst v63  }
0x139: {  	s0 =	rddreg [dreg:$0x18]  }
0x13a: {  	[tilespmem:s0], [sflag:$0x2] =	stream.linear.gather [hbm4b:s26+s1], $0x80, $0x38;
	[tilespmem:$0x8000] =	vst v63  }
0x13b: {  	s3 =	rddreg [dreg:$0x19]  }
0x13c: {  	[tilespmem:s3], [sflag:$0x2] =	stream.linear.gather [hbm4b:s28+s1], $0x80, $0x38;
	[tilespmem:$0x8000] =	vst v63  }
0x13d: {  	_ =	swait.ge [sflag:s29], $0x400  }
0x13e: {  	s0 =	rddreg [dreg:$0x1a];
	[sflag:s29] =	ssyncset.done $0x0  }
0x13f: {  	s3 =	rddreg [dreg:$0x1b];
	[sflag:s29] =	ssyncadd.s32 $0xFFFFFC00  }
0x140: {  	[tilespmem:s0], [sflag:$0x2] =	stream.linear.gather [hbm4b:s2+s1], $0x80, $0x38;
	[tilespmem:$0x8000] =	vst v63  }
0x141: {  	s0 =	rddreg [dreg:$0x1c]  }
0x142: {  	[tilespmem:s3], [sflag:$0x2] =	stream.linear.gather [hbm4b:s18+s1], $0x80, $0x38;
	[tilespmem:$0x8000] =	vst v63  }
0x143: {  	s3 =	rddreg [dreg:$0x1d]  }
0x144: {  	[tilespmem:s0], [sflag:$0x2] =	stream.linear.gather [hbm4b:s19+s1], $0x80, $0x38;
	[tilespmem:$0x8000] =	vst v63  }
0x145: {  	s0 =	rddreg [dreg:$0x1e]  }
0x146: {  	[tilespmem:s3], [sflag:$0x2] =	stream.linear.gather [hbm4b:s20+s1], $0x80, $0x38;
	[tilespmem:$0x8000] =	vst v63  }
0x147: {  	s3 =	rddreg [dreg:$0x1f]  }
0x148: {  	[tilespmem:s0], [sflag:$0x2] =	stream.linear.gather [hbm4b:s22+s1], $0x80, $0x38;
	[tilespmem:$0x8000] =	vst v63  }
0x149: {  	s0 =	sld [smem:$0x71E]  }
0x14a: {  	[tilespmem:s3], [sflag:$0x2] =	stream.linear.gather [hbm4b:s25+s1], $0x80, $0x38;
	[tilespmem:$0x8000] =	vst v63  }
0x14b: {  	s3 =	sld [smem:$0x71F]  }
0x14c: {  	[tilespmem:s0], [sflag:$0x2] =	stream.linear.gather [hbm4b:s26+s1], $0x80, $0x38;
	[tilespmem:$0x8000] =	vst v63  }
0x14d: {  	_ = 	snop  }
0x14e: {  	[tilespmem:s3], [sflag:$0x2] =	stream.linear.gather [hbm4b:s28+s1], $0x80, $0x38;
	[tilespmem:$0x8000] =	vst v63  }
0x14f: {  	_ =	swait.ge [sflag:s29], $0x400  }
0x150: {  	s0 =	sld [smem:$0x720]  }
0x151: {  	[sflag:s29] =	ssyncset.done $0x0  }
0x152: {  	s3 =	sld [smem:$0x721];
	[sflag:s29] =	ssyncadd.s32 $0xFFFFFC00  }
0x153: {  	[tilespmem:s0], [sflag:$0x2] =	stream.linear.gather [hbm4b:s2+s1], $0x80, $0x38;
	[tilespmem:$0x8000] =	vst v63  }
0x154: {  	s0 =	sld [smem:$0x722]  }
0x155: {  	[tilespmem:s3], [sflag:$0x2] =	stream.linear.gather [hbm4b:s18+s1], $0x80, $0x38;
	[tilespmem:$0x8000] =	vst v63  }
0x156: {  	s3 =	sld [smem:$0x723]  }
0x157: {  	[tilespmem:s0], [sflag:$0x2] =	stream.linear.gather [hbm4b:s19+s1], $0x80, $0x38;
	[tilespmem:$0x8000] =	vst v63  }
0x158: {  	s0 =	sld [smem:$0x724]  }
0x159: {  	[tilespmem:s3], [sflag:$0x2] =	stream.linear.gather [hbm4b:s20+s1], $0x80, $0x38;
	[tilespmem:$0x8000] =	vst v63  }
0x15a: {  	s3 =	sld [smem:$0x725]  }
0x15b: {  	[tilespmem:s0], [sflag:$0x2] =	stream.linear.gather [hbm4b:s22+s1], $0x80, $0x38;
	[tilespmem:$0x8000] =	vst v63  }
0x15c: {  	s0 =	sld [smem:$0x726]  }
0x15d: {  	[tilespmem:s3], [sflag:$0x2] =	stream.linear.gather [hbm4b:s25+s1], $0x80, $0x38;
	[tilespmem:$0x8000] =	vst v63  }
0x15e: {  	s3 =	sld [smem:$0x727]  }
0x15f: {  	[tilespmem:s0], [sflag:$0x2] =	stream.linear.gather [hbm4b:s26+s1], $0x80, $0x38;
	[tilespmem:$0x8000] =	vst v63  }
0x160: {  	_ = 	snop  }
0x161: {  	[tilespmem:s3], [sflag:$0x2] =	stream.linear.gather [hbm4b:s28+s1], $0x80, $0x38;
	[tilespmem:$0x8000] =	vst v63  }
0x162: {  	_ =	swait.ge [sflag:s29], $0x400  }
0x163: {  	s0 =	sld [smem:$0x728]  }
0x164: {  	[sflag:s29] =	ssyncset.done $0x0  }
0x165: {  	s3 =	sld [smem:$0x729];
	[sflag:s29] =	ssyncadd.s32 $0xFFFFFC00  }
0x166: {  	[tilespmem:s0], [sflag:$0x2] =	stream.linear.gather [hbm4b:s2+s1], $0x80, $0x38;
	[tilespmem:$0x8000] =	vst v63  }
0x167: {  	s0 =	sld [smem:$0x72A]  }
0x168: {  	[tilespmem:s3], [sflag:$0x2] =	stream.linear.gather [hbm4b:s18+s1], $0x80, $0x38;
	[tilespmem:$0x8000] =	vst v63  }
0x169: {  	s3 =	sld [smem:$0x72B]  }
0x16a: {  	[tilespmem:s0], [sflag:$0x2] =	stream.linear.gather [hbm4b:s19+s1], $0x80, $0x38;
	[tilespmem:$0x8000] =	vst v63  }
0x16b: {  	s0 =	sld [smem:$0x72C]  }
0x16c: {  	[tilespmem:s3], [sflag:$0x2] =	stream.linear.gather [hbm4b:s20+s1], $0x80, $0x38;
	[tilespmem:$0x8000] =	vst v63  }
0x16d: {  	s3 =	sld [smem:$0x72D]  }
0x16e: {  	[tilespmem:s0], [sflag:$0x2] =	stream.linear.gather [hbm4b:s22+s1], $0x80, $0x38;
	[tilespmem:$0x8000] =	vst v63  }
0x16f: {  	s0 =	sld [smem:$0x72E]  }
0x170: {  	[tilespmem:s3], [sflag:$0x2] =	stream.linear.gather [hbm4b:s25+s1], $0x80, $0x38;
	[tilespmem:$0x8000] =	vst v63  }
0x171: {  	s3 =	sld [smem:$0x72F]  }
0x172: {  	[tilespmem:s0], [sflag:$0x2] =	stream.linear.gather [hbm4b:s26+s1], $0x80, $0x38;
	[tilespmem:$0x8000] =	vst v63  }
0x173: {  	_ = 	snop  }
0x174: {  	[tilespmem:s3], [sflag:$0x2] =	stream.linear.gather [hbm4b:s28+s1], $0x80, $0x38;
	[tilespmem:$0x8000] =	vst v63  }
0x175: {  	_ =	swait.ge [sflag:s29], $0x400  }
0x176: {  	s0 =	sld [smem:$0x730]  }
0x177: {  	[sflag:s29] =	ssyncset.done $0x0  }
0x178: {  	s3 =	sld [smem:$0x731];
	[sflag:s29] =	ssyncadd.s32 $0xFFFFFC00  }
0x179: {  	[tilespmem:s0], [sflag:$0x2] =	stream.linear.gather [hbm4b:s2+s1], $0x80, $0x38;
	[tilespmem:$0x8000] =	vst v63  }
0x17a: {  	s0 =	sld [smem:$0x732]  }
0x17b: {  	[tilespmem:s3], [sflag:$0x2] =	stream.linear.gather [hbm4b:s18+s1], $0x80, $0x38;
	[tilespmem:$0x8000] =	vst v63  }
0x17c: {  	s3 =	sld [smem:$0x733]  }
0x17d: {  	[tilespmem:s0], [sflag:$0x2] =	stream.linear.gather [hbm4b:s19+s1], $0x80, $0x38;
	[tilespmem:$0x8000] =	vst v63  }
0x17e: {  	s0 =	sld [smem:$0x734]  }
0x17f: {  	[tilespmem:s3], [sflag:$0x2] =	stream.linear.gather [hbm4b:s20+s1], $0x80, $0x38;
	[tilespmem:$0x8000] =	vst v63  }
0x180: {  	s3 =	sld [smem:$0x735]  }
0x181: {  	[tilespmem:s0], [sflag:$0x2] =	stream.linear.gather [hbm4b:s22+s1], $0x80, $0x38;
	[tilespmem:$0x8000] =	vst v63  }
0x182: {  	s0 =	sld [smem:$0x736]  }
0x183: {  	[tilespmem:s3], [sflag:$0x2] =	stream.linear.gather [hbm4b:s25+s1], $0x80, $0x38;
	[tilespmem:$0x8000] =	vst v63  }
0x184: {  	s3 =	sld [smem:$0x737]  }
0x185: {  	[tilespmem:s0], [sflag:$0x2] =	stream.linear.gather [hbm4b:s26+s1], $0x80, $0x38;
	[tilespmem:$0x8000] =	vst v63  }
0x186: {  	_ = 	snop  }
0x187: {  	[tilespmem:s3], [sflag:$0x2] =	stream.linear.gather [hbm4b:s28+s1], $0x80, $0x38;
	[tilespmem:$0x8000] =	vst v63  }
0x188: {  	_ =	swait.ge [sflag:s29], $0x400  }
0x189: {  	s0 =	sld [smem:$0x738]  }
0x18a: {  	[sflag:s29] =	ssyncset.done $0x0  }
0x18b: {  	s3 =	sld [smem:$0x739];
	[sflag:s29] =	ssyncadd.s32 $0xFFFFFC00  }
0x18c: {  	[tilespmem:s0], [sflag:$0x2] =	stream.linear.gather [hbm4b:s2+s1], $0x80, $0x38;
	[tilespmem:$0x8000] =	vst v63  }
0x18d: {  	s0 =	sld [smem:$0x73A]  }
0x18e: {  	[tilespmem:s3], [sflag:$0x2] =	stream.linear.gather [hbm4b:s18+s1], $0x80, $0x38;
	[tilespmem:$0x8000] =	vst v63  }
0x18f: {  	s3 =	sld [smem:$0x73B]  }
0x190: {  	[tilespmem:s0], [sflag:$0x2] =	stream.linear.gather [hbm4b:s19+s1], $0x80, $0x38;
	[tilespmem:$0x8000] =	vst v63  }
0x191: {  	s0 =	sld [smem:$0x73C]  }
0x192: {  	[tilespmem:s3], [sflag:$0x2] =	stream.linear.gather [hbm4b:s20+s1], $0x80, $0x38;
	[tilespmem:$0x8000] =	vst v63  }
0x193: {  	s3 =	sld [smem:$0x73D]  }
0x194: {  	[tilespmem:s0], [sflag:$0x2] =	stream.linear.gather [hbm4b:s22+s1], $0x80, $0x38;
	[tilespmem:$0x8000] =	vst v63  }
0x195: {  	_ = 	snop  }
0x196: {  	[tilespmem:s3], [sflag:$0x2] =	stream.linear.gather [hbm4b:s25+s1], $0x80, $0x38;
	[tilespmem:$0x8000] =	vst v63  }
0x197: {  	s0 =	sld [smem:$0x73E];
	_ =	sdelay $0x1  }
0x198: {  	s3 =	sld [smem:$0x73F]  }
0x199: {  	[tilespmem:s0], [sflag:$0x2] =	stream.linear.gather [hbm4b:s26+s1], $0x80, $0x38;
	[tilespmem:$0x8000] =	vst v63  }
0x19a: {  	_ = 	snop  }
0x19b: {  	[tilespmem:s3], [sflag:$0x2] =	stream.linear.gather [hbm4b:s28+s1], $0x80, $0x38;
	[tilespmem:$0x8000] =	vst v63  }
0x19c: {  	_ =	swait.ge [sflag:s29], $0x400  }
0x19d: {  	s0 =	sld [smem:$0x740]  }
0x19e: {  	[sflag:s29] =	ssyncset.done $0x0  }
0x19f: {  	s3 =	sld [smem:$0x741];
	[sflag:s29] =	ssyncadd.s32 $0xFFFFFC00  }
0x1a0: {  	[tilespmem:s0], [sflag:$0x2] =	stream.linear.gather [hbm4b:s2+s1], $0x80, $0x38;
	[tilespmem:$0x8000] =	vst v63  }
0x1a1: {  	s0 =	sld [smem:$0x742]  }
0x1a2: {  	[tilespmem:s3], [sflag:$0x2] =	stream.linear.gather [hbm4b:s18+s1], $0x80, $0x38;
	[tilespmem:$0x8000] =	vst v63  }
0x1a3: {  	s3 =	sld [smem:$0x743]  }
0x1a4: {  	[tilespmem:s0], [sflag:$0x2] =	stream.linear.gather [hbm4b:s19+s1], $0x80, $0x38;
	[tilespmem:$0x8000] =	vst v63  }
0x1a5: {  	s0 =	sld [smem:$0x744]  }
0x1a6: {  	[tilespmem:s3], [sflag:$0x2] =	stream.linear.gather [hbm4b:s20+s1], $0x80, $0x38;
	[tilespmem:$0x8000] =	vst v63  }
0x1a7: {  	s3 =	sld [smem:$0x745]  }
0x1a8: {  	[tilespmem:s0], [sflag:$0x2] =	stream.linear.gather [hbm4b:s22+s1], $0x80, $0x38;
	[tilespmem:$0x8000] =	vst v63  }
0x1a9: {  	s0 =	sld [smem:$0x746]  }
0x1aa: {  	[tilespmem:s3], [sflag:$0x2] =	stream.linear.gather [hbm4b:s25+s1], $0x80, $0x38;
	[tilespmem:$0x8000] =	vst v63  }
0x1ab: {  	s3 =	sld [smem:$0x747]  }
0x1ac: {  	[tilespmem:s0], [sflag:$0x2] =	stream.linear.gather [hbm4b:s26+s1], $0x80, $0x38;
	[tilespmem:$0x8000] =	vst v63  }
0x1ad: {  	_ = 	snop  }
0x1ae: {  	[tilespmem:s3], [sflag:$0x2] =	stream.linear.gather [hbm4b:s28+s1], $0x80, $0x38;
	[tilespmem:$0x8000] =	vst v63  }
0x1af: {  	_ =	swait.ge [sflag:s29], $0x400  }
0x1b0: {  	s0 =	sld [smem:$0x748]  }
0x1b1: {  	[sflag:s29] =	ssyncset.done $0x0  }
0x1b2: {  	s3 =	sld [smem:$0x749];
	[sflag:s29] =	ssyncadd.s32 $0xFFFFFC00  }
0x1b3: {  	[tilespmem:s0], [sflag:$0x2] =	stream.linear.gather [hbm4b:s2+s1], $0x80, $0x38;
	[tilespmem:$0x8000] =	vst v63  }
0x1b4: {  	s0 =	sld [smem:$0x74A]  }
0x1b5: {  	[tilespmem:s3], [sflag:$0x2] =	stream.linear.gather [hbm4b:s18+s1], $0x80, $0x38;
	[tilespmem:$0x8000] =	vst v63  }
0x1b6: {  	s3 =	sld [smem:$0x74B]  }
0x1b7: {  	[tilespmem:s0], [sflag:$0x2] =	stream.linear.gather [hbm4b:s19+s1], $0x80, $0x38;
	[tilespmem:$0x8000] =	vst v63  }
0x1b8: {  	s0 =	sld [smem:$0x74C]  }
0x1b9: {  	[tilespmem:s3], [sflag:$0x2] =	stream.linear.gather [hbm4b:s20+s1], $0x80, $0x38;
	[tilespmem:$0x8000] =	vst v63  }
0x1ba: {  	s3 =	sld [smem:$0x74D]  }
0x1bb: {  	[tilespmem:s0], [sflag:$0x2] =	stream.linear.gather [hbm4b:s22+s1], $0x80, $0x38;
	[tilespmem:$0x8000] =	vst v63  }
0x1bc: {  	s0 =	sld [smem:$0x74E]  }
0x1bd: {  	[tilespmem:s3], [sflag:$0x2] =	stream.linear.gather [hbm4b:s25+s1], $0x80, $0x38;
	[tilespmem:$0x8000] =	vst v63  }
0x1be: {  	s3 =	sld [smem:$0x74F]  }
0x1bf: {  	[tilespmem:s0], [sflag:$0x2] =	stream.linear.gather [hbm4b:s26+s1], $0x80, $0x38;
	[tilespmem:$0x8000] =	vst v63  }
0x1c0: {  	_ = 	snop  }
0x1c1: {  	[tilespmem:s3], [sflag:$0x2] =	stream.linear.gather [hbm4b:s28+s1], $0x80, $0x38;
	[tilespmem:$0x8000] =	vst v63  }
0x1c2: {  	_ =	swait.ge [sflag:s29], $0x400  }
0x1c3: {  	s0 =	sld [smem:$0x750]  }
0x1c4: {  	[sflag:s29] =	ssyncset.done $0x0  }
0x1c5: {  	s3 =	sld [smem:$0x751];
	[sflag:s29] =	ssyncadd.s32 $0xFFFFFC00  }
0x1c6: {  	[tilespmem:s0], [sflag:$0x2] =	stream.linear.gather [hbm4b:s2+s1], $0x80, $0x38;
	[tilespmem:$0x8000] =	vst v63  }
0x1c7: {  	s0 =	sld [smem:$0x752]  }
0x1c8: {  	[tilespmem:s3], [sflag:$0x2] =	stream.linear.gather [hbm4b:s18+s1], $0x80, $0x38;
	[tilespmem:$0x8000] =	vst v63  }
0x1c9: {  	s3 =	sld [smem:$0x753]  }
0x1ca: {  	[tilespmem:s0], [sflag:$0x2] =	stream.linear.gather [hbm4b:s19+s1], $0x80, $0x38;
	[tilespmem:$0x8000] =	vst v63  }
0x1cb: {  	s0 =	sld [smem:$0x754]  }
0x1cc: {  	[tilespmem:s3], [sflag:$0x2] =	stream.linear.gather [hbm4b:s20+s1], $0x80, $0x38;
	[tilespmem:$0x8000] =	vst v63  }
0x1cd: {  	s3 =	sld [smem:$0x755]  }
0x1ce: {  	[tilespmem:s0], [sflag:$0x2] =	stream.linear.gather [hbm4b:s22+s1], $0x80, $0x38;
	[tilespmem:$0x8000] =	vst v63  }
0x1cf: {  	s0 =	sld [smem:$0x756]  }
0x1d0: {  	[tilespmem:s3], [sflag:$0x2] =	stream.linear.gather [hbm4b:s25+s1], $0x80, $0x38;
	[tilespmem:$0x8000] =	vst v63  }
0x1d1: {  	s3 =	sld [smem:$0x757]  }
0x1d2: {  	[tilespmem:s0], [sflag:$0x2] =	stream.linear.gather [hbm4b:s26+s1], $0x80, $0x38;
	[tilespmem:$0x8000] =	vst v63  }
0x1d3: {  	_ = 	snop  }
0x1d4: {  	[tilespmem:s3], [sflag:$0x2] =	stream.linear.gather [hbm4b:s28+s1], $0x80, $0x38;
	[tilespmem:$0x8000] =	vst v63  }
0x1d5: {  	_ =	swait.ge [sflag:s29], $0x400  }
0x1d6: {  	s0 =	sld [smem:$0x758]  }
0x1d7: {  	[sflag:s29] =	ssyncset.done $0x0  }
0x1d8: {  	s3 =	sld [smem:$0x759];
	[sflag:s29] =	ssyncadd.s32 $0xFFFFFC00  }
0x1d9: {  	[tilespmem:s0], [sflag:$0x2] =	stream.linear.gather [hbm4b:s2+s1], $0x80, $0x38;
	[tilespmem:$0x8000] =	vst v63  }
0x1da: {  	s0 =	sld [smem:$0x75A]  }
0x1db: {  	[tilespmem:s3], [sflag:$0x2] =	stream.linear.gather [hbm4b:s18+s1], $0x80, $0x38;
	[tilespmem:$0x8000] =	vst v63  }
0x1dc: {  	s3 =	sld [smem:$0x75B]  }
0x1dd: {  	[tilespmem:s0], [sflag:$0x2] =	stream.linear.gather [hbm4b:s19+s1], $0x80, $0x38;
	[tilespmem:$0x8000] =	vst v63  }
0x1de: {  	s0 =	sld [smem:$0x75C]  }
0x1df: {  	[tilespmem:s3], [sflag:$0x2] =	stream.linear.gather [hbm4b:s20+s1], $0x80, $0x38;
	[tilespmem:$0x8000] =	vst v63  }
0x1e0: {  	s3 =	sld [smem:$0x75D]  }
0x1e1: {  	[tilespmem:s0], [sflag:$0x2] =	stream.linear.gather [hbm4b:s22+s1], $0x80, $0x38;
	[tilespmem:$0x8000] =	vst v63  }
0x1e2: {  	s0 =	sld [smem:$0x75E]  }
0x1e3: {  	[tilespmem:s3], [sflag:$0x2] =	stream.linear.gather [hbm4b:s25+s1], $0x80, $0x38;
	[tilespmem:$0x8000] =	vst v63  }
0x1e4: {  	s3 =	sld [smem:$0x75F]  }
0x1e5: {  	[tilespmem:s0], [sflag:$0x2] =	stream.linear.gather [hbm4b:s26+s1], $0x80, $0x38;
	[tilespmem:$0x8000] =	vst v63  }
0x1e6: {  	_ = 	snop  }
0x1e7: {  	[tilespmem:s3], [sflag:$0x2] =	stream.linear.gather [hbm4b:s28+s1], $0x80, $0x38;
	[tilespmem:$0x8000] =	vst v63  }
0x1e8: {  	_ =	swait.ge [sflag:s29], $0x400  }
0x1e9: {  	s0 =	sld [smem:$0x760]  }
0x1ea: {  	[sflag:s29] =	ssyncset.done $0x0  }
0x1eb: {  	s3 =	sld [smem:$0x761];
	[sflag:s29] =	ssyncadd.s32 $0xFFFFFC00  }
0x1ec: {  	[tilespmem:s0], [sflag:$0x2] =	stream.linear.gather [hbm4b:s2+s1], $0x80, $0x38;
	[tilespmem:$0x8000] =	vst v63  }
0x1ed: {  	s0 =	sld [smem:$0x762]  }
0x1ee: {  	[tilespmem:s3], [sflag:$0x2] =	stream.linear.gather [hbm4b:s18+s1], $0x80, $0x38;
	[tilespmem:$0x8000] =	vst v63  }
0x1ef: {  	s3 =	sld [smem:$0x763]  }
0x1f0: {  	[tilespmem:s0], [sflag:$0x2] =	stream.linear.gather [hbm4b:s19+s1], $0x80, $0x38;
	[tilespmem:$0x8000] =	vst v63  }
0x1f1: {  	s0 =	sld [smem:$0x764]  }
0x1f2: {  	[tilespmem:s3], [sflag:$0x2] =	stream.linear.gather [hbm4b:s20+s1], $0x80, $0x38;
	[tilespmem:$0x8000] =	vst v63  }
0x1f3: {  	s3 =	sld [smem:$0x765]  }
0x1f4: {  	[tilespmem:s0], [sflag:$0x2] =	stream.linear.gather [hbm4b:s22+s1], $0x80, $0x38;
	[tilespmem:$0x8000] =	vst v63  }
0x1f5: {  	s0 =	sld [smem:$0x766]  }
0x1f6: {  	[tilespmem:s3], [sflag:$0x2] =	stream.linear.gather [hbm4b:s25+s1], $0x80, $0x38;
	[tilespmem:$0x8000] =	vst v63  }
0x1f7: {  	s3 =	sld [smem:$0x767]  }
0x1f8: {  	[tilespmem:s0], [sflag:$0x2] =	stream.linear.gather [hbm4b:s26+s1], $0x80, $0x38;
	[tilespmem:$0x8000] =	vst v63  }
0x1f9: {  	_ = 	snop  }
0x1fa: {  	[tilespmem:s3], [sflag:$0x2] =	stream.linear.gather [hbm4b:s28+s1], $0x80, $0x38;
	[tilespmem:$0x8000] =	vst v63  }
0x1fb: {  	_ =	swait.ge [sflag:s29], $0x400  }
0x1fc: {  	s0 =	sld [smem:$0x768]  }
0x1fd: {  	[sflag:s29] =	ssyncset.done $0x0  }
0x1fe: {  	s3 =	sld [smem:$0x769];
	[sflag:s29] =	ssyncadd.s32 $0xFFFFFC00  }
0x1ff: {  	[tilespmem:s0], [sflag:$0x2] =	stream.linear.gather [hbm4b:s2+s1], $0x80, $0x38;
	[tilespmem:$0x8000] =	vst v63  }
0x200: {  	s0 =	sld [smem:$0x76A]  }
0x201: {  	[tilespmem:s3], [sflag:$0x2] =	stream.linear.gather [hbm4b:s18+s1], $0x80, $0x38;
	[tilespmem:$0x8000] =	vst v63  }
0x202: {  	s3 =	sld [smem:$0x76B]  }
0x203: {  	[tilespmem:s0], [sflag:$0x2] =	stream.linear.gather [hbm4b:s19+s1], $0x80, $0x38;
	[tilespmem:$0x8000] =	vst v63  }
0x204: {  	s0 =	sld [smem:$0x76C]  }
0x205: {  	[tilespmem:s3], [sflag:$0x2] =	stream.linear.gather [hbm4b:s20+s1], $0x80, $0x38;
	[tilespmem:$0x8000] =	vst v63  }
0x206: {  	s3 =	sld [smem:$0x76D]  }
0x207: {  	[tilespmem:s0], [sflag:$0x2] =	stream.linear.gather [hbm4b:s22+s1], $0x80, $0x38;
	[tilespmem:$0x8000] =	vst v63  }
0x208: {  	s0 =	sld [smem:$0x76E]  }
0x209: {  	[tilespmem:s3], [sflag:$0x2] =	stream.linear.gather [hbm4b:s25+s1], $0x80, $0x38;
	[tilespmem:$0x8000] =	vst v63  }
0x20a: {  	s3 =	sld [smem:$0x76F]  }
0x20b: {  	[tilespmem:s0], [sflag:$0x2] =	stream.linear.gather [hbm4b:s26+s1], $0x80, $0x38;
	[tilespmem:$0x8000] =	vst v63  }
0x20c: {  	_ = 	snop  }
0x20d: {  	[tilespmem:s3], [sflag:$0x2] =	stream.linear.gather [hbm4b:s28+s1], $0x80, $0x38;
	[tilespmem:$0x8000] =	vst v63  }
0x20e: {  	_ =	swait.ge [sflag:s29], $0x400  }
0x20f: {  	s0 =	sld [smem:$0x770]  }
0x210: {  	[sflag:s29] =	ssyncset.done $0x0  }
0x211: {  	s3 =	sld [smem:$0x771];
	[sflag:s29] =	ssyncadd.s32 $0xFFFFFC00  }
0x212: {  	[tilespmem:s0], [sflag:$0x2] =	stream.linear.gather [hbm4b:s2+s1], $0x80, $0x38;
	[tilespmem:$0x8000] =	vst v63  }
0x213: {  	s0 =	sld [smem:$0x772]  }
0x214: {  	[tilespmem:s3], [sflag:$0x2] =	stream.linear.gather [hbm4b:s18+s1], $0x80, $0x38;
	[tilespmem:$0x8000] =	vst v63  }
0x215: {  	s3 =	sld [smem:$0x773]  }
0x216: {  	[tilespmem:s0], [sflag:$0x2] =	stream.linear.gather [hbm4b:s19+s1], $0x80, $0x38;
	[tilespmem:$0x8000] =	vst v63  }
0x217: {  	s0 =	sld [smem:$0x774]  }
0x218: {  	[tilespmem:s3], [sflag:$0x2] =	stream.linear.gather [hbm4b:s20+s1], $0x80, $0x38;
	[tilespmem:$0x8000] =	vst v63  }
0x219: {  	s3 =	sld [smem:$0x775]  }
0x21a: {  	[tilespmem:s0], [sflag:$0x2] =	stream.linear.gather [hbm4b:s22+s1], $0x80, $0x38;
	[tilespmem:$0x8000] =	vst v63  }
0x21b: {  	s0 =	sld [smem:$0x776]  }
0x21c: {  	[tilespmem:s3], [sflag:$0x2] =	stream.linear.gather [hbm4b:s25+s1], $0x80, $0x38;
	[tilespmem:$0x8000] =	vst v63  }
0x21d: {  	s3 =	sld [smem:$0x777]  }
0x21e: {  	[tilespmem:s0], [sflag:$0x2] =	stream.linear.gather [hbm4b:s26+s1], $0x80, $0x38;
	[tilespmem:$0x8000] =	vst v63  }
0x21f: {  	_ = 	snop  }
0x220: {  	[tilespmem:s3], [sflag:$0x2] =	stream.linear.gather [hbm4b:s28+s1], $0x80, $0x38;
	[tilespmem:$0x8000] =	vst v63  }
0x221: {  	_ =	swait.ge [sflag:s29], $0x400  }
0x222: {  	s0 =	sld [smem:$0x778]  }
0x223: {  	[sflag:s29] =	ssyncset.done $0x0  }
0x224: {  	s3 =	sld [smem:$0x779];
	[sflag:s29] =	ssyncadd.s32 $0xFFFFFC00  }
0x225: {  	[tilespmem:s0], [sflag:$0x2] =	stream.linear.gather [hbm4b:s2+s1], $0x80, $0x38;
	[tilespmem:$0x8000] =	vst v63  }
0x226: {  	s0 =	sld [smem:$0x77A]  }
0x227: {  	[tilespmem:s3], [sflag:$0x2] =	stream.linear.gather [hbm4b:s18+s1], $0x80, $0x38;
	[tilespmem:$0x8000] =	vst v63  }
0x228: {  	s3 =	sld [smem:$0x77B]  }
0x229: {  	[tilespmem:s0], [sflag:$0x2] =	stream.linear.gather [hbm4b:s19+s1], $0x80, $0x38;
	[tilespmem:$0x8000] =	vst v63  }
0x22a: {  	s0 =	sld [smem:$0x77C]  }
0x22b: {  	[tilespmem:s3], [sflag:$0x2] =	stream.linear.gather [hbm4b:s20+s1], $0x80, $0x38;
	[tilespmem:$0x8000] =	vst v63  }
0x22c: {  	s3 =	sld [smem:$0x77D]  }
0x22d: {  	[tilespmem:s0], [sflag:$0x2] =	stream.linear.gather [hbm4b:s22+s1], $0x80, $0x38;
	[tilespmem:$0x8000] =	vst v63  }
0x22e: {  	s0 =	sld [smem:$0x77E]  }
0x22f: {  	[tilespmem:s3], [sflag:$0x2] =	stream.linear.gather [hbm4b:s25+s1], $0x80, $0x38;
	[tilespmem:$0x8000] =	vst v63  }
0x230: {  	s3 =	sld [smem:$0x77F]  }
0x231: {  	[tilespmem:s0], [sflag:$0x2] =	stream.linear.gather [hbm4b:s26+s1], $0x80, $0x38;
	[tilespmem:$0x8000] =	vst v63  }
0x232: {  	_ = 	snop  }
0x233: {  	[tilespmem:s3], [sflag:$0x2] =	stream.linear.gather [hbm4b:s28+s1], $0x80, $0x38;
	[tilespmem:$0x8000] =	vst v63  }
0x234: {  	_ =	swait.ge [sflag:s29], $0x400  }
0x235: {  	s0 =	sld [smem:$0x780]  }
0x236: {  	[sflag:s29] =	ssyncset.done $0x0  }
0x237: {  	s3 =	sld [smem:$0x781];
	[sflag:s29] =	ssyncadd.s32 $0xFFFFFC00  }
0x238: {  	[tilespmem:s0], [sflag:$0x2] =	stream.linear.gather [hbm4b:s2+s1], $0x80, $0x38;
	[tilespmem:$0x8000] =	vst v63  }
0x239: {  	s0 =	sld [smem:$0x782]  }
0x23a: {  	[tilespmem:s3], [sflag:$0x2] =	stream.linear.gather [hbm4b:s18+s1], $0x80, $0x38;
	[tilespmem:$0x8000] =	vst v63  }
0x23b: {  	s3 =	sld [smem:$0x783]  }
0x23c: {  	[tilespmem:s0], [sflag:$0x2] =	stream.linear.gather [hbm4b:s19+s1], $0x80, $0x38;
	[tilespmem:$0x8000] =	vst v63  }
0x23d: {  	s0 =	sld [smem:$0x784]  }
0x23e: {  	[tilespmem:s3], [sflag:$0x2] =	stream.linear.gather [hbm4b:s20+s1], $0x80, $0x38;
	[tilespmem:$0x8000] =	vst v63  }
0x23f: {  	s3 =	sld [smem:$0x785]  }
0x240: {  	[tilespmem:s0], [sflag:$0x2] =	stream.linear.gather [hbm4b:s22+s1], $0x80, $0x38;
	[tilespmem:$0x8000] =	vst v63  }
0x241: {  	s0 =	sld [smem:$0x786]  }
0x242: {  	[tilespmem:s3], [sflag:$0x2] =	stream.linear.gather [hbm4b:s25+s1], $0x80, $0x38;
	[tilespmem:$0x8000] =	vst v63  }
0x243: {  	s3 =	sld [smem:$0x787]  }
0x244: {  	[tilespmem:s0], [sflag:$0x2] =	stream.linear.gather [hbm4b:s26+s1], $0x80, $0x38;
	[tilespmem:$0x8000] =	vst v63  }
0x245: {  	_ = 	snop  }
0x246: {  	[tilespmem:s3], [sflag:$0x2] =	stream.linear.gather [hbm4b:s28+s1], $0x80, $0x38;
	[tilespmem:$0x8000] =	vst v63  }
0x247: {  	_ =	swait.ge [sflag:s29], $0x400  }
0x248: {  	s0 =	sld [smem:$0x788]  }
0x249: {  	[sflag:s29] =	ssyncset.done $0x0  }
0x24a: {  	s3 =	sld [smem:$0x789];
	[sflag:s29] =	ssyncadd.s32 $0xFFFFFC00  }
0x24b: {  	[tilespmem:s0], [sflag:$0x2] =	stream.linear.gather [hbm4b:s2+s1], $0x80, $0x38;
	[tilespmem:$0x8000] =	vst v63  }
0x24c: {  	s0 =	sld [smem:$0x78A]  }
0x24d: {  	[tilespmem:s3], [sflag:$0x2] =	stream.linear.gather [hbm4b:s18+s1], $0x80, $0x38;
	[tilespmem:$0x8000] =	vst v63  }
0x24e: {  	s3 =	sld [smem:$0x78B]  }
0x24f: {  	[tilespmem:s0], [sflag:$0x2] =	stream.linear.gather [hbm4b:s19+s1], $0x80, $0x38;
	[tilespmem:$0x8000] =	vst v63  }
0x250: {  	s0 =	sld [smem:$0x78C]  }
0x251: {  	[tilespmem:s3], [sflag:$0x2] =	stream.linear.gather [hbm4b:s20+s1], $0x80, $0x38;
	[tilespmem:$0x8000] =	vst v63  }
0x252: {  	s3 =	sld [smem:$0x78D]  }
0x253: {  	[tilespmem:s0], [sflag:$0x2] =	stream.linear.gather [hbm4b:s22+s1], $0x80, $0x38;
	[tilespmem:$0x8000] =	vst v63  }
0x254: {  	s0 =	sld [smem:$0x78E]  }
0x255: {  	[tilespmem:s3], [sflag:$0x2] =	stream.linear.gather [hbm4b:s25+s1], $0x80, $0x38;
	[tilespmem:$0x8000] =	vst v63  }
0x256: {  	s3 =	sld [smem:$0x78F]  }
0x257: {  	[tilespmem:s0], [sflag:$0x2] =	stream.linear.gather [hbm4b:s26+s1], $0x80, $0x38;
	[tilespmem:$0x8000] =	vst v63  }
0x258: {  	_ = 	snop  }
0x259: {  	[tilespmem:s3], [sflag:$0x2] =	stream.linear.gather [hbm4b:s28+s1], $0x80, $0x38;
	[tilespmem:$0x8000] =	vst v63  }
0x25a: {  	_ =	swait.ge [sflag:s29], $0x400  }
0x25b: {  	s0 =	sld [smem:$0x790]  }
0x25c: {  	[sflag:s29] =	ssyncset.done $0x0  }
0x25d: {  	s3 =	sld [smem:$0x791];
	[sflag:s29] =	ssyncadd.s32 $0xFFFFFC00  }
0x25e: {  	[tilespmem:s0], [sflag:$0x2] =	stream.linear.gather [hbm4b:s2+s1], $0x80, $0x38;
	[tilespmem:$0x8000] =	vst v63  }
0x25f: {  	s0 =	sld [smem:$0x792]  }
0x260: {  	[tilespmem:s3], [sflag:$0x2] =	stream.linear.gather [hbm4b:s18+s1], $0x80, $0x38;
	[tilespmem:$0x8000] =	vst v63  }
0x261: {  	s3 =	sld [smem:$0x793]  }
0x262: {  	[tilespmem:s0], [sflag:$0x2] =	stream.linear.gather [hbm4b:s19+s1], $0x80, $0x38;
	[tilespmem:$0x8000] =	vst v63  }
0x263: {  	s0 =	sld [smem:$0x794]  }
0x264: {  	[tilespmem:s3], [sflag:$0x2] =	stream.linear.gather [hbm4b:s20+s1], $0x80, $0x38;
	[tilespmem:$0x8000] =	vst v63  }
0x265: {  	s3 =	sld [smem:$0x795]  }
0x266: {  	[tilespmem:s0], [sflag:$0x2] =	stream.linear.gather [hbm4b:s22+s1], $0x80, $0x38;
	[tilespmem:$0x8000] =	vst v63  }
0x267: {  	s0 =	sld [smem:$0x796]  }
0x268: {  	[tilespmem:s3], [sflag:$0x2] =	stream.linear.gather [hbm4b:s25+s1], $0x80, $0x38;
	[tilespmem:$0x8000] =	vst v63  }
0x269: {  	s3 =	sld [smem:$0x797]  }
0x26a: {  	[tilespmem:s0], [sflag:$0x2] =	stream.linear.gather [hbm4b:s26+s1], $0x80, $0x38;
	[tilespmem:$0x8000] =	vst v63  }
0x26b: {  	_ = 	snop  }
0x26c: {  	[tilespmem:s3], [sflag:$0x2] =	stream.linear.gather [hbm4b:s28+s1], $0x80, $0x38;
	[tilespmem:$0x8000] =	vst v63  }
0x26d: {  	_ =	swait.ge [sflag:s29], $0x400  }
0x26e: {  	s0 =	sld [smem:$0x798]  }
0x26f: {  	[sflag:s29] =	ssyncset.done $0x0  }
0x270: {  	s3 =	sld [smem:$0x799];
	[sflag:s29] =	ssyncadd.s32 $0xFFFFFC00  }
0x271: {  	[tilespmem:s0], [sflag:$0x2] =	stream.linear.gather [hbm4b:s2+s1], $0x80, $0x38;
	[tilespmem:$0x8000] =	vst v63  }
0x272: {  	s0 =	sld [smem:$0x79A]  }
0x273: {  	[tilespmem:s3], [sflag:$0x2] =	stream.linear.gather [hbm4b:s18+s1], $0x80, $0x38;
	[tilespmem:$0x8000] =	vst v63  }
0x274: {  	s3 =	sld [smem:$0x79B]  }
0x275: {  	[tilespmem:s0], [sflag:$0x2] =	stream.linear.gather [hbm4b:s19+s1], $0x80, $0x38;
	[tilespmem:$0x8000] =	vst v63  }
0x276: {  	s0 =	sld [smem:$0x79C]  }
0x277: {  	[tilespmem:s3], [sflag:$0x2] =	stream.linear.gather [hbm4b:s20+s1], $0x80, $0x38;
	[tilespmem:$0x8000] =	vst v63  }
0x278: {  	s3 =	sld [smem:$0x79D]  }
0x279: {  	[tilespmem:s0], [sflag:$0x2] =	stream.linear.gather [hbm4b:s22+s1], $0x80, $0x38;
	[tilespmem:$0x8000] =	vst v63  }
0x27a: {  	s0 =	sld [smem:$0x79E]  }
0x27b: {  	[tilespmem:s3], [sflag:$0x2] =	stream.linear.gather [hbm4b:s25+s1], $0x80, $0x38;
	[tilespmem:$0x8000] =	vst v63  }
0x27c: {  	s3 =	sld [smem:$0x79F]  }
0x27d: {  	[tilespmem:s0], [sflag:$0x2] =	stream.linear.gather [hbm4b:s26+s1], $0x80, $0x38;
	[tilespmem:$0x8000] =	vst v63  }
0x27e: {  	_ = 	snop  }
0x27f: {  	[tilespmem:s3], [sflag:$0x2] =	stream.linear.gather [hbm4b:s28+s1], $0x80, $0x38;
	[tilespmem:$0x8000] =	vst v63  }
0x280: {  	_ =	swait.ge [sflag:s29], $0x400  }
0x281: {  	s0 =	sld [smem:$0x7A0]  }
0x282: {  	[sflag:s29] =	ssyncset.done $0x0  }
0x283: {  	s3 =	sld [smem:$0x7A1];
	[sflag:s29] =	ssyncadd.s32 $0xFFFFFC00  }
0x284: {  	[tilespmem:s0], [sflag:$0x2] =	stream.linear.gather [hbm4b:s2+s1], $0x80, $0x38;
	[tilespmem:$0x8000] =	vst v63  }
0x285: {  	s0 =	sld [smem:$0x7A2]  }
0x286: {  	[tilespmem:s3], [sflag:$0x2] =	stream.linear.gather [hbm4b:s18+s1], $0x80, $0x38;
	[tilespmem:$0x8000] =	vst v63  }
0x287: {  	s3 =	sld [smem:$0x7A3]  }
0x288: {  	[tilespmem:s0], [sflag:$0x2] =	stream.linear.gather [hbm4b:s19+s1], $0x80, $0x38;
	[tilespmem:$0x8000] =	vst v63  }
0x289: {  	s0 =	sld [smem:$0x7A4]  }
0x28a: {  	[tilespmem:s3], [sflag:$0x2] =	stream.linear.gather [hbm4b:s20+s1], $0x80, $0x38;
	[tilespmem:$0x8000] =	vst v63  }
0x28b: {  	s3 =	sld [smem:$0x7A5]  }
0x28c: {  	[tilespmem:s0], [sflag:$0x2] =	stream.linear.gather [hbm4b:s22+s1], $0x80, $0x38;
	[tilespmem:$0x8000] =	vst v63  }
0x28d: {  	s0 =	sld [smem:$0x7A6]  }
0x28e: {  	[tilespmem:s3], [sflag:$0x2] =	stream.linear.gather [hbm4b:s25+s1], $0x80, $0x38;
	[tilespmem:$0x8000] =	vst v63  }
0x28f: {  	s3 =	sld [smem:$0x7A7]  }
0x290: {  	[tilespmem:s0], [sflag:$0x2] =	stream.linear.gather [hbm4b:s26+s1], $0x80, $0x38;
	[tilespmem:$0x8000] =	vst v63  }
0x291: {  	_ = 	snop  }
0x292: {  	[tilespmem:s3], [sflag:$0x2] =	stream.linear.gather [hbm4b:s28+s1], $0x80, $0x38;
	[tilespmem:$0x8000] =	vst v63  }
0x293: {  	_ =	swait.ge [sflag:s29], $0x400  }
0x294: {  	s0 =	sld [smem:$0x7A8]  }
0x295: {  	[sflag:s29] =	ssyncset.done $0x0  }
0x296: {  	s3 =	sld [smem:$0x7A9];
	[sflag:s29] =	ssyncadd.s32 $0xFFFFFC00  }
0x297: {  	[tilespmem:s0], [sflag:$0x2] =	stream.linear.gather [hbm4b:s2+s1], $0x80, $0x38;
	[tilespmem:$0x8000] =	vst v63  }
0x298: {  	s0 =	sld [smem:$0x7AA]  }
0x299: {  	[tilespmem:s3], [sflag:$0x2] =	stream.linear.gather [hbm4b:s18+s1], $0x80, $0x38;
	[tilespmem:$0x8000] =	vst v63  }
0x29a: {  	s3 =	sld [smem:$0x7AB]  }
0x29b: {  	[tilespmem:s0], [sflag:$0x2] =	stream.linear.gather [hbm4b:s19+s1], $0x80, $0x38;
	[tilespmem:$0x8000] =	vst v63  }
0x29c: {  	s0 =	sld [smem:$0x7AC]  }
0x29d: {  	[tilespmem:s3], [sflag:$0x2] =	stream.linear.gather [hbm4b:s20+s1], $0x80, $0x38;
	[tilespmem:$0x8000] =	vst v63  }
0x29e: {  	s3 =	sld [smem:$0x7AD]  }
0x29f: {  	[tilespmem:s0], [sflag:$0x2] =	stream.linear.gather [hbm4b:s22+s1], $0x80, $0x38;
	[tilespmem:$0x8000] =	vst v63  }
0x2a0: {  	s0 =	sld [smem:$0x7AE]  }
0x2a1: {  	[tilespmem:s3], [sflag:$0x2] =	stream.linear.gather [hbm4b:s25+s1], $0x80, $0x38;
	[tilespmem:$0x8000] =	vst v63  }
0x2a2: {  	s3 =	sld [smem:$0x7AF]  }
0x2a3: {  	[tilespmem:s0], [sflag:$0x2] =	stream.linear.gather [hbm4b:s26+s1], $0x80, $0x38;
	[tilespmem:$0x8000] =	vst v63  }
0x2a4: {  	_ = 	snop  }
0x2a5: {  	[tilespmem:s3], [sflag:$0x2] =	stream.linear.gather [hbm4b:s28+s1], $0x80, $0x38;
	[tilespmem:$0x8000] =	vst v63  }
0x2a6: {  	_ =	swait.ge [sflag:s29], $0x400  }
0x2a7: {  	s0 =	sld [smem:$0x7B0]  }
0x2a8: {  	[sflag:s29] =	ssyncset.done $0x0  }
0x2a9: {  	s3 =	sld [smem:$0x7B1];
	[sflag:s29] =	ssyncadd.s32 $0xFFFFFC00  }
0x2aa: {  	[tilespmem:s0], [sflag:$0x2] =	stream.linear.gather [hbm4b:s2+s1], $0x80, $0x38;
	[tilespmem:$0x8000] =	vst v63  }
0x2ab: {  	s0 =	sld [smem:$0x7B2]  }
0x2ac: {  	[tilespmem:s3], [sflag:$0x2] =	stream.linear.gather [hbm4b:s18+s1], $0x80, $0x38;
	[tilespmem:$0x8000] =	vst v63  }
0x2ad: {  	s3 =	sld [smem:$0x7B3]  }
0x2ae: {  	[tilespmem:s0], [sflag:$0x2] =	stream.linear.gather [hbm4b:s19+s1], $0x80, $0x38;
	[tilespmem:$0x8000] =	vst v63  }
0x2af: {  	s0 =	sld [smem:$0x7B4]  }
0x2b0: {  	[tilespmem:s3], [sflag:$0x2] =	stream.linear.gather [hbm4b:s20+s1], $0x80, $0x38;
	[tilespmem:$0x8000] =	vst v63  }
0x2b1: {  	s3 =	sld [smem:$0x7B5]  }
0x2b2: {  	[tilespmem:s0], [sflag:$0x2] =	stream.linear.gather [hbm4b:s22+s1], $0x80, $0x38;
	[tilespmem:$0x8000] =	vst v63  }
0x2b3: {  	s0 =	sld [smem:$0x7B6]  }
0x2b4: {  	[tilespmem:s3], [sflag:$0x2] =	stream.linear.gather [hbm4b:s25+s1], $0x80, $0x38;
	[tilespmem:$0x8000] =	vst v63  }
0x2b5: {  	s3 =	sld [smem:$0x7B7]  }
0x2b6: {  	[tilespmem:s0], [sflag:$0x2] =	stream.linear.gather [hbm4b:s26+s1], $0x80, $0x38;
	[tilespmem:$0x8000] =	vst v63  }
0x2b7: {  	_ = 	snop  }
0x2b8: {  	[tilespmem:s3], [sflag:$0x2] =	stream.linear.gather [hbm4b:s28+s1], $0x80, $0x38;
	[tilespmem:$0x8000] =	vst v63  }
0x2b9: {  	_ =	swait.ge [sflag:s29], $0x400  }
0x2ba: {  	s0 =	sld [smem:$0x7B8]  }
0x2bb: {  	[sflag:s29] =	ssyncset.done $0x0  }
0x2bc: {  	s3 =	sld [smem:$0x7B9];
	[sflag:s29] =	ssyncadd.s32 $0xFFFFFC00  }
0x2bd: {  	[tilespmem:s0], [sflag:$0x2] =	stream.linear.gather [hbm4b:s2+s1], $0x80, $0x38;
	[tilespmem:$0x8000] =	vst v63  }
0x2be: {  	s0 =	sld [smem:$0x7BA]  }
0x2bf: {  	[tilespmem:s3], [sflag:$0x2] =	stream.linear.gather [hbm4b:s18+s1], $0x80, $0x38;
	[tilespmem:$0x8000] =	vst v63  }
0x2c0: {  	s3 =	sld [smem:$0x7BB]  }
0x2c1: {  	[tilespmem:s0], [sflag:$0x2] =	stream.linear.gather [hbm4b:s19+s1], $0x80, $0x38;
	[tilespmem:$0x8000] =	vst v63  }
0x2c2: {  	s0 =	sld [smem:$0x7BC]  }
0x2c3: {  	[tilespmem:s3], [sflag:$0x2] =	stream.linear.gather [hbm4b:s20+s1], $0x80, $0x38;
	[tilespmem:$0x8000] =	vst v63  }
0x2c4: {  	s3 =	sld [smem:$0x7BD]  }
0x2c5: {  	[tilespmem:s0], [sflag:$0x2] =	stream.linear.gather [hbm4b:s22+s1], $0x80, $0x38;
	[tilespmem:$0x8000] =	vst v63  }
0x2c6: {  	s0 =	sld [smem:$0x7BE]  }
0x2c7: {  	[tilespmem:s3], [sflag:$0x2] =	stream.linear.gather [hbm4b:s25+s1], $0x80, $0x38;
	[tilespmem:$0x8000] =	vst v63  }
0x2c8: {  	s3 =	sld [smem:$0x7BF]  }
0x2c9: {  	[tilespmem:s0], [sflag:$0x2] =	stream.linear.gather [hbm4b:s26+s1], $0x80, $0x38;
	[tilespmem:$0x8000] =	vst v63  }
0x2ca: {  	_ = 	snop  }
0x2cb: {  	[tilespmem:s3], [sflag:$0x2] =	stream.linear.gather [hbm4b:s28+s1], $0x80, $0x38;
	[tilespmem:$0x8000] =	vst v63  }
0x2cc: {  	_ =	swait.ge [sflag:s29], $0x400  }
0x2cd: {  	s0 =	sld [smem:$0x7C0]  }
0x2ce: {  	[sflag:s29] =	ssyncset.done $0x0  }
0x2cf: {  	s3 =	sld [smem:$0x7C1];
	[sflag:s29] =	ssyncadd.s32 $0xFFFFFC00  }
0x2d0: {  	[tilespmem:s0], [sflag:$0x2] =	stream.linear.gather [hbm4b:s2+s1], $0x80, $0x38;
	[tilespmem:$0x8000] =	vst v63  }
0x2d1: {  	s0 =	sld [smem:$0x7C2]  }
0x2d2: {  	[tilespmem:s3], [sflag:$0x2] =	stream.linear.gather [hbm4b:s18+s1], $0x80, $0x38;
	[tilespmem:$0x8000] =	vst v63  }
0x2d3: {  	s3 =	sld [smem:$0x7C3]  }
0x2d4: {  	[tilespmem:s0], [sflag:$0x2] =	stream.linear.gather [hbm4b:s19+s1], $0x80, $0x38;
	[tilespmem:$0x8000] =	vst v63  }
0x2d5: {  	s0 =	sld [smem:$0x7C4]  }
0x2d6: {  	[tilespmem:s3], [sflag:$0x2] =	stream.linear.gather [hbm4b:s20+s1], $0x80, $0x38;
	[tilespmem:$0x8000] =	vst v63  }
0x2d7: {  	s3 =	sld [smem:$0x7C5]  }
0x2d8: {  	[tilespmem:s0], [sflag:$0x2] =	stream.linear.gather [hbm4b:s22+s1], $0x80, $0x38;
	[tilespmem:$0x8000] =	vst v63  }
0x2d9: {  	s0 =	sld [smem:$0x7C6]  }
0x2da: {  	[tilespmem:s3], [sflag:$0x2] =	stream.linear.gather [hbm4b:s25+s1], $0x80, $0x38;
	[tilespmem:$0x8000] =	vst v63  }
0x2db: {  	s3 =	sld [smem:$0x7C7]  }
0x2dc: {  	[tilespmem:s0], [sflag:$0x2] =	stream.linear.gather [hbm4b:s26+s1], $0x80, $0x38;
	[tilespmem:$0x8000] =	vst v63  }
0x2dd: {  	_ = 	snop  }
0x2de: {  	[tilespmem:s3], [sflag:$0x2] =	stream.linear.gather [hbm4b:s28+s1], $0x80, $0x38;
	[tilespmem:$0x8000] =	vst v63  }
0x2df: {  	_ =	swait.ge [sflag:s29], $0x400  }
0x2e0: {  	s0 =	sld [smem:$0x7C8]  }
0x2e1: {  	[sflag:s29] =	ssyncset.done $0x0  }
0x2e2: {  	s3 =	sld [smem:$0x7C9];
	[sflag:s29] =	ssyncadd.s32 $0xFFFFFC00  }
0x2e3: {  	[tilespmem:s0], [sflag:$0x2] =	stream.linear.gather [hbm4b:s2+s1], $0x80, $0x38;
	[tilespmem:$0x8000] =	vst v63  }
0x2e4: {  	s0 =	sld [smem:$0x7CA]  }
0x2e5: {  	[tilespmem:s3], [sflag:$0x2] =	stream.linear.gather [hbm4b:s18+s1], $0x80, $0x38;
	[tilespmem:$0x8000] =	vst v63  }
0x2e6: {  	s3 =	sld [smem:$0x7CB]  }
0x2e7: {  	[tilespmem:s0], [sflag:$0x2] =	stream.linear.gather [hbm4b:s19+s1], $0x80, $0x38;
	[tilespmem:$0x8000] =	vst v63  }
0x2e8: {  	s0 =	sld [smem:$0x7CC]  }
0x2e9: {  	[tilespmem:s3], [sflag:$0x2] =	stream.linear.gather [hbm4b:s20+s1], $0x80, $0x38;
	[tilespmem:$0x8000] =	vst v63  }
0x2ea: {  	s3 =	sld [smem:$0x7CD]  }
0x2eb: {  	[tilespmem:s0], [sflag:$0x2] =	stream.linear.gather [hbm4b:s22+s1], $0x80, $0x38;
	[tilespmem:$0x8000] =	vst v63  }
0x2ec: {  	s0 =	sld [smem:$0x7CE]  }
0x2ed: {  	[tilespmem:s3], [sflag:$0x2] =	stream.linear.gather [hbm4b:s25+s1], $0x80, $0x38;
	[tilespmem:$0x8000] =	vst v63  }
0x2ee: {  	s3 =	sld [smem:$0x7CF]  }
0x2ef: {  	[tilespmem:s0], [sflag:$0x2] =	stream.linear.gather [hbm4b:s26+s1], $0x80, $0x38;
	[tilespmem:$0x8000] =	vst v63  }
0x2f0: {  	_ = 	snop  }
0x2f1: {  	[tilespmem:s3], [sflag:$0x2] =	stream.linear.gather [hbm4b:s28+s1], $0x80, $0x38;
	[tilespmem:$0x8000] =	vst v63  }
0x2f2: {  	_ =	swait.ge [sflag:s29], $0x400  }
0x2f3: {  	s0 =	sld [smem:$0x7D0]  }
0x2f4: {  	[sflag:s29] =	ssyncset.done $0x0  }
0x2f5: {  	s3 =	sld [smem:$0x7D1];
	[sflag:s29] =	ssyncadd.s32 $0xFFFFFC00  }
0x2f6: {  	[tilespmem:s0], [sflag:$0x2] =	stream.linear.gather [hbm4b:s2+s1], $0x80, $0x38;
	[tilespmem:$0x8000] =	vst v63  }
0x2f7: {  	s0 =	sld [smem:$0x7D2]  }
0x2f8: {  	[tilespmem:s3], [sflag:$0x2] =	stream.linear.gather [hbm4b:s18+s1], $0x80, $0x38;
	[tilespmem:$0x8000] =	vst v63  }
0x2f9: {  	s3 =	sld [smem:$0x7D3]  }
0x2fa: {  	[tilespmem:s0], [sflag:$0x2] =	stream.linear.gather [hbm4b:s19+s1], $0x80, $0x38;
	[tilespmem:$0x8000] =	vst v63  }
0x2fb: {  	s0 =	sld [smem:$0x7D4]  }
0x2fc: {  	[tilespmem:s3], [sflag:$0x2] =	stream.linear.gather [hbm4b:s20+s1], $0x80, $0x38;
	[tilespmem:$0x8000] =	vst v63  }
0x2fd: {  	s3 =	sld [smem:$0x7D5]  }
0x2fe: {  	[tilespmem:s0], [sflag:$0x2] =	stream.linear.gather [hbm4b:s22+s1], $0x80, $0x38;
	[tilespmem:$0x8000] =	vst v63  }
0x2ff: {  	s0 =	sld [smem:$0x7D6]  }
0x300: {  	[tilespmem:s3], [sflag:$0x2] =	stream.linear.gather [hbm4b:s25+s1], $0x80, $0x38;
	[tilespmem:$0x8000] =	vst v63  }
0x301: {  	s3 =	sld [smem:$0x7D7]  }
0x302: {  	[tilespmem:s0], [sflag:$0x2] =	stream.linear.gather [hbm4b:s26+s1], $0x80, $0x38;
	[tilespmem:$0x8000] =	vst v63  }
0x303: {  	_ = 	snop  }
0x304: {  	[tilespmem:s3], [sflag:$0x2] =	stream.linear.gather [hbm4b:s28+s1], $0x80, $0x38;
	[tilespmem:$0x8000] =	vst v63  }
0x305: {  	_ =	swait.ge [sflag:s29], $0x400  }
0x306: {  	s0 =	sld [smem:$0x7D8]  }
0x307: {  	[sflag:s29] =	ssyncset.done $0x0  }
0x308: {  	s3 =	sld [smem:$0x7D9];
	[sflag:s29] =	ssyncadd.s32 $0xFFFFFC00  }
0x309: {  	[tilespmem:s0], [sflag:$0x2] =	stream.linear.gather [hbm4b:s2+s1], $0x80, $0x38;
	[tilespmem:$0x8000] =	vst v63  }
0x30a: {  	s0 =	sld [smem:$0x7DA]  }
0x30b: {  	[tilespmem:s3], [sflag:$0x2] =	stream.linear.gather [hbm4b:s18+s1], $0x80, $0x38;
	[tilespmem:$0x8000] =	vst v63  }
0x30c: {  	s3 =	sld [smem:$0x7DB]  }
0x30d: {  	[tilespmem:s0], [sflag:$0x2] =	stream.linear.gather [hbm4b:s19+s1], $0x80, $0x38;
	[tilespmem:$0x8000] =	vst v63  }
0x30e: {  	s0 =	sld [smem:$0x7DC]  }
0x30f: {  	[tilespmem:s3], [sflag:$0x2] =	stream.linear.gather [hbm4b:s20+s1], $0x80, $0x38;
	[tilespmem:$0x8000] =	vst v63  }
0x310: {  	s3 =	sld [smem:$0x7DD]  }
0x311: {  	[tilespmem:s0], [sflag:$0x2] =	stream.linear.gather [hbm4b:s22+s1], $0x80, $0x38;
	[tilespmem:$0x8000] =	vst v63  }
0x312: {  	s0 =	sld [smem:$0x7DE]  }
0x313: {  	[tilespmem:s3], [sflag:$0x2] =	stream.linear.gather [hbm4b:s25+s1], $0x80, $0x38;
	[tilespmem:$0x8000] =	vst v63  }
0x314: {  	s3 =	sld [smem:$0x7DF]  }
0x315: {  	[tilespmem:s0], [sflag:$0x2] =	stream.linear.gather [hbm4b:s26+s1], $0x80, $0x38;
	[tilespmem:$0x8000] =	vst v63  }
0x316: {  	_ = 	snop  }
0x317: {  	[tilespmem:s3], [sflag:$0x2] =	stream.linear.gather [hbm4b:s28+s1], $0x80, $0x38;
	[tilespmem:$0x8000] =	vst v63  }
0x318: {  	_ =	swait.ge [sflag:s29], $0x400  }
0x319: {  	s0 =	sld [smem:$0x7E0]  }
0x31a: {  	[sflag:s29] =	ssyncset.done $0x0  }
0x31b: {  	s3 =	sld [smem:$0x7E1];
	[sflag:s29] =	ssyncadd.s32 $0xFFFFFC00  }
0x31c: {  	[tilespmem:s0], [sflag:$0x2] =	stream.linear.gather [hbm4b:s2+s1], $0x80, $0x38;
	[tilespmem:$0x8000] =	vst v63  }
0x31d: {  	s0 =	sld [smem:$0x7E2]  }
0x31e: {  	[tilespmem:s3], [sflag:$0x2] =	stream.linear.gather [hbm4b:s18+s1], $0x80, $0x38;
	[tilespmem:$0x8000] =	vst v63  }
0x31f: {  	s3 =	sld [smem:$0x7E3]  }
0x320: {  	[tilespmem:s0], [sflag:$0x2] =	stream.linear.gather [hbm4b:s19+s1], $0x80, $0x38;
	[tilespmem:$0x8000] =	vst v63  }
0x321: {  	s0 =	sld [smem:$0x7E4]  }
0x322: {  	[tilespmem:s3], [sflag:$0x2] =	stream.linear.gather [hbm4b:s20+s1], $0x80, $0x38;
	[tilespmem:$0x8000] =	vst v63  }
0x323: {  	s3 =	sld [smem:$0x7E5]  }
0x324: {  	[tilespmem:s0], [sflag:$0x2] =	stream.linear.gather [hbm4b:s22+s1], $0x80, $0x38;
	[tilespmem:$0x8000] =	vst v63  }
0x325: {  	s0 =	sld [smem:$0x7E6]  }
0x326: {  	[tilespmem:s3], [sflag:$0x2] =	stream.linear.gather [hbm4b:s25+s1], $0x80, $0x38;
	[tilespmem:$0x8000] =	vst v63  }
0x327: {  	s3 =	sld [smem:$0x7E7]  }
0x328: {  	[tilespmem:s0], [sflag:$0x2] =	stream.linear.gather [hbm4b:s26+s1], $0x80, $0x38;
	[tilespmem:$0x8000] =	vst v63  }
0x329: {  	_ = 	snop  }
0x32a: {  	[tilespmem:s3], [sflag:$0x2] =	stream.linear.gather [hbm4b:s28+s1], $0x80, $0x38;
	[tilespmem:$0x8000] =	vst v63  }
0x32b: {  	_ =	swait.ge [sflag:s29], $0x400  }
0x32c: {  	s0 =	sld [smem:$0x7E8]  }
0x32d: {  	[sflag:s29] =	ssyncset.done $0x0  }
0x32e: {  	s3 =	sld [smem:$0x7E9];
	[sflag:s29] =	ssyncadd.s32 $0xFFFFFC00  }
0x32f: {  	[tilespmem:s0], [sflag:$0x2] =	stream.linear.gather [hbm4b:s2+s1], $0x80, $0x38;
	[tilespmem:$0x8000] =	vst v63  }
0x330: {  	s0 =	sld [smem:$0x7EA]  }
0x331: {  	[tilespmem:s3], [sflag:$0x2] =	stream.linear.gather [hbm4b:s18+s1], $0x80, $0x38;
	[tilespmem:$0x8000] =	vst v63  }
0x332: {  	s3 =	sld [smem:$0x7EB]  }
0x333: {  	[tilespmem:s0], [sflag:$0x2] =	stream.linear.gather [hbm4b:s19+s1], $0x80, $0x38;
	[tilespmem:$0x8000] =	vst v63  }
0x334: {  	s0 =	sld [smem:$0x7EC]  }
0x335: {  	[tilespmem:s3], [sflag:$0x2] =	stream.linear.gather [hbm4b:s20+s1], $0x80, $0x38;
	[tilespmem:$0x8000] =	vst v63  }
0x336: {  	s3 =	sld [smem:$0x7ED]  }
0x337: {  	[tilespmem:s0], [sflag:$0x2] =	stream.linear.gather [hbm4b:s22+s1], $0x80, $0x38;
	[tilespmem:$0x8000] =	vst v63  }
0x338: {  	s0 =	sld [smem:$0x7EE]  }
0x339: {  	[tilespmem:s3], [sflag:$0x2] =	stream.linear.gather [hbm4b:s25+s1], $0x80, $0x38;
	[tilespmem:$0x8000] =	vst v63  }
0x33a: {  	s3 =	sld [smem:$0x7FC]  }
0x33b: {  	[tilespmem:s0], [sflag:$0x2] =	stream.linear.gather [hbm4b:s26+s1], $0x80, $0x38;
	[tilespmem:$0x8000] =	vst v63  }
0x33c: {  	_ = 	snop  }
0x33d: {  	[tilespmem:s3], [sflag:$0x2] =	stream.linear.gather [hbm4b:s28+s1], $0x80, $0x38;
	[tilespmem:$0x8000] =	vst v63  }
0x33e: {  	_ =	swait.ge [sflag:s29], $0x400  }
0x33f: {  	s0 =	sld [smem:$0x7FB]  }
0x340: {  	[sflag:s29] =	ssyncset.done $0x0  }
0x341: {  	s3 =	sld [smem:$0x7EF];
	[sflag:s29] =	ssyncadd.s32 $0xFFFFFC00  }
0x342: {  	[tilespmem:s0], [sflag:$0x2] =	stream.linear.gather [hbm4b:s2+s1], $0x80, $0x38;
	[tilespmem:$0x8000] =	vst v63  }
0x343: {  	s0 =	sld [smem:$0x7FA]  }
0x344: {  	[tilespmem:s3], [sflag:$0x2] =	stream.linear.gather [hbm4b:s18+s1], $0x80, $0x38;
	[tilespmem:$0x8000] =	vst v63  }
0x345: {  	s3 =	sld [smem:$0x7F0]  }
0x346: {  	[tilespmem:s0], [sflag:$0x2] =	stream.linear.gather [hbm4b:s19+s1], $0x80, $0x38;
	[tilespmem:$0x8000] =	vst v63  }
0x347: {  	s0 =	sld [smem:$0x7F9]  }
0x348: {  	[tilespmem:s3], [sflag:$0x2] =	stream.linear.gather [hbm4b:s20+s1], $0x80, $0x38;
	[tilespmem:$0x8000] =	vst v63  }
0x349: {  	s3 =	sld [smem:$0x7F1]  }
0x34a: {  	[tilespmem:s0], [sflag:$0x2] =	stream.linear.gather [hbm4b:s22+s1], $0x80, $0x38;
	[tilespmem:$0x8000] =	vst v63  }
0x34b: {  	s0 =	sld [smem:$0x7F8]  }
0x34c: {  	[tilespmem:s3], [sflag:$0x2] =	stream.linear.gather [hbm4b:s25+s1], $0x80, $0x38;
	[tilespmem:$0x8000] =	vst v63  }
0x34d: {  	s3 =	sld [smem:$0x7F2]  }
0x34e: {  	[tilespmem:s0], [sflag:$0x2] =	stream.linear.gather [hbm4b:s26+s1], $0x80, $0x38;
	[tilespmem:$0x8000] =	vst v63  }
0x34f: {  	_ = 	snop  }
0x350: {  	[tilespmem:s3], [sflag:$0x2] =	stream.linear.gather [hbm4b:s28+s1], $0x80, $0x38;
	[tilespmem:$0x8000] =	vst v63  }
0x351: {  	_ =	swait.ge [sflag:s29], $0x400  }
0x352: {  	s0 =	sld [smem:$0x7F7]  }
0x353: {  	[sflag:s29] =	ssyncset.done $0x0  }
0x354: {  	s3 =	sld [smem:$0x7F3];
	[sflag:s29] =	ssyncadd.s32 $0xFFFFFC00  }
0x355: {  	[tilespmem:s0], [sflag:$0x2] =	stream.linear.gather [hbm4b:s2+s1], $0x80, $0x38;
	[tilespmem:$0x8000] =	vst v63  }
0x356: {  	s0 =	sld [smem:$0x7F6]  }
0x357: {  	[tilespmem:s3], [sflag:$0x2] =	stream.linear.gather [hbm4b:s18+s1], $0x80, $0x38;
	[tilespmem:$0x8000] =	vst v63  }
0x358: {  	s3 =	sld [smem:$0x7F5]  }
0x359: {  	[tilespmem:s0], [sflag:$0x2] =	stream.linear.gather [hbm4b:s19+s1], $0x80, $0x38;
	[tilespmem:$0x8000] =	vst v63  }
0x35a: {  	s0 =	sld [smem:$0x7F4]  }
0x35b: {  	[tilespmem:s3], [sflag:$0x2] =	stream.linear.gather [hbm4b:s20+s1], $0x80, $0x38;
	[tilespmem:$0x8000] =	vst v63  }
0x35c: {  	s3 =	sld [smem:$0x7FD]  }
0x35d: {  	[tilespmem:s0], [sflag:$0x2] =	stream.linear.gather [hbm4b:s22+s1], $0x80, $0x38;
	[tilespmem:$0x8000] =	vst v63  }
0x35e: {  	_ = 	snop  }
0x35f: {  	[tilespmem:s3], [sflag:$0x2] =	stream.linear.gather [hbm4b:s25+s1], $0x80, $0x38;
	[tilespmem:$0x8000] =	vst v63  }
0x360: {  	s3 =	simm.s32 $0x7B80  }
0x361: {  	[tilespmem:s3], [sflag:$0x2] =	stream.linear.gather [hbm4b:s26+s1], $0x80, $0x38;
	[tilespmem:$0x8000] =	vst v63  }
0x362: {  	_ = 	snop  }
0x363: {  	[tilespmem:s31], [sflag:$0x2] =	stream.linear.gather [hbm4b:s28+s1], $0x80, $0x38;
	[tilespmem:$0x8000] =	vst v63  }
0x364: {  	_ =	swait.ge [sflag:s29], $0x400  }
0x365: {  	[sflag:s29] =	ssyncset.done $0x0  }
0x366: {  	[sflag:s29] =	ssyncadd.s32 $0xFFFFFC00  }
0x367: {  	[hbm4b:s13+s1] =	stream.linear.scatter [tilespmem:s1], [sflag:$0x1], $0x8000, $0x38;
	[tilespmem:$0x8000] =	vst v63  }
0x368: {  	_ = 	snop  }
0x369: {  	[hbm4b:s13+s1] =	stream.linear.scatter [tilespmem:s1], [sflag:$0x1], $0x8000, $0x38;
	[tilespmem:$0x8000] =	vst v63  }
0x36a: {  	_ = 	snop  }
0x36b: {  	[hbm4b:s15+s1] =	stream.linear.scatter [tilespmem:s1], [sflag:$0x1], $0x8000, $0x38;
	[tilespmem:$0x8000] =	vst v63  }
0x36c: {  	_ = 	snop  }
0x36d: {  	[hbm4b:s15+s1] =	stream.linear.scatter [tilespmem:s1], [sflag:$0x1], $0x8000, $0x38;
	[tilespmem:$0x8000] =	vst v63  }
0x36e: {  	_ = 	snop  }
0x36f: {  	[hbm4b:s24+s1] =	stream.linear.scatter [tilespmem:s1], [sflag:$0x1], $0x8000, $0x38;
	[tilespmem:$0x8000] =	vst v63  }
0x370: {  	_ = 	snop  }
0x371: {  	[hbm4b:s24+s1] =	stream.linear.scatter [tilespmem:s1], [sflag:$0x1], $0x8000, $0x38;
	[tilespmem:$0x8000] =	vst v63  }
0x372: {  	_ = 	snop  }
0x373: {  	[hbm4b:s23+s1] =	stream.linear.scatter [tilespmem:s1], [sflag:$0x1], $0x8000, $0x38;
	[tilespmem:$0x8000] =	vst v63  }
0x374: {  	_ = 	snop  }
0x375: {  	[hbm4b:s23+s1] =	stream.linear.scatter [tilespmem:s1], [sflag:$0x1], $0x8000, $0x38;
	[tilespmem:$0x8000] =	vst v63  }
0x376: {  	_ = 	snop  }
0x377: {  	[hbm4b:s21+s1] =	stream.linear.scatter [tilespmem:s1], [sflag:$0x1], $0x8000, $0x38;
	[tilespmem:$0x8000] =	vst v63  }
0x378: {  	_ = 	snop  }
0x379: {  	[hbm4b:s21+s1] =	stream.linear.scatter [tilespmem:s1], [sflag:$0x1], $0x8000, $0x38;
	[tilespmem:$0x8000] =	vst v63  }
0x37a: {  	_ = 	snop  }
0x37b: {  	[hbm4b:s7+s1] =	stream.linear.scatter [tilespmem:s1], [sflag:$0x1], $0x8000, $0x38;
	[tilespmem:$0x8000] =	vst v63  }
0x37c: {  	_ = 	snop  }
0x37d: {  	[hbm4b:s7+s1] =	stream.linear.scatter [tilespmem:s1], [sflag:$0x1], $0x8000, $0x38;
	[tilespmem:$0x8000] =	vst v63  }
0x37e: {  	_ = 	snop  }
0x37f: {  	[hbm4b:s9+s1] =	stream.linear.scatter [tilespmem:s1], [sflag:$0x1], $0x8000, $0x38;
	[tilespmem:$0x8000] =	vst v63  }
0x380: {  	_ = 	snop  }
0x381: {  	[hbm4b:s9+s1] =	stream.linear.scatter [tilespmem:s1], [sflag:$0x1], $0x8000, $0x38;
	[tilespmem:$0x8000] =	vst v63  }
0x382: {  	_ = 	snop  }
0x383: {  	[hbm4b:s17+s1] =	stream.linear.scatter [tilespmem:s1], [sflag:$0x1], $0x8000, $0x38;
	[tilespmem:$0x8000] =	vst v63  }
0x384: {  	_ = 	snop  }
0x385: {  	[hbm4b:s17+s1] =	stream.linear.scatter [tilespmem:s1], [sflag:$0x1], $0x8000, $0x38;
	[tilespmem:$0x8000] =	vst v63  }
0x386: {  	_ = 	snop  }
0x387: {  	[hbm4b:s16+s1] =	stream.linear.scatter [tilespmem:s1], [sflag:$0x1], $0x8000, $0x38;
	[tilespmem:$0x8000] =	vst v63  }
0x388: {  	_ = 	snop  }
0x389: {  	[hbm4b:s16+s1] =	stream.linear.scatter [tilespmem:s1], [sflag:$0x1], $0x8000, $0x38;
	[tilespmem:$0x8000] =	vst v63  }
0x38a: {  	_ = 	snop  }
0x38b: {  	[hbm4b:s5+s1] =	stream.linear.scatter [tilespmem:s1], [sflag:$0x1], $0x8000, $0x38;
	[tilespmem:$0x8000] =	vst v63  }
0x38c: {  	_ = 	snop  }
0x38d: {  	[hbm4b:s5+s1] =	stream.linear.scatter [tilespmem:s1], [sflag:$0x1], $0x8000, $0x38;
	[tilespmem:$0x8000] =	vst v63  }
0x38e: {  	_ = 	snop  }
0x38f: {  	[hbm4b:s6+s1] =	stream.linear.scatter [tilespmem:s1], [sflag:$0x1], $0x8000, $0x38;
	[tilespmem:$0x8000] =	vst v63  }
0x390: {  	_ = 	snop  }
0x391: {  	[hbm4b:s6+s1] =	stream.linear.scatter [tilespmem:s1], [sflag:$0x1], $0x8000, $0x38;
	[tilespmem:$0x8000] =	vst v63  }
0x392: {  	_ = 	snop  }
0x393: {  	[hbm4b:s8+s1] =	stream.linear.scatter [tilespmem:s1], [sflag:$0x1], $0x8000, $0x38;
	[tilespmem:$0x8000] =	vst v63  }
0x394: {  	_ = 	snop  }
0x395: {  	[hbm4b:s8+s1] =	stream.linear.scatter [tilespmem:s1], [sflag:$0x1], $0x8000, $0x38;
	[tilespmem:$0x8000] =	vst v63  }
0x396: {  	_ = 	snop  }
0x397: {  	[hbm4b:s10+s1] =	stream.linear.scatter [tilespmem:s1], [sflag:$0x1], $0x8000, $0x38;
	[tilespmem:$0x8000] =	vst v63  }
0x398: {  	_ = 	snop  }
0x399: {  	[hbm4b:s10+s1] =	stream.linear.scatter [tilespmem:s1], [sflag:$0x1], $0x8000, $0x38;
	[tilespmem:$0x8000] =	vst v63  }
0x39a: {  	_ = 	snop  }
0x39b: {  	[hbm4b:s11+s1] =	stream.linear.scatter [tilespmem:s1], [sflag:$0x1], $0x8000, $0x38;
	[tilespmem:$0x8000] =	vst v63  }
0x39c: {  	_ = 	snop  }
0x39d: {  	[hbm4b:s11+s1] =	stream.linear.scatter [tilespmem:s1], [sflag:$0x1], $0x8000, $0x38;
	[tilespmem:$0x8000] =	vst v63  }
0x39e: {  	_ = 	snop  }
0x39f: {  	[hbm4b:s12+s1] =	stream.linear.scatter [tilespmem:s1], [sflag:$0x1], $0x8000, $0x38;
	[tilespmem:$0x8000] =	vst v63  }
0x3a0: {  	_ = 	snop  }
0x3a1: {  	[hbm4b:s12+s1] =	stream.linear.scatter [tilespmem:s1], [sflag:$0x1], $0x8000, $0x38;
	[tilespmem:$0x8000] =	vst v63  }
0x3a2: {  	_ = 	snop  }
0x3a3: {  	[hbm4b:s14+s1] =	stream.linear.scatter [tilespmem:s1], [sflag:$0x1], $0x8000, $0x38;
	[tilespmem:$0x8000] =	vst v63  }
0x3a4: {  	_ = 	snop  }
0x3a5: {  	[hbm4b:s14+s1] =	stream.linear.scatter [tilespmem:s1], [sflag:$0x1], $0x8000, $0x38;
	[tilespmem:$0x8000] =	vst v63  }
0x3a6: {  	_ =	swait.ge [sflag:s4], $0x8000  }
0x3a7: {  	[sflag:s4] =	ssyncset.done $0x0  }
0x3a8: {  	[sflag:s4] =	ssyncadd.s32 $0xFFFF8000  }
0x3a9: {  	_ =	swait.ge [sflag:s4], $0x8000  }
0x3aa: {  	[sflag:s4] =	ssyncset.done $0x0  }
0x3ab: {  	[sflag:s4] =	ssyncadd.s32 $0xFFFF8000  }
0x3ac: {  	_ =	swait.ge [sflag:s4], $0x8000  }
0x3ad: {  	[sflag:s4] =	ssyncset.done $0x0  }
0x3ae: {  	[sflag:s4] =	ssyncadd.s32 $0xFFFF8000  }
0x3af: {  	_ =	swait.ge [sflag:s4], $0x8000  }
0x3b0: {  	[sflag:s4] =	ssyncset.done $0x0  }
0x3b1: {  	[sflag:s4] =	ssyncadd.s32 $0xFFFF8000  }
0x3b2: {  	_ =	swait.ge [sflag:s4], $0x8000  }
0x3b3: {  	[sflag:s4] =	ssyncset.done $0x0  }
0x3b4: {  	[sflag:s4] =	ssyncadd.s32 $0xFFFF8000  }
0x3b5: {  	_ =	swait.ge [sflag:s4], $0x8000  }
0x3b6: {  	[sflag:s4] =	ssyncset.done $0x0  }
0x3b7: {  	[sflag:s4] =	ssyncadd.s32 $0xFFFF8000  }
0x3b8: {  	_ =	swait.ge [sflag:s4], $0x8000  }
0x3b9: {  	[sflag:s4] =	ssyncset.done $0x0  }
0x3ba: {  	[sflag:s4] =	ssyncadd.s32 $0xFFFF8000  }
0x3bb: {  	_ =	swait.ge [sflag:s4], $0x8000  }
0x3bc: {  	[sflag:s4] =	ssyncset.done $0x0  }
0x3bd: {  	[sflag:s4] =	ssyncadd.s32 $0xFFFF8000  }
0x3be: {  	_ =	swait.ge [sflag:s4], $0x8000  }
0x3bf: {  	[sflag:s4] =	ssyncset.done $0x0  }
0x3c0: {  	[sflag:s4] =	ssyncadd.s32 $0xFFFF8000  }
0x3c1: {  	_ =	swait.ge [sflag:s4], $0x8000  }
0x3c2: {  	[sflag:s4] =	ssyncset.done $0x0  }
0x3c3: {  	[sflag:s4] =	ssyncadd.s32 $0xFFFF8000  }
0x3c4: {  	_ =	swait.ge [sflag:s4], $0x8000  }
0x3c5: {  	[sflag:s4] =	ssyncset.done $0x0  }
0x3c6: {  	[sflag:s4] =	ssyncadd.s32 $0xFFFF8000  }
0x3c7: {  	_ =	swait.ge [sflag:s4], $0x8000  }
0x3c8: {  	[sflag:s4] =	ssyncset.done $0x0  }
0x3c9: {  	[sflag:s4] =	ssyncadd.s32 $0xFFFF8000  }
0x3ca: {  	_ =	swait.ge [sflag:s4], $0x8000  }
0x3cb: {  	[sflag:s4] =	ssyncset.done $0x0  }
0x3cc: {  	[sflag:s4] =	ssyncadd.s32 $0xFFFF8000  }
0x3cd: {  	_ =	swait.ge [sflag:s4], $0x8000  }
0x3ce: {  	[sflag:s4] =	ssyncset.done $0x0  }
0x3cf: {  	p1 =	sne.s32 s30, $0x1;
	[sflag:s4] =	ssyncadd.s32 $0xFFFF8000  }
.Ltmp1:
0x3d0: {  	_ =	swait.ge [sflag:s4], $0x8000;
	(pc) =	sbr.rel @!p1 .LBB2_2-.Ltmp1, $4  }
0x3d1: {  	[sflag:s4] =	ssyncset.done $0x0  }
0x3d2: {  	[sflag:s4] =	ssyncadd.s32 $0xFFFF8000  }
0x3d3: {  	_ =	swait.ge [sflag:s4], $0x8000  }
0x3d4: {  	p0 =	por $0x1, $0x1;
	s0 =	sadd.s32 $0xFFFFFFFF, s30;
	[sflag:s4] =	ssyncset.done $0x0  }
.LBB2_3:
0x3d5: {  	[sflag:s4] =	ssyncadd.s32 $0xFFFF8000  }
0x3d6: {  	[tilespmem:s1], [sflag:$0x2] =	stream.linear.gather [hbm4b:s2+s1], $0x80, $0x38;
	[tilespmem:$0x8000] =	vst v63  }
0x3d7: {  	s3 =	rddreg [dreg:$0x3]  }
0x3d8: {  	[tilespmem:s3], [sflag:$0x2] =	stream.linear.gather [hbm4b:s18+s1], $0x80, $0x38;
	[tilespmem:$0x8000] =	vst v63  }
0x3d9: {  	s30 =	rddreg [dreg:$0x4]  }
0x3da: {  	[tilespmem:s30], [sflag:$0x2] =	stream.linear.gather [hbm4b:s19+s1], $0x80, $0x38;
	[tilespmem:$0x8000] =	vst v63  }
0x3db: {  	s3 =	rddreg [dreg:$0x5]  }
0x3dc: {  	[tilespmem:s3], [sflag:$0x2] =	stream.linear.gather [hbm4b:s20+s1], $0x80, $0x38;
	[tilespmem:$0x8000] =	vst v63  }
0x3dd: {  	s30 =	rddreg [dreg:$0x6]  }
0x3de: {  	[tilespmem:s30], [sflag:$0x2] =	stream.linear.gather [hbm4b:s22+s1], $0x80, $0x38;
	[tilespmem:$0x8000] =	vst v63  }
0x3df: {  	s3 =	rddreg [dreg:$0x7]  }
0x3e0: {  	[tilespmem:s3], [sflag:$0x2] =	stream.linear.gather [hbm4b:s25+s1], $0x80, $0x38;
	[tilespmem:$0x8000] =	vst v63  }
0x3e1: {  	s30 =	rddreg [dreg:$0x8]  }
0x3e2: {  	[tilespmem:s30], [sflag:$0x2] =	stream.linear.gather [hbm4b:s26+s1], $0x80, $0x38;
	[tilespmem:$0x8000] =	vst v63  }
0x3e3: {  	s3 =	rddreg [dreg:$0x9]  }
0x3e4: {  	[tilespmem:s3], [sflag:$0x2] =	stream.linear.gather [hbm4b:s28+s1], $0x80, $0x38;
	[tilespmem:$0x8000] =	vst v63  }
0x3e5: {  	_ =	swait.ge [sflag:s29], $0x400  }
0x3e6: {  	[sflag:s29] =	ssyncset.done $0x0  }
0x3e7: {  	s3 =	rddreg [dreg:$0xa];
	[sflag:s29] =	ssyncadd.s32 $0xFFFFFC00  }
0x3e8: {  	[tilespmem:s3], [sflag:$0x2] =	stream.linear.gather [hbm4b:s2+s1], $0x80, $0x38;
	[tilespmem:$0x8000] =	vst v63  }
0x3e9: {  	s30 =	rddreg [dreg:$0xb]  }
0x3ea: {  	[tilespmem:s30], [sflag:$0x2] =	stream.linear.gather [hbm4b:s18+s1], $0x80, $0x38;
	[tilespmem:$0x8000] =	vst v63  }
0x3eb: {  	s3 =	rddreg [dreg:$0xc]  }
0x3ec: {  	[tilespmem:s3], [sflag:$0x2] =	stream.linear.gather [hbm4b:s19+s1], $0x80, $0x38;
	[tilespmem:$0x8000] =	vst v63  }
0x3ed: {  	s30 =	rddreg [dreg:$0xd]  }
0x3ee: {  	[tilespmem:s30], [sflag:$0x2] =	stream.linear.gather [hbm4b:s20+s1], $0x80, $0x38;
	[tilespmem:$0x8000] =	vst v63  }
0x3ef: {  	s3 =	rddreg [dreg:$0xe]  }
0x3f0: {  	[tilespmem:s3], [sflag:$0x2] =	stream.linear.gather [hbm4b:s22+s1], $0x80, $0x38;
	[tilespmem:$0x8000] =	vst v63  }
0x3f1: {  	s30 =	rddreg [dreg:$0xf]  }
0x3f2: {  	[tilespmem:s30], [sflag:$0x2] =	stream.linear.gather [hbm4b:s25+s1], $0x80, $0x38;
	[tilespmem:$0x8000] =	vst v63  }
0x3f3: {  	s3 =	rddreg [dreg:$0x10]  }
0x3f4: {  	[tilespmem:s3], [sflag:$0x2] =	stream.linear.gather [hbm4b:s26+s1], $0x80, $0x38;
	[tilespmem:$0x8000] =	vst v63  }
0x3f5: {  	s30 =	rddreg [dreg:$0x11]  }
0x3f6: {  	[tilespmem:s30], [sflag:$0x2] =	stream.linear.gather [hbm4b:s28+s1], $0x80, $0x38;
	[tilespmem:$0x8000] =	vst v63  }
0x3f7: {  	_ =	swait.ge [sflag:s29], $0x400  }
0x3f8: {  	[sflag:s29] =	ssyncset.done $0x0  }
0x3f9: {  	s3 =	rddreg [dreg:$0x12];
	[sflag:s29] =	ssyncadd.s32 $0xFFFFFC00  }
0x3fa: {  	[tilespmem:s3], [sflag:$0x2] =	stream.linear.gather [hbm4b:s2+s1], $0x80, $0x38;
	[tilespmem:$0x8000] =	vst v63  }
0x3fb: {  	s30 =	rddreg [dreg:$0x13]  }
0x3fc: {  	[tilespmem:s30], [sflag:$0x2] =	stream.linear.gather [hbm4b:s18+s1], $0x80, $0x38;
	[tilespmem:$0x8000] =	vst v63  }
0x3fd: {  	s3 =	rddreg [dreg:$0x14]  }
0x3fe: {  	[tilespmem:s3], [sflag:$0x2] =	stream.linear.gather [hbm4b:s19+s1], $0x80, $0x38;
	[tilespmem:$0x8000] =	vst v63  }
0x3ff: {  	s30 =	rddreg [dreg:$0x15]  }
0x400: {  	[tilespmem:s30], [sflag:$0x2] =	stream.linear.gather [hbm4b:s20+s1], $0x80, $0x38;
	[tilespmem:$0x8000] =	vst v63  }
0x401: {  	s3 =	rddreg [dreg:$0x16]  }
0x402: {  	[tilespmem:s3], [sflag:$0x2] =	stream.linear.gather [hbm4b:s22+s1], $0x80, $0x38;
	[tilespmem:$0x8000] =	vst v63  }
0x403: {  	s30 =	rddreg [dreg:$0x17]  }
0x404: {  	[tilespmem:s30], [sflag:$0x2] =	stream.linear.gather [hbm4b:s25+s1], $0x80, $0x38;
	[tilespmem:$0x8000] =	vst v63  }
0x405: {  	s3 =	rddreg [dreg:$0x18]  }
0x406: {  	[tilespmem:s3], [sflag:$0x2] =	stream.linear.gather [hbm4b:s26+s1], $0x80, $0x38;
	[tilespmem:$0x8000] =	vst v63  }
0x407: {  	s30 =	rddreg [dreg:$0x19]  }
0x408: {  	[tilespmem:s30], [sflag:$0x2] =	stream.linear.gather [hbm4b:s28+s1], $0x80, $0x38;
	[tilespmem:$0x8000] =	vst v63  }
0x409: {  	_ =	swait.ge [sflag:s29], $0x400  }
0x40a: {  	s3 =	rddreg [dreg:$0x1a];
	[sflag:s29] =	ssyncset.done $0x0  }
0x40b: {  	s30 =	rddreg [dreg:$0x1b];
	[sflag:s29] =	ssyncadd.s32 $0xFFFFFC00  }
0x40c: {  	[tilespmem:s3], [sflag:$0x2] =	stream.linear.gather [hbm4b:s2+s1], $0x80, $0x38;
	[tilespmem:$0x8000] =	vst v63  }
0x40d: {  	s3 =	rddreg [dreg:$0x1c]  }
0x40e: {  	[tilespmem:s30], [sflag:$0x2] =	stream.linear.gather [hbm4b:s18+s1], $0x80, $0x38;
	[tilespmem:$0x8000] =	vst v63  }
0x40f: {  	s30 =	rddreg [dreg:$0x1d]  }
0x410: {  	[tilespmem:s3], [sflag:$0x2] =	stream.linear.gather [hbm4b:s19+s1], $0x80, $0x38;
	[tilespmem:$0x8000] =	vst v63  }
0x411: {  	s3 =	rddreg [dreg:$0x1e]  }
0x412: {  	[tilespmem:s30], [sflag:$0x2] =	stream.linear.gather [hbm4b:s20+s1], $0x80, $0x38;
	[tilespmem:$0x8000] =	vst v63  }
0x413: {  	s30 =	rddreg [dreg:$0x1f]  }
0x414: {  	[tilespmem:s3], [sflag:$0x2] =	stream.linear.gather [hbm4b:s22+s1], $0x80, $0x38;
	[tilespmem:$0x8000] =	vst v63  }
0x415: {  	s3 =	sld [smem:$0x71E]  }
0x416: {  	[tilespmem:s30], [sflag:$0x2] =	stream.linear.gather [hbm4b:s25+s1], $0x80, $0x38;
	[tilespmem:$0x8000] =	vst v63  }
0x417: {  	s30 =	sld [smem:$0x71F]  }
0x418: {  	[tilespmem:s3], [sflag:$0x2] =	stream.linear.gather [hbm4b:s26+s1], $0x80, $0x38;
	[tilespmem:$0x8000] =	vst v63  }
0x419: {  	_ = 	snop  }
0x41a: {  	[tilespmem:s30], [sflag:$0x2] =	stream.linear.gather [hbm4b:s28+s1], $0x80, $0x38;
	[tilespmem:$0x8000] =	vst v63  }
0x41b: {  	_ =	swait.ge [sflag:s29], $0x400  }
0x41c: {  	s3 =	sld [smem:$0x720]  }
0x41d: {  	[sflag:s29] =	ssyncset.done $0x0  }
0x41e: {  	s30 =	sld [smem:$0x721];
	[sflag:s29] =	ssyncadd.s32 $0xFFFFFC00  }
0x41f: {  	[tilespmem:s3], [sflag:$0x2] =	stream.linear.gather [hbm4b:s2+s1], $0x80, $0x38;
	[tilespmem:$0x8000] =	vst v63  }
0x420: {  	s3 =	sld [smem:$0x722]  }
0x421: {  	[tilespmem:s30], [sflag:$0x2] =	stream.linear.gather [hbm4b:s18+s1], $0x80, $0x38;
	[tilespmem:$0x8000] =	vst v63  }
0x422: {  	s30 =	sld [smem:$0x723]  }
0x423: {  	[tilespmem:s3], [sflag:$0x2] =	stream.linear.gather [hbm4b:s19+s1], $0x80, $0x38;
	[tilespmem:$0x8000] =	vst v63  }
0x424: {  	s3 =	sld [smem:$0x724]  }
0x425: {  	[tilespmem:s30], [sflag:$0x2] =	stream.linear.gather [hbm4b:s20+s1], $0x80, $0x38;
	[tilespmem:$0x8000] =	vst v63  }
0x426: {  	s30 =	sld [smem:$0x725]  }
0x427: {  	[tilespmem:s3], [sflag:$0x2] =	stream.linear.gather [hbm4b:s22+s1], $0x80, $0x38;
	[tilespmem:$0x8000] =	vst v63  }
0x428: {  	s3 =	sld [smem:$0x726]  }
0x429: {  	[tilespmem:s30], [sflag:$0x2] =	stream.linear.gather [hbm4b:s25+s1], $0x80, $0x38;
	[tilespmem:$0x8000] =	vst v63  }
0x42a: {  	s30 =	sld [smem:$0x727]  }
0x42b: {  	[tilespmem:s3], [sflag:$0x2] =	stream.linear.gather [hbm4b:s26+s1], $0x80, $0x38;
	[tilespmem:$0x8000] =	vst v63  }
0x42c: {  	_ = 	snop  }
0x42d: {  	[tilespmem:s30], [sflag:$0x2] =	stream.linear.gather [hbm4b:s28+s1], $0x80, $0x38;
	[tilespmem:$0x8000] =	vst v63  }
0x42e: {  	_ =	swait.ge [sflag:s29], $0x400  }
0x42f: {  	s3 =	sld [smem:$0x728]  }
0x430: {  	[sflag:s29] =	ssyncset.done $0x0  }
0x431: {  	s30 =	sld [smem:$0x729];
	[sflag:s29] =	ssyncadd.s32 $0xFFFFFC00  }
0x432: {  	[tilespmem:s3], [sflag:$0x2] =	stream.linear.gather [hbm4b:s2+s1], $0x80, $0x38;
	[tilespmem:$0x8000] =	vst v63  }
0x433: {  	s3 =	sld [smem:$0x72A]  }
0x434: {  	[tilespmem:s30], [sflag:$0x2] =	stream.linear.gather [hbm4b:s18+s1], $0x80, $0x38;
	[tilespmem:$0x8000] =	vst v63  }
0x435: {  	s30 =	sld [smem:$0x72B]  }
0x436: {  	[tilespmem:s3], [sflag:$0x2] =	stream.linear.gather [hbm4b:s19+s1], $0x80, $0x38;
	[tilespmem:$0x8000] =	vst v63  }
0x437: {  	s3 =	sld [smem:$0x72C]  }
0x438: {  	[tilespmem:s30], [sflag:$0x2] =	stream.linear.gather [hbm4b:s20+s1], $0x80, $0x38;
	[tilespmem:$0x8000] =	vst v63  }
0x439: {  	s30 =	sld [smem:$0x72D]  }
0x43a: {  	[tilespmem:s3], [sflag:$0x2] =	stream.linear.gather [hbm4b:s22+s1], $0x80, $0x38;
	[tilespmem:$0x8000] =	vst v63  }
0x43b: {  	s3 =	sld [smem:$0x72E]  }
0x43c: {  	[tilespmem:s30], [sflag:$0x2] =	stream.linear.gather [hbm4b:s25+s1], $0x80, $0x38;
	[tilespmem:$0x8000] =	vst v63  }
0x43d: {  	s30 =	sld [smem:$0x72F]  }
0x43e: {  	[tilespmem:s3], [sflag:$0x2] =	stream.linear.gather [hbm4b:s26+s1], $0x80, $0x38;
	[tilespmem:$0x8000] =	vst v63  }
0x43f: {  	_ = 	snop  }
0x440: {  	[tilespmem:s30], [sflag:$0x2] =	stream.linear.gather [hbm4b:s28+s1], $0x80, $0x38;
	[tilespmem:$0x8000] =	vst v63  }
0x441: {  	_ =	swait.ge [sflag:s29], $0x400  }
0x442: {  	s3 =	sld [smem:$0x730]  }
0x443: {  	[sflag:s29] =	ssyncset.done $0x0  }
0x444: {  	s30 =	sld [smem:$0x731];
	[sflag:s29] =	ssyncadd.s32 $0xFFFFFC00  }
0x445: {  	[tilespmem:s3], [sflag:$0x2] =	stream.linear.gather [hbm4b:s2+s1], $0x80, $0x38;
	[tilespmem:$0x8000] =	vst v63  }
0x446: {  	s3 =	sld [smem:$0x732]  }
0x447: {  	[tilespmem:s30], [sflag:$0x2] =	stream.linear.gather [hbm4b:s18+s1], $0x80, $0x38;
	[tilespmem:$0x8000] =	vst v63  }
0x448: {  	s30 =	sld [smem:$0x733]  }
0x449: {  	[tilespmem:s3], [sflag:$0x2] =	stream.linear.gather [hbm4b:s19+s1], $0x80, $0x38;
	[tilespmem:$0x8000] =	vst v63  }
0x44a: {  	s3 =	sld [smem:$0x734]  }
0x44b: {  	[tilespmem:s30], [sflag:$0x2] =	stream.linear.gather [hbm4b:s20+s1], $0x80, $0x38;
	[tilespmem:$0x8000] =	vst v63  }
0x44c: {  	s30 =	sld [smem:$0x735]  }
0x44d: {  	[tilespmem:s3], [sflag:$0x2] =	stream.linear.gather [hbm4b:s22+s1], $0x80, $0x38;
	[tilespmem:$0x8000] =	vst v63  }
0x44e: {  	s3 =	sld [smem:$0x736]  }
0x44f: {  	[tilespmem:s30], [sflag:$0x2] =	stream.linear.gather [hbm4b:s25+s1], $0x80, $0x38;
	[tilespmem:$0x8000] =	vst v63  }
0x450: {  	s30 =	sld [smem:$0x737]  }
0x451: {  	[tilespmem:s3], [sflag:$0x2] =	stream.linear.gather [hbm4b:s26+s1], $0x80, $0x38;
	[tilespmem:$0x8000] =	vst v63  }
0x452: {  	_ = 	snop  }
0x453: {  	[tilespmem:s30], [sflag:$0x2] =	stream.linear.gather [hbm4b:s28+s1], $0x80, $0x38;
	[tilespmem:$0x8000] =	vst v63  }
0x454: {  	_ =	swait.ge [sflag:s29], $0x400  }
0x455: {  	s3 =	sld [smem:$0x738]  }
0x456: {  	[sflag:s29] =	ssyncset.done $0x0  }
0x457: {  	s30 =	sld [smem:$0x739];
	[sflag:s29] =	ssyncadd.s32 $0xFFFFFC00  }
0x458: {  	[tilespmem:s3], [sflag:$0x2] =	stream.linear.gather [hbm4b:s2+s1], $0x80, $0x38;
	[tilespmem:$0x8000] =	vst v63  }
0x459: {  	s3 =	sld [smem:$0x73A]  }
0x45a: {  	[tilespmem:s30], [sflag:$0x2] =	stream.linear.gather [hbm4b:s18+s1], $0x80, $0x38;
	[tilespmem:$0x8000] =	vst v63  }
0x45b: {  	s30 =	sld [smem:$0x73B]  }
0x45c: {  	[tilespmem:s3], [sflag:$0x2] =	stream.linear.gather [hbm4b:s19+s1], $0x80, $0x38;
	[tilespmem:$0x8000] =	vst v63  }
0x45d: {  	s3 =	sld [smem:$0x73C]  }
0x45e: {  	[tilespmem:s30], [sflag:$0x2] =	stream.linear.gather [hbm4b:s20+s1], $0x80, $0x38;
	[tilespmem:$0x8000] =	vst v63  }
0x45f: {  	s30 =	sld [smem:$0x73D]  }
0x460: {  	[tilespmem:s3], [sflag:$0x2] =	stream.linear.gather [hbm4b:s22+s1], $0x80, $0x38;
	[tilespmem:$0x8000] =	vst v63  }
0x461: {  	_ = 	snop  }
0x462: {  	[tilespmem:s30], [sflag:$0x2] =	stream.linear.gather [hbm4b:s25+s1], $0x80, $0x38;
	[tilespmem:$0x8000] =	vst v63  }
0x463: {  	s3 =	sld [smem:$0x73E];
	_ =	sdelay $0x1  }
0x464: {  	s30 =	sld [smem:$0x73F]  }
0x465: {  	[tilespmem:s3], [sflag:$0x2] =	stream.linear.gather [hbm4b:s26+s1], $0x80, $0x38;
	[tilespmem:$0x8000] =	vst v63  }
0x466: {  	_ = 	snop  }
0x467: {  	[tilespmem:s30], [sflag:$0x2] =	stream.linear.gather [hbm4b:s28+s1], $0x80, $0x38;
	[tilespmem:$0x8000] =	vst v63  }
0x468: {  	_ =	swait.ge [sflag:s29], $0x400  }
0x469: {  	s3 =	sld [smem:$0x740]  }
0x46a: {  	[sflag:s29] =	ssyncset.done $0x0  }
0x46b: {  	s30 =	sld [smem:$0x741];
	[sflag:s29] =	ssyncadd.s32 $0xFFFFFC00  }
0x46c: {  	[tilespmem:s3], [sflag:$0x2] =	stream.linear.gather [hbm4b:s2+s1], $0x80, $0x38;
	[tilespmem:$0x8000] =	vst v63  }
0x46d: {  	s3 =	sld [smem:$0x742]  }
0x46e: {  	[tilespmem:s30], [sflag:$0x2] =	stream.linear.gather [hbm4b:s18+s1], $0x80, $0x38;
	[tilespmem:$0x8000] =	vst v63  }
0x46f: {  	s30 =	sld [smem:$0x743]  }
0x470: {  	[tilespmem:s3], [sflag:$0x2] =	stream.linear.gather [hbm4b:s19+s1], $0x80, $0x38;
	[tilespmem:$0x8000] =	vst v63  }
0x471: {  	s3 =	sld [smem:$0x744]  }
0x472: {  	[tilespmem:s30], [sflag:$0x2] =	stream.linear.gather [hbm4b:s20+s1], $0x80, $0x38;
	[tilespmem:$0x8000] =	vst v63  }
0x473: {  	s30 =	sld [smem:$0x745]  }
0x474: {  	[tilespmem:s3], [sflag:$0x2] =	stream.linear.gather [hbm4b:s22+s1], $0x80, $0x38;
	[tilespmem:$0x8000] =	vst v63  }
0x475: {  	s3 =	sld [smem:$0x746]  }
0x476: {  	[tilespmem:s30], [sflag:$0x2] =	stream.linear.gather [hbm4b:s25+s1], $0x80, $0x38;
	[tilespmem:$0x8000] =	vst v63  }
0x477: {  	s30 =	sld [smem:$0x747]  }
0x478: {  	[tilespmem:s3], [sflag:$0x2] =	stream.linear.gather [hbm4b:s26+s1], $0x80, $0x38;
	[tilespmem:$0x8000] =	vst v63  }
0x479: {  	_ = 	snop  }
0x47a: {  	[tilespmem:s30], [sflag:$0x2] =	stream.linear.gather [hbm4b:s28+s1], $0x80, $0x38;
	[tilespmem:$0x8000] =	vst v63  }
0x47b: {  	_ =	swait.ge [sflag:s29], $0x400  }
0x47c: {  	s3 =	sld [smem:$0x748]  }
0x47d: {  	[sflag:s29] =	ssyncset.done $0x0  }
0x47e: {  	s30 =	sld [smem:$0x749];
	[sflag:s29] =	ssyncadd.s32 $0xFFFFFC00  }
0x47f: {  	[tilespmem:s3], [sflag:$0x2] =	stream.linear.gather [hbm4b:s2+s1], $0x80, $0x38;
	[tilespmem:$0x8000] =	vst v63  }
0x480: {  	s3 =	sld [smem:$0x74A]  }
0x481: {  	[tilespmem:s30], [sflag:$0x2] =	stream.linear.gather [hbm4b:s18+s1], $0x80, $0x38;
	[tilespmem:$0x8000] =	vst v63  }
0x482: {  	s30 =	sld [smem:$0x74B]  }
0x483: {  	[tilespmem:s3], [sflag:$0x2] =	stream.linear.gather [hbm4b:s19+s1], $0x80, $0x38;
	[tilespmem:$0x8000] =	vst v63  }
0x484: {  	s3 =	sld [smem:$0x74C]  }
0x485: {  	[tilespmem:s30], [sflag:$0x2] =	stream.linear.gather [hbm4b:s20+s1], $0x80, $0x38;
	[tilespmem:$0x8000] =	vst v63  }
0x486: {  	s30 =	sld [smem:$0x74D]  }
0x487: {  	[tilespmem:s3], [sflag:$0x2] =	stream.linear.gather [hbm4b:s22+s1], $0x80, $0x38;
	[tilespmem:$0x8000] =	vst v63  }
0x488: {  	s3 =	sld [smem:$0x74E]  }
0x489: {  	[tilespmem:s30], [sflag:$0x2] =	stream.linear.gather [hbm4b:s25+s1], $0x80, $0x38;
	[tilespmem:$0x8000] =	vst v63  }
0x48a: {  	s30 =	sld [smem:$0x74F]  }
0x48b: {  	[tilespmem:s3], [sflag:$0x2] =	stream.linear.gather [hbm4b:s26+s1], $0x80, $0x38;
	[tilespmem:$0x8000] =	vst v63  }
0x48c: {  	_ = 	snop  }
0x48d: {  	[tilespmem:s30], [sflag:$0x2] =	stream.linear.gather [hbm4b:s28+s1], $0x80, $0x38;
	[tilespmem:$0x8000] =	vst v63  }
0x48e: {  	_ =	swait.ge [sflag:s29], $0x400  }
0x48f: {  	s3 =	sld [smem:$0x750]  }
0x490: {  	[sflag:s29] =	ssyncset.done $0x0  }
0x491: {  	s30 =	sld [smem:$0x751];
	[sflag:s29] =	ssyncadd.s32 $0xFFFFFC00  }
0x492: {  	[tilespmem:s3], [sflag:$0x2] =	stream.linear.gather [hbm4b:s2+s1], $0x80, $0x38;
	[tilespmem:$0x8000] =	vst v63  }
0x493: {  	s3 =	sld [smem:$0x752]  }
0x494: {  	[tilespmem:s30], [sflag:$0x2] =	stream.linear.gather [hbm4b:s18+s1], $0x80, $0x38;
	[tilespmem:$0x8000] =	vst v63  }
0x495: {  	s30 =	sld [smem:$0x753]  }
0x496: {  	[tilespmem:s3], [sflag:$0x2] =	stream.linear.gather [hbm4b:s19+s1], $0x80, $0x38;
	[tilespmem:$0x8000] =	vst v63  }
0x497: {  	s3 =	sld [smem:$0x754]  }
0x498: {  	[tilespmem:s30], [sflag:$0x2] =	stream.linear.gather [hbm4b:s20+s1], $0x80, $0x38;
	[tilespmem:$0x8000] =	vst v63  }
0x499: {  	s30 =	sld [smem:$0x755]  }
0x49a: {  	[tilespmem:s3], [sflag:$0x2] =	stream.linear.gather [hbm4b:s22+s1], $0x80, $0x38;
	[tilespmem:$0x8000] =	vst v63  }
0x49b: {  	s3 =	sld [smem:$0x756]  }
0x49c: {  	[tilespmem:s30], [sflag:$0x2] =	stream.linear.gather [hbm4b:s25+s1], $0x80, $0x38;
	[tilespmem:$0x8000] =	vst v63  }
0x49d: {  	s30 =	sld [smem:$0x757]  }
0x49e: {  	[tilespmem:s3], [sflag:$0x2] =	stream.linear.gather [hbm4b:s26+s1], $0x80, $0x38;
	[tilespmem:$0x8000] =	vst v63  }
0x49f: {  	_ = 	snop  }
0x4a0: {  	[tilespmem:s30], [sflag:$0x2] =	stream.linear.gather [hbm4b:s28+s1], $0x80, $0x38;
	[tilespmem:$0x8000] =	vst v63  }
0x4a1: {  	_ =	swait.ge [sflag:s29], $0x400  }
0x4a2: {  	s3 =	sld [smem:$0x758]  }
0x4a3: {  	[sflag:s29] =	ssyncset.done $0x0  }
0x4a4: {  	s30 =	sld [smem:$0x759];
	[sflag:s29] =	ssyncadd.s32 $0xFFFFFC00  }
0x4a5: {  	[tilespmem:s3], [sflag:$0x2] =	stream.linear.gather [hbm4b:s2+s1], $0x80, $0x38;
	[tilespmem:$0x8000] =	vst v63  }
0x4a6: {  	s3 =	sld [smem:$0x75A]  }
0x4a7: {  	[tilespmem:s30], [sflag:$0x2] =	stream.linear.gather [hbm4b:s18+s1], $0x80, $0x38;
	[tilespmem:$0x8000] =	vst v63  }
0x4a8: {  	s30 =	sld [smem:$0x75B]  }
0x4a9: {  	[tilespmem:s3], [sflag:$0x2] =	stream.linear.gather [hbm4b:s19+s1], $0x80, $0x38;
	[tilespmem:$0x8000] =	vst v63  }
0x4aa: {  	s3 =	sld [smem:$0x75C]  }
0x4ab: {  	[tilespmem:s30], [sflag:$0x2] =	stream.linear.gather [hbm4b:s20+s1], $0x80, $0x38;
	[tilespmem:$0x8000] =	vst v63  }
0x4ac: {  	s30 =	sld [smem:$0x75D]  }
0x4ad: {  	[tilespmem:s3], [sflag:$0x2] =	stream.linear.gather [hbm4b:s22+s1], $0x80, $0x38;
	[tilespmem:$0x8000] =	vst v63  }
0x4ae: {  	s3 =	sld [smem:$0x75E]  }
0x4af: {  	[tilespmem:s30], [sflag:$0x2] =	stream.linear.gather [hbm4b:s25+s1], $0x80, $0x38;
	[tilespmem:$0x8000] =	vst v63  }
0x4b0: {  	s30 =	sld [smem:$0x75F]  }
0x4b1: {  	[tilespmem:s3], [sflag:$0x2] =	stream.linear.gather [hbm4b:s26+s1], $0x80, $0x38;
	[tilespmem:$0x8000] =	vst v63  }
0x4b2: {  	_ = 	snop  }
0x4b3: {  	[tilespmem:s30], [sflag:$0x2] =	stream.linear.gather [hbm4b:s28+s1], $0x80, $0x38;
	[tilespmem:$0x8000] =	vst v63  }
0x4b4: {  	_ =	swait.ge [sflag:s29], $0x400  }
0x4b5: {  	s3 =	sld [smem:$0x760]  }
0x4b6: {  	[sflag:s29] =	ssyncset.done $0x0  }
0x4b7: {  	s30 =	sld [smem:$0x761];
	[sflag:s29] =	ssyncadd.s32 $0xFFFFFC00  }
0x4b8: {  	[tilespmem:s3], [sflag:$0x2] =	stream.linear.gather [hbm4b:s2+s1], $0x80, $0x38;
	[tilespmem:$0x8000] =	vst v63  }
0x4b9: {  	s3 =	sld [smem:$0x762]  }
0x4ba: {  	[tilespmem:s30], [sflag:$0x2] =	stream.linear.gather [hbm4b:s18+s1], $0x80, $0x38;
	[tilespmem:$0x8000] =	vst v63  }
0x4bb: {  	s30 =	sld [smem:$0x763]  }
0x4bc: {  	[tilespmem:s3], [sflag:$0x2] =	stream.linear.gather [hbm4b:s19+s1], $0x80, $0x38;
	[tilespmem:$0x8000] =	vst v63  }
0x4bd: {  	s3 =	sld [smem:$0x764]  }
0x4be: {  	[tilespmem:s30], [sflag:$0x2] =	stream.linear.gather [hbm4b:s20+s1], $0x80, $0x38;
	[tilespmem:$0x8000] =	vst v63  }
0x4bf: {  	s30 =	sld [smem:$0x765]  }
0x4c0: {  	[tilespmem:s3], [sflag:$0x2] =	stream.linear.gather [hbm4b:s22+s1], $0x80, $0x38;
	[tilespmem:$0x8000] =	vst v63  }
0x4c1: {  	s3 =	sld [smem:$0x766]  }
0x4c2: {  	[tilespmem:s30], [sflag:$0x2] =	stream.linear.gather [hbm4b:s25+s1], $0x80, $0x38;
	[tilespmem:$0x8000] =	vst v63  }
0x4c3: {  	s30 =	sld [smem:$0x767]  }
0x4c4: {  	[tilespmem:s3], [sflag:$0x2] =	stream.linear.gather [hbm4b:s26+s1], $0x80, $0x38;
	[tilespmem:$0x8000] =	vst v63  }
0x4c5: {  	_ = 	snop  }
0x4c6: {  	[tilespmem:s30], [sflag:$0x2] =	stream.linear.gather [hbm4b:s28+s1], $0x80, $0x38;
	[tilespmem:$0x8000] =	vst v63  }
0x4c7: {  	_ =	swait.ge [sflag:s29], $0x400  }
0x4c8: {  	s3 =	sld [smem:$0x768]  }
0x4c9: {  	[sflag:s29] =	ssyncset.done $0x0  }
0x4ca: {  	s30 =	sld [smem:$0x769];
	[sflag:s29] =	ssyncadd.s32 $0xFFFFFC00  }
0x4cb: {  	[tilespmem:s3], [sflag:$0x2] =	stream.linear.gather [hbm4b:s2+s1], $0x80, $0x38;
	[tilespmem:$0x8000] =	vst v63  }
0x4cc: {  	s3 =	sld [smem:$0x76A]  }
0x4cd: {  	[tilespmem:s30], [sflag:$0x2] =	stream.linear.gather [hbm4b:s18+s1], $0x80, $0x38;
	[tilespmem:$0x8000] =	vst v63  }
0x4ce: {  	s30 =	sld [smem:$0x76B]  }
0x4cf: {  	[tilespmem:s3], [sflag:$0x2] =	stream.linear.gather [hbm4b:s19+s1], $0x80, $0x38;
	[tilespmem:$0x8000] =	vst v63  }
0x4d0: {  	s3 =	sld [smem:$0x76C]  }
0x4d1: {  	[tilespmem:s30], [sflag:$0x2] =	stream.linear.gather [hbm4b:s20+s1], $0x80, $0x38;
	[tilespmem:$0x8000] =	vst v63  }
0x4d2: {  	s30 =	sld [smem:$0x76D]  }
0x4d3: {  	[tilespmem:s3], [sflag:$0x2] =	stream.linear.gather [hbm4b:s22+s1], $0x80, $0x38;
	[tilespmem:$0x8000] =	vst v63  }
0x4d4: {  	s3 =	sld [smem:$0x76E]  }
0x4d5: {  	[tilespmem:s30], [sflag:$0x2] =	stream.linear.gather [hbm4b:s25+s1], $0x80, $0x38;
	[tilespmem:$0x8000] =	vst v63  }
0x4d6: {  	s30 =	sld [smem:$0x76F]  }
0x4d7: {  	[tilespmem:s3], [sflag:$0x2] =	stream.linear.gather [hbm4b:s26+s1], $0x80, $0x38;
	[tilespmem:$0x8000] =	vst v63  }
0x4d8: {  	_ = 	snop  }
0x4d9: {  	[tilespmem:s30], [sflag:$0x2] =	stream.linear.gather [hbm4b:s28+s1], $0x80, $0x38;
	[tilespmem:$0x8000] =	vst v63  }
0x4da: {  	_ =	swait.ge [sflag:s29], $0x400  }
0x4db: {  	s3 =	sld [smem:$0x770]  }
0x4dc: {  	[sflag:s29] =	ssyncset.done $0x0  }
0x4dd: {  	s30 =	sld [smem:$0x771];
	[sflag:s29] =	ssyncadd.s32 $0xFFFFFC00  }
0x4de: {  	[tilespmem:s3], [sflag:$0x2] =	stream.linear.gather [hbm4b:s2+s1], $0x80, $0x38;
	[tilespmem:$0x8000] =	vst v63  }
0x4df: {  	s3 =	sld [smem:$0x772]  }
0x4e0: {  	[tilespmem:s30], [sflag:$0x2] =	stream.linear.gather [hbm4b:s18+s1], $0x80, $0x38;
	[tilespmem:$0x8000] =	vst v63  }
0x4e1: {  	s30 =	sld [smem:$0x773]  }
0x4e2: {  	[tilespmem:s3], [sflag:$0x2] =	stream.linear.gather [hbm4b:s19+s1], $0x80, $0x38;
	[tilespmem:$0x8000] =	vst v63  }
0x4e3: {  	s3 =	sld [smem:$0x774]  }
0x4e4: {  	[tilespmem:s30], [sflag:$0x2] =	stream.linear.gather [hbm4b:s20+s1], $0x80, $0x38;
	[tilespmem:$0x8000] =	vst v63  }
0x4e5: {  	s30 =	sld [smem:$0x775]  }
0x4e6: {  	[tilespmem:s3], [sflag:$0x2] =	stream.linear.gather [hbm4b:s22+s1], $0x80, $0x38;
	[tilespmem:$0x8000] =	vst v63  }
0x4e7: {  	s3 =	sld [smem:$0x776]  }
0x4e8: {  	[tilespmem:s30], [sflag:$0x2] =	stream.linear.gather [hbm4b:s25+s1], $0x80, $0x38;
	[tilespmem:$0x8000] =	vst v63  }
0x4e9: {  	s30 =	sld [smem:$0x777]  }
0x4ea: {  	[tilespmem:s3], [sflag:$0x2] =	stream.linear.gather [hbm4b:s26+s1], $0x80, $0x38;
	[tilespmem:$0x8000] =	vst v63  }
0x4eb: {  	_ = 	snop  }
0x4ec: {  	[tilespmem:s30], [sflag:$0x2] =	stream.linear.gather [hbm4b:s28+s1], $0x80, $0x38;
	[tilespmem:$0x8000] =	vst v63  }
0x4ed: {  	_ =	swait.ge [sflag:s29], $0x400  }
0x4ee: {  	s3 =	sld [smem:$0x778]  }
0x4ef: {  	[sflag:s29] =	ssyncset.done $0x0  }
0x4f0: {  	s30 =	sld [smem:$0x779];
	[sflag:s29] =	ssyncadd.s32 $0xFFFFFC00  }
0x4f1: {  	[tilespmem:s3], [sflag:$0x2] =	stream.linear.gather [hbm4b:s2+s1], $0x80, $0x38;
	[tilespmem:$0x8000] =	vst v63  }
0x4f2: {  	s3 =	sld [smem:$0x77A]  }
0x4f3: {  	[tilespmem:s30], [sflag:$0x2] =	stream.linear.gather [hbm4b:s18+s1], $0x80, $0x38;
	[tilespmem:$0x8000] =	vst v63  }
0x4f4: {  	s30 =	sld [smem:$0x77B]  }
0x4f5: {  	[tilespmem:s3], [sflag:$0x2] =	stream.linear.gather [hbm4b:s19+s1], $0x80, $0x38;
	[tilespmem:$0x8000] =	vst v63  }
0x4f6: {  	s3 =	sld [smem:$0x77C]  }
0x4f7: {  	[tilespmem:s30], [sflag:$0x2] =	stream.linear.gather [hbm4b:s20+s1], $0x80, $0x38;
	[tilespmem:$0x8000] =	vst v63  }
0x4f8: {  	s30 =	sld [smem:$0x77D]  }
0x4f9: {  	[tilespmem:s3], [sflag:$0x2] =	stream.linear.gather [hbm4b:s22+s1], $0x80, $0x38;
	[tilespmem:$0x8000] =	vst v63  }
0x4fa: {  	s3 =	sld [smem:$0x77E]  }
0x4fb: {  	[tilespmem:s30], [sflag:$0x2] =	stream.linear.gather [hbm4b:s25+s1], $0x80, $0x38;
	[tilespmem:$0x8000] =	vst v63  }
0x4fc: {  	s30 =	sld [smem:$0x77F]  }
0x4fd: {  	[tilespmem:s3], [sflag:$0x2] =	stream.linear.gather [hbm4b:s26+s1], $0x80, $0x38;
	[tilespmem:$0x8000] =	vst v63  }
0x4fe: {  	_ = 	snop  }
0x4ff: {  	[tilespmem:s30], [sflag:$0x2] =	stream.linear.gather [hbm4b:s28+s1], $0x80, $0x38;
	[tilespmem:$0x8000] =	vst v63  }
0x500: {  	_ =	swait.ge [sflag:s29], $0x400  }
0x501: {  	s3 =	sld [smem:$0x780]  }
0x502: {  	[sflag:s29] =	ssyncset.done $0x0  }
0x503: {  	s30 =	sld [smem:$0x781];
	[sflag:s29] =	ssyncadd.s32 $0xFFFFFC00  }
0x504: {  	[tilespmem:s3], [sflag:$0x2] =	stream.linear.gather [hbm4b:s2+s1], $0x80, $0x38;
	[tilespmem:$0x8000] =	vst v63  }
0x505: {  	s3 =	sld [smem:$0x782]  }
0x506: {  	[tilespmem:s30], [sflag:$0x2] =	stream.linear.gather [hbm4b:s18+s1], $0x80, $0x38;
	[tilespmem:$0x8000] =	vst v63  }
0x507: {  	s30 =	sld [smem:$0x783]  }
0x508: {  	[tilespmem:s3], [sflag:$0x2] =	stream.linear.gather [hbm4b:s19+s1], $0x80, $0x38;
	[tilespmem:$0x8000] =	vst v63  }
0x509: {  	s3 =	sld [smem:$0x784]  }
0x50a: {  	[tilespmem:s30], [sflag:$0x2] =	stream.linear.gather [hbm4b:s20+s1], $0x80, $0x38;
	[tilespmem:$0x8000] =	vst v63  }
0x50b: {  	s30 =	sld [smem:$0x785]  }
0x50c: {  	[tilespmem:s3], [sflag:$0x2] =	stream.linear.gather [hbm4b:s22+s1], $0x80, $0x38;
	[tilespmem:$0x8000] =	vst v63  }
0x50d: {  	s3 =	sld [smem:$0x786]  }
0x50e: {  	[tilespmem:s30], [sflag:$0x2] =	stream.linear.gather [hbm4b:s25+s1], $0x80, $0x38;
	[tilespmem:$0x8000] =	vst v63  }
0x50f: {  	s30 =	sld [smem:$0x787]  }
0x510: {  	[tilespmem:s3], [sflag:$0x2] =	stream.linear.gather [hbm4b:s26+s1], $0x80, $0x38;
	[tilespmem:$0x8000] =	vst v63  }
0x511: {  	_ = 	snop  }
0x512: {  	[tilespmem:s30], [sflag:$0x2] =	stream.linear.gather [hbm4b:s28+s1], $0x80, $0x38;
	[tilespmem:$0x8000] =	vst v63  }
0x513: {  	_ =	swait.ge [sflag:s29], $0x400  }
0x514: {  	s3 =	sld [smem:$0x788]  }
0x515: {  	[sflag:s29] =	ssyncset.done $0x0  }
0x516: {  	s30 =	sld [smem:$0x789];
	[sflag:s29] =	ssyncadd.s32 $0xFFFFFC00  }
0x517: {  	[tilespmem:s3], [sflag:$0x2] =	stream.linear.gather [hbm4b:s2+s1], $0x80, $0x38;
	[tilespmem:$0x8000] =	vst v63  }
0x518: {  	s3 =	sld [smem:$0x78A]  }
0x519: {  	[tilespmem:s30], [sflag:$0x2] =	stream.linear.gather [hbm4b:s18+s1], $0x80, $0x38;
	[tilespmem:$0x8000] =	vst v63  }
0x51a: {  	s30 =	sld [smem:$0x78B]  }
0x51b: {  	[tilespmem:s3], [sflag:$0x2] =	stream.linear.gather [hbm4b:s19+s1], $0x80, $0x38;
	[tilespmem:$0x8000] =	vst v63  }
0x51c: {  	s3 =	sld [smem:$0x78C]  }
0x51d: {  	[tilespmem:s30], [sflag:$0x2] =	stream.linear.gather [hbm4b:s20+s1], $0x80, $0x38;
	[tilespmem:$0x8000] =	vst v63  }
0x51e: {  	s30 =	sld [smem:$0x78D]  }
0x51f: {  	[tilespmem:s3], [sflag:$0x2] =	stream.linear.gather [hbm4b:s22+s1], $0x80, $0x38;
	[tilespmem:$0x8000] =	vst v63  }
0x520: {  	s3 =	sld [smem:$0x78E]  }
0x521: {  	[tilespmem:s30], [sflag:$0x2] =	stream.linear.gather [hbm4b:s25+s1], $0x80, $0x38;
	[tilespmem:$0x8000] =	vst v63  }
0x522: {  	s30 =	sld [smem:$0x78F]  }
0x523: {  	[tilespmem:s3], [sflag:$0x2] =	stream.linear.gather [hbm4b:s26+s1], $0x80, $0x38;
	[tilespmem:$0x8000] =	vst v63  }
0x524: {  	_ = 	snop  }
0x525: {  	[tilespmem:s30], [sflag:$0x2] =	stream.linear.gather [hbm4b:s28+s1], $0x80, $0x38;
	[tilespmem:$0x8000] =	vst v63  }
0x526: {  	_ =	swait.ge [sflag:s29], $0x400  }
0x527: {  	s3 =	sld [smem:$0x790]  }
0x528: {  	[sflag:s29] =	ssyncset.done $0x0  }
0x529: {  	s30 =	sld [smem:$0x791];
	[sflag:s29] =	ssyncadd.s32 $0xFFFFFC00  }
0x52a: {  	[tilespmem:s3], [sflag:$0x2] =	stream.linear.gather [hbm4b:s2+s1], $0x80, $0x38;
	[tilespmem:$0x8000] =	vst v63  }
0x52b: {  	s3 =	sld [smem:$0x792]  }
0x52c: {  	[tilespmem:s30], [sflag:$0x2] =	stream.linear.gather [hbm4b:s18+s1], $0x80, $0x38;
	[tilespmem:$0x8000] =	vst v63  }
0x52d: {  	s30 =	sld [smem:$0x793]  }
0x52e: {  	[tilespmem:s3], [sflag:$0x2] =	stream.linear.gather [hbm4b:s19+s1], $0x80, $0x38;
	[tilespmem:$0x8000] =	vst v63  }
0x52f: {  	s3 =	sld [smem:$0x794]  }
0x530: {  	[tilespmem:s30], [sflag:$0x2] =	stream.linear.gather [hbm4b:s20+s1], $0x80, $0x38;
	[tilespmem:$0x8000] =	vst v63  }
0x531: {  	s30 =	sld [smem:$0x795]  }
0x532: {  	[tilespmem:s3], [sflag:$0x2] =	stream.linear.gather [hbm4b:s22+s1], $0x80, $0x38;
	[tilespmem:$0x8000] =	vst v63  }
0x533: {  	s3 =	sld [smem:$0x796]  }
0x534: {  	[tilespmem:s30], [sflag:$0x2] =	stream.linear.gather [hbm4b:s25+s1], $0x80, $0x38;
	[tilespmem:$0x8000] =	vst v63  }
0x535: {  	s30 =	sld [smem:$0x797]  }
0x536: {  	[tilespmem:s3], [sflag:$0x2] =	stream.linear.gather [hbm4b:s26+s1], $0x80, $0x38;
	[tilespmem:$0x8000] =	vst v63  }
0x537: {  	_ = 	snop  }
0x538: {  	[tilespmem:s30], [sflag:$0x2] =	stream.linear.gather [hbm4b:s28+s1], $0x80, $0x38;
	[tilespmem:$0x8000] =	vst v63  }
0x539: {  	_ =	swait.ge [sflag:s29], $0x400  }
0x53a: {  	s3 =	sld [smem:$0x798]  }
0x53b: {  	[sflag:s29] =	ssyncset.done $0x0  }
0x53c: {  	s30 =	sld [smem:$0x799];
	[sflag:s29] =	ssyncadd.s32 $0xFFFFFC00  }
0x53d: {  	[tilespmem:s3], [sflag:$0x2] =	stream.linear.gather [hbm4b:s2+s1], $0x80, $0x38;
	[tilespmem:$0x8000] =	vst v63  }
0x53e: {  	s3 =	sld [smem:$0x79A]  }
0x53f: {  	[tilespmem:s30], [sflag:$0x2] =	stream.linear.gather [hbm4b:s18+s1], $0x80, $0x38;
	[tilespmem:$0x8000] =	vst v63  }
0x540: {  	s30 =	sld [smem:$0x79B]  }
0x541: {  	[tilespmem:s3], [sflag:$0x2] =	stream.linear.gather [hbm4b:s19+s1], $0x80, $0x38;
	[tilespmem:$0x8000] =	vst v63  }
0x542: {  	s3 =	sld [smem:$0x79C]  }
0x543: {  	[tilespmem:s30], [sflag:$0x2] =	stream.linear.gather [hbm4b:s20+s1], $0x80, $0x38;
	[tilespmem:$0x8000] =	vst v63  }
0x544: {  	s30 =	sld [smem:$0x79D]  }
0x545: {  	[tilespmem:s3], [sflag:$0x2] =	stream.linear.gather [hbm4b:s22+s1], $0x80, $0x38;
	[tilespmem:$0x8000] =	vst v63  }
0x546: {  	s3 =	sld [smem:$0x79E]  }
0x547: {  	[tilespmem:s30], [sflag:$0x2] =	stream.linear.gather [hbm4b:s25+s1], $0x80, $0x38;
	[tilespmem:$0x8000] =	vst v63  }
0x548: {  	s30 =	sld [smem:$0x79F]  }
0x549: {  	[tilespmem:s3], [sflag:$0x2] =	stream.linear.gather [hbm4b:s26+s1], $0x80, $0x38;
	[tilespmem:$0x8000] =	vst v63  }
0x54a: {  	_ = 	snop  }
0x54b: {  	[tilespmem:s30], [sflag:$0x2] =	stream.linear.gather [hbm4b:s28+s1], $0x80, $0x38;
	[tilespmem:$0x8000] =	vst v63  }
0x54c: {  	_ =	swait.ge [sflag:s29], $0x400  }
0x54d: {  	s3 =	sld [smem:$0x7A0]  }
0x54e: {  	[sflag:s29] =	ssyncset.done $0x0  }
0x54f: {  	s30 =	sld [smem:$0x7A1];
	[sflag:s29] =	ssyncadd.s32 $0xFFFFFC00  }
0x550: {  	[tilespmem:s3], [sflag:$0x2] =	stream.linear.gather [hbm4b:s2+s1], $0x80, $0x38;
	[tilespmem:$0x8000] =	vst v63  }
0x551: {  	s3 =	sld [smem:$0x7A2]  }
0x552: {  	[tilespmem:s30], [sflag:$0x2] =	stream.linear.gather [hbm4b:s18+s1], $0x80, $0x38;
	[tilespmem:$0x8000] =	vst v63  }
0x553: {  	s30 =	sld [smem:$0x7A3]  }
0x554: {  	[tilespmem:s3], [sflag:$0x2] =	stream.linear.gather [hbm4b:s19+s1], $0x80, $0x38;
	[tilespmem:$0x8000] =	vst v63  }
0x555: {  	s3 =	sld [smem:$0x7A4]  }
0x556: {  	[tilespmem:s30], [sflag:$0x2] =	stream.linear.gather [hbm4b:s20+s1], $0x80, $0x38;
	[tilespmem:$0x8000] =	vst v63  }
0x557: {  	s30 =	sld [smem:$0x7A5]  }
0x558: {  	[tilespmem:s3], [sflag:$0x2] =	stream.linear.gather [hbm4b:s22+s1], $0x80, $0x38;
	[tilespmem:$0x8000] =	vst v63  }
0x559: {  	s3 =	sld [smem:$0x7A6]  }
0x55a: {  	[tilespmem:s30], [sflag:$0x2] =	stream.linear.gather [hbm4b:s25+s1], $0x80, $0x38;
	[tilespmem:$0x8000] =	vst v63  }
0x55b: {  	s30 =	sld [smem:$0x7A7]  }
0x55c: {  	[tilespmem:s3], [sflag:$0x2] =	stream.linear.gather [hbm4b:s26+s1], $0x80, $0x38;
	[tilespmem:$0x8000] =	vst v63  }
0x55d: {  	_ = 	snop  }
0x55e: {  	[tilespmem:s30], [sflag:$0x2] =	stream.linear.gather [hbm4b:s28+s1], $0x80, $0x38;
	[tilespmem:$0x8000] =	vst v63  }
0x55f: {  	_ =	swait.ge [sflag:s29], $0x400  }
0x560: {  	s3 =	sld [smem:$0x7A8]  }
0x561: {  	[sflag:s29] =	ssyncset.done $0x0  }
0x562: {  	s30 =	sld [smem:$0x7A9];
	[sflag:s29] =	ssyncadd.s32 $0xFFFFFC00  }
0x563: {  	[tilespmem:s3], [sflag:$0x2] =	stream.linear.gather [hbm4b:s2+s1], $0x80, $0x38;
	[tilespmem:$0x8000] =	vst v63  }
0x564: {  	s3 =	sld [smem:$0x7AA]  }
0x565: {  	[tilespmem:s30], [sflag:$0x2] =	stream.linear.gather [hbm4b:s18+s1], $0x80, $0x38;
	[tilespmem:$0x8000] =	vst v63  }
0x566: {  	s30 =	sld [smem:$0x7AB]  }
0x567: {  	[tilespmem:s3], [sflag:$0x2] =	stream.linear.gather [hbm4b:s19+s1], $0x80, $0x38;
	[tilespmem:$0x8000] =	vst v63  }
0x568: {  	s3 =	sld [smem:$0x7AC]  }
0x569: {  	[tilespmem:s30], [sflag:$0x2] =	stream.linear.gather [hbm4b:s20+s1], $0x80, $0x38;
	[tilespmem:$0x8000] =	vst v63  }
0x56a: {  	s30 =	sld [smem:$0x7AD]  }
0x56b: {  	[tilespmem:s3], [sflag:$0x2] =	stream.linear.gather [hbm4b:s22+s1], $0x80, $0x38;
	[tilespmem:$0x8000] =	vst v63  }
0x56c: {  	s3 =	sld [smem:$0x7AE]  }
0x56d: {  	[tilespmem:s30], [sflag:$0x2] =	stream.linear.gather [hbm4b:s25+s1], $0x80, $0x38;
	[tilespmem:$0x8000] =	vst v63  }
0x56e: {  	s30 =	sld [smem:$0x7AF]  }
0x56f: {  	[tilespmem:s3], [sflag:$0x2] =	stream.linear.gather [hbm4b:s26+s1], $0x80, $0x38;
	[tilespmem:$0x8000] =	vst v63  }
0x570: {  	_ = 	snop  }
0x571: {  	[tilespmem:s30], [sflag:$0x2] =	stream.linear.gather [hbm4b:s28+s1], $0x80, $0x38;
	[tilespmem:$0x8000] =	vst v63  }
0x572: {  	_ =	swait.ge [sflag:s29], $0x400  }
0x573: {  	s3 =	sld [smem:$0x7B0]  }
0x574: {  	[sflag:s29] =	ssyncset.done $0x0  }
0x575: {  	s30 =	sld [smem:$0x7B1];
	[sflag:s29] =	ssyncadd.s32 $0xFFFFFC00  }
0x576: {  	[tilespmem:s3], [sflag:$0x2] =	stream.linear.gather [hbm4b:s2+s1], $0x80, $0x38;
	[tilespmem:$0x8000] =	vst v63  }
0x577: {  	s3 =	sld [smem:$0x7B2]  }
0x578: {  	[tilespmem:s30], [sflag:$0x2] =	stream.linear.gather [hbm4b:s18+s1], $0x80, $0x38;
	[tilespmem:$0x8000] =	vst v63  }
0x579: {  	s30 =	sld [smem:$0x7B3]  }
0x57a: {  	[tilespmem:s3], [sflag:$0x2] =	stream.linear.gather [hbm4b:s19+s1], $0x80, $0x38;
	[tilespmem:$0x8000] =	vst v63  }
0x57b: {  	s3 =	sld [smem:$0x7B4]  }
0x57c: {  	[tilespmem:s30], [sflag:$0x2] =	stream.linear.gather [hbm4b:s20+s1], $0x80, $0x38;
	[tilespmem:$0x8000] =	vst v63  }
0x57d: {  	s30 =	sld [smem:$0x7B5]  }
0x57e: {  	[tilespmem:s3], [sflag:$0x2] =	stream.linear.gather [hbm4b:s22+s1], $0x80, $0x38;
	[tilespmem:$0x8000] =	vst v63  }
0x57f: {  	s3 =	sld [smem:$0x7B6]  }
0x580: {  	[tilespmem:s30], [sflag:$0x2] =	stream.linear.gather [hbm4b:s25+s1], $0x80, $0x38;
	[tilespmem:$0x8000] =	vst v63  }
0x581: {  	s30 =	sld [smem:$0x7B7]  }
0x582: {  	[tilespmem:s3], [sflag:$0x2] =	stream.linear.gather [hbm4b:s26+s1], $0x80, $0x38;
	[tilespmem:$0x8000] =	vst v63  }
0x583: {  	_ = 	snop  }
0x584: {  	[tilespmem:s30], [sflag:$0x2] =	stream.linear.gather [hbm4b:s28+s1], $0x80, $0x38;
	[tilespmem:$0x8000] =	vst v63  }
0x585: {  	_ =	swait.ge [sflag:s29], $0x400  }
0x586: {  	s3 =	sld [smem:$0x7B8]  }
0x587: {  	[sflag:s29] =	ssyncset.done $0x0  }
0x588: {  	s30 =	sld [smem:$0x7B9];
	[sflag:s29] =	ssyncadd.s32 $0xFFFFFC00  }
0x589: {  	[tilespmem:s3], [sflag:$0x2] =	stream.linear.gather [hbm4b:s2+s1], $0x80, $0x38;
	[tilespmem:$0x8000] =	vst v63  }
0x58a: {  	s3 =	sld [smem:$0x7BA]  }
0x58b: {  	[tilespmem:s30], [sflag:$0x2] =	stream.linear.gather [hbm4b:s18+s1], $0x80, $0x38;
	[tilespmem:$0x8000] =	vst v63  }
0x58c: {  	s30 =	sld [smem:$0x7BB]  }
0x58d: {  	[tilespmem:s3], [sflag:$0x2] =	stream.linear.gather [hbm4b:s19+s1], $0x80, $0x38;
	[tilespmem:$0x8000] =	vst v63  }
0x58e: {  	s3 =	sld [smem:$0x7BC]  }
0x58f: {  	[tilespmem:s30], [sflag:$0x2] =	stream.linear.gather [hbm4b:s20+s1], $0x80, $0x38;
	[tilespmem:$0x8000] =	vst v63  }
0x590: {  	s30 =	sld [smem:$0x7BD]  }
0x591: {  	[tilespmem:s3], [sflag:$0x2] =	stream.linear.gather [hbm4b:s22+s1], $0x80, $0x38;
	[tilespmem:$0x8000] =	vst v63  }
0x592: {  	s3 =	sld [smem:$0x7BE]  }
0x593: {  	[tilespmem:s30], [sflag:$0x2] =	stream.linear.gather [hbm4b:s25+s1], $0x80, $0x38;
	[tilespmem:$0x8000] =	vst v63  }
0x594: {  	s30 =	sld [smem:$0x7BF]  }
0x595: {  	[tilespmem:s3], [sflag:$0x2] =	stream.linear.gather [hbm4b:s26+s1], $0x80, $0x38;
	[tilespmem:$0x8000] =	vst v63  }
0x596: {  	_ = 	snop  }
0x597: {  	[tilespmem:s30], [sflag:$0x2] =	stream.linear.gather [hbm4b:s28+s1], $0x80, $0x38;
	[tilespmem:$0x8000] =	vst v63  }
0x598: {  	_ =	swait.ge [sflag:s29], $0x400  }
0x599: {  	s3 =	sld [smem:$0x7C0]  }
0x59a: {  	[sflag:s29] =	ssyncset.done $0x0  }
0x59b: {  	s30 =	sld [smem:$0x7C1];
	[sflag:s29] =	ssyncadd.s32 $0xFFFFFC00  }
0x59c: {  	[tilespmem:s3], [sflag:$0x2] =	stream.linear.gather [hbm4b:s2+s1], $0x80, $0x38;
	[tilespmem:$0x8000] =	vst v63  }
0x59d: {  	s3 =	sld [smem:$0x7C2]  }
0x59e: {  	[tilespmem:s30], [sflag:$0x2] =	stream.linear.gather [hbm4b:s18+s1], $0x80, $0x38;
	[tilespmem:$0x8000] =	vst v63  }
0x59f: {  	s30 =	sld [smem:$0x7C3]  }
0x5a0: {  	[tilespmem:s3], [sflag:$0x2] =	stream.linear.gather [hbm4b:s19+s1], $0x80, $0x38;
	[tilespmem:$0x8000] =	vst v63  }
0x5a1: {  	s3 =	sld [smem:$0x7C4]  }
0x5a2: {  	[tilespmem:s30], [sflag:$0x2] =	stream.linear.gather [hbm4b:s20+s1], $0x80, $0x38;
	[tilespmem:$0x8000] =	vst v63  }
0x5a3: {  	s30 =	sld [smem:$0x7C5]  }
0x5a4: {  	[tilespmem:s3], [sflag:$0x2] =	stream.linear.gather [hbm4b:s22+s1], $0x80, $0x38;
	[tilespmem:$0x8000] =	vst v63  }
0x5a5: {  	s3 =	sld [smem:$0x7C6]  }
0x5a6: {  	[tilespmem:s30], [sflag:$0x2] =	stream.linear.gather [hbm4b:s25+s1], $0x80, $0x38;
	[tilespmem:$0x8000] =	vst v63  }
0x5a7: {  	s30 =	sld [smem:$0x7C7]  }
0x5a8: {  	[tilespmem:s3], [sflag:$0x2] =	stream.linear.gather [hbm4b:s26+s1], $0x80, $0x38;
	[tilespmem:$0x8000] =	vst v63  }
0x5a9: {  	_ = 	snop  }
0x5aa: {  	[tilespmem:s30], [sflag:$0x2] =	stream.linear.gather [hbm4b:s28+s1], $0x80, $0x38;
	[tilespmem:$0x8000] =	vst v63  }
0x5ab: {  	_ =	swait.ge [sflag:s29], $0x400  }
0x5ac: {  	s3 =	sld [smem:$0x7C8]  }
0x5ad: {  	[sflag:s29] =	ssyncset.done $0x0  }
0x5ae: {  	s30 =	sld [smem:$0x7C9];
	[sflag:s29] =	ssyncadd.s32 $0xFFFFFC00  }
0x5af: {  	[tilespmem:s3], [sflag:$0x2] =	stream.linear.gather [hbm4b:s2+s1], $0x80, $0x38;
	[tilespmem:$0x8000] =	vst v63  }
0x5b0: {  	s3 =	sld [smem:$0x7CA]  }
0x5b1: {  	[tilespmem:s30], [sflag:$0x2] =	stream.linear.gather [hbm4b:s18+s1], $0x80, $0x38;
	[tilespmem:$0x8000] =	vst v63  }
0x5b2: {  	s30 =	sld [smem:$0x7CB]  }
0x5b3: {  	[tilespmem:s3], [sflag:$0x2] =	stream.linear.gather [hbm4b:s19+s1], $0x80, $0x38;
	[tilespmem:$0x8000] =	vst v63  }
0x5b4: {  	s3 =	sld [smem:$0x7CC]  }
0x5b5: {  	[tilespmem:s30], [sflag:$0x2] =	stream.linear.gather [hbm4b:s20+s1], $0x80, $0x38;
	[tilespmem:$0x8000] =	vst v63  }
0x5b6: {  	s30 =	sld [smem:$0x7CD]  }
0x5b7: {  	[tilespmem:s3], [sflag:$0x2] =	stream.linear.gather [hbm4b:s22+s1], $0x80, $0x38;
	[tilespmem:$0x8000] =	vst v63  }
0x5b8: {  	s3 =	sld [smem:$0x7CE]  }
0x5b9: {  	[tilespmem:s30], [sflag:$0x2] =	stream.linear.gather [hbm4b:s25+s1], $0x80, $0x38;
	[tilespmem:$0x8000] =	vst v63  }
0x5ba: {  	s30 =	sld [smem:$0x7CF]  }
0x5bb: {  	[tilespmem:s3], [sflag:$0x2] =	stream.linear.gather [hbm4b:s26+s1], $0x80, $0x38;
	[tilespmem:$0x8000] =	vst v63  }
0x5bc: {  	_ = 	snop  }
0x5bd: {  	[tilespmem:s30], [sflag:$0x2] =	stream.linear.gather [hbm4b:s28+s1], $0x80, $0x38;
	[tilespmem:$0x8000] =	vst v63  }
0x5be: {  	_ =	swait.ge [sflag:s29], $0x400  }
0x5bf: {  	s3 =	sld [smem:$0x7D0]  }
0x5c0: {  	[sflag:s29] =	ssyncset.done $0x0  }
0x5c1: {  	s30 =	sld [smem:$0x7D1];
	[sflag:s29] =	ssyncadd.s32 $0xFFFFFC00  }
0x5c2: {  	[tilespmem:s3], [sflag:$0x2] =	stream.linear.gather [hbm4b:s2+s1], $0x80, $0x38;
	[tilespmem:$0x8000] =	vst v63  }
0x5c3: {  	s3 =	sld [smem:$0x7D2]  }
0x5c4: {  	[tilespmem:s30], [sflag:$0x2] =	stream.linear.gather [hbm4b:s18+s1], $0x80, $0x38;
	[tilespmem:$0x8000] =	vst v63  }
0x5c5: {  	s30 =	sld [smem:$0x7D3]  }
0x5c6: {  	[tilespmem:s3], [sflag:$0x2] =	stream.linear.gather [hbm4b:s19+s1], $0x80, $0x38;
	[tilespmem:$0x8000] =	vst v63  }
0x5c7: {  	s3 =	sld [smem:$0x7D4]  }
0x5c8: {  	[tilespmem:s30], [sflag:$0x2] =	stream.linear.gather [hbm4b:s20+s1], $0x80, $0x38;
	[tilespmem:$0x8000] =	vst v63  }
0x5c9: {  	s30 =	sld [smem:$0x7D5]  }
0x5ca: {  	[tilespmem:s3], [sflag:$0x2] =	stream.linear.gather [hbm4b:s22+s1], $0x80, $0x38;
	[tilespmem:$0x8000] =	vst v63  }
0x5cb: {  	s3 =	sld [smem:$0x7D6]  }
0x5cc: {  	[tilespmem:s30], [sflag:$0x2] =	stream.linear.gather [hbm4b:s25+s1], $0x80, $0x38;
	[tilespmem:$0x8000] =	vst v63  }
0x5cd: {  	s30 =	sld [smem:$0x7D7]  }
0x5ce: {  	[tilespmem:s3], [sflag:$0x2] =	stream.linear.gather [hbm4b:s26+s1], $0x80, $0x38;
	[tilespmem:$0x8000] =	vst v63  }
0x5cf: {  	_ = 	snop  }
0x5d0: {  	[tilespmem:s30], [sflag:$0x2] =	stream.linear.gather [hbm4b:s28+s1], $0x80, $0x38;
	[tilespmem:$0x8000] =	vst v63  }
0x5d1: {  	_ =	swait.ge [sflag:s29], $0x400  }
0x5d2: {  	s3 =	sld [smem:$0x7D8]  }
0x5d3: {  	[sflag:s29] =	ssyncset.done $0x0  }
0x5d4: {  	s30 =	sld [smem:$0x7D9];
	[sflag:s29] =	ssyncadd.s32 $0xFFFFFC00  }
0x5d5: {  	[tilespmem:s3], [sflag:$0x2] =	stream.linear.gather [hbm4b:s2+s1], $0x80, $0x38;
	[tilespmem:$0x8000] =	vst v63  }
0x5d6: {  	s3 =	sld [smem:$0x7DA]  }
0x5d7: {  	[tilespmem:s30], [sflag:$0x2] =	stream.linear.gather [hbm4b:s18+s1], $0x80, $0x38;
	[tilespmem:$0x8000] =	vst v63  }
0x5d8: {  	s30 =	sld [smem:$0x7DB]  }
0x5d9: {  	[tilespmem:s3], [sflag:$0x2] =	stream.linear.gather [hbm4b:s19+s1], $0x80, $0x38;
	[tilespmem:$0x8000] =	vst v63  }
0x5da: {  	s3 =	sld [smem:$0x7DC]  }
0x5db: {  	[tilespmem:s30], [sflag:$0x2] =	stream.linear.gather [hbm4b:s20+s1], $0x80, $0x38;
	[tilespmem:$0x8000] =	vst v63  }
0x5dc: {  	s30 =	sld [smem:$0x7DD]  }
0x5dd: {  	[tilespmem:s3], [sflag:$0x2] =	stream.linear.gather [hbm4b:s22+s1], $0x80, $0x38;
	[tilespmem:$0x8000] =	vst v63  }
0x5de: {  	s3 =	sld [smem:$0x7DE]  }
0x5df: {  	[tilespmem:s30], [sflag:$0x2] =	stream.linear.gather [hbm4b:s25+s1], $0x80, $0x38;
	[tilespmem:$0x8000] =	vst v63  }
0x5e0: {  	s30 =	sld [smem:$0x7DF]  }
0x5e1: {  	[tilespmem:s3], [sflag:$0x2] =	stream.linear.gather [hbm4b:s26+s1], $0x80, $0x38;
	[tilespmem:$0x8000] =	vst v63  }
0x5e2: {  	_ = 	snop  }
0x5e3: {  	[tilespmem:s30], [sflag:$0x2] =	stream.linear.gather [hbm4b:s28+s1], $0x80, $0x38;
	[tilespmem:$0x8000] =	vst v63  }
0x5e4: {  	_ =	swait.ge [sflag:s29], $0x400  }
0x5e5: {  	s3 =	sld [smem:$0x7E0]  }
0x5e6: {  	[sflag:s29] =	ssyncset.done $0x0  }
0x5e7: {  	s30 =	sld [smem:$0x7E1];
	[sflag:s29] =	ssyncadd.s32 $0xFFFFFC00  }
0x5e8: {  	[tilespmem:s3], [sflag:$0x2] =	stream.linear.gather [hbm4b:s2+s1], $0x80, $0x38;
	[tilespmem:$0x8000] =	vst v63  }
0x5e9: {  	s3 =	sld [smem:$0x7E2]  }
0x5ea: {  	[tilespmem:s30], [sflag:$0x2] =	stream.linear.gather [hbm4b:s18+s1], $0x80, $0x38;
	[tilespmem:$0x8000] =	vst v63  }
0x5eb: {  	s30 =	sld [smem:$0x7E3]  }
0x5ec: {  	[tilespmem:s3], [sflag:$0x2] =	stream.linear.gather [hbm4b:s19+s1], $0x80, $0x38;
	[tilespmem:$0x8000] =	vst v63  }
0x5ed: {  	s3 =	sld [smem:$0x7E4]  }
0x5ee: {  	[tilespmem:s30], [sflag:$0x2] =	stream.linear.gather [hbm4b:s20+s1], $0x80, $0x38;
	[tilespmem:$0x8000] =	vst v63  }
0x5ef: {  	s30 =	sld [smem:$0x7E5]  }
0x5f0: {  	[tilespmem:s3], [sflag:$0x2] =	stream.linear.gather [hbm4b:s22+s1], $0x80, $0x38;
	[tilespmem:$0x8000] =	vst v63  }
0x5f1: {  	s3 =	sld [smem:$0x7E6]  }
0x5f2: {  	[tilespmem:s30], [sflag:$0x2] =	stream.linear.gather [hbm4b:s25+s1], $0x80, $0x38;
	[tilespmem:$0x8000] =	vst v63  }
0x5f3: {  	s30 =	sld [smem:$0x7E7]  }
0x5f4: {  	[tilespmem:s3], [sflag:$0x2] =	stream.linear.gather [hbm4b:s26+s1], $0x80, $0x38;
	[tilespmem:$0x8000] =	vst v63  }
0x5f5: {  	_ = 	snop  }
0x5f6: {  	[tilespmem:s30], [sflag:$0x2] =	stream.linear.gather [hbm4b:s28+s1], $0x80, $0x38;
	[tilespmem:$0x8000] =	vst v63  }
0x5f7: {  	_ =	swait.ge [sflag:s29], $0x400  }
0x5f8: {  	s3 =	sld [smem:$0x7E8]  }
0x5f9: {  	[sflag:s29] =	ssyncset.done $0x0  }
0x5fa: {  	s30 =	sld [smem:$0x7E9];
	[sflag:s29] =	ssyncadd.s32 $0xFFFFFC00  }
0x5fb: {  	[tilespmem:s3], [sflag:$0x2] =	stream.linear.gather [hbm4b:s2+s1], $0x80, $0x38;
	[tilespmem:$0x8000] =	vst v63  }
0x5fc: {  	s3 =	sld [smem:$0x7EA]  }
0x5fd: {  	[tilespmem:s30], [sflag:$0x2] =	stream.linear.gather [hbm4b:s18+s1], $0x80, $0x38;
	[tilespmem:$0x8000] =	vst v63  }
0x5fe: {  	s30 =	sld [smem:$0x7EB]  }
0x5ff: {  	[tilespmem:s3], [sflag:$0x2] =	stream.linear.gather [hbm4b:s19+s1], $0x80, $0x38;
	[tilespmem:$0x8000] =	vst v63  }
0x600: {  	s3 =	sld [smem:$0x7EC]  }
0x601: {  	[tilespmem:s30], [sflag:$0x2] =	stream.linear.gather [hbm4b:s20+s1], $0x80, $0x38;
	[tilespmem:$0x8000] =	vst v63  }
0x602: {  	s30 =	sld [smem:$0x7ED]  }
0x603: {  	[tilespmem:s3], [sflag:$0x2] =	stream.linear.gather [hbm4b:s22+s1], $0x80, $0x38;
	[tilespmem:$0x8000] =	vst v63  }
0x604: {  	s3 =	sld [smem:$0x7EE]  }
0x605: {  	[tilespmem:s30], [sflag:$0x2] =	stream.linear.gather [hbm4b:s25+s1], $0x80, $0x38;
	[tilespmem:$0x8000] =	vst v63  }
0x606: {  	s30 =	sld [smem:$0x7FC]  }
0x607: {  	[tilespmem:s3], [sflag:$0x2] =	stream.linear.gather [hbm4b:s26+s1], $0x80, $0x38;
	[tilespmem:$0x8000] =	vst v63  }
0x608: {  	_ = 	snop  }
0x609: {  	[tilespmem:s30], [sflag:$0x2] =	stream.linear.gather [hbm4b:s28+s1], $0x80, $0x38;
	[tilespmem:$0x8000] =	vst v63  }
0x60a: {  	_ =	swait.ge [sflag:s29], $0x400  }
0x60b: {  	s3 =	sld [smem:$0x7FB]  }
0x60c: {  	[sflag:s29] =	ssyncset.done $0x0  }
0x60d: {  	s30 =	sld [smem:$0x7EF];
	[sflag:s29] =	ssyncadd.s32 $0xFFFFFC00  }
0x60e: {  	[tilespmem:s3], [sflag:$0x2] =	stream.linear.gather [hbm4b:s2+s1], $0x80, $0x38;
	[tilespmem:$0x8000] =	vst v63  }
0x60f: {  	s3 =	sld [smem:$0x7FA]  }
0x610: {  	[tilespmem:s30], [sflag:$0x2] =	stream.linear.gather [hbm4b:s18+s1], $0x80, $0x38;
	[tilespmem:$0x8000] =	vst v63  }
0x611: {  	s30 =	sld [smem:$0x7F0]  }
0x612: {  	[tilespmem:s3], [sflag:$0x2] =	stream.linear.gather [hbm4b:s19+s1], $0x80, $0x38;
	[tilespmem:$0x8000] =	vst v63  }
0x613: {  	s3 =	sld [smem:$0x7F9]  }
0x614: {  	[tilespmem:s30], [sflag:$0x2] =	stream.linear.gather [hbm4b:s20+s1], $0x80, $0x38;
	[tilespmem:$0x8000] =	vst v63  }
0x615: {  	s30 =	sld [smem:$0x7F1]  }
0x616: {  	[tilespmem:s3], [sflag:$0x2] =	stream.linear.gather [hbm4b:s22+s1], $0x80, $0x38;
	[tilespmem:$0x8000] =	vst v63  }
0x617: {  	s3 =	sld [smem:$0x7F8]  }
0x618: {  	[tilespmem:s30], [sflag:$0x2] =	stream.linear.gather [hbm4b:s25+s1], $0x80, $0x38;
	[tilespmem:$0x8000] =	vst v63  }
0x619: {  	s30 =	sld [smem:$0x7F2]  }
0x61a: {  	[tilespmem:s3], [sflag:$0x2] =	stream.linear.gather [hbm4b:s26+s1], $0x80, $0x38;
	[tilespmem:$0x8000] =	vst v63  }
0x61b: {  	_ = 	snop  }
0x61c: {  	[tilespmem:s30], [sflag:$0x2] =	stream.linear.gather [hbm4b:s28+s1], $0x80, $0x38;
	[tilespmem:$0x8000] =	vst v63  }
0x61d: {  	_ =	swait.ge [sflag:s29], $0x400  }
0x61e: {  	s3 =	sld [smem:$0x7F7]  }
0x61f: {  	[sflag:s29] =	ssyncset.done $0x0  }
0x620: {  	s30 =	sld [smem:$0x7F3];
	[sflag:s29] =	ssyncadd.s32 $0xFFFFFC00  }
0x621: {  	[tilespmem:s3], [sflag:$0x2] =	stream.linear.gather [hbm4b:s2+s1], $0x80, $0x38;
	[tilespmem:$0x8000] =	vst v63  }
0x622: {  	s3 =	sld [smem:$0x7F6]  }
0x623: {  	[tilespmem:s30], [sflag:$0x2] =	stream.linear.gather [hbm4b:s18+s1], $0x80, $0x38;
	[tilespmem:$0x8000] =	vst v63  }
0x624: {  	s30 =	sld [smem:$0x7F5]  }
0x625: {  	[tilespmem:s3], [sflag:$0x2] =	stream.linear.gather [hbm4b:s19+s1], $0x80, $0x38;
	[tilespmem:$0x8000] =	vst v63  }
0x626: {  	s3 =	sld [smem:$0x7F4]  }
0x627: {  	[tilespmem:s30], [sflag:$0x2] =	stream.linear.gather [hbm4b:s20+s1], $0x80, $0x38;
	[tilespmem:$0x8000] =	vst v63  }
0x628: {  	s30 =	sld [smem:$0x7FD]  }
0x629: {  	[tilespmem:s3], [sflag:$0x2] =	stream.linear.gather [hbm4b:s22+s1], $0x80, $0x38;
	[tilespmem:$0x8000] =	vst v63  }
0x62a: {  	_ = 	snop  }
0x62b: {  	[tilespmem:s30], [sflag:$0x2] =	stream.linear.gather [hbm4b:s25+s1], $0x80, $0x38;
	[tilespmem:$0x8000] =	vst v63  }
0x62c: {  	s30 =	simm.s32 $0x7B80  }
0x62d: {  	[tilespmem:s30], [sflag:$0x2] =	stream.linear.gather [hbm4b:s26+s1], $0x80, $0x38;
	[tilespmem:$0x8000] =	vst v63  }
0x62e: {  	_ = 	snop  }
0x62f: {  	[tilespmem:s31], [sflag:$0x2] =	stream.linear.gather [hbm4b:s28+s1], $0x80, $0x38;
	[tilespmem:$0x8000] =	vst v63  }
0x630: {  	_ =	swait.ge [sflag:s29], $0x400  }
0x631: {  	[sflag:s29] =	ssyncset.done $0x0  }
0x632: {  	[sflag:s29] =	ssyncadd.s32 $0xFFFFFC00  }
0x633: {  	[hbm4b:s13+s1] =	stream.linear.scatter [tilespmem:s1], [sflag:$0x1], $0x8000, $0x38;
	[tilespmem:$0x8000] =	vst v63  }
0x634: {  	_ = 	snop  }
0x635: {  	[hbm4b:s13+s1] =	stream.linear.scatter [tilespmem:s1], [sflag:$0x1], $0x8000, $0x38;
	[tilespmem:$0x8000] =	vst v63  }
0x636: {  	_ = 	snop  }
0x637: {  	[hbm4b:s15+s1] =	stream.linear.scatter [tilespmem:s1], [sflag:$0x1], $0x8000, $0x38;
	[tilespmem:$0x8000] =	vst v63  }
0x638: {  	_ = 	snop  }
0x639: {  	[hbm4b:s15+s1] =	stream.linear.scatter [tilespmem:s1], [sflag:$0x1], $0x8000, $0x38;
	[tilespmem:$0x8000] =	vst v63  }
0x63a: {  	_ = 	snop  }
0x63b: {  	[hbm4b:s24+s1] =	stream.linear.scatter [tilespmem:s1], [sflag:$0x1], $0x8000, $0x38;
	[tilespmem:$0x8000] =	vst v63  }
0x63c: {  	_ = 	snop  }
0x63d: {  	[hbm4b:s24+s1] =	stream.linear.scatter [tilespmem:s1], [sflag:$0x1], $0x8000, $0x38;
	[tilespmem:$0x8000] =	vst v63  }
0x63e: {  	_ = 	snop  }
0x63f: {  	[hbm4b:s23+s1] =	stream.linear.scatter [tilespmem:s1], [sflag:$0x1], $0x8000, $0x38;
	[tilespmem:$0x8000] =	vst v63  }
0x640: {  	_ = 	snop  }
0x641: {  	[hbm4b:s23+s1] =	stream.linear.scatter [tilespmem:s1], [sflag:$0x1], $0x8000, $0x38;
	[tilespmem:$0x8000] =	vst v63  }
0x642: {  	_ = 	snop  }
0x643: {  	[hbm4b:s21+s1] =	stream.linear.scatter [tilespmem:s1], [sflag:$0x1], $0x8000, $0x38;
	[tilespmem:$0x8000] =	vst v63  }
0x644: {  	_ = 	snop  }
0x645: {  	[hbm4b:s21+s1] =	stream.linear.scatter [tilespmem:s1], [sflag:$0x1], $0x8000, $0x38;
	[tilespmem:$0x8000] =	vst v63  }
0x646: {  	_ = 	snop  }
0x647: {  	[hbm4b:s7+s1] =	stream.linear.scatter [tilespmem:s1], [sflag:$0x1], $0x8000, $0x38;
	[tilespmem:$0x8000] =	vst v63  }
0x648: {  	_ = 	snop  }
0x649: {  	[hbm4b:s7+s1] =	stream.linear.scatter [tilespmem:s1], [sflag:$0x1], $0x8000, $0x38;
	[tilespmem:$0x8000] =	vst v63  }
0x64a: {  	_ = 	snop  }
0x64b: {  	[hbm4b:s9+s1] =	stream.linear.scatter [tilespmem:s1], [sflag:$0x1], $0x8000, $0x38;
	[tilespmem:$0x8000] =	vst v63  }
0x64c: {  	_ = 	snop  }
0x64d: {  	[hbm4b:s9+s1] =	stream.linear.scatter [tilespmem:s1], [sflag:$0x1], $0x8000, $0x38;
	[tilespmem:$0x8000] =	vst v63  }
0x64e: {  	_ = 	snop  }
0x64f: {  	[hbm4b:s17+s1] =	stream.linear.scatter [tilespmem:s1], [sflag:$0x1], $0x8000, $0x38;
	[tilespmem:$0x8000] =	vst v63  }
0x650: {  	_ = 	snop  }
0x651: {  	[hbm4b:s17+s1] =	stream.linear.scatter [tilespmem:s1], [sflag:$0x1], $0x8000, $0x38;
	[tilespmem:$0x8000] =	vst v63  }
0x652: {  	_ = 	snop  }
0x653: {  	[hbm4b:s16+s1] =	stream.linear.scatter [tilespmem:s1], [sflag:$0x1], $0x8000, $0x38;
	[tilespmem:$0x8000] =	vst v63  }
0x654: {  	_ = 	snop  }
0x655: {  	[hbm4b:s16+s1] =	stream.linear.scatter [tilespmem:s1], [sflag:$0x1], $0x8000, $0x38;
	[tilespmem:$0x8000] =	vst v63  }
0x656: {  	_ = 	snop  }
0x657: {  	[hbm4b:s5+s1] =	stream.linear.scatter [tilespmem:s1], [sflag:$0x1], $0x8000, $0x38;
	[tilespmem:$0x8000] =	vst v63  }
0x658: {  	_ = 	snop  }
0x659: {  	[hbm4b:s5+s1] =	stream.linear.scatter [tilespmem:s1], [sflag:$0x1], $0x8000, $0x38;
	[tilespmem:$0x8000] =	vst v63  }
0x65a: {  	_ = 	snop  }
0x65b: {  	[hbm4b:s6+s1] =	stream.linear.scatter [tilespmem:s1], [sflag:$0x1], $0x8000, $0x38;
	[tilespmem:$0x8000] =	vst v63  }
0x65c: {  	_ = 	snop  }
0x65d: {  	[hbm4b:s6+s1] =	stream.linear.scatter [tilespmem:s1], [sflag:$0x1], $0x8000, $0x38;
	[tilespmem:$0x8000] =	vst v63  }
0x65e: {  	_ = 	snop  }
0x65f: {  	[hbm4b:s8+s1] =	stream.linear.scatter [tilespmem:s1], [sflag:$0x1], $0x8000, $0x38;
	[tilespmem:$0x8000] =	vst v63  }
0x660: {  	_ = 	snop  }
0x661: {  	[hbm4b:s8+s1] =	stream.linear.scatter [tilespmem:s1], [sflag:$0x1], $0x8000, $0x38;
	[tilespmem:$0x8000] =	vst v63  }
0x662: {  	_ = 	snop  }
0x663: {  	[hbm4b:s10+s1] =	stream.linear.scatter [tilespmem:s1], [sflag:$0x1], $0x8000, $0x38;
	[tilespmem:$0x8000] =	vst v63  }
0x664: {  	_ = 	snop  }
0x665: {  	[hbm4b:s10+s1] =	stream.linear.scatter [tilespmem:s1], [sflag:$0x1], $0x8000, $0x38;
	[tilespmem:$0x8000] =	vst v63  }
0x666: {  	_ = 	snop  }
0x667: {  	[hbm4b:s11+s1] =	stream.linear.scatter [tilespmem:s1], [sflag:$0x1], $0x8000, $0x38;
	[tilespmem:$0x8000] =	vst v63  }
0x668: {  	_ = 	snop  }
0x669: {  	[hbm4b:s11+s1] =	stream.linear.scatter [tilespmem:s1], [sflag:$0x1], $0x8000, $0x38;
	[tilespmem:$0x8000] =	vst v63  }
0x66a: {  	_ = 	snop  }
0x66b: {  	[hbm4b:s12+s1] =	stream.linear.scatter [tilespmem:s1], [sflag:$0x1], $0x8000, $0x38;
	[tilespmem:$0x8000] =	vst v63  }
0x66c: {  	_ = 	snop  }
0x66d: {  	[hbm4b:s12+s1] =	stream.linear.scatter [tilespmem:s1], [sflag:$0x1], $0x8000, $0x38;
	[tilespmem:$0x8000] =	vst v63  }
0x66e: {  	_ = 	snop  }
0x66f: {  	[hbm4b:s14+s1] =	stream.linear.scatter [tilespmem:s1], [sflag:$0x1], $0x8000, $0x38;
	[tilespmem:$0x8000] =	vst v63  }
0x670: {  	_ = 	snop  }
0x671: {  	[hbm4b:s14+s1] =	stream.linear.scatter [tilespmem:s1], [sflag:$0x1], $0x8000, $0x38;
	[tilespmem:$0x8000] =	vst v63  }
0x672: {  	_ =	swait.ge [sflag:s4], $0x8000  }
0x673: {  	[sflag:s4] =	ssyncset.done $0x0  }
0x674: {  	[sflag:s4] =	ssyncadd.s32 $0xFFFF8000  }
0x675: {  	_ =	swait.ge [sflag:s4], $0x8000  }
0x676: {  	[sflag:s4] =	ssyncset.done $0x0  }
0x677: {  	[sflag:s4] =	ssyncadd.s32 $0xFFFF8000  }
0x678: {  	_ =	swait.ge [sflag:s4], $0x8000  }
0x679: {  	[sflag:s4] =	ssyncset.done $0x0  }
0x67a: {  	[sflag:s4] =	ssyncadd.s32 $0xFFFF8000  }
0x67b: {  	_ =	swait.ge [sflag:s4], $0x8000  }
0x67c: {  	[sflag:s4] =	ssyncset.done $0x0  }
0x67d: {  	[sflag:s4] =	ssyncadd.s32 $0xFFFF8000  }
0x67e: {  	_ =	swait.ge [sflag:s4], $0x8000  }
0x67f: {  	[sflag:s4] =	ssyncset.done $0x0  }
0x680: {  	[sflag:s4] =	ssyncadd.s32 $0xFFFF8000  }
0x681: {  	_ =	swait.ge [sflag:s4], $0x8000  }
0x682: {  	[sflag:s4] =	ssyncset.done $0x0  }
0x683: {  	[sflag:s4] =	ssyncadd.s32 $0xFFFF8000  }
0x684: {  	_ =	swait.ge [sflag:s4], $0x8000  }
0x685: {  	[sflag:s4] =	ssyncset.done $0x0  }
0x686: {  	[sflag:s4] =	ssyncadd.s32 $0xFFFF8000  }
0x687: {  	_ =	swait.ge [sflag:s4], $0x8000  }
0x688: {  	[sflag:s4] =	ssyncset.done $0x0  }
0x689: {  	[sflag:s4] =	ssyncadd.s32 $0xFFFF8000  }
0x68a: {  	_ =	swait.ge [sflag:s4], $0x8000  }
0x68b: {  	[sflag:s4] =	ssyncset.done $0x0  }
0x68c: {  	[sflag:s4] =	ssyncadd.s32 $0xFFFF8000  }
0x68d: {  	_ =	swait.ge [sflag:s4], $0x8000  }
0x68e: {  	[sflag:s4] =	ssyncset.done $0x0  }
0x68f: {  	[sflag:s4] =	ssyncadd.s32 $0xFFFF8000  }
0x690: {  	_ =	swait.ge [sflag:s4], $0x8000  }
0x691: {  	[sflag:s4] =	ssyncset.done $0x0  }
0x692: {  	[sflag:s4] =	ssyncadd.s32 $0xFFFF8000  }
0x693: {  	_ =	swait.ge [sflag:s4], $0x8000  }
0x694: {  	[sflag:s4] =	ssyncset.done $0x0  }
0x695: {  	[sflag:s4] =	ssyncadd.s32 $0xFFFF8000  }
0x696: {  	_ =	swait.ge [sflag:s4], $0x8000  }
0x697: {  	[sflag:s4] =	ssyncset.done $0x0  }
0x698: {  	[sflag:s4] =	ssyncadd.s32 $0xFFFF8000  }
0x699: {  	_ =	swait.ge [sflag:s4], $0x8000  }
0x69a: {  	[sflag:s4] =	ssyncset.done $0x0  }
0x69b: {  	p1 =	sne.s32 s0, $0x1;
	[sflag:s4] =	ssyncadd.s32 $0xFFFF8000  }
.Ltmp2:
0x69c: {  	_ =	swait.ge [sflag:s4], $0x8000;
	(pc) =	sbr.rel @p1 .LBB2_3-.Ltmp2, $4  }
0x69d: {  	[sflag:s4] =	ssyncset.done $0x0  }
0x69e: {  	[sflag:s4] =	ssyncadd.s32 $0xFFFF8000  }
0x69f: {  	_ =	swait.ge [sflag:s4], $0x8000  }
0x6a0: {  	s0 =	sadd.s32 $0xFFFFFFFF, s0;
	[sflag:s4] =	ssyncset.done $0x0  }
0x6a1: {  	s30 =	rddreg [dreg:$0x2]  }
.LBB2_5:
0x6a2: {  	[sflag:s4] =	ssyncadd.s32 @p0 $0xFFFF8000  }
0x6a3: {  	[tilespmem:s1], [sflag:$0x2] =	stream.linear.gather [hbm4b:s2+s1], $0x80, $0x38;
	[tilespmem:$0x8000] =	vst v63  }
0x6a4: {  	s0 =	rddreg [dreg:$0x3]  }
0x6a5: {  	[tilespmem:s0], [sflag:$0x2] =	stream.linear.gather [hbm4b:s18+s1], $0x80, $0x38;
	[tilespmem:$0x8000] =	vst v63  }
0x6a6: {  	s3 =	rddreg [dreg:$0x4]  }
0x6a7: {  	[tilespmem:s3], [sflag:$0x2] =	stream.linear.gather [hbm4b:s19+s1], $0x80, $0x38;
	[tilespmem:$0x8000] =	vst v63  }
0x6a8: {  	s0 =	rddreg [dreg:$0x5]  }
0x6a9: {  	[tilespmem:s0], [sflag:$0x2] =	stream.linear.gather [hbm4b:s20+s1], $0x80, $0x38;
	[tilespmem:$0x8000] =	vst v63  }
0x6aa: {  	s3 =	rddreg [dreg:$0x6]  }
0x6ab: {  	[tilespmem:s3], [sflag:$0x2] =	stream.linear.gather [hbm4b:s22+s1], $0x80, $0x38;
	[tilespmem:$0x8000] =	vst v63  }
0x6ac: {  	s0 =	rddreg [dreg:$0x7]  }
0x6ad: {  	[tilespmem:s0], [sflag:$0x2] =	stream.linear.gather [hbm4b:s25+s1], $0x80, $0x38;
	[tilespmem:$0x8000] =	vst v63  }
0x6ae: {  	s3 =	rddreg [dreg:$0x8]  }
0x6af: {  	[tilespmem:s3], [sflag:$0x2] =	stream.linear.gather [hbm4b:s26+s1], $0x80, $0x38;
	[tilespmem:$0x8000] =	vst v63  }
0x6b0: {  	s0 =	rddreg [dreg:$0x9]  }
0x6b1: {  	[tilespmem:s0], [sflag:$0x2] =	stream.linear.gather [hbm4b:s28+s1], $0x80, $0x38;
	[tilespmem:$0x8000] =	vst v63  }
0x6b2: {  	_ =	swait.ge [sflag:s29], $0x400  }
0x6b3: {  	[sflag:s29] =	ssyncset.done $0x0  }
0x6b4: {  	s0 =	rddreg [dreg:$0xa];
	[sflag:s29] =	ssyncadd.s32 $0xFFFFFC00  }
0x6b5: {  	[tilespmem:s0], [sflag:$0x2] =	stream.linear.gather [hbm4b:s2+s1], $0x80, $0x38;
	[tilespmem:$0x8000] =	vst v63  }
0x6b6: {  	s3 =	rddreg [dreg:$0xb]  }
0x6b7: {  	[tilespmem:s3], [sflag:$0x2] =	stream.linear.gather [hbm4b:s18+s1], $0x80, $0x38;
	[tilespmem:$0x8000] =	vst v63  }
0x6b8: {  	s0 =	rddreg [dreg:$0xc]  }
0x6b9: {  	[tilespmem:s0], [sflag:$0x2] =	stream.linear.gather [hbm4b:s19+s1], $0x80, $0x38;
	[tilespmem:$0x8000] =	vst v63  }
0x6ba: {  	s3 =	rddreg [dreg:$0xd]  }
0x6bb: {  	[tilespmem:s3], [sflag:$0x2] =	stream.linear.gather [hbm4b:s20+s1], $0x80, $0x38;
	[tilespmem:$0x8000] =	vst v63  }
0x6bc: {  	s0 =	rddreg [dreg:$0xe]  }
0x6bd: {  	[tilespmem:s0], [sflag:$0x2] =	stream.linear.gather [hbm4b:s22+s1], $0x80, $0x38;
	[tilespmem:$0x8000] =	vst v63  }
0x6be: {  	s3 =	rddreg [dreg:$0xf]  }
0x6bf: {  	[tilespmem:s3], [sflag:$0x2] =	stream.linear.gather [hbm4b:s25+s1], $0x80, $0x38;
	[tilespmem:$0x8000] =	vst v63  }
0x6c0: {  	s0 =	rddreg [dreg:$0x10]  }
0x6c1: {  	[tilespmem:s0], [sflag:$0x2] =	stream.linear.gather [hbm4b:s26+s1], $0x80, $0x38;
	[tilespmem:$0x8000] =	vst v63  }
0x6c2: {  	s3 =	rddreg [dreg:$0x11]  }
0x6c3: {  	[tilespmem:s3], [sflag:$0x2] =	stream.linear.gather [hbm4b:s28+s1], $0x80, $0x38;
	[tilespmem:$0x8000] =	vst v63  }
0x6c4: {  	_ =	swait.ge [sflag:s29], $0x400  }
0x6c5: {  	[sflag:s29] =	ssyncset.done $0x0  }
0x6c6: {  	s0 =	rddreg [dreg:$0x12];
	[sflag:s29] =	ssyncadd.s32 $0xFFFFFC00  }
0x6c7: {  	[tilespmem:s0], [sflag:$0x2] =	stream.linear.gather [hbm4b:s2+s1], $0x80, $0x38;
	[tilespmem:$0x8000] =	vst v63  }
0x6c8: {  	s3 =	rddreg [dreg:$0x13]  }
0x6c9: {  	[tilespmem:s3], [sflag:$0x2] =	stream.linear.gather [hbm4b:s18+s1], $0x80, $0x38;
	[tilespmem:$0x8000] =	vst v63  }
0x6ca: {  	s0 =	rddreg [dreg:$0x14]  }
0x6cb: {  	[tilespmem:s0], [sflag:$0x2] =	stream.linear.gather [hbm4b:s19+s1], $0x80, $0x38;
	[tilespmem:$0x8000] =	vst v63  }
0x6cc: {  	s3 =	rddreg [dreg:$0x15]  }
0x6cd: {  	[tilespmem:s3], [sflag:$0x2] =	stream.linear.gather [hbm4b:s20+s1], $0x80, $0x38;
	[tilespmem:$0x8000] =	vst v63  }
0x6ce: {  	s0 =	rddreg [dreg:$0x16]  }
0x6cf: {  	[tilespmem:s0], [sflag:$0x2] =	stream.linear.gather [hbm4b:s22+s1], $0x80, $0x38;
	[tilespmem:$0x8000] =	vst v63  }
0x6d0: {  	s3 =	rddreg [dreg:$0x17]  }
0x6d1: {  	[tilespmem:s3], [sflag:$0x2] =	stream.linear.gather [hbm4b:s25+s1], $0x80, $0x38;
	[tilespmem:$0x8000] =	vst v63  }
0x6d2: {  	s0 =	rddreg [dreg:$0x18]  }
0x6d3: {  	[tilespmem:s0], [sflag:$0x2] =	stream.linear.gather [hbm4b:s26+s1], $0x80, $0x38;
	[tilespmem:$0x8000] =	vst v63  }
0x6d4: {  	s3 =	rddreg [dreg:$0x19]  }
0x6d5: {  	[tilespmem:s3], [sflag:$0x2] =	stream.linear.gather [hbm4b:s28+s1], $0x80, $0x38;
	[tilespmem:$0x8000] =	vst v63  }
0x6d6: {  	_ =	swait.ge [sflag:s29], $0x400  }
0x6d7: {  	s0 =	rddreg [dreg:$0x1a];
	[sflag:s29] =	ssyncset.done $0x0  }
0x6d8: {  	s3 =	rddreg [dreg:$0x1b];
	[sflag:s29] =	ssyncadd.s32 $0xFFFFFC00  }
0x6d9: {  	[tilespmem:s0], [sflag:$0x2] =	stream.linear.gather [hbm4b:s2+s1], $0x80, $0x38;
	[tilespmem:$0x8000] =	vst v63  }
0x6da: {  	s0 =	rddreg [dreg:$0x1c]  }
0x6db: {  	[tilespmem:s3], [sflag:$0x2] =	stream.linear.gather [hbm4b:s18+s1], $0x80, $0x38;
	[tilespmem:$0x8000] =	vst v63  }
0x6dc: {  	s3 =	rddreg [dreg:$0x1d]  }
0x6dd: {  	[tilespmem:s0], [sflag:$0x2] =	stream.linear.gather [hbm4b:s19+s1], $0x80, $0x38;
	[tilespmem:$0x8000] =	vst v63  }
0x6de: {  	s0 =	rddreg [dreg:$0x1e]  }
0x6df: {  	[tilespmem:s3], [sflag:$0x2] =	stream.linear.gather [hbm4b:s20+s1], $0x80, $0x38;
	[tilespmem:$0x8000] =	vst v63  }
0x6e0: {  	s3 =	rddreg [dreg:$0x1f]  }
0x6e1: {  	[tilespmem:s0], [sflag:$0x2] =	stream.linear.gather [hbm4b:s22+s1], $0x80, $0x38;
	[tilespmem:$0x8000] =	vst v63  }
0x6e2: {  	s0 =	sld [smem:$0x71E]  }
0x6e3: {  	[tilespmem:s3], [sflag:$0x2] =	stream.linear.gather [hbm4b:s25+s1], $0x80, $0x38;
	[tilespmem:$0x8000] =	vst v63  }
0x6e4: {  	s3 =	sld [smem:$0x71F]  }
0x6e5: {  	[tilespmem:s0], [sflag:$0x2] =	stream.linear.gather [hbm4b:s26+s1], $0x80, $0x38;
	[tilespmem:$0x8000] =	vst v63  }
0x6e6: {  	_ = 	snop  }
0x6e7: {  	[tilespmem:s3], [sflag:$0x2] =	stream.linear.gather [hbm4b:s28+s1], $0x80, $0x38;
	[tilespmem:$0x8000] =	vst v63  }
0x6e8: {  	_ =	swait.ge [sflag:s29], $0x400  }
0x6e9: {  	s0 =	sld [smem:$0x720]  }
0x6ea: {  	[sflag:s29] =	ssyncset.done $0x0  }
0x6eb: {  	s3 =	sld [smem:$0x721];
	[sflag:s29] =	ssyncadd.s32 $0xFFFFFC00  }
0x6ec: {  	[tilespmem:s0], [sflag:$0x2] =	stream.linear.gather [hbm4b:s2+s1], $0x80, $0x38;
	[tilespmem:$0x8000] =	vst v63  }
0x6ed: {  	s0 =	sld [smem:$0x722]  }
0x6ee: {  	[tilespmem:s3], [sflag:$0x2] =	stream.linear.gather [hbm4b:s18+s1], $0x80, $0x38;
	[tilespmem:$0x8000] =	vst v63  }
0x6ef: {  	s3 =	sld [smem:$0x723]  }
0x6f0: {  	[tilespmem:s0], [sflag:$0x2] =	stream.linear.gather [hbm4b:s19+s1], $0x80, $0x38;
	[tilespmem:$0x8000] =	vst v63  }
0x6f1: {  	s0 =	sld [smem:$0x724]  }
0x6f2: {  	[tilespmem:s3], [sflag:$0x2] =	stream.linear.gather [hbm4b:s20+s1], $0x80, $0x38;
	[tilespmem:$0x8000] =	vst v63  }
0x6f3: {  	s3 =	sld [smem:$0x725]  }
0x6f4: {  	[tilespmem:s0], [sflag:$0x2] =	stream.linear.gather [hbm4b:s22+s1], $0x80, $0x38;
	[tilespmem:$0x8000] =	vst v63  }
0x6f5: {  	s0 =	sld [smem:$0x726]  }
0x6f6: {  	[tilespmem:s3], [sflag:$0x2] =	stream.linear.gather [hbm4b:s25+s1], $0x80, $0x38;
	[tilespmem:$0x8000] =	vst v63  }
0x6f7: {  	s3 =	sld [smem:$0x727]  }
0x6f8: {  	[tilespmem:s0], [sflag:$0x2] =	stream.linear.gather [hbm4b:s26+s1], $0x80, $0x38;
	[tilespmem:$0x8000] =	vst v63  }
0x6f9: {  	_ = 	snop  }
0x6fa: {  	[tilespmem:s3], [sflag:$0x2] =	stream.linear.gather [hbm4b:s28+s1], $0x80, $0x38;
	[tilespmem:$0x8000] =	vst v63  }
0x6fb: {  	_ =	swait.ge [sflag:s29], $0x400  }
0x6fc: {  	s0 =	sld [smem:$0x728]  }
0x6fd: {  	[sflag:s29] =	ssyncset.done $0x0  }
0x6fe: {  	s3 =	sld [smem:$0x729];
	[sflag:s29] =	ssyncadd.s32 $0xFFFFFC00  }
0x6ff: {  	[tilespmem:s0], [sflag:$0x2] =	stream.linear.gather [hbm4b:s2+s1], $0x80, $0x38;
	[tilespmem:$0x8000] =	vst v63  }
0x700: {  	s0 =	sld [smem:$0x72A]  }
0x701: {  	[tilespmem:s3], [sflag:$0x2] =	stream.linear.gather [hbm4b:s18+s1], $0x80, $0x38;
	[tilespmem:$0x8000] =	vst v63  }
0x702: {  	s3 =	sld [smem:$0x72B]  }
0x703: {  	[tilespmem:s0], [sflag:$0x2] =	stream.linear.gather [hbm4b:s19+s1], $0x80, $0x38;
	[tilespmem:$0x8000] =	vst v63  }
0x704: {  	s0 =	sld [smem:$0x72C]  }
0x705: {  	[tilespmem:s3], [sflag:$0x2] =	stream.linear.gather [hbm4b:s20+s1], $0x80, $0x38;
	[tilespmem:$0x8000] =	vst v63  }
0x706: {  	s3 =	sld [smem:$0x72D]  }
0x707: {  	[tilespmem:s0], [sflag:$0x2] =	stream.linear.gather [hbm4b:s22+s1], $0x80, $0x38;
	[tilespmem:$0x8000] =	vst v63  }
0x708: {  	s0 =	sld [smem:$0x72E]  }
0x709: {  	[tilespmem:s3], [sflag:$0x2] =	stream.linear.gather [hbm4b:s25+s1], $0x80, $0x38;
	[tilespmem:$0x8000] =	vst v63  }
0x70a: {  	s3 =	sld [smem:$0x72F]  }
0x70b: {  	[tilespmem:s0], [sflag:$0x2] =	stream.linear.gather [hbm4b:s26+s1], $0x80, $0x38;
	[tilespmem:$0x8000] =	vst v63  }
0x70c: {  	_ = 	snop  }
0x70d: {  	[tilespmem:s3], [sflag:$0x2] =	stream.linear.gather [hbm4b:s28+s1], $0x80, $0x38;
	[tilespmem:$0x8000] =	vst v63  }
0x70e: {  	_ =	swait.ge [sflag:s29], $0x400  }
0x70f: {  	s0 =	sld [smem:$0x730]  }
0x710: {  	[sflag:s29] =	ssyncset.done $0x0  }
0x711: {  	s3 =	sld [smem:$0x731];
	[sflag:s29] =	ssyncadd.s32 $0xFFFFFC00  }
0x712: {  	[tilespmem:s0], [sflag:$0x2] =	stream.linear.gather [hbm4b:s2+s1], $0x80, $0x38;
	[tilespmem:$0x8000] =	vst v63  }
0x713: {  	s0 =	sld [smem:$0x732]  }
0x714: {  	[tilespmem:s3], [sflag:$0x2] =	stream.linear.gather [hbm4b:s18+s1], $0x80, $0x38;
	[tilespmem:$0x8000] =	vst v63  }
0x715: {  	s3 =	sld [smem:$0x733]  }
0x716: {  	[tilespmem:s0], [sflag:$0x2] =	stream.linear.gather [hbm4b:s19+s1], $0x80, $0x38;
	[tilespmem:$0x8000] =	vst v63  }
0x717: {  	s0 =	sld [smem:$0x734]  }
0x718: {  	[tilespmem:s3], [sflag:$0x2] =	stream.linear.gather [hbm4b:s20+s1], $0x80, $0x38;
	[tilespmem:$0x8000] =	vst v63  }
0x719: {  	s3 =	sld [smem:$0x735]  }
0x71a: {  	[tilespmem:s0], [sflag:$0x2] =	stream.linear.gather [hbm4b:s22+s1], $0x80, $0x38;
	[tilespmem:$0x8000] =	vst v63  }
0x71b: {  	s0 =	sld [smem:$0x736]  }
0x71c: {  	[tilespmem:s3], [sflag:$0x2] =	stream.linear.gather [hbm4b:s25+s1], $0x80, $0x38;
	[tilespmem:$0x8000] =	vst v63  }
0x71d: {  	s3 =	sld [smem:$0x737]  }
0x71e: {  	[tilespmem:s0], [sflag:$0x2] =	stream.linear.gather [hbm4b:s26+s1], $0x80, $0x38;
	[tilespmem:$0x8000] =	vst v63  }
0x71f: {  	_ = 	snop  }
0x720: {  	[tilespmem:s3], [sflag:$0x2] =	stream.linear.gather [hbm4b:s28+s1], $0x80, $0x38;
	[tilespmem:$0x8000] =	vst v63  }
0x721: {  	_ =	swait.ge [sflag:s29], $0x400  }
0x722: {  	s0 =	sld [smem:$0x738]  }
0x723: {  	[sflag:s29] =	ssyncset.done $0x0  }
0x724: {  	s3 =	sld [smem:$0x739];
	[sflag:s29] =	ssyncadd.s32 $0xFFFFFC00  }
0x725: {  	[tilespmem:s0], [sflag:$0x2] =	stream.linear.gather [hbm4b:s2+s1], $0x80, $0x38;
	[tilespmem:$0x8000] =	vst v63  }
0x726: {  	s0 =	sld [smem:$0x73A]  }
0x727: {  	[tilespmem:s3], [sflag:$0x2] =	stream.linear.gather [hbm4b:s18+s1], $0x80, $0x38;
	[tilespmem:$0x8000] =	vst v63  }
0x728: {  	s3 =	sld [smem:$0x73B]  }
0x729: {  	[tilespmem:s0], [sflag:$0x2] =	stream.linear.gather [hbm4b:s19+s1], $0x80, $0x38;
	[tilespmem:$0x8000] =	vst v63  }
0x72a: {  	s0 =	sld [smem:$0x73C]  }
0x72b: {  	[tilespmem:s3], [sflag:$0x2] =	stream.linear.gather [hbm4b:s20+s1], $0x80, $0x38;
	[tilespmem:$0x8000] =	vst v63  }
0x72c: {  	s3 =	sld [smem:$0x73D]  }
0x72d: {  	[tilespmem:s0], [sflag:$0x2] =	stream.linear.gather [hbm4b:s22+s1], $0x80, $0x38;
	[tilespmem:$0x8000] =	vst v63  }
0x72e: {  	s0 =	sld [smem:$0x73E]  }
0x72f: {  	[tilespmem:s3], [sflag:$0x2] =	stream.linear.gather [hbm4b:s25+s1], $0x80, $0x38;
	[tilespmem:$0x8000] =	vst v63  }
0x730: {  	s3 =	sld [smem:$0x73F]  }
0x731: {  	[tilespmem:s0], [sflag:$0x2] =	stream.linear.gather [hbm4b:s26+s1], $0x80, $0x38;
	[tilespmem:$0x8000] =	vst v63  }
0x732: {  	_ = 	snop  }
0x733: {  	[tilespmem:s3], [sflag:$0x2] =	stream.linear.gather [hbm4b:s28+s1], $0x80, $0x38;
	[tilespmem:$0x8000] =	vst v63  }
0x734: {  	_ =	swait.ge [sflag:s29], $0x400  }
0x735: {  	s0 =	sld [smem:$0x740]  }
0x736: {  	[sflag:s29] =	ssyncset.done $0x0  }
0x737: {  	s3 =	sld [smem:$0x741];
	[sflag:s29] =	ssyncadd.s32 $0xFFFFFC00  }
0x738: {  	[tilespmem:s0], [sflag:$0x2] =	stream.linear.gather [hbm4b:s2+s1], $0x80, $0x38;
	[tilespmem:$0x8000] =	vst v63  }
0x739: {  	s0 =	sld [smem:$0x742]  }
0x73a: {  	[tilespmem:s3], [sflag:$0x2] =	stream.linear.gather [hbm4b:s18+s1], $0x80, $0x38;
	[tilespmem:$0x8000] =	vst v63  }
0x73b: {  	s3 =	sld [smem:$0x743]  }
0x73c: {  	[tilespmem:s0], [sflag:$0x2] =	stream.linear.gather [hbm4b:s19+s1], $0x80, $0x38;
	[tilespmem:$0x8000] =	vst v63  }
0x73d: {  	s0 =	sld [smem:$0x744]  }
0x73e: {  	[tilespmem:s3], [sflag:$0x2] =	stream.linear.gather [hbm4b:s20+s1], $0x80, $0x38;
	[tilespmem:$0x8000] =	vst v63  }
0x73f: {  	s3 =	sld [smem:$0x745]  }
0x740: {  	[tilespmem:s0], [sflag:$0x2] =	stream.linear.gather [hbm4b:s22+s1], $0x80, $0x38;
	[tilespmem:$0x8000] =	vst v63  }
0x741: {  	s0 =	sld [smem:$0x746]  }
0x742: {  	[tilespmem:s3], [sflag:$0x2] =	stream.linear.gather [hbm4b:s25+s1], $0x80, $0x38;
	[tilespmem:$0x8000] =	vst v63  }
0x743: {  	s3 =	sld [smem:$0x747]  }
0x744: {  	[tilespmem:s0], [sflag:$0x2] =	stream.linear.gather [hbm4b:s26+s1], $0x80, $0x38;
	[tilespmem:$0x8000] =	vst v63  }
0x745: {  	_ = 	snop  }
0x746: {  	[tilespmem:s3], [sflag:$0x2] =	stream.linear.gather [hbm4b:s28+s1], $0x80, $0x38;
	[tilespmem:$0x8000] =	vst v63  }
0x747: {  	_ =	swait.ge [sflag:s29], $0x400  }
0x748: {  	s0 =	sld [smem:$0x748]  }
0x749: {  	[sflag:s29] =	ssyncset.done $0x0  }
0x74a: {  	s3 =	sld [smem:$0x749];
	[sflag:s29] =	ssyncadd.s32 $0xFFFFFC00  }
0x74b: {  	[tilespmem:s0], [sflag:$0x2] =	stream.linear.gather [hbm4b:s2+s1], $0x80, $0x38;
	[tilespmem:$0x8000] =	vst v63  }
0x74c: {  	s0 =	sld [smem:$0x74A]  }
0x74d: {  	[tilespmem:s3], [sflag:$0x2] =	stream.linear.gather [hbm4b:s18+s1], $0x80, $0x38;
	[tilespmem:$0x8000] =	vst v63  }
0x74e: {  	s3 =	sld [smem:$0x74B]  }
0x74f: {  	[tilespmem:s0], [sflag:$0x2] =	stream.linear.gather [hbm4b:s19+s1], $0x80, $0x38;
	[tilespmem:$0x8000] =	vst v63  }
0x750: {  	s0 =	sld [smem:$0x74C]  }
0x751: {  	[tilespmem:s3], [sflag:$0x2] =	stream.linear.gather [hbm4b:s20+s1], $0x80, $0x38;
	[tilespmem:$0x8000] =	vst v63  }
0x752: {  	s3 =	sld [smem:$0x74D]  }
0x753: {  	[tilespmem:s0], [sflag:$0x2] =	stream.linear.gather [hbm4b:s22+s1], $0x80, $0x38;
	[tilespmem:$0x8000] =	vst v63  }
0x754: {  	s0 =	sld [smem:$0x74E]  }
0x755: {  	[tilespmem:s3], [sflag:$0x2] =	stream.linear.gather [hbm4b:s25+s1], $0x80, $0x38;
	[tilespmem:$0x8000] =	vst v63  }
0x756: {  	s3 =	sld [smem:$0x74F]  }
0x757: {  	[tilespmem:s0], [sflag:$0x2] =	stream.linear.gather [hbm4b:s26+s1], $0x80, $0x38;
	[tilespmem:$0x8000] =	vst v63  }
0x758: {  	_ = 	snop  }
0x759: {  	[tilespmem:s3], [sflag:$0x2] =	stream.linear.gather [hbm4b:s28+s1], $0x80, $0x38;
	[tilespmem:$0x8000] =	vst v63  }
0x75a: {  	_ =	swait.ge [sflag:s29], $0x400  }
0x75b: {  	s0 =	sld [smem:$0x750]  }
0x75c: {  	[sflag:s29] =	ssyncset.done $0x0  }
0x75d: {  	s3 =	sld [smem:$0x751];
	[sflag:s29] =	ssyncadd.s32 $0xFFFFFC00  }
0x75e: {  	[tilespmem:s0], [sflag:$0x2] =	stream.linear.gather [hbm4b:s2+s1], $0x80, $0x38;
	[tilespmem:$0x8000] =	vst v63  }
0x75f: {  	s0 =	sld [smem:$0x752]  }
0x760: {  	[tilespmem:s3], [sflag:$0x2] =	stream.linear.gather [hbm4b:s18+s1], $0x80, $0x38;
	[tilespmem:$0x8000] =	vst v63  }
0x761: {  	s3 =	sld [smem:$0x753]  }
0x762: {  	[tilespmem:s0], [sflag:$0x2] =	stream.linear.gather [hbm4b:s19+s1], $0x80, $0x38;
	[tilespmem:$0x8000] =	vst v63  }
0x763: {  	s0 =	sld [smem:$0x754]  }
0x764: {  	[tilespmem:s3], [sflag:$0x2] =	stream.linear.gather [hbm4b:s20+s1], $0x80, $0x38;
	[tilespmem:$0x8000] =	vst v63  }
0x765: {  	s3 =	sld [smem:$0x755]  }
0x766: {  	[tilespmem:s0], [sflag:$0x2] =	stream.linear.gather [hbm4b:s22+s1], $0x80, $0x38;
	[tilespmem:$0x8000] =	vst v63  }
0x767: {  	s0 =	sld [smem:$0x756]  }
0x768: {  	[tilespmem:s3], [sflag:$0x2] =	stream.linear.gather [hbm4b:s25+s1], $0x80, $0x38;
	[tilespmem:$0x8000] =	vst v63  }
0x769: {  	s3 =	sld [smem:$0x757]  }
0x76a: {  	[tilespmem:s0], [sflag:$0x2] =	stream.linear.gather [hbm4b:s26+s1], $0x80, $0x38;
	[tilespmem:$0x8000] =	vst v63  }
0x76b: {  	_ = 	snop  }
0x76c: {  	[tilespmem:s3], [sflag:$0x2] =	stream.linear.gather [hbm4b:s28+s1], $0x80, $0x38;
	[tilespmem:$0x8000] =	vst v63  }
0x76d: {  	_ =	swait.ge [sflag:s29], $0x400  }
0x76e: {  	s0 =	sld [smem:$0x758]  }
0x76f: {  	[sflag:s29] =	ssyncset.done $0x0  }
0x770: {  	s3 =	sld [smem:$0x759];
	[sflag:s29] =	ssyncadd.s32 $0xFFFFFC00  }
0x771: {  	[tilespmem:s0], [sflag:$0x2] =	stream.linear.gather [hbm4b:s2+s1], $0x80, $0x38;
	[tilespmem:$0x8000] =	vst v63  }
0x772: {  	s0 =	sld [smem:$0x75A]  }
0x773: {  	[tilespmem:s3], [sflag:$0x2] =	stream.linear.gather [hbm4b:s18+s1], $0x80, $0x38;
	[tilespmem:$0x8000] =	vst v63  }
0x774: {  	s3 =	sld [smem:$0x75B]  }
0x775: {  	[tilespmem:s0], [sflag:$0x2] =	stream.linear.gather [hbm4b:s19+s1], $0x80, $0x38;
	[tilespmem:$0x8000] =	vst v63  }
0x776: {  	s0 =	sld [smem:$0x75C]  }
0x777: {  	[tilespmem:s3], [sflag:$0x2] =	stream.linear.gather [hbm4b:s20+s1], $0x80, $0x38;
	[tilespmem:$0x8000] =	vst v63  }
0x778: {  	s3 =	sld [smem:$0x75D]  }
0x779: {  	[tilespmem:s0], [sflag:$0x2] =	stream.linear.gather [hbm4b:s22+s1], $0x80, $0x38;
	[tilespmem:$0x8000] =	vst v63  }
0x77a: {  	s0 =	sld [smem:$0x75E]  }
0x77b: {  	[tilespmem:s3], [sflag:$0x2] =	stream.linear.gather [hbm4b:s25+s1], $0x80, $0x38;
	[tilespmem:$0x8000] =	vst v63  }
0x77c: {  	s3 =	sld [smem:$0x75F]  }
0x77d: {  	[tilespmem:s0], [sflag:$0x2] =	stream.linear.gather [hbm4b:s26+s1], $0x80, $0x38;
	[tilespmem:$0x8000] =	vst v63  }
0x77e: {  	_ = 	snop  }
0x77f: {  	[tilespmem:s3], [sflag:$0x2] =	stream.linear.gather [hbm4b:s28+s1], $0x80, $0x38;
	[tilespmem:$0x8000] =	vst v63  }
0x780: {  	_ =	swait.ge [sflag:s29], $0x400  }
0x781: {  	s0 =	sld [smem:$0x760]  }
0x782: {  	[sflag:s29] =	ssyncset.done $0x0  }
0x783: {  	s3 =	sld [smem:$0x761];
	[sflag:s29] =	ssyncadd.s32 $0xFFFFFC00  }
0x784: {  	[tilespmem:s0], [sflag:$0x2] =	stream.linear.gather [hbm4b:s2+s1], $0x80, $0x38;
	[tilespmem:$0x8000] =	vst v63  }
0x785: {  	s0 =	sld [smem:$0x762]  }
0x786: {  	[tilespmem:s3], [sflag:$0x2] =	stream.linear.gather [hbm4b:s18+s1], $0x80, $0x38;
	[tilespmem:$0x8000] =	vst v63  }
0x787: {  	s3 =	sld [smem:$0x763]  }
0x788: {  	[tilespmem:s0], [sflag:$0x2] =	stream.linear.gather [hbm4b:s19+s1], $0x80, $0x38;
	[tilespmem:$0x8000] =	vst v63  }
0x789: {  	s0 =	sld [smem:$0x764]  }
0x78a: {  	[tilespmem:s3], [sflag:$0x2] =	stream.linear.gather [hbm4b:s20+s1], $0x80, $0x38;
	[tilespmem:$0x8000] =	vst v63  }
0x78b: {  	s3 =	sld [smem:$0x765]  }
0x78c: {  	[tilespmem:s0], [sflag:$0x2] =	stream.linear.gather [hbm4b:s22+s1], $0x80, $0x38;
	[tilespmem:$0x8000] =	vst v63  }
0x78d: {  	s0 =	sld [smem:$0x766]  }
0x78e: {  	[tilespmem:s3], [sflag:$0x2] =	stream.linear.gather [hbm4b:s25+s1], $0x80, $0x38;
	[tilespmem:$0x8000] =	vst v63  }
0x78f: {  	s3 =	sld [smem:$0x767]  }
0x790: {  	[tilespmem:s0], [sflag:$0x2] =	stream.linear.gather [hbm4b:s26+s1], $0x80, $0x38;
	[tilespmem:$0x8000] =	vst v63  }
0x791: {  	_ = 	snop  }
0x792: {  	[tilespmem:s3], [sflag:$0x2] =	stream.linear.gather [hbm4b:s28+s1], $0x80, $0x38;
	[tilespmem:$0x8000] =	vst v63  }
0x793: {  	_ =	swait.ge [sflag:s29], $0x400  }
0x794: {  	s0 =	sld [smem:$0x768]  }
0x795: {  	[sflag:s29] =	ssyncset.done $0x0  }
0x796: {  	s3 =	sld [smem:$0x769];
	[sflag:s29] =	ssyncadd.s32 $0xFFFFFC00  }
0x797: {  	[tilespmem:s0], [sflag:$0x2] =	stream.linear.gather [hbm4b:s2+s1], $0x80, $0x38;
	[tilespmem:$0x8000] =	vst v63  }
0x798: {  	s0 =	sld [smem:$0x76A]  }
0x799: {  	[tilespmem:s3], [sflag:$0x2] =	stream.linear.gather [hbm4b:s18+s1], $0x80, $0x38;
	[tilespmem:$0x8000] =	vst v63  }
0x79a: {  	s3 =	sld [smem:$0x76B]  }
0x79b: {  	[tilespmem:s0], [sflag:$0x2] =	stream.linear.gather [hbm4b:s19+s1], $0x80, $0x38;
	[tilespmem:$0x8000] =	vst v63  }
0x79c: {  	s0 =	sld [smem:$0x76C]  }
0x79d: {  	[tilespmem:s3], [sflag:$0x2] =	stream.linear.gather [hbm4b:s20+s1], $0x80, $0x38;
	[tilespmem:$0x8000] =	vst v63  }
0x79e: {  	s3 =	sld [smem:$0x76D]  }
0x79f: {  	[tilespmem:s0], [sflag:$0x2] =	stream.linear.gather [hbm4b:s22+s1], $0x80, $0x38;
	[tilespmem:$0x8000] =	vst v63  }
0x7a0: {  	s0 =	sld [smem:$0x76E]  }
0x7a1: {  	[tilespmem:s3], [sflag:$0x2] =	stream.linear.gather [hbm4b:s25+s1], $0x80, $0x38;
	[tilespmem:$0x8000] =	vst v63  }
0x7a2: {  	s3 =	sld [smem:$0x76F]  }
0x7a3: {  	[tilespmem:s0], [sflag:$0x2] =	stream.linear.gather [hbm4b:s26+s1], $0x80, $0x38;
	[tilespmem:$0x8000] =	vst v63  }
0x7a4: {  	_ = 	snop  }
0x7a5: {  	[tilespmem:s3], [sflag:$0x2] =	stream.linear.gather [hbm4b:s28+s1], $0x80, $0x38;
	[tilespmem:$0x8000] =	vst v63  }
0x7a6: {  	_ =	swait.ge [sflag:s29], $0x400  }
0x7a7: {  	s0 =	sld [smem:$0x770]  }
0x7a8: {  	[sflag:s29] =	ssyncset.done $0x0  }
0x7a9: {  	s3 =	sld [smem:$0x771];
	[sflag:s29] =	ssyncadd.s32 $0xFFFFFC00  }
0x7aa: {  	[tilespmem:s0], [sflag:$0x2] =	stream.linear.gather [hbm4b:s2+s1], $0x80, $0x38;
	[tilespmem:$0x8000] =	vst v63  }
0x7ab: {  	s0 =	sld [smem:$0x772]  }
0x7ac: {  	[tilespmem:s3], [sflag:$0x2] =	stream.linear.gather [hbm4b:s18+s1], $0x80, $0x38;
	[tilespmem:$0x8000] =	vst v63  }
0x7ad: {  	s3 =	sld [smem:$0x773]  }
0x7ae: {  	[tilespmem:s0], [sflag:$0x2] =	stream.linear.gather [hbm4b:s19+s1], $0x80, $0x38;
	[tilespmem:$0x8000] =	vst v63  }
0x7af: {  	s0 =	sld [smem:$0x774]  }
0x7b0: {  	[tilespmem:s3], [sflag:$0x2] =	stream.linear.gather [hbm4b:s20+s1], $0x80, $0x38;
	[tilespmem:$0x8000] =	vst v63  }
0x7b1: {  	s3 =	sld [smem:$0x775]  }
0x7b2: {  	[tilespmem:s0], [sflag:$0x2] =	stream.linear.gather [hbm4b:s22+s1], $0x80, $0x38;
	[tilespmem:$0x8000] =	vst v63  }
0x7b3: {  	s0 =	sld [smem:$0x776]  }
0x7b4: {  	[tilespmem:s3], [sflag:$0x2] =	stream.linear.gather [hbm4b:s25+s1], $0x80, $0x38;
	[tilespmem:$0x8000] =	vst v63  }
0x7b5: {  	s3 =	sld [smem:$0x777]  }
0x7b6: {  	[tilespmem:s0], [sflag:$0x2] =	stream.linear.gather [hbm4b:s26+s1], $0x80, $0x38;
	[tilespmem:$0x8000] =	vst v63  }
0x7b7: {  	_ = 	snop  }
0x7b8: {  	[tilespmem:s3], [sflag:$0x2] =	stream.linear.gather [hbm4b:s28+s1], $0x80, $0x38;
	[tilespmem:$0x8000] =	vst v63  }
0x7b9: {  	_ =	swait.ge [sflag:s29], $0x400  }
0x7ba: {  	s0 =	sld [smem:$0x778]  }
0x7bb: {  	[sflag:s29] =	ssyncset.done $0x0  }
0x7bc: {  	s3 =	sld [smem:$0x779];
	[sflag:s29] =	ssyncadd.s32 $0xFFFFFC00  }
0x7bd: {  	[tilespmem:s0], [sflag:$0x2] =	stream.linear.gather [hbm4b:s2+s1], $0x80, $0x38;
	[tilespmem:$0x8000] =	vst v63  }
0x7be: {  	s0 =	sld [smem:$0x77A]  }
0x7bf: {  	[tilespmem:s3], [sflag:$0x2] =	stream.linear.gather [hbm4b:s18+s1], $0x80, $0x38;
	[tilespmem:$0x8000] =	vst v63  }
0x7c0: {  	s3 =	sld [smem:$0x77B]  }
0x7c1: {  	[tilespmem:s0], [sflag:$0x2] =	stream.linear.gather [hbm4b:s19+s1], $0x80, $0x38;
	[tilespmem:$0x8000] =	vst v63  }
0x7c2: {  	s0 =	sld [smem:$0x77C]  }
0x7c3: {  	[tilespmem:s3], [sflag:$0x2] =	stream.linear.gather [hbm4b:s20+s1], $0x80, $0x38;
	[tilespmem:$0x8000] =	vst v63  }
0x7c4: {  	s3 =	sld [smem:$0x77D]  }
0x7c5: {  	[tilespmem:s0], [sflag:$0x2] =	stream.linear.gather [hbm4b:s22+s1], $0x80, $0x38;
	[tilespmem:$0x8000] =	vst v63  }
0x7c6: {  	s0 =	sld [smem:$0x77E]  }
0x7c7: {  	[tilespmem:s3], [sflag:$0x2] =	stream.linear.gather [hbm4b:s25+s1], $0x80, $0x38;
	[tilespmem:$0x8000] =	vst v63  }
0x7c8: {  	s3 =	sld [smem:$0x77F]  }
0x7c9: {  	[tilespmem:s0], [sflag:$0x2] =	stream.linear.gather [hbm4b:s26+s1], $0x80, $0x38;
	[tilespmem:$0x8000] =	vst v63  }
0x7ca: {  	_ = 	snop  }
0x7cb: {  	[tilespmem:s3], [sflag:$0x2] =	stream.linear.gather [hbm4b:s28+s1], $0x80, $0x38;
	[tilespmem:$0x8000] =	vst v63  }
0x7cc: {  	_ =	swait.ge [sflag:s29], $0x400  }
0x7cd: {  	s0 =	sld [smem:$0x780]  }
0x7ce: {  	[sflag:s29] =	ssyncset.done $0x0  }
0x7cf: {  	s3 =	sld [smem:$0x781];
	[sflag:s29] =	ssyncadd.s32 $0xFFFFFC00  }
0x7d0: {  	[tilespmem:s0], [sflag:$0x2] =	stream.linear.gather [hbm4b:s2+s1], $0x80, $0x38;
	[tilespmem:$0x8000] =	vst v63  }
0x7d1: {  	s0 =	sld [smem:$0x782]  }
0x7d2: {  	[tilespmem:s3], [sflag:$0x2] =	stream.linear.gather [hbm4b:s18+s1], $0x80, $0x38;
	[tilespmem:$0x8000] =	vst v63  }
0x7d3: {  	s3 =	sld [smem:$0x783]  }
0x7d4: {  	[tilespmem:s0], [sflag:$0x2] =	stream.linear.gather [hbm4b:s19+s1], $0x80, $0x38;
	[tilespmem:$0x8000] =	vst v63  }
0x7d5: {  	s0 =	sld [smem:$0x784]  }
0x7d6: {  	[tilespmem:s3], [sflag:$0x2] =	stream.linear.gather [hbm4b:s20+s1], $0x80, $0x38;
	[tilespmem:$0x8000] =	vst v63  }
0x7d7: {  	s3 =	sld [smem:$0x785]  }
0x7d8: {  	[tilespmem:s0], [sflag:$0x2] =	stream.linear.gather [hbm4b:s22+s1], $0x80, $0x38;
	[tilespmem:$0x8000] =	vst v63  }
0x7d9: {  	s0 =	sld [smem:$0x786]  }
0x7da: {  	[tilespmem:s3], [sflag:$0x2] =	stream.linear.gather [hbm4b:s25+s1], $0x80, $0x38;
	[tilespmem:$0x8000] =	vst v63  }
0x7db: {  	s3 =	sld [smem:$0x787]  }
0x7dc: {  	[tilespmem:s0], [sflag:$0x2] =	stream.linear.gather [hbm4b:s26+s1], $0x80, $0x38;
	[tilespmem:$0x8000] =	vst v63  }
0x7dd: {  	_ = 	snop  }
0x7de: {  	[tilespmem:s3], [sflag:$0x2] =	stream.linear.gather [hbm4b:s28+s1], $0x80, $0x38;
	[tilespmem:$0x8000] =	vst v63  }
0x7df: {  	_ =	swait.ge [sflag:s29], $0x400  }
0x7e0: {  	s0 =	sld [smem:$0x788]  }
0x7e1: {  	[sflag:s29] =	ssyncset.done $0x0  }
0x7e2: {  	s3 =	sld [smem:$0x789];
	[sflag:s29] =	ssyncadd.s32 $0xFFFFFC00  }
0x7e3: {  	[tilespmem:s0], [sflag:$0x2] =	stream.linear.gather [hbm4b:s2+s1], $0x80, $0x38;
	[tilespmem:$0x8000] =	vst v63  }
0x7e4: {  	s0 =	sld [smem:$0x78A]  }
0x7e5: {  	[tilespmem:s3], [sflag:$0x2] =	stream.linear.gather [hbm4b:s18+s1], $0x80, $0x38;
	[tilespmem:$0x8000] =	vst v63  }
0x7e6: {  	s3 =	sld [smem:$0x78B]  }
0x7e7: {  	[tilespmem:s0], [sflag:$0x2] =	stream.linear.gather [hbm4b:s19+s1], $0x80, $0x38;
	[tilespmem:$0x8000] =	vst v63  }
0x7e8: {  	s0 =	sld [smem:$0x78C]  }
0x7e9: {  	[tilespmem:s3], [sflag:$0x2] =	stream.linear.gather [hbm4b:s20+s1], $0x80, $0x38;
	[tilespmem:$0x8000] =	vst v63  }
0x7ea: {  	s3 =	sld [smem:$0x78D]  }
0x7eb: {  	[tilespmem:s0], [sflag:$0x2] =	stream.linear.gather [hbm4b:s22+s1], $0x80, $0x38;
	[tilespmem:$0x8000] =	vst v63  }
0x7ec: {  	s0 =	sld [smem:$0x78E]  }
0x7ed: {  	[tilespmem:s3], [sflag:$0x2] =	stream.linear.gather [hbm4b:s25+s1], $0x80, $0x38;
	[tilespmem:$0x8000] =	vst v63  }
0x7ee: {  	s3 =	sld [smem:$0x78F]  }
0x7ef: {  	[tilespmem:s0], [sflag:$0x2] =	stream.linear.gather [hbm4b:s26+s1], $0x80, $0x38;
	[tilespmem:$0x8000] =	vst v63  }
0x7f0: {  	_ = 	snop  }
0x7f1: {  	[tilespmem:s3], [sflag:$0x2] =	stream.linear.gather [hbm4b:s28+s1], $0x80, $0x38;
	[tilespmem:$0x8000] =	vst v63  }
0x7f2: {  	_ =	swait.ge [sflag:s29], $0x400  }
0x7f3: {  	s0 =	sld [smem:$0x790]  }
0x7f4: {  	[sflag:s29] =	ssyncset.done $0x0  }
0x7f5: {  	s3 =	sld [smem:$0x791];
	[sflag:s29] =	ssyncadd.s32 $0xFFFFFC00  }
0x7f6: {  	[tilespmem:s0], [sflag:$0x2] =	stream.linear.gather [hbm4b:s2+s1], $0x80, $0x38;
	[tilespmem:$0x8000] =	vst v63  }
0x7f7: {  	s0 =	sld [smem:$0x792]  }
0x7f8: {  	[tilespmem:s3], [sflag:$0x2] =	stream.linear.gather [hbm4b:s18+s1], $0x80, $0x38;
	[tilespmem:$0x8000] =	vst v63  }
0x7f9: {  	s3 =	sld [smem:$0x793]  }
0x7fa: {  	[tilespmem:s0], [sflag:$0x2] =	stream.linear.gather [hbm4b:s19+s1], $0x80, $0x38;
	[tilespmem:$0x8000] =	vst v63  }
0x7fb: {  	s0 =	sld [smem:$0x794]  }
0x7fc: {  	[tilespmem:s3], [sflag:$0x2] =	stream.linear.gather [hbm4b:s20+s1], $0x80, $0x38;
	[tilespmem:$0x8000] =	vst v63  }
0x7fd: {  	s3 =	sld [smem:$0x795]  }
0x7fe: {  	[tilespmem:s0], [sflag:$0x2] =	stream.linear.gather [hbm4b:s22+s1], $0x80, $0x38;
	[tilespmem:$0x8000] =	vst v63  }
0x7ff: {  	s0 =	sld [smem:$0x796]  }
0x800: {  	[tilespmem:s3], [sflag:$0x2] =	stream.linear.gather [hbm4b:s25+s1], $0x80, $0x38;
	[tilespmem:$0x8000] =	vst v63  }
0x801: {  	s3 =	sld [smem:$0x797]  }
0x802: {  	[tilespmem:s0], [sflag:$0x2] =	stream.linear.gather [hbm4b:s26+s1], $0x80, $0x38;
	[tilespmem:$0x8000] =	vst v63  }
0x803: {  	_ = 	snop  }
0x804: {  	[tilespmem:s3], [sflag:$0x2] =	stream.linear.gather [hbm4b:s28+s1], $0x80, $0x38;
	[tilespmem:$0x8000] =	vst v63  }
0x805: {  	_ =	swait.ge [sflag:s29], $0x400  }
0x806: {  	s0 =	sld [smem:$0x798]  }
0x807: {  	[sflag:s29] =	ssyncset.done $0x0  }
0x808: {  	s3 =	sld [smem:$0x799];
	[sflag:s29] =	ssyncadd.s32 $0xFFFFFC00  }
0x809: {  	[tilespmem:s0], [sflag:$0x2] =	stream.linear.gather [hbm4b:s2+s1], $0x80, $0x38;
	[tilespmem:$0x8000] =	vst v63  }
0x80a: {  	s0 =	sld [smem:$0x79A]  }
0x80b: {  	[tilespmem:s3], [sflag:$0x2] =	stream.linear.gather [hbm4b:s18+s1], $0x80, $0x38;
	[tilespmem:$0x8000] =	vst v63  }
0x80c: {  	s3 =	sld [smem:$0x79B]  }
0x80d: {  	[tilespmem:s0], [sflag:$0x2] =	stream.linear.gather [hbm4b:s19+s1], $0x80, $0x38;
	[tilespmem:$0x8000] =	vst v63  }
0x80e: {  	s0 =	sld [smem:$0x79C]  }
0x80f: {  	[tilespmem:s3], [sflag:$0x2] =	stream.linear.gather [hbm4b:s20+s1], $0x80, $0x38;
	[tilespmem:$0x8000] =	vst v63  }
0x810: {  	s3 =	sld [smem:$0x79D]  }
0x811: {  	[tilespmem:s0], [sflag:$0x2] =	stream.linear.gather [hbm4b:s22+s1], $0x80, $0x38;
	[tilespmem:$0x8000] =	vst v63  }
0x812: {  	s0 =	sld [smem:$0x79E]  }
0x813: {  	[tilespmem:s3], [sflag:$0x2] =	stream.linear.gather [hbm4b:s25+s1], $0x80, $0x38;
	[tilespmem:$0x8000] =	vst v63  }
0x814: {  	s3 =	sld [smem:$0x79F]  }
0x815: {  	[tilespmem:s0], [sflag:$0x2] =	stream.linear.gather [hbm4b:s26+s1], $0x80, $0x38;
	[tilespmem:$0x8000] =	vst v63  }
0x816: {  	_ = 	snop  }
0x817: {  	[tilespmem:s3], [sflag:$0x2] =	stream.linear.gather [hbm4b:s28+s1], $0x80, $0x38;
	[tilespmem:$0x8000] =	vst v63  }
0x818: {  	_ =	swait.ge [sflag:s29], $0x400  }
0x819: {  	s0 =	sld [smem:$0x7A0]  }
0x81a: {  	[sflag:s29] =	ssyncset.done $0x0  }
0x81b: {  	s3 =	sld [smem:$0x7A1];
	[sflag:s29] =	ssyncadd.s32 $0xFFFFFC00  }
0x81c: {  	[tilespmem:s0], [sflag:$0x2] =	stream.linear.gather [hbm4b:s2+s1], $0x80, $0x38;
	[tilespmem:$0x8000] =	vst v63  }
0x81d: {  	s0 =	sld [smem:$0x7A2]  }
0x81e: {  	[tilespmem:s3], [sflag:$0x2] =	stream.linear.gather [hbm4b:s18+s1], $0x80, $0x38;
	[tilespmem:$0x8000] =	vst v63  }
0x81f: {  	s3 =	sld [smem:$0x7A3]  }
0x820: {  	[tilespmem:s0], [sflag:$0x2] =	stream.linear.gather [hbm4b:s19+s1], $0x80, $0x38;
	[tilespmem:$0x8000] =	vst v63  }
0x821: {  	s0 =	sld [smem:$0x7A4]  }
0x822: {  	[tilespmem:s3], [sflag:$0x2] =	stream.linear.gather [hbm4b:s20+s1], $0x80, $0x38;
	[tilespmem:$0x8000] =	vst v63  }
0x823: {  	s3 =	sld [smem:$0x7A5]  }
0x824: {  	[tilespmem:s0], [sflag:$0x2] =	stream.linear.gather [hbm4b:s22+s1], $0x80, $0x38;
	[tilespmem:$0x8000] =	vst v63  }
0x825: {  	s0 =	sld [smem:$0x7A6]  }
0x826: {  	[tilespmem:s3], [sflag:$0x2] =	stream.linear.gather [hbm4b:s25+s1], $0x80, $0x38;
	[tilespmem:$0x8000] =	vst v63  }
0x827: {  	s3 =	sld [smem:$0x7A7]  }
0x828: {  	[tilespmem:s0], [sflag:$0x2] =	stream.linear.gather [hbm4b:s26+s1], $0x80, $0x38;
	[tilespmem:$0x8000] =	vst v63  }
0x829: {  	_ = 	snop  }
0x82a: {  	[tilespmem:s3], [sflag:$0x2] =	stream.linear.gather [hbm4b:s28+s1], $0x80, $0x38;
	[tilespmem:$0x8000] =	vst v63  }
0x82b: {  	_ =	swait.ge [sflag:s29], $0x400  }
0x82c: {  	s0 =	sld [smem:$0x7A8]  }
0x82d: {  	[sflag:s29] =	ssyncset.done $0x0  }
0x82e: {  	s3 =	sld [smem:$0x7A9];
	[sflag:s29] =	ssyncadd.s32 $0xFFFFFC00  }
0x82f: {  	[tilespmem:s0], [sflag:$0x2] =	stream.linear.gather [hbm4b:s2+s1], $0x80, $0x38;
	[tilespmem:$0x8000] =	vst v63  }
0x830: {  	s0 =	sld [smem:$0x7AA]  }
0x831: {  	[tilespmem:s3], [sflag:$0x2] =	stream.linear.gather [hbm4b:s18+s1], $0x80, $0x38;
	[tilespmem:$0x8000] =	vst v63  }
0x832: {  	s3 =	sld [smem:$0x7AB]  }
0x833: {  	[tilespmem:s0], [sflag:$0x2] =	stream.linear.gather [hbm4b:s19+s1], $0x80, $0x38;
	[tilespmem:$0x8000] =	vst v63  }
0x834: {  	s0 =	sld [smem:$0x7AC]  }
0x835: {  	[tilespmem:s3], [sflag:$0x2] =	stream.linear.gather [hbm4b:s20+s1], $0x80, $0x38;
	[tilespmem:$0x8000] =	vst v63  }
0x836: {  	s3 =	sld [smem:$0x7AD]  }
0x837: {  	[tilespmem:s0], [sflag:$0x2] =	stream.linear.gather [hbm4b:s22+s1], $0x80, $0x38;
	[tilespmem:$0x8000] =	vst v63  }
0x838: {  	s0 =	sld [smem:$0x7AE]  }
0x839: {  	[tilespmem:s3], [sflag:$0x2] =	stream.linear.gather [hbm4b:s25+s1], $0x80, $0x38;
	[tilespmem:$0x8000] =	vst v63  }
0x83a: {  	s3 =	sld [smem:$0x7AF]  }
0x83b: {  	[tilespmem:s0], [sflag:$0x2] =	stream.linear.gather [hbm4b:s26+s1], $0x80, $0x38;
	[tilespmem:$0x8000] =	vst v63  }
0x83c: {  	_ = 	snop  }
0x83d: {  	[tilespmem:s3], [sflag:$0x2] =	stream.linear.gather [hbm4b:s28+s1], $0x80, $0x38;
	[tilespmem:$0x8000] =	vst v63  }
0x83e: {  	_ =	swait.ge [sflag:s29], $0x400  }
0x83f: {  	s0 =	sld [smem:$0x7B0]  }
0x840: {  	[sflag:s29] =	ssyncset.done $0x0  }
0x841: {  	s3 =	sld [smem:$0x7B1];
	[sflag:s29] =	ssyncadd.s32 $0xFFFFFC00  }
0x842: {  	[tilespmem:s0], [sflag:$0x2] =	stream.linear.gather [hbm4b:s2+s1], $0x80, $0x38;
	[tilespmem:$0x8000] =	vst v63  }
0x843: {  	s0 =	sld [smem:$0x7B2]  }
0x844: {  	[tilespmem:s3], [sflag:$0x2] =	stream.linear.gather [hbm4b:s18+s1], $0x80, $0x38;
	[tilespmem:$0x8000] =	vst v63  }
0x845: {  	s3 =	sld [smem:$0x7B3]  }
0x846: {  	[tilespmem:s0], [sflag:$0x2] =	stream.linear.gather [hbm4b:s19+s1], $0x80, $0x38;
	[tilespmem:$0x8000] =	vst v63  }
0x847: {  	s0 =	sld [smem:$0x7B4]  }
0x848: {  	[tilespmem:s3], [sflag:$0x2] =	stream.linear.gather [hbm4b:s20+s1], $0x80, $0x38;
	[tilespmem:$0x8000] =	vst v63  }
0x849: {  	s3 =	sld [smem:$0x7B5]  }
0x84a: {  	[tilespmem:s0], [sflag:$0x2] =	stream.linear.gather [hbm4b:s22+s1], $0x80, $0x38;
	[tilespmem:$0x8000] =	vst v63  }
0x84b: {  	s0 =	sld [smem:$0x7B6]  }
0x84c: {  	[tilespmem:s3], [sflag:$0x2] =	stream.linear.gather [hbm4b:s25+s1], $0x80, $0x38;
	[tilespmem:$0x8000] =	vst v63  }
0x84d: {  	s3 =	sld [smem:$0x7B7]  }
0x84e: {  	[tilespmem:s0], [sflag:$0x2] =	stream.linear.gather [hbm4b:s26+s1], $0x80, $0x38;
	[tilespmem:$0x8000] =	vst v63  }
0x84f: {  	_ = 	snop  }
0x850: {  	[tilespmem:s3], [sflag:$0x2] =	stream.linear.gather [hbm4b:s28+s1], $0x80, $0x38;
	[tilespmem:$0x8000] =	vst v63  }
0x851: {  	_ =	swait.ge [sflag:s29], $0x400  }
0x852: {  	s0 =	sld [smem:$0x7B8]  }
0x853: {  	[sflag:s29] =	ssyncset.done $0x0  }
0x854: {  	s3 =	sld [smem:$0x7B9];
	[sflag:s29] =	ssyncadd.s32 $0xFFFFFC00  }
0x855: {  	[tilespmem:s0], [sflag:$0x2] =	stream.linear.gather [hbm4b:s2+s1], $0x80, $0x38;
	[tilespmem:$0x8000] =	vst v63  }
0x856: {  	s0 =	sld [smem:$0x7BA]  }
0x857: {  	[tilespmem:s3], [sflag:$0x2] =	stream.linear.gather [hbm4b:s18+s1], $0x80, $0x38;
	[tilespmem:$0x8000] =	vst v63  }
0x858: {  	s3 =	sld [smem:$0x7BB]  }
0x859: {  	[tilespmem:s0], [sflag:$0x2] =	stream.linear.gather [hbm4b:s19+s1], $0x80, $0x38;
	[tilespmem:$0x8000] =	vst v63  }
0x85a: {  	s0 =	sld [smem:$0x7BC]  }
0x85b: {  	[tilespmem:s3], [sflag:$0x2] =	stream.linear.gather [hbm4b:s20+s1], $0x80, $0x38;
	[tilespmem:$0x8000] =	vst v63  }
0x85c: {  	s3 =	sld [smem:$0x7BD]  }
0x85d: {  	[tilespmem:s0], [sflag:$0x2] =	stream.linear.gather [hbm4b:s22+s1], $0x80, $0x38;
	[tilespmem:$0x8000] =	vst v63  }
0x85e: {  	s0 =	sld [smem:$0x7BE]  }
0x85f: {  	[tilespmem:s3], [sflag:$0x2] =	stream.linear.gather [hbm4b:s25+s1], $0x80, $0x38;
	[tilespmem:$0x8000] =	vst v63  }
0x860: {  	s3 =	sld [smem:$0x7BF]  }
0x861: {  	[tilespmem:s0], [sflag:$0x2] =	stream.linear.gather [hbm4b:s26+s1], $0x80, $0x38;
	[tilespmem:$0x8000] =	vst v63  }
0x862: {  	_ = 	snop  }
0x863: {  	[tilespmem:s3], [sflag:$0x2] =	stream.linear.gather [hbm4b:s28+s1], $0x80, $0x38;
	[tilespmem:$0x8000] =	vst v63  }
0x864: {  	_ =	swait.ge [sflag:s29], $0x400  }
0x865: {  	s0 =	sld [smem:$0x7C0]  }
0x866: {  	[sflag:s29] =	ssyncset.done $0x0  }
0x867: {  	s3 =	sld [smem:$0x7C1];
	[sflag:s29] =	ssyncadd.s32 $0xFFFFFC00  }
0x868: {  	[tilespmem:s0], [sflag:$0x2] =	stream.linear.gather [hbm4b:s2+s1], $0x80, $0x38;
	[tilespmem:$0x8000] =	vst v63  }
0x869: {  	s0 =	sld [smem:$0x7C2]  }
0x86a: {  	[tilespmem:s3], [sflag:$0x2] =	stream.linear.gather [hbm4b:s18+s1], $0x80, $0x38;
	[tilespmem:$0x8000] =	vst v63  }
0x86b: {  	s3 =	sld [smem:$0x7C3]  }
0x86c: {  	[tilespmem:s0], [sflag:$0x2] =	stream.linear.gather [hbm4b:s19+s1], $0x80, $0x38;
	[tilespmem:$0x8000] =	vst v63  }
0x86d: {  	s0 =	sld [smem:$0x7C4]  }
0x86e: {  	[tilespmem:s3], [sflag:$0x2] =	stream.linear.gather [hbm4b:s20+s1], $0x80, $0x38;
	[tilespmem:$0x8000] =	vst v63  }
0x86f: {  	s3 =	sld [smem:$0x7C5]  }
0x870: {  	[tilespmem:s0], [sflag:$0x2] =	stream.linear.gather [hbm4b:s22+s1], $0x80, $0x38;
	[tilespmem:$0x8000] =	vst v63  }
0x871: {  	s0 =	sld [smem:$0x7C6]  }
0x872: {  	[tilespmem:s3], [sflag:$0x2] =	stream.linear.gather [hbm4b:s25+s1], $0x80, $0x38;
	[tilespmem:$0x8000] =	vst v63  }
0x873: {  	s3 =	sld [smem:$0x7C7]  }
0x874: {  	[tilespmem:s0], [sflag:$0x2] =	stream.linear.gather [hbm4b:s26+s1], $0x80, $0x38;
	[tilespmem:$0x8000] =	vst v63  }
0x875: {  	_ = 	snop  }
0x876: {  	[tilespmem:s3], [sflag:$0x2] =	stream.linear.gather [hbm4b:s28+s1], $0x80, $0x38;
	[tilespmem:$0x8000] =	vst v63  }
0x877: {  	_ =	swait.ge [sflag:s29], $0x400  }
0x878: {  	s0 =	sld [smem:$0x7C8]  }
0x879: {  	[sflag:s29] =	ssyncset.done $0x0  }
0x87a: {  	s3 =	sld [smem:$0x7C9];
	[sflag:s29] =	ssyncadd.s32 $0xFFFFFC00  }
0x87b: {  	[tilespmem:s0], [sflag:$0x2] =	stream.linear.gather [hbm4b:s2+s1], $0x80, $0x38;
	[tilespmem:$0x8000] =	vst v63  }
0x87c: {  	s0 =	sld [smem:$0x7CA]  }
0x87d: {  	[tilespmem:s3], [sflag:$0x2] =	stream.linear.gather [hbm4b:s18+s1], $0x80, $0x38;
	[tilespmem:$0x8000] =	vst v63  }
0x87e: {  	s3 =	sld [smem:$0x7CB]  }
0x87f: {  	[tilespmem:s0], [sflag:$0x2] =	stream.linear.gather [hbm4b:s19+s1], $0x80, $0x38;
	[tilespmem:$0x8000] =	vst v63  }
0x880: {  	s0 =	sld [smem:$0x7CC]  }
0x881: {  	[tilespmem:s3], [sflag:$0x2] =	stream.linear.gather [hbm4b:s20+s1], $0x80, $0x38;
	[tilespmem:$0x8000] =	vst v63  }
0x882: {  	s3 =	sld [smem:$0x7CD]  }
0x883: {  	[tilespmem:s0], [sflag:$0x2] =	stream.linear.gather [hbm4b:s22+s1], $0x80, $0x38;
	[tilespmem:$0x8000] =	vst v63  }
0x884: {  	s0 =	sld [smem:$0x7CE]  }
0x885: {  	[tilespmem:s3], [sflag:$0x2] =	stream.linear.gather [hbm4b:s25+s1], $0x80, $0x38;
	[tilespmem:$0x8000] =	vst v63  }
0x886: {  	s3 =	sld [smem:$0x7CF]  }
0x887: {  	[tilespmem:s0], [sflag:$0x2] =	stream.linear.gather [hbm4b:s26+s1], $0x80, $0x38;
	[tilespmem:$0x8000] =	vst v63  }
0x888: {  	_ = 	snop  }
0x889: {  	[tilespmem:s3], [sflag:$0x2] =	stream.linear.gather [hbm4b:s28+s1], $0x80, $0x38;
	[tilespmem:$0x8000] =	vst v63  }
0x88a: {  	_ =	swait.ge [sflag:s29], $0x400  }
0x88b: {  	s0 =	sld [smem:$0x7D0]  }
0x88c: {  	[sflag:s29] =	ssyncset.done $0x0  }
0x88d: {  	s3 =	sld [smem:$0x7D1];
	[sflag:s29] =	ssyncadd.s32 $0xFFFFFC00  }
0x88e: {  	[tilespmem:s0], [sflag:$0x2] =	stream.linear.gather [hbm4b:s2+s1], $0x80, $0x38;
	[tilespmem:$0x8000] =	vst v63  }
0x88f: {  	s0 =	sld [smem:$0x7D2]  }
0x890: {  	[tilespmem:s3], [sflag:$0x2] =	stream.linear.gather [hbm4b:s18+s1], $0x80, $0x38;
	[tilespmem:$0x8000] =	vst v63  }
0x891: {  	s3 =	sld [smem:$0x7D3]  }
0x892: {  	[tilespmem:s0], [sflag:$0x2] =	stream.linear.gather [hbm4b:s19+s1], $0x80, $0x38;
	[tilespmem:$0x8000] =	vst v63  }
0x893: {  	s0 =	sld [smem:$0x7D4]  }
0x894: {  	[tilespmem:s3], [sflag:$0x2] =	stream.linear.gather [hbm4b:s20+s1], $0x80, $0x38;
	[tilespmem:$0x8000] =	vst v63  }
0x895: {  	s3 =	sld [smem:$0x7D5]  }
0x896: {  	[tilespmem:s0], [sflag:$0x2] =	stream.linear.gather [hbm4b:s22+s1], $0x80, $0x38;
	[tilespmem:$0x8000] =	vst v63  }
0x897: {  	s0 =	sld [smem:$0x7D6]  }
0x898: {  	[tilespmem:s3], [sflag:$0x2] =	stream.linear.gather [hbm4b:s25+s1], $0x80, $0x38;
	[tilespmem:$0x8000] =	vst v63  }
0x899: {  	s3 =	sld [smem:$0x7D7]  }
0x89a: {  	[tilespmem:s0], [sflag:$0x2] =	stream.linear.gather [hbm4b:s26+s1], $0x80, $0x38;
	[tilespmem:$0x8000] =	vst v63  }
0x89b: {  	_ = 	snop  }
0x89c: {  	[tilespmem:s3], [sflag:$0x2] =	stream.linear.gather [hbm4b:s28+s1], $0x80, $0x38;
	[tilespmem:$0x8000] =	vst v63  }
0x89d: {  	_ =	swait.ge [sflag:s29], $0x400  }
0x89e: {  	s0 =	sld [smem:$0x7D8]  }
0x89f: {  	[sflag:s29] =	ssyncset.done $0x0  }
0x8a0: {  	s3 =	sld [smem:$0x7D9];
	[sflag:s29] =	ssyncadd.s32 $0xFFFFFC00  }
0x8a1: {  	[tilespmem:s0], [sflag:$0x2] =	stream.linear.gather [hbm4b:s2+s1], $0x80, $0x38;
	[tilespmem:$0x8000] =	vst v63  }
0x8a2: {  	s0 =	sld [smem:$0x7DA]  }
0x8a3: {  	[tilespmem:s3], [sflag:$0x2] =	stream.linear.gather [hbm4b:s18+s1], $0x80, $0x38;
	[tilespmem:$0x8000] =	vst v63  }
0x8a4: {  	s3 =	sld [smem:$0x7DB]  }
0x8a5: {  	[tilespmem:s0], [sflag:$0x2] =	stream.linear.gather [hbm4b:s19+s1], $0x80, $0x38;
	[tilespmem:$0x8000] =	vst v63  }
0x8a6: {  	s0 =	sld [smem:$0x7DC]  }
0x8a7: {  	[tilespmem:s3], [sflag:$0x2] =	stream.linear.gather [hbm4b:s20+s1], $0x80, $0x38;
	[tilespmem:$0x8000] =	vst v63  }
0x8a8: {  	s3 =	sld [smem:$0x7DD]  }
0x8a9: {  	[tilespmem:s0], [sflag:$0x2] =	stream.linear.gather [hbm4b:s22+s1], $0x80, $0x38;
	[tilespmem:$0x8000] =	vst v63  }
0x8aa: {  	s0 =	sld [smem:$0x7DE]  }
0x8ab: {  	[tilespmem:s3], [sflag:$0x2] =	stream.linear.gather [hbm4b:s25+s1], $0x80, $0x38;
	[tilespmem:$0x8000] =	vst v63  }
0x8ac: {  	s3 =	sld [smem:$0x7DF]  }
0x8ad: {  	[tilespmem:s0], [sflag:$0x2] =	stream.linear.gather [hbm4b:s26+s1], $0x80, $0x38;
	[tilespmem:$0x8000] =	vst v63  }
0x8ae: {  	_ = 	snop  }
0x8af: {  	[tilespmem:s3], [sflag:$0x2] =	stream.linear.gather [hbm4b:s28+s1], $0x80, $0x38;
	[tilespmem:$0x8000] =	vst v63  }
0x8b0: {  	_ =	swait.ge [sflag:s29], $0x400  }
0x8b1: {  	s0 =	sld [smem:$0x7E0]  }
0x8b2: {  	[sflag:s29] =	ssyncset.done $0x0  }
0x8b3: {  	s3 =	sld [smem:$0x7E1];
	[sflag:s29] =	ssyncadd.s32 $0xFFFFFC00  }
0x8b4: {  	[tilespmem:s0], [sflag:$0x2] =	stream.linear.gather [hbm4b:s2+s1], $0x80, $0x38;
	[tilespmem:$0x8000] =	vst v63  }
0x8b5: {  	s0 =	sld [smem:$0x7E2]  }
0x8b6: {  	[tilespmem:s3], [sflag:$0x2] =	stream.linear.gather [hbm4b:s18+s1], $0x80, $0x38;
	[tilespmem:$0x8000] =	vst v63  }
0x8b7: {  	s3 =	sld [smem:$0x7E3]  }
0x8b8: {  	[tilespmem:s0], [sflag:$0x2] =	stream.linear.gather [hbm4b:s19+s1], $0x80, $0x38;
	[tilespmem:$0x8000] =	vst v63  }
0x8b9: {  	s0 =	sld [smem:$0x7E4]  }
0x8ba: {  	[tilespmem:s3], [sflag:$0x2] =	stream.linear.gather [hbm4b:s20+s1], $0x80, $0x38;
	[tilespmem:$0x8000] =	vst v63  }
0x8bb: {  	s3 =	sld [smem:$0x7E5]  }
0x8bc: {  	[tilespmem:s0], [sflag:$0x2] =	stream.linear.gather [hbm4b:s22+s1], $0x80, $0x38;
	[tilespmem:$0x8000] =	vst v63  }
0x8bd: {  	s0 =	sld [smem:$0x7E6]  }
0x8be: {  	[tilespmem:s3], [sflag:$0x2] =	stream.linear.gather [hbm4b:s25+s1], $0x80, $0x38;
	[tilespmem:$0x8000] =	vst v63  }
0x8bf: {  	s3 =	sld [smem:$0x7E7]  }
0x8c0: {  	[tilespmem:s0], [sflag:$0x2] =	stream.linear.gather [hbm4b:s26+s1], $0x80, $0x38;
	[tilespmem:$0x8000] =	vst v63  }
0x8c1: {  	_ = 	snop  }
0x8c2: {  	[tilespmem:s3], [sflag:$0x2] =	stream.linear.gather [hbm4b:s28+s1], $0x80, $0x38;
	[tilespmem:$0x8000] =	vst v63  }
0x8c3: {  	_ =	swait.ge [sflag:s29], $0x400  }
0x8c4: {  	s0 =	sld [smem:$0x7E8]  }
0x8c5: {  	[sflag:s29] =	ssyncset.done $0x0  }
0x8c6: {  	s3 =	sld [smem:$0x7E9];
	[sflag:s29] =	ssyncadd.s32 $0xFFFFFC00  }
0x8c7: {  	[tilespmem:s0], [sflag:$0x2] =	stream.linear.gather [hbm4b:s2+s1], $0x80, $0x38;
	[tilespmem:$0x8000] =	vst v63  }
0x8c8: {  	s0 =	sld [smem:$0x7EA]  }
0x8c9: {  	[tilespmem:s3], [sflag:$0x2] =	stream.linear.gather [hbm4b:s18+s1], $0x80, $0x38;
	[tilespmem:$0x8000] =	vst v63  }
0x8ca: {  	s3 =	sld [smem:$0x7EB]  }
0x8cb: {  	[tilespmem:s0], [sflag:$0x2] =	stream.linear.gather [hbm4b:s19+s1], $0x80, $0x38;
	[tilespmem:$0x8000] =	vst v63  }
0x8cc: {  	s0 =	sld [smem:$0x7EC]  }
0x8cd: {  	[tilespmem:s3], [sflag:$0x2] =	stream.linear.gather [hbm4b:s20+s1], $0x80, $0x38;
	[tilespmem:$0x8000] =	vst v63  }
0x8ce: {  	s3 =	sld [smem:$0x7ED]  }
0x8cf: {  	[tilespmem:s0], [sflag:$0x2] =	stream.linear.gather [hbm4b:s22+s1], $0x80, $0x38;
	[tilespmem:$0x8000] =	vst v63  }
0x8d0: {  	s0 =	sld [smem:$0x7EE]  }
0x8d1: {  	[tilespmem:s3], [sflag:$0x2] =	stream.linear.gather [hbm4b:s25+s1], $0x80, $0x38;
	[tilespmem:$0x8000] =	vst v63  }
0x8d2: {  	s3 =	sld [smem:$0x7FC]  }
0x8d3: {  	[tilespmem:s0], [sflag:$0x2] =	stream.linear.gather [hbm4b:s26+s1], $0x80, $0x38;
	[tilespmem:$0x8000] =	vst v63  }
0x8d4: {  	_ = 	snop  }
0x8d5: {  	[tilespmem:s3], [sflag:$0x2] =	stream.linear.gather [hbm4b:s28+s1], $0x80, $0x38;
	[tilespmem:$0x8000] =	vst v63  }
0x8d6: {  	_ =	swait.ge [sflag:s29], $0x400  }
0x8d7: {  	s0 =	sld [smem:$0x7FB]  }
0x8d8: {  	[sflag:s29] =	ssyncset.done $0x0  }
0x8d9: {  	s3 =	sld [smem:$0x7EF];
	[sflag:s29] =	ssyncadd.s32 $0xFFFFFC00  }
0x8da: {  	[tilespmem:s0], [sflag:$0x2] =	stream.linear.gather [hbm4b:s2+s1], $0x80, $0x38;
	[tilespmem:$0x8000] =	vst v63  }
0x8db: {  	s0 =	sld [smem:$0x7FA]  }
0x8dc: {  	[tilespmem:s3], [sflag:$0x2] =	stream.linear.gather [hbm4b:s18+s1], $0x80, $0x38;
	[tilespmem:$0x8000] =	vst v63  }
0x8dd: {  	s3 =	sld [smem:$0x7F0]  }
0x8de: {  	[tilespmem:s0], [sflag:$0x2] =	stream.linear.gather [hbm4b:s19+s1], $0x80, $0x38;
	[tilespmem:$0x8000] =	vst v63  }
0x8df: {  	s0 =	sld [smem:$0x7F9]  }
0x8e0: {  	[tilespmem:s3], [sflag:$0x2] =	stream.linear.gather [hbm4b:s20+s1], $0x80, $0x38;
	[tilespmem:$0x8000] =	vst v63  }
0x8e1: {  	s3 =	sld [smem:$0x7F1]  }
0x8e2: {  	[tilespmem:s0], [sflag:$0x2] =	stream.linear.gather [hbm4b:s22+s1], $0x80, $0x38;
	[tilespmem:$0x8000] =	vst v63  }
0x8e3: {  	s0 =	sld [smem:$0x7F8]  }
0x8e4: {  	[tilespmem:s3], [sflag:$0x2] =	stream.linear.gather [hbm4b:s25+s1], $0x80, $0x38;
	[tilespmem:$0x8000] =	vst v63  }
0x8e5: {  	s3 =	sld [smem:$0x7F2]  }
0x8e6: {  	[tilespmem:s0], [sflag:$0x2] =	stream.linear.gather [hbm4b:s26+s1], $0x80, $0x38;
	[tilespmem:$0x8000] =	vst v63  }
0x8e7: {  	_ = 	snop  }
0x8e8: {  	[tilespmem:s3], [sflag:$0x2] =	stream.linear.gather [hbm4b:s28+s1], $0x80, $0x38;
	[tilespmem:$0x8000] =	vst v63  }
0x8e9: {  	_ =	swait.ge [sflag:s29], $0x400  }
0x8ea: {  	s0 =	sld [smem:$0x7F7]  }
0x8eb: {  	[sflag:s29] =	ssyncset.done $0x0  }
0x8ec: {  	s3 =	sld [smem:$0x7F3];
	[sflag:s29] =	ssyncadd.s32 $0xFFFFFC00  }
0x8ed: {  	[tilespmem:s0], [sflag:$0x2] =	stream.linear.gather [hbm4b:s2+s1], $0x80, $0x38;
	[tilespmem:$0x8000] =	vst v63  }
0x8ee: {  	s2 =	sld [smem:$0x7F6]  }
0x8ef: {  	[tilespmem:s3], [sflag:$0x2] =	stream.linear.gather [hbm4b:s18+s1], $0x80, $0x38;
	[tilespmem:$0x8000] =	vst v63  }
0x8f0: {  	s18 =	sld [smem:$0x7F5]  }
0x8f1: {  	[tilespmem:s2], [sflag:$0x2] =	stream.linear.gather [hbm4b:s19+s1], $0x80, $0x38;
	[tilespmem:$0x8000] =	vst v63  }
0x8f2: {  	s19 =	sld [smem:$0x7F4]  }
0x8f3: {  	[tilespmem:s18], [sflag:$0x2] =	stream.linear.gather [hbm4b:s20+s1], $0x80, $0x38;
	[tilespmem:$0x8000] =	vst v63  }
0x8f4: {  	s20 =	sld [smem:$0x7FD]  }
0x8f5: {  	[tilespmem:s19], [sflag:$0x2] =	stream.linear.gather [hbm4b:s22+s1], $0x80, $0x38;
	[tilespmem:$0x8000] =	vst v63  }
0x8f6: {  	_ = 	snop  }
0x8f7: {  	[tilespmem:s20], [sflag:$0x2] =	stream.linear.gather [hbm4b:s25+s1], $0x80, $0x38;
	[tilespmem:$0x8000] =	vst v63  }
0x8f8: {  	s25 =	simm.s32 $0x7B80  }
0x8f9: {  	[tilespmem:s25], [sflag:$0x2] =	stream.linear.gather [hbm4b:s26+s1], $0x80, $0x38;
	[tilespmem:$0x8000] =	vst v63  }
0x8fa: {  	_ = 	snop  }
0x8fb: {  	[tilespmem:s31], [sflag:$0x2] =	stream.linear.gather [hbm4b:s28+s1], $0x80, $0x38;
	[tilespmem:$0x8000] =	vst v63  }
0x8fc: {  	_ =	swait.ge [sflag:s29], $0x400  }
0x8fd: {  	[sflag:s29] =	ssyncset.done $0x0  }
0x8fe: {  	[sflag:s29] =	ssyncadd.s32 $0xFFFFFC00  }
0x8ff: {  	[hbm4b:s13+s1] =	stream.linear.scatter [tilespmem:s1], [sflag:$0x1], $0x8000, $0x38;
	[tilespmem:$0x8000] =	vst v63  }
0x900: {  	_ = 	snop  }
0x901: {  	[hbm4b:s13+s1] =	stream.linear.scatter [tilespmem:s1], [sflag:$0x1], $0x8000, $0x38;
	[tilespmem:$0x8000] =	vst v63  }
0x902: {  	_ = 	snop  }
0x903: {  	[hbm4b:s15+s1] =	stream.linear.scatter [tilespmem:s1], [sflag:$0x1], $0x8000, $0x38;
	[tilespmem:$0x8000] =	vst v63  }
0x904: {  	_ = 	snop  }
0x905: {  	[hbm4b:s15+s1] =	stream.linear.scatter [tilespmem:s1], [sflag:$0x1], $0x8000, $0x38;
	[tilespmem:$0x8000] =	vst v63  }
0x906: {  	_ = 	snop  }
0x907: {  	[hbm4b:s24+s1] =	stream.linear.scatter [tilespmem:s1], [sflag:$0x1], $0x8000, $0x38;
	[tilespmem:$0x8000] =	vst v63  }
0x908: {  	_ = 	snop  }
0x909: {  	[hbm4b:s24+s1] =	stream.linear.scatter [tilespmem:s1], [sflag:$0x1], $0x8000, $0x38;
	[tilespmem:$0x8000] =	vst v63  }
0x90a: {  	_ = 	snop  }
0x90b: {  	[hbm4b:s23+s1] =	stream.linear.scatter [tilespmem:s1], [sflag:$0x1], $0x8000, $0x38;
	[tilespmem:$0x8000] =	vst v63  }
0x90c: {  	_ = 	snop  }
0x90d: {  	[hbm4b:s23+s1] =	stream.linear.scatter [tilespmem:s1], [sflag:$0x1], $0x8000, $0x38;
	[tilespmem:$0x8000] =	vst v63  }
0x90e: {  	_ = 	snop  }
0x90f: {  	[hbm4b:s21+s1] =	stream.linear.scatter [tilespmem:s1], [sflag:$0x1], $0x8000, $0x38;
	[tilespmem:$0x8000] =	vst v63  }
0x910: {  	_ = 	snop  }
0x911: {  	[hbm4b:s21+s1] =	stream.linear.scatter [tilespmem:s1], [sflag:$0x1], $0x8000, $0x38;
	[tilespmem:$0x8000] =	vst v63  }
0x912: {  	_ = 	snop  }
0x913: {  	[hbm4b:s7+s1] =	stream.linear.scatter [tilespmem:s1], [sflag:$0x1], $0x8000, $0x38;
	[tilespmem:$0x8000] =	vst v63  }
0x914: {  	_ = 	snop  }
0x915: {  	[hbm4b:s7+s1] =	stream.linear.scatter [tilespmem:s1], [sflag:$0x1], $0x8000, $0x38;
	[tilespmem:$0x8000] =	vst v63  }
0x916: {  	_ = 	snop  }
0x917: {  	[hbm4b:s9+s1] =	stream.linear.scatter [tilespmem:s1], [sflag:$0x1], $0x8000, $0x38;
	[tilespmem:$0x8000] =	vst v63  }
0x918: {  	_ = 	snop  }
0x919: {  	[hbm4b:s9+s1] =	stream.linear.scatter [tilespmem:s1], [sflag:$0x1], $0x8000, $0x38;
	[tilespmem:$0x8000] =	vst v63  }
0x91a: {  	_ = 	snop  }
0x91b: {  	[hbm4b:s17+s1] =	stream.linear.scatter [tilespmem:s1], [sflag:$0x1], $0x8000, $0x38;
	[tilespmem:$0x8000] =	vst v63  }
0x91c: {  	_ = 	snop  }
0x91d: {  	[hbm4b:s17+s1] =	stream.linear.scatter [tilespmem:s1], [sflag:$0x1], $0x8000, $0x38;
	[tilespmem:$0x8000] =	vst v63  }
0x91e: {  	_ = 	snop  }
0x91f: {  	[hbm4b:s16+s1] =	stream.linear.scatter [tilespmem:s1], [sflag:$0x1], $0x8000, $0x38;
	[tilespmem:$0x8000] =	vst v63  }
0x920: {  	_ = 	snop  }
0x921: {  	[hbm4b:s16+s1] =	stream.linear.scatter [tilespmem:s1], [sflag:$0x1], $0x8000, $0x38;
	[tilespmem:$0x8000] =	vst v63  }
0x922: {  	_ = 	snop  }
0x923: {  	[hbm4b:s5+s1] =	stream.linear.scatter [tilespmem:s1], [sflag:$0x1], $0x8000, $0x38;
	[tilespmem:$0x8000] =	vst v63  }
0x924: {  	_ = 	snop  }
0x925: {  	[hbm4b:s5+s1] =	stream.linear.scatter [tilespmem:s1], [sflag:$0x1], $0x8000, $0x38;
	[tilespmem:$0x8000] =	vst v63  }
0x926: {  	_ = 	snop  }
0x927: {  	[hbm4b:s6+s1] =	stream.linear.scatter [tilespmem:s1], [sflag:$0x1], $0x8000, $0x38;
	[tilespmem:$0x8000] =	vst v63  }
0x928: {  	_ = 	snop  }
0x929: {  	[hbm4b:s6+s1] =	stream.linear.scatter [tilespmem:s1], [sflag:$0x1], $0x8000, $0x38;
	[tilespmem:$0x8000] =	vst v63  }
0x92a: {  	_ = 	snop  }
0x92b: {  	[hbm4b:s8+s1] =	stream.linear.scatter [tilespmem:s1], [sflag:$0x1], $0x8000, $0x38;
	[tilespmem:$0x8000] =	vst v63  }
0x92c: {  	_ = 	snop  }
0x92d: {  	[hbm4b:s8+s1] =	stream.linear.scatter [tilespmem:s1], [sflag:$0x1], $0x8000, $0x38;
	[tilespmem:$0x8000] =	vst v63  }
0x92e: {  	_ = 	snop  }
0x92f: {  	[hbm4b:s10+s1] =	stream.linear.scatter [tilespmem:s1], [sflag:$0x1], $0x8000, $0x38;
	[tilespmem:$0x8000] =	vst v63  }
0x930: {  	_ = 	snop  }
0x931: {  	[hbm4b:s10+s1] =	stream.linear.scatter [tilespmem:s1], [sflag:$0x1], $0x8000, $0x38;
	[tilespmem:$0x8000] =	vst v63  }
0x932: {  	_ = 	snop  }
0x933: {  	[hbm4b:s11+s1] =	stream.linear.scatter [tilespmem:s1], [sflag:$0x1], $0x8000, $0x38;
	[tilespmem:$0x8000] =	vst v63  }
0x934: {  	_ = 	snop  }
0x935: {  	[hbm4b:s11+s1] =	stream.linear.scatter [tilespmem:s1], [sflag:$0x1], $0x8000, $0x38;
	[tilespmem:$0x8000] =	vst v63  }
0x936: {  	_ = 	snop  }
0x937: {  	[hbm4b:s12+s1] =	stream.linear.scatter [tilespmem:s1], [sflag:$0x1], $0x8000, $0x38;
	[tilespmem:$0x8000] =	vst v63  }
0x938: {  	_ = 	snop  }
0x939: {  	[hbm4b:s12+s1] =	stream.linear.scatter [tilespmem:s1], [sflag:$0x1], $0x8000, $0x38;
	[tilespmem:$0x8000] =	vst v63  }
0x93a: {  	_ = 	snop  }
0x93b: {  	[hbm4b:s14+s1] =	stream.linear.scatter [tilespmem:s1], [sflag:$0x1], $0x8000, $0x38;
	[tilespmem:$0x8000] =	vst v63  }
0x93c: {  	_ = 	snop  }
0x93d: {  	[hbm4b:s14+s1] =	stream.linear.scatter [tilespmem:s1], [sflag:$0x1], $0x8000, $0x38;
	[tilespmem:$0x8000] =	vst v63  }
0x93e: {  	_ =	swait.ge [sflag:s4], $0x8000  }
0x93f: {  	[sflag:s4] =	ssyncset.done $0x0  }
0x940: {  	[sflag:s4] =	ssyncadd.s32 $0xFFFF8000  }
0x941: {  	_ =	swait.ge [sflag:s4], $0x8000  }
0x942: {  	[sflag:s4] =	ssyncset.done $0x0  }
0x943: {  	[sflag:s4] =	ssyncadd.s32 $0xFFFF8000  }
0x944: {  	_ =	swait.ge [sflag:s4], $0x8000  }
0x945: {  	[sflag:s4] =	ssyncset.done $0x0  }
0x946: {  	[sflag:s4] =	ssyncadd.s32 $0xFFFF8000  }
0x947: {  	_ =	swait.ge [sflag:s4], $0x8000  }
0x948: {  	[sflag:s4] =	ssyncset.done $0x0  }
0x949: {  	[sflag:s4] =	ssyncadd.s32 $0xFFFF8000  }
0x94a: {  	_ =	swait.ge [sflag:s4], $0x8000  }
0x94b: {  	[sflag:s4] =	ssyncset.done $0x0  }
0x94c: {  	[sflag:s4] =	ssyncadd.s32 $0xFFFF8000  }
0x94d: {  	_ =	swait.ge [sflag:s4], $0x8000  }
0x94e: {  	[sflag:s4] =	ssyncset.done $0x0  }
0x94f: {  	[sflag:s4] =	ssyncadd.s32 $0xFFFF8000  }
0x950: {  	_ =	swait.ge [sflag:s4], $0x8000  }
0x951: {  	[sflag:s4] =	ssyncset.done $0x0  }
0x952: {  	[sflag:s4] =	ssyncadd.s32 $0xFFFF8000  }
0x953: {  	_ =	swait.ge [sflag:s4], $0x8000  }
0x954: {  	[sflag:s4] =	ssyncset.done $0x0  }
0x955: {  	[sflag:s4] =	ssyncadd.s32 $0xFFFF8000  }
0x956: {  	_ =	swait.ge [sflag:s4], $0x8000  }
0x957: {  	[sflag:s4] =	ssyncset.done $0x0  }
0x958: {  	[sflag:s4] =	ssyncadd.s32 $0xFFFF8000  }
0x959: {  	_ =	swait.ge [sflag:s4], $0x8000  }
0x95a: {  	[sflag:s4] =	ssyncset.done $0x0  }
0x95b: {  	[sflag:s4] =	ssyncadd.s32 $0xFFFF8000  }
0x95c: {  	_ =	swait.ge [sflag:s4], $0x8000  }
0x95d: {  	[sflag:s4] =	ssyncset.done $0x0  }
0x95e: {  	[sflag:s4] =	ssyncadd.s32 $0xFFFF8000  }
0x95f: {  	_ =	swait.ge [sflag:s4], $0x8000  }
0x960: {  	[sflag:s4] =	ssyncset.done $0x0  }
0x961: {  	[sflag:s4] =	ssyncadd.s32 $0xFFFF8000  }
0x962: {  	_ =	swait.ge [sflag:s4], $0x8000  }
0x963: {  	[sflag:s4] =	ssyncset.done $0x0  }
0x964: {  	[sflag:s4] =	ssyncadd.s32 $0xFFFF8000  }
0x965: {  	_ =	swait.ge [sflag:s4], $0x8000  }
0x966: {  	[sflag:s4] =	ssyncset.done $0x0  }
0x967: {  	[sflag:s4] =	ssyncadd.s32 $0xFFFF8000  }
0x968: {  	_ =	swait.ge [sflag:s4], $0x8000  }
0x969: {  	[sflag:s4] =	ssyncset.done $0x0  }
0x96a: {  	[sflag:s4] =	ssyncadd.s32 $0xFFFF8000  }
0x96b: {  	_ =	swait.ge [sflag:s4], $0x8000  }
0x96c: {  	[sflag:s4] =	ssyncset.done $0x0  }
0x96d: {  	[sflag:s4] =	ssyncadd.s32 $0xFFFF8000  }
0x96e: {  	_ =	sfence.sel $0x180000  }
0x96f: {  	s31 =	stileid.u32;
	[bflag:$0x0] =	sbarrier.arrive $0xFFFF  }
0x970: {  	p0 =	sne.s32 s31, $0x0;
	_ =	strace $0x90000047  }
0x971: {  	s0 =	sadd.s32 @!p0 $0x100000, s30;
	[bflag:$0x2] =	sbarrier.arrive $0xFFFF  }
0x972: {  	[sflag:s0] =	ssyncadd.tile.s32 @!p0 $0x1;
	_ =	shalt  }
.LBB2_2:
.Ltmp3:
0x973: {  	(pc) =	sbr.rel .LBB2_5-.Ltmp3, $2  }
0x974: {  	_ =	sdelay $0x2  }
0x975: {  	s30 =	rddreg [dreg:$0x2]  }
.Lfunc_end2:
_tile_overlayer_lowered:
.L_overlay_start_2:
0x976: {  	(tag) =	ssettag $0x2  }
0x977: {  	s0 =	rddreg [dreg:$0x0];
	s2 =	stileid.u32  }
0x978: {  	s1 =	rddreg [dreg:$0x1];
	p0 =	sne.s32 s2, $0x0  }
0x979: {  	s3 =	rddreg [dreg:$0x2];
	[bflag:$0x3] =	sbarrier.arrive $0xFFFF;
	s2 =	simm.s32 @!p0 $0x1C02  }
0x97a: {  	[timem:s3], [sflag:s2] =	dma.local @!p0 [hbm:s0], s1  }
0x97b: {  	s0 =	simm.s32 @!p0 $0x2  }
0x97c: {  	_ =	swait.ge @!p0 [sflag:s0], s1  }
0x97d: {  	s1 =	ssub.s32 @!p0 $0x0, s1;
	[sflag:s0] =	ssyncset.done @!p0 $0x0  }
0x97e: {  	[sflag:s0] =	ssyncadd.s32 @!p0 s1  }
0x97f: {  	[bflag:$0x3] =	sbarrier.arrive $0xFFFF  }
0x980: {  	_ =	shalt  }

</sc_bundles>
